<compile_context>
chip_gen: v7x
topology: tpu7x:2x2x1
jax: 0.10.2.dev20260603
libtpu: 0.0.44.dev20260713+nightly
codegen_flags: <defaults>
</compile_context>

<pallas_src>
import functools

import jax
import jax.numpy as jnp
from jax import lax
from jax.experimental import pallas as pl
from jax.experimental.pallas import tpu as pltpu
from jax.experimental.pallas import tpu_sc as plsc

N = 10000
D = 128
E = 320000
G = 64

CHUNK = 128
N_PAD = 10112
N_CHUNKS = N_PAD // CHUNK
EC_TILE = 84
E_CHUNKS = 32 * EC_TILE
STRIPE = N_PAD // 16
BCH_TILE = 3
DUMMY = N_PAD - 8
G_PAD = 128
NBUF = 2
RSRC = 4
GRP = 4

_mesh = plsc.VectorSubcoreMesh(core_axis_name="c", subcore_axis_name="s")



@functools.partial(
    pl.kernel,
    mesh=_mesh,
    out_type=jax.ShapeDtypeStruct((2, N_PAD, D), jnp.float32),
    scratch_types=(
        pltpu.VMEM((EC_TILE, CHUNK), jnp.int32),
        pltpu.VMEM((RSRC, CHUNK), jnp.int32),
    ) + (pltpu.VMEM((CHUNK, D), jnp.float32),) * NBUF
    + (pltpu.VMEM_SHARED((N_PAD, D), jnp.float32),)
    + (pltpu.SemaphoreType.DMA,) * (NBUF + RSRC),
)
def _agg(y_hbm, src_hbm, dst_hbm, zeros_hbm, out_hbm,
         dstv, srcring, *rest):
    rows = rest[:NBUF]
    acc = rest[NBUF]
    gsem = rest[NBUF + 1:NBUF + 1 + NBUF]
    isem = rest[NBUF + 1 + NBUF:]
    c = lax.axis_index("c")
    s = lax.axis_index("s")
    w = c * 16 + s
    pltpu.sync_copy(zeros_hbm.at[pl.ds(s * STRIPE, STRIPE)],
                    acc.at[pl.ds(s * STRIPE, STRIPE)])
    pltpu.sync_copy(dst_hbm.at[w], dstv)

    def _fire_idx(j, slot):
        pltpu.async_copy(src_hbm.at[w].at[j], srcring.at[slot], isem[slot])

    def _wait_idx(slot):
        pltpu.make_async_copy(src_hbm.at[0].at[0], srcring.at[slot],
                              isem[slot]).wait()

    def _fire_gather(j, b, slot):
        pltpu.async_copy(y_hbm.at[srcring.at[slot]], rows[b], gsem[b])

    def _wait_gather(b):
        pltpu.make_async_copy(zeros_hbm.at[pl.ds(0, CHUNK)], rows[b],
                              gsem[b]).wait()

    plsc.subcore_barrier()

    for k in range(RSRC):
        _fire_idx(k, k)
    for b in range(NBUF):
        _wait_idx(b)
        _fire_gather(b, b, b)

    def grp(g, carry):
        for u in range(GRP):
            j = g * GRP + u
            b = u % NBUF
            _wait_gather(b)
            pltpu.sync_copy(rows[b], acc.at[dstv.at[j]], add=True)
            jg = j + NBUF

            @pl.when(jg < EC_TILE)
            def _():
                _wait_idx((u + NBUF) % RSRC)
                _fire_gather(jg, b, (u + NBUF) % RSRC)

            ji = j + RSRC

            @pl.when(ji < EC_TILE)
            def _():
                _fire_idx(ji, u % RSRC)

        return carry

    lax.fori_loop(0, EC_TILE // GRP, grp, 0)
    plsc.subcore_barrier()
    pltpu.sync_copy(acc.at[pl.ds(s * STRIPE, STRIPE)],
                    out_hbm.at[c].at[pl.ds(s * STRIPE, STRIPE)])



MSG_ROWS = E_CHUNKS * CHUNK


@functools.partial(
    pl.kernel,
    mesh=_mesh,
    out_type=jax.ShapeDtypeStruct((MSG_ROWS, D), jnp.float32),
    scratch_types=(
        pltpu.VMEM((RSRC, CHUNK), jnp.int32),
        pltpu.VMEM((CHUNK, D), jnp.float32),
        pltpu.VMEM((CHUNK, D), jnp.float32),
        pltpu.VMEM_SHARED((N_PAD, D), jnp.float32),
    ) + (pltpu.SemaphoreType.DMA,) * (RSRC + NBUF),
)
def _expand(y_hbm, src_hbm, msg_hbm, srcring, row0, row1, table, *sems):
    rows = (row0, row1)
    isem = sems[:RSRC]
    wsem = sems[RSRC:]
    c = lax.axis_index("c")
    s = lax.axis_index("s")
    w = c * 16 + s
    pltpu.sync_copy(y_hbm.at[pl.ds(s * STRIPE, STRIPE)],
                    table.at[pl.ds(s * STRIPE, STRIPE)])

    def _fire_idx(j, slot):
        pltpu.async_copy(src_hbm.at[w].at[j], srcring.at[slot], isem[slot])

    def _wait_idx(slot):
        pltpu.make_async_copy(src_hbm.at[0].at[0], srcring.at[slot],
                              isem[slot]).wait()

    def _wait_write(b):
        pltpu.make_async_copy(rows[b], msg_hbm.at[pl.ds(0, CHUNK)],
                              wsem[b]).wait()

    plsc.subcore_barrier()
    for k in range(RSRC):
        _fire_idx(k, k)

    def grp(g, carry):
        for u in range(GRP):
            j = g * GRP + u
            b = u % NBUF

            @pl.when(j >= NBUF)
            def _():
                _wait_write(b)

            _wait_idx(u % RSRC)
            pltpu.sync_copy(table.at[srcring.at[u % RSRC]], rows[b])
            pltpu.async_copy(
                rows[b],
                msg_hbm.at[pl.ds((w * EC_TILE + j) * CHUNK, CHUNK)],
                wsem[b])
            ji = j + RSRC

            @pl.when(ji < EC_TILE)
            def _():
                _fire_idx(ji, u % RSRC)

        return carry

    lax.fori_loop(0, EC_TILE // GRP, grp, 0)
    for b in range(NBUF):
        _wait_write(b)



@functools.partial(
    pl.kernel,
    mesh=_mesh,
    out_type=jax.ShapeDtypeStruct((2, N_PAD, D), jnp.float32),
    scratch_types=(
        pltpu.VMEM((EC_TILE, CHUNK), jnp.int32),
        pltpu.VMEM((CHUNK, D), jnp.float32),
        pltpu.VMEM((CHUNK, D), jnp.float32),
        pltpu.VMEM_SHARED((N_PAD, D), jnp.float32),
    ) + (pltpu.SemaphoreType.DMA,) * NBUF,
)
def _reduce(msg_hbm, dst_hbm, zeros_hbm, out_hbm, dstv, row0, row1, acc,
            *lsem):
    rows = (row0, row1)
    c = lax.axis_index("c")
    s = lax.axis_index("s")
    w = c * 16 + s
    pltpu.sync_copy(zeros_hbm.at[pl.ds(s * STRIPE, STRIPE)],
                    acc.at[pl.ds(s * STRIPE, STRIPE)])
    pltpu.sync_copy(dst_hbm.at[w], dstv)

    def _fire_load(j, b):
        pltpu.async_copy(
            msg_hbm.at[pl.ds((w * EC_TILE + j) * CHUNK, CHUNK)],
            rows[b], lsem[b])

    def _wait_load(b):
        pltpu.make_async_copy(msg_hbm.at[pl.ds(0, CHUNK)], rows[b],
                              lsem[b]).wait()

    plsc.subcore_barrier()
    for b in range(NBUF):
        _fire_load(b, b)

    def grp(g, carry):
        for u in range(NBUF):
            j = g * NBUF + u
            b = u % NBUF
            _wait_load(b)
            pltpu.sync_copy(rows[b], acc.at[dstv.at[j]], add=True)
            jn = j + NBUF

            @pl.when(jn < EC_TILE)
            def _():
                _fire_load(jn, b)

        return carry

    lax.fori_loop(0, EC_TILE // NBUF, grp, 0)
    plsc.subcore_barrier()
    pltpu.sync_copy(acc.at[pl.ds(s * STRIPE, STRIPE)],
                    out_hbm.at[c].at[pl.ds(s * STRIPE, STRIPE)])



@functools.partial(
    pl.kernel,
    mesh=_mesh,
    out_type=jax.ShapeDtypeStruct((2, G_PAD, D), jnp.float32),
    scratch_types=(
        pltpu.VMEM((BCH_TILE, CHUNK), jnp.int32),
        pltpu.VMEM((CHUNK, D), jnp.float32),
        pltpu.VMEM_SHARED((G_PAD, D), jnp.float32),
    ),
)
def _pool(h_hbm, batch_hbm, zeros_hbm, out_hbm, batv, rows, acc):
    c = lax.axis_index("c")
    s = lax.axis_index("s")
    w = c * 16 + s

    @pl.when(s == 0)
    def _():
        pltpu.sync_copy(zeros_hbm.at[pl.ds(0, G_PAD)], acc)

    pltpu.sync_copy(batch_hbm.at[w], batv)
    plsc.subcore_barrier()
    for j in range(BCH_TILE):
        cid = w * BCH_TILE + j

        @pl.when(cid < N_CHUNKS)
        def _():
            pltpu.sync_copy(
                h_hbm.at[pl.ds(jnp.minimum(cid, N_CHUNKS - 1) * CHUNK,
                               CHUNK)], rows)
            pltpu.sync_copy(rows, acc.at[batv.at[j]], add=True)

    plsc.subcore_barrier()

    @pl.when(s == 0)
    def _():
        pltpu.sync_copy(acc, out_hbm.at[c])



BLK = 632


def _dinv_block(degp_ref):
    deg = degp_ref[0][:, 0:1] + degp_ref[1][:, 0:1] + 1.0
    return lax.rsqrt(deg)


def _mm1_body(x_ref, w_ref, degp_ref, y_ref):
    dinv = _dinv_block(degp_ref)
    xw = jnp.dot(x_ref[...], w_ref[...], preferred_element_type=jnp.float32)
    y_ref[...] = xw * dinv


def _mid_body(aggp_ref, y1_ref, degp_ref, b1_ref, w2_ref, y2_ref):
    dinv = _dinv_block(degp_ref)
    agg = aggp_ref[0] + aggp_ref[1] + y1_ref[...]
    h = jnp.maximum(agg * dinv + b1_ref[...], 0.0)
    y2_ref[...] = jnp.dot(h, w2_ref[...],
                          preferred_element_type=jnp.float32) * dinv


def _fin_body(aggp_ref, y2_ref, degp_ref, b2_ref, h2_ref):
    dinv = _dinv_block(degp_ref)
    agg = aggp_ref[0] + aggp_ref[1] + y2_ref[...]
    h2_ref[...] = jnp.maximum(agg * dinv + b2_ref[...], 0.0)


def _head_body(poolp_ref, cntp_ref, w1_ref, b1_ref, w2_ref, b2_ref, out_ref):
    p = poolp_ref[0, :G, :] + poolp_ref[1, :G, :]
    cnt = cntp_ref[0, :G, 0:1] + cntp_ref[1, :G, 0:1]
    pooled = p / jnp.maximum(cnt, 1.0)
    c1 = jnp.maximum(
        jnp.dot(pooled, w1_ref[...], preferred_element_type=jnp.float32)
        + b1_ref[...], 0.0)
    out_ref[...] = jnp.dot(c1, w2_ref[...],
                           preferred_element_type=jnp.float32) + b2_ref[...]


def _row_spec(i):
    return (i, 0)


def _full_spec(i):
    return (0, 0)


def _deg_spec(i):
    return (0, i, 0)


def _mm1(x, Wg1, degp):
    return pl.pallas_call(
        _mm1_body,
        grid=(N_PAD // BLK,),
        in_specs=[
            pl.BlockSpec((BLK, D), _row_spec),
            pl.BlockSpec((D, D), _full_spec),
            pl.BlockSpec((2, BLK, D), _deg_spec),
        ],
        out_specs=pl.BlockSpec((BLK, D), _row_spec),
        out_shape=jax.ShapeDtypeStruct((N_PAD, D), jnp.float32),
    )(x, Wg1, degp)


def _mid(aggp, y1, degp, b1, Wg2):
    return pl.pallas_call(
        _mid_body,
        grid=(N_PAD // BLK,),
        in_specs=[
            pl.BlockSpec((2, BLK, D), _deg_spec),
            pl.BlockSpec((BLK, D), _row_spec),
            pl.BlockSpec((2, BLK, D), _deg_spec),
            pl.BlockSpec((1, D), _full_spec),
            pl.BlockSpec((D, D), _full_spec),
        ],
        out_specs=pl.BlockSpec((BLK, D), _row_spec),
        out_shape=jax.ShapeDtypeStruct((N_PAD, D), jnp.float32),
    )(aggp, y1, degp, b1, Wg2)


def _fin(aggp, y2, degp, b2):
    return pl.pallas_call(
        _fin_body,
        grid=(N_PAD // BLK,),
        in_specs=[
            pl.BlockSpec((2, BLK, D), _deg_spec),
            pl.BlockSpec((BLK, D), _row_spec),
            pl.BlockSpec((2, BLK, D), _deg_spec),
            pl.BlockSpec((1, D), _full_spec),
        ],
        out_specs=pl.BlockSpec((BLK, D), _row_spec),
        out_shape=jax.ShapeDtypeStruct((N_PAD, D), jnp.float32),
    )(aggp, y2, degp, b2)


def _head(poolp, cntp, Wc1p, bc1p, Wc2p, bc2p):
    return pl.pallas_call(
        _head_body,
        in_specs=[
            pl.BlockSpec((2, G_PAD, D), lambda: (0, 0, 0)),
            pl.BlockSpec((2, G_PAD, D), lambda: (0, 0, 0)),
            pl.BlockSpec((D, D), lambda: (0, 0)),
            pl.BlockSpec((1, D), lambda: (0, 0)),
            pl.BlockSpec((D, D), lambda: (0, 0)),
            pl.BlockSpec((1, D), lambda: (0, 0)),
        ],
        out_specs=pl.BlockSpec((G, D), lambda: (0, 0)),
        out_shape=jax.ShapeDtypeStruct((G, D), jnp.float32),
    )(poolp, cntp, Wc1p, bc1p, Wc2p, bc2p)



def kernel(x, edge_index, batch, Wg1, bg1, Wg2, bg2, Wc1, bc1, Wc2, bc2):
    f32 = jnp.float32
    x_p = jnp.zeros((N_PAD, D), f32).at[:N].set(x)
    pad_e = E_CHUNKS * CHUNK - E
    src_p = jnp.concatenate(
        [edge_index[0], jnp.zeros((pad_e,), jnp.int32)]).reshape(
            32, EC_TILE, CHUNK)
    dst_p = jnp.concatenate(
        [edge_index[1], jnp.full((pad_e,), DUMMY, jnp.int32)]).reshape(
            32, EC_TILE, CHUNK)
    batch_p = jnp.concatenate(
        [batch, jnp.full((32 * BCH_TILE * CHUNK - N,), G, jnp.int32)]).reshape(
            32, BCH_TILE, CHUNK)
    batdst_p = jnp.concatenate(
        [batch, jnp.full((E_CHUNKS * CHUNK - N,), DUMMY, jnp.int32)]).reshape(
            32, EC_TILE, CHUNK)
    zeros128 = jnp.zeros((N_PAD, D), f32)
    ones128 = jnp.ones((N_PAD, D), f32)
    zero_idx = jnp.zeros((32, EC_TILE, CHUNK), jnp.int32)

    degp = _agg(ones128, zero_idx, dst_p, zeros128)
    cntp = _agg(ones128, zero_idx, batdst_p, zeros128)[:, :G_PAD]

    y1 = _mm1(x_p, Wg1, degp)
    agg1 = _reduce(_expand(y1, src_p), dst_p, zeros128)
    y2 = _mid(agg1, y1, degp, bg1.reshape(1, D), Wg2)
    agg2 = _reduce(_expand(y2, src_p), dst_p, zeros128)
    h2 = _fin(agg2, y2, degp, bg2.reshape(1, D))
    poolp = _pool(h2, batch_p, zeros128)

    Wc1p = jnp.zeros((D, D), f32).at[:, :64].set(Wc1)
    bc1p = jnp.zeros((1, D), f32).at[0, :64].set(bc1)
    Wc2p = jnp.zeros((D, D), f32).at[:64, 0:1].set(Wc2)
    bc2p = jnp.zeros((1, D), f32).at[0, 0].set(bc2[0])
    out = _head(poolp, cntp, Wc1p, bc1p, Wc2p, bc2p)
    return out[:, 0:1]

# --- scband reference (transcript-rebuilt; emitter-appended) ---
"""Pipeline reference for scband-gnn-32229434589682 (READ-ONLY COPY).

The authoritative reference and input builder live on the scoring server;
editing this copy changes nothing except your own understanding.
"""

import jax, jax.numpy as jnp
import numpy as np

N = 10000
E = 320000
D = 128
H = 64
G = 64


def glorot(key, shape):
    fan_in, fan_out = shape[0], shape[1]
    lim = jnp.sqrt(6.0 / (fan_in + fan_out))
    return jax.random.uniform(key, shape, dtype=jnp.float32, minval=-lim, maxval=lim)


def setup_inputs(seed: int = 0) -> dict:
    key = jax.random.key(seed)
    ks = jax.random.split(key, 12)
    x = jax.random.normal(ks[0], (N, D), dtype=jnp.float32)
    edge_index = jax.random.randint(ks[1], (2, E), 0, N, dtype=jnp.int32)
    batch = jnp.sort(jax.random.randint(ks[2], (N,), 0, G, dtype=jnp.int32))
    Wg1 = glorot(ks[3], (D, D)); bg1 = jnp.zeros((D,), jnp.float32)
    Wg2 = glorot(ks[4], (D, D)); bg2 = jnp.zeros((D,), jnp.float32)
    Wc1 = glorot(ks[5], (D, H)); bc1 = jnp.zeros((H,), jnp.float32)
    Wc2 = glorot(ks[6], (H, 1)); bc2 = jnp.zeros((1,), jnp.float32)
    return {"x": x, "edge_index": edge_index, "batch": batch,
            "Wg1": Wg1, "bg1": bg1, "Wg2": Wg2, "bg2": bg2,
            "Wc1": Wc1, "bc1": bc1, "Wc2": Wc2, "bc2": bc2}


def _gcn_conv(x, src, dst, W, b, n):
    # GCNConv with self-loops and symmetric normalization: D^-1/2 (A+I) D^-1/2 X W + b
    xw = x @ W
    deg = jnp.zeros((n,), x.dtype).at[dst].add(1.0)
    dinv = jnp.where(deg > 0, jax.lax.rsqrt(jnp.maximum(deg, 1e-12)), 0.0)
    norm = dinv[src] * dinv[dst]
    msg = jnp.take(xw, src, axis=0) * norm[:, None]
    out = jnp.zeros((n, W.shape[1]), x.dtype).at[dst].add(msg)
    return out + b


def _global_mean_pool(x, batch, g):
    s = jax.ops.segment_sum(x, batch, num_segments=g)
    cnt = jax.ops.segment_sum(jnp.ones((x.shape[0], 1), x.dtype), batch, num_segments=g)
    return s / jnp.maximum(cnt, 1.0)


def reference(x, edge_index, batch, Wg1, bg1, Wg2, bg2, Wc1, bc1, Wc2, bc2):
    n = x.shape[0]
    loop = jnp.arange(n, dtype=edge_index.dtype)
    src = jnp.concatenate([edge_index[0], loop])
    dst = jnp.concatenate([edge_index[1], loop])
    h = _gcn_conv(x, src, dst, Wg1, bg1, n)
    h = jax.nn.relu(h)
    h = _gcn_conv(h, src, dst, Wg2, bg2, n)
    h = jax.nn.relu(h)
    p = _global_mean_pool(h, batch, G)
    c = jax.nn.relu(p @ Wc1 + bc1)  # dropout is identity in eval
    out = c @ Wc2 + bc2
    return out

if __name__ == "__main__":
    import jax
    _d = setup_inputs()
    print(jax.jit(kernel)(*tuple(_d.values())))

</pallas_src>

<mosaic_0001>
#map = affine_map<(d0, d1) -> (0, 0)>
#map1 = affine_map<(d0, d1) -> (0, 0, 0)>
module attributes {stable_mosaic.version = 14 : i64} {
  func.func @_expand(%arg0: i32, %arg1: i32, %arg2: memref<10112x128xf32, #tpu.memory_space<hbm>>, %arg3: memref<32x84x128xi32, #tpu.memory_space<hbm>>, %arg4: memref<344064x128xf32, #tpu.memory_space<hbm>>, %arg5: memref<4x128xi32, #tpu.memory_space<vmem>>, %arg6: memref<128x128xf32, #tpu.memory_space<vmem>>, %arg7: memref<128x128xf32, #tpu.memory_space<vmem>>, %arg8: memref<10112x128xf32, #tpu.memory_space<vmem_shared>>, %arg9: memref<!tpu.dma_semaphore, #tpu.memory_space<semaphore_mem>>, %arg10: memref<!tpu.dma_semaphore, #tpu.memory_space<semaphore_mem>>, %arg11: memref<!tpu.dma_semaphore, #tpu.memory_space<semaphore_mem>>, %arg12: memref<!tpu.dma_semaphore, #tpu.memory_space<semaphore_mem>>, %arg13: memref<!tpu.dma_semaphore, #tpu.memory_space<semaphore_mem>>, %arg14: memref<!tpu.dma_semaphore, #tpu.memory_space<semaphore_mem>>) attributes {dimension_semantics = [#tpu.dimension_semantics<core_parallel>, #tpu.dimension_semantics<subcore_parallel>], iteration_bounds = array<i64: 2, 16>, scalar_prefetch = 0 : i64, scratch_operands = 10 : i64, tpu.core_type = #tpu.core_type<sc_vector_subcore>, window_params = [{transform_indices = #map}, {transform_indices = #map1}, {transform_indices = #map}]} {
    %mul3A = arith.constant 16 : i32
    %mul3A_0 = arith.muli %arg0, %mul3A : i32
    %add3A = arith.addi %mul3A_0, %arg1 : i32
    %mul3A_1 = arith.constant 632 : i32
    %mul3A_2 = arith.muli %arg1, %mul3A_1 : i32
    %mul3A_3 = arith.constant 632 : i32
    %mul3A_4 = arith.muli %arg1, %mul3A_3 : i32
    "tpu.region"() ({
      %run_scoped3A = tpu.sem_alloc : memref<!tpu.dma_semaphore, #tpu.memory_space<semaphore_mem>>
      %dma_start3A_108 = arith.constant 0 : i32
      %dma_start3A_109 = tpu.memref_slice %arg8[%mul3A_4, %dma_start3A_108] : memref<10112x128xf32, #tpu.memory_space<vmem_shared>> -> memref<632x128xf32, #tpu.memory_space<vmem_shared>>
      %dma_start3A_110 = arith.constant 0 : i32
      %dma_start3A_111 = tpu.memref_slice %arg2[%mul3A_2, %dma_start3A_110] : memref<10112x128xf32, #tpu.memory_space<hbm>> -> memref<632x128xf32, #tpu.memory_space<hbm>>
      tpu.enqueue_dma source(%dma_start3A_111 : memref<632x128xf32, #tpu.memory_space<hbm>>) target(%dma_start3A_109 : memref<632x128xf32, #tpu.memory_space<vmem_shared>>) target_semaphore(%run_scoped3A : memref<!tpu.dma_semaphore, #tpu.memory_space<semaphore_mem>>)
      %dma_wait3A_112 = arith.constant 0 : i32
      %dma_wait3A_113 = tpu.memref_slice %arg8[%mul3A_4, %dma_wait3A_112] : memref<10112x128xf32, #tpu.memory_space<vmem_shared>> -> memref<632x128xf32, #tpu.memory_space<vmem_shared>>
      %dma_wait3A_114 = arith.constant 0 : i32
      %dma_wait3A_115 = tpu.memref_slice %arg2[%mul3A_2, %dma_wait3A_114] : memref<10112x128xf32, #tpu.memory_space<hbm>> -> memref<632x128xf32, #tpu.memory_space<hbm>>
      tpu.wait_dma2 semaphore(%run_scoped3A : memref<!tpu.dma_semaphore, #tpu.memory_space<semaphore_mem>>) src(%dma_wait3A_115 : memref<632x128xf32, #tpu.memory_space<hbm>>) dst(%dma_wait3A_113 : memref<632x128xf32, #tpu.memory_space<vmem_shared>>)
      tpu.yield
    }) : () -> ()
    %barrier3A = arith.constant 0 : index
    tpu.barrier barrier_id(%barrier3A)
    %dma_start3A = arith.constant 0 : i32
    %dma_start3A_5 = arith.constant 0 : i32
    %dma_start3A_6 = arith.constant 0 : i32
    %dma_start3A_7 = tpu.memref_slice %arg5[%dma_start3A_5, %dma_start3A_6] : memref<4x128xi32, #tpu.memory_space<vmem>> -> memref<1x128xi32, #tpu.memory_space<vmem>>
    %dma_start3A_8 = tpu.memref_squeeze %dma_start3A_7 : memref<1x128xi32, #tpu.memory_space<vmem>> -> memref<128xi32, #tpu.memory_space<vmem>>
    %dma_start3A_9 = arith.constant 0 : i32
    %dma_start3A_10 = arith.constant 0 : i32
    %dma_start3A_11 = tpu.memref_slice %arg3[%add3A, %dma_start3A_9, %dma_start3A_10] : memref<32x84x128xi32, #tpu.memory_space<hbm>> -> memref<1x84x128xi32, #tpu.memory_space<hbm>>
    %dma_start3A_12 = tpu.memref_squeeze %dma_start3A_11 : memref<1x84x128xi32, #tpu.memory_space<hbm>> -> memref<84x128xi32, #tpu.memory_space<hbm>>
    %dma_start3A_13 = arith.constant 0 : i32
    %dma_start3A_14 = tpu.memref_slice %dma_start3A_12[%dma_start3A, %dma_start3A_13] : memref<84x128xi32, #tpu.memory_space<hbm>> -> memref<1x128xi32, #tpu.memory_space<hbm>>
    %dma_start3A_15 = tpu.memref_squeeze %dma_start3A_14 : memref<1x128xi32, #tpu.memory_space<hbm>> -> memref<128xi32, #tpu.memory_space<hbm>>
    %dma_start3A_16 = arith.constant 0 : i32
    %dma_start3A_17 = tpu.memref_slice %arg5[%dma_start3A_5, %dma_start3A_16] : memref<4x128xi32, #tpu.memory_space<vmem>> -> memref<1x128xi32, #tpu.memory_space<vmem>>
    %dma_start3A_18 = tpu.memref_squeeze %dma_start3A_17 : memref<1x128xi32, #tpu.memory_space<vmem>> -> memref<128xi32, #tpu.memory_space<vmem>>
    %dma_start3A_19 = arith.constant 0 : i32
    %dma_start3A_20 = arith.constant 0 : i32
    %dma_start3A_21 = tpu.memref_slice %arg3[%add3A, %dma_start3A_19, %dma_start3A_20] : memref<32x84x128xi32, #tpu.memory_space<hbm>> -> memref<1x84x128xi32, #tpu.memory_space<hbm>>
    %dma_start3A_22 = tpu.memref_squeeze %dma_start3A_21 : memref<1x84x128xi32, #tpu.memory_space<hbm>> -> memref<84x128xi32, #tpu.memory_space<hbm>>
    %dma_start3A_23 = arith.constant 0 : i32
    %dma_start3A_24 = tpu.memref_slice %dma_start3A_22[%dma_start3A, %dma_start3A_23] : memref<84x128xi32, #tpu.memory_space<hbm>> -> memref<1x128xi32, #tpu.memory_space<hbm>>
    %dma_start3A_25 = tpu.memref_squeeze %dma_start3A_24 : memref<1x128xi32, #tpu.memory_space<hbm>> -> memref<128xi32, #tpu.memory_space<hbm>>
    tpu.enqueue_dma source(%dma_start3A_25 : memref<128xi32, #tpu.memory_space<hbm>>) target(%dma_start3A_18 : memref<128xi32, #tpu.memory_space<vmem>>) target_semaphore(%arg9 : memref<!tpu.dma_semaphore, #tpu.memory_space<semaphore_mem>>)
    %dma_start3A_26 = arith.constant 1 : i32
    %dma_start3A_27 = arith.constant 1 : i32
    %dma_start3A_28 = arith.constant 0 : i32
    %dma_start3A_29 = tpu.memref_slice %arg5[%dma_start3A_27, %dma_start3A_28] : memref<4x128xi32, #tpu.memory_space<vmem>> -> memref<1x128xi32, #tpu.memory_space<vmem>>
    %dma_start3A_30 = tpu.memref_squeeze %dma_start3A_29 : memref<1x128xi32, #tpu.memory_space<vmem>> -> memref<128xi32, #tpu.memory_space<vmem>>
    %dma_start3A_31 = arith.constant 0 : i32
    %dma_start3A_32 = arith.constant 0 : i32
    %dma_start3A_33 = tpu.memref_slice %arg3[%add3A, %dma_start3A_31, %dma_start3A_32] : memref<32x84x128xi32, #tpu.memory_space<hbm>> -> memref<1x84x128xi32, #tpu.memory_space<hbm>>
    %dma_start3A_34 = tpu.memref_squeeze %dma_start3A_33 : memref<1x84x128xi32, #tpu.memory_space<hbm>> -> memref<84x128xi32, #tpu.memory_space<hbm>>
    %dma_start3A_35 = arith.constant 0 : i32
    %dma_start3A_36 = tpu.memref_slice %dma_start3A_34[%dma_start3A_26, %dma_start3A_35] : memref<84x128xi32, #tpu.memory_space<hbm>> -> memref<1x128xi32, #tpu.memory_space<hbm>>
    %dma_start3A_37 = tpu.memref_squeeze %dma_start3A_36 : memref<1x128xi32, #tpu.memory_space<hbm>> -> memref<128xi32, #tpu.memory_space<hbm>>
    %dma_start3A_38 = arith.constant 0 : i32
    %dma_start3A_39 = tpu.memref_slice %arg5[%dma_start3A_27, %dma_start3A_38] : memref<4x128xi32, #tpu.memory_space<vmem>> -> memref<1x128xi32, #tpu.memory_space<vmem>>
    %dma_start3A_40 = tpu.memref_squeeze %dma_start3A_39 : memref<1x128xi32, #tpu.memory_space<vmem>> -> memref<128xi32, #tpu.memory_space<vmem>>
    %dma_start3A_41 = arith.constant 0 : i32
    %dma_start3A_42 = arith.constant 0 : i32
    %dma_start3A_43 = tpu.memref_slice %arg3[%add3A, %dma_start3A_41, %dma_start3A_42] : memref<32x84x128xi32, #tpu.memory_space<hbm>> -> memref<1x84x128xi32, #tpu.memory_space<hbm>>
    %dma_start3A_44 = tpu.memref_squeeze %dma_start3A_43 : memref<1x84x128xi32, #tpu.memory_space<hbm>> -> memref<84x128xi32, #tpu.memory_space<hbm>>
    %dma_start3A_45 = arith.constant 0 : i32
    %dma_start3A_46 = tpu.memref_slice %dma_start3A_44[%dma_start3A_26, %dma_start3A_45] : memref<84x128xi32, #tpu.memory_space<hbm>> -> memref<1x128xi32, #tpu.memory_space<hbm>>
    %dma_start3A_47 = tpu.memref_squeeze %dma_start3A_46 : memref<1x128xi32, #tpu.memory_space<hbm>> -> memref<128xi32, #tpu.memory_space<hbm>>
    tpu.enqueue_dma source(%dma_start3A_47 : memref<128xi32, #tpu.memory_space<hbm>>) target(%dma_start3A_40 : memref<128xi32, #tpu.memory_space<vmem>>) target_semaphore(%arg10 : memref<!tpu.dma_semaphore, #tpu.memory_space<semaphore_mem>>)
    %dma_start3A_48 = arith.constant 2 : i32
    %dma_start3A_49 = arith.constant 2 : i32
    %dma_start3A_50 = arith.constant 0 : i32
    %dma_start3A_51 = tpu.memref_slice %arg5[%dma_start3A_49, %dma_start3A_50] : memref<4x128xi32, #tpu.memory_space<vmem>> -> memref<1x128xi32, #tpu.memory_space<vmem>>
    %dma_start3A_52 = tpu.memref_squeeze %dma_start3A_51 : memref<1x128xi32, #tpu.memory_space<vmem>> -> memref<128xi32, #tpu.memory_space<vmem>>
    %dma_start3A_53 = arith.constant 0 : i32
    %dma_start3A_54 = arith.constant 0 : i32
    %dma_start3A_55 = tpu.memref_slice %arg3[%add3A, %dma_start3A_53, %dma_start3A_54] : memref<32x84x128xi32, #tpu.memory_space<hbm>> -> memref<1x84x128xi32, #tpu.memory_space<hbm>>
    %dma_start3A_56 = tpu.memref_squeeze %dma_start3A_55 : memref<1x84x128xi32, #tpu.memory_space<hbm>> -> memref<84x128xi32, #tpu.memory_space<hbm>>
    %dma_start3A_57 = arith.constant 0 : i32
    %dma_start3A_58 = tpu.memref_slice %dma_start3A_56[%dma_start3A_48, %dma_start3A_57] : memref<84x128xi32, #tpu.memory_space<hbm>> -> memref<1x128xi32, #tpu.memory_space<hbm>>
    %dma_start3A_59 = tpu.memref_squeeze %dma_start3A_58 : memref<1x128xi32, #tpu.memory_space<hbm>> -> memref<128xi32, #tpu.memory_space<hbm>>
    %dma_start3A_60 = arith.constant 0 : i32
    %dma_start3A_61 = tpu.memref_slice %arg5[%dma_start3A_49, %dma_start3A_60] : memref<4x128xi32, #tpu.memory_space<vmem>> -> memref<1x128xi32, #tpu.memory_space<vmem>>
    %dma_start3A_62 = tpu.memref_squeeze %dma_start3A_61 : memref<1x128xi32, #tpu.memory_space<vmem>> -> memref<128xi32, #tpu.memory_space<vmem>>
    %dma_start3A_63 = arith.constant 0 : i32
    %dma_start3A_64 = arith.constant 0 : i32
    %dma_start3A_65 = tpu.memref_slice %arg3[%add3A, %dma_start3A_63, %dma_start3A_64] : memref<32x84x128xi32, #tpu.memory_space<hbm>> -> memref<1x84x128xi32, #tpu.memory_space<hbm>>
    %dma_start3A_66 = tpu.memref_squeeze %dma_start3A_65 : memref<1x84x128xi32, #tpu.memory_space<hbm>> -> memref<84x128xi32, #tpu.memory_space<hbm>>
    %dma_start3A_67 = arith.constant 0 : i32
    %dma_start3A_68 = tpu.memref_slice %dma_start3A_66[%dma_start3A_48, %dma_start3A_67] : memref<84x128xi32, #tpu.memory_space<hbm>> -> memref<1x128xi32, #tpu.memory_space<hbm>>
    %dma_start3A_69 = tpu.memref_squeeze %dma_start3A_68 : memref<1x128xi32, #tpu.memory_space<hbm>> -> memref<128xi32, #tpu.memory_space<hbm>>
    tpu.enqueue_dma source(%dma_start3A_69 : memref<128xi32, #tpu.memory_space<hbm>>) target(%dma_start3A_62 : memref<128xi32, #tpu.memory_space<vmem>>) target_semaphore(%arg11 : memref<!tpu.dma_semaphore, #tpu.memory_space<semaphore_mem>>)
    %dma_start3A_70 = arith.constant 3 : i32
    %dma_start3A_71 = arith.constant 3 : i32
    %dma_start3A_72 = arith.constant 0 : i32
    %dma_start3A_73 = tpu.memref_slice %arg5[%dma_start3A_71, %dma_start3A_72] : memref<4x128xi32, #tpu.memory_space<vmem>> -> memref<1x128xi32, #tpu.memory_space<vmem>>
    %dma_start3A_74 = tpu.memref_squeeze %dma_start3A_73 : memref<1x128xi32, #tpu.memory_space<vmem>> -> memref<128xi32, #tpu.memory_space<vmem>>
    %dma_start3A_75 = arith.constant 0 : i32
    %dma_start3A_76 = arith.constant 0 : i32
    %dma_start3A_77 = tpu.memref_slice %arg3[%add3A, %dma_start3A_75, %dma_start3A_76] : memref<32x84x128xi32, #tpu.memory_space<hbm>> -> memref<1x84x128xi32, #tpu.memory_space<hbm>>
    %dma_start3A_78 = tpu.memref_squeeze %dma_start3A_77 : memref<1x84x128xi32, #tpu.memory_space<hbm>> -> memref<84x128xi32, #tpu.memory_space<hbm>>
    %dma_start3A_79 = arith.constant 0 : i32
    %dma_start3A_80 = tpu.memref_slice %dma_start3A_78[%dma_start3A_70, %dma_start3A_79] : memref<84x128xi32, #tpu.memory_space<hbm>> -> memref<1x128xi32, #tpu.memory_space<hbm>>
    %dma_start3A_81 = tpu.memref_squeeze %dma_start3A_80 : memref<1x128xi32, #tpu.memory_space<hbm>> -> memref<128xi32, #tpu.memory_space<hbm>>
    %dma_start3A_82 = arith.constant 0 : i32
    %dma_start3A_83 = tpu.memref_slice %arg5[%dma_start3A_71, %dma_start3A_82] : memref<4x128xi32, #tpu.memory_space<vmem>> -> memref<1x128xi32, #tpu.memory_space<vmem>>
    %dma_start3A_84 = tpu.memref_squeeze %dma_start3A_83 : memref<1x128xi32, #tpu.memory_space<vmem>> -> memref<128xi32, #tpu.memory_space<vmem>>
    %dma_start3A_85 = arith.constant 0 : i32
    %dma_start3A_86 = arith.constant 0 : i32
    %dma_start3A_87 = tpu.memref_slice %arg3[%add3A, %dma_start3A_85, %dma_start3A_86] : memref<32x84x128xi32, #tpu.memory_space<hbm>> -> memref<1x84x128xi32, #tpu.memory_space<hbm>>
    %dma_start3A_88 = tpu.memref_squeeze %dma_start3A_87 : memref<1x84x128xi32, #tpu.memory_space<hbm>> -> memref<84x128xi32, #tpu.memory_space<hbm>>
    %dma_start3A_89 = arith.constant 0 : i32
    %dma_start3A_90 = tpu.memref_slice %dma_start3A_88[%dma_start3A_70, %dma_start3A_89] : memref<84x128xi32, #tpu.memory_space<hbm>> -> memref<1x128xi32, #tpu.memory_space<hbm>>
    %dma_start3A_91 = tpu.memref_squeeze %dma_start3A_90 : memref<1x128xi32, #tpu.memory_space<hbm>> -> memref<128xi32, #tpu.memory_space<hbm>>
    tpu.enqueue_dma source(%dma_start3A_91 : memref<128xi32, #tpu.memory_space<hbm>>) target(%dma_start3A_84 : memref<128xi32, #tpu.memory_space<vmem>>) target_semaphore(%arg12 : memref<!tpu.dma_semaphore, #tpu.memory_space<semaphore_mem>>)
    %scan3A = arith.constant 0 : i32
    %scan3A_92 = arith.constant 0 : i32
    %scan3A_93 = arith.constant 21 : i32
    %scan3A_94 = arith.addi %scan3A_92, %scan3A_93 : i32
    %scan3A_95 = arith.constant 1 : i32
    scf.for %scan3A_108 = %scan3A_92 to %scan3A_94 step %scan3A_95  : i32 {
      %mul3A_109 = arith.constant 4 : i32
      %mul3A_110 = arith.muli %scan3A_108, %mul3A_109 : i32
      %add3A_111 = arith.constant 0 : i32
      %add3A_112 = arith.addi %mul3A_110, %add3A_111 : i32
      %ge3A = arith.constant 2 : i32
      %ge3A_113 = arith.cmpi sge, %add3A_112, %ge3A : i32
      %convert_element_type3A = arith.extui %ge3A_113 : i1 to i32
      %cond3A = arith.constant 0 : i32
      %cond3A_114 = arith.cmpi ne, %convert_element_type3A, %cond3A : i32
      scf.if %cond3A_114 {
        %dma_wait3A_300 = arith.constant 0 : i32
        %dma_wait3A_301 = arith.constant 0 : i32
        %dma_wait3A_302 = tpu.memref_slice %arg4[%dma_wait3A_300, %dma_wait3A_301] : memref<344064x128xf32, #tpu.memory_space<hbm>> -> memref<128x128xf32, #tpu.memory_space<hbm>>
        %dma_wait3A_303 = arith.constant 0 : i32
        %dma_wait3A_304 = arith.constant 0 : i32
        %dma_wait3A_305 = tpu.memref_slice %arg4[%dma_wait3A_303, %dma_wait3A_304] : memref<344064x128xf32, #tpu.memory_space<hbm>> -> memref<128x128xf32, #tpu.memory_space<hbm>>
        tpu.wait_dma2 semaphore(%arg13 : memref<!tpu.dma_semaphore, #tpu.memory_space<semaphore_mem>>) src(%arg6 : memref<128x128xf32, #tpu.memory_space<vmem>>) dst(%dma_wait3A_305 : memref<128x128xf32, #tpu.memory_space<hbm>>)
      } else {
      }
      %dma_wait3A_115 = arith.constant 0 : i32
      %dma_wait3A_116 = arith.constant 0 : i32
      %dma_wait3A_117 = arith.constant 0 : i32
      %dma_wait3A_118 = arith.constant 0 : i32
      %dma_wait3A_119 = tpu.memref_slice %arg5[%dma_wait3A_117, %dma_wait3A_118] : memref<4x128xi32, #tpu.memory_space<vmem>> -> memref<1x128xi32, #tpu.memory_space<vmem>>
      %dma_wait3A_120 = tpu.memref_squeeze %dma_wait3A_119 : memref<1x128xi32, #tpu.memory_space<vmem>> -> memref<128xi32, #tpu.memory_space<vmem>>
      %dma_wait3A_121 = arith.constant 0 : i32
      %dma_wait3A_122 = arith.constant 0 : i32
      %dma_wait3A_123 = tpu.memref_slice %arg3[%dma_wait3A_115, %dma_wait3A_121, %dma_wait3A_122] : memref<32x84x128xi32, #tpu.memory_space<hbm>> -> memref<1x84x128xi32, #tpu.memory_space<hbm>>
      %dma_wait3A_124 = tpu.memref_squeeze %dma_wait3A_123 : memref<1x84x128xi32, #tpu.memory_space<hbm>> -> memref<84x128xi32, #tpu.memory_space<hbm>>
      %dma_wait3A_125 = arith.constant 0 : i32
      %dma_wait3A_126 = tpu.memref_slice %dma_wait3A_124[%dma_wait3A_116, %dma_wait3A_125] : memref<84x128xi32, #tpu.memory_space<hbm>> -> memref<1x128xi32, #tpu.memory_space<hbm>>
      %dma_wait3A_127 = tpu.memref_squeeze %dma_wait3A_126 : memref<1x128xi32, #tpu.memory_space<hbm>> -> memref<128xi32, #tpu.memory_space<hbm>>
      %dma_wait3A_128 = arith.constant 0 : i32
      %dma_wait3A_129 = tpu.memref_slice %arg5[%dma_wait3A_117, %dma_wait3A_128] : memref<4x128xi32, #tpu.memory_space<vmem>> -> memref<1x128xi32, #tpu.memory_space<vmem>>
      %dma_wait3A_130 = tpu.memref_squeeze %dma_wait3A_129 : memref<1x128xi32, #tpu.memory_space<vmem>> -> memref<128xi32, #tpu.memory_space<vmem>>
      %dma_wait3A_131 = arith.constant 0 : i32
      %dma_wait3A_132 = arith.constant 0 : i32
      %dma_wait3A_133 = tpu.memref_slice %arg3[%dma_wait3A_115, %dma_wait3A_131, %dma_wait3A_132] : memref<32x84x128xi32, #tpu.memory_space<hbm>> -> memref<1x84x128xi32, #tpu.memory_space<hbm>>
      %dma_wait3A_134 = tpu.memref_squeeze %dma_wait3A_133 : memref<1x84x128xi32, #tpu.memory_space<hbm>> -> memref<84x128xi32, #tpu.memory_space<hbm>>
      %dma_wait3A_135 = arith.constant 0 : i32
      %dma_wait3A_136 = tpu.memref_slice %dma_wait3A_134[%dma_wait3A_116, %dma_wait3A_135] : memref<84x128xi32, #tpu.memory_space<hbm>> -> memref<1x128xi32, #tpu.memory_space<hbm>>
      %dma_wait3A_137 = tpu.memref_squeeze %dma_wait3A_136 : memref<1x128xi32, #tpu.memory_space<hbm>> -> memref<128xi32, #tpu.memory_space<hbm>>
      tpu.wait_dma2 semaphore(%arg9 : memref<!tpu.dma_semaphore, #tpu.memory_space<semaphore_mem>>) src(%dma_wait3A_137 : memref<128xi32, #tpu.memory_space<hbm>>) dst(%dma_wait3A_130 : memref<128xi32, #tpu.memory_space<vmem>>)
      %run_scoped3A = arith.constant 0 : i32
      "tpu.region"() ({
        %run_scoped3A_300 = tpu.sem_alloc : memref<!tpu.dma_semaphore, #tpu.memory_space<semaphore_mem>>
        %dma_start3A_301 = arith.constant 0 : i32
        %dma_start3A_302 = tpu.memref_slice %arg5[%run_scoped3A, %dma_start3A_301] : memref<4x128xi32, #tpu.memory_space<vmem>> -> memref<1x128xi32, #tpu.memory_space<vmem>>
        %dma_start3A_303 = tpu.memref_squeeze %dma_start3A_302 : memref<1x128xi32, #tpu.memory_space<vmem>> -> memref<128xi32, #tpu.memory_space<vmem>>
        %dma_start3A_304 = arith.constant 0 : i32
        %dma_start3A_305 = arith.constant 0 : i32
        %dma_start3A_306 = tpu.memref_slice %arg8[%dma_start3A_304, %dma_start3A_305] : memref<10112x128xf32, #tpu.memory_space<vmem_shared>> -> memref<10112x128xf32, #tpu.memory_space<vmem_shared>>
        tpu.enqueue_indirect_dma source(%dma_start3A_306 : memref<10112x128xf32, #tpu.memory_space<vmem_shared>>) target(%arg6 : memref<128x128xf32, #tpu.memory_space<vmem>>) offsets(%dma_start3A_303 : memref<128xi32, #tpu.memory_space<vmem>>) semaphore(%run_scoped3A_300 : memref<!tpu.dma_semaphore, #tpu.memory_space<semaphore_mem>>)
        %dma_wait3A_307 = arith.constant 0 : i32
        %dma_wait3A_308 = tpu.memref_slice %arg5[%run_scoped3A, %dma_wait3A_307] : memref<4x128xi32, #tpu.memory_space<vmem>> -> memref<1x128xi32, #tpu.memory_space<vmem>>
        %dma_wait3A_309 = tpu.memref_squeeze %dma_wait3A_308 : memref<1x128xi32, #tpu.memory_space<vmem>> -> memref<128xi32, #tpu.memory_space<vmem>>
        %dma_wait3A_310 = arith.constant 0 : i32
        %dma_wait3A_311 = arith.constant 0 : i32
        %dma_wait3A_312 = tpu.memref_slice %arg8[%dma_wait3A_310, %dma_wait3A_311] : memref<10112x128xf32, #tpu.memory_space<vmem_shared>> -> memref<10112x128xf32, #tpu.memory_space<vmem_shared>>
        tpu.wait_indirect_dma semaphore(%run_scoped3A_300 : memref<!tpu.dma_semaphore, #tpu.memory_space<semaphore_mem>>) src(%dma_wait3A_312 : memref<10112x128xf32, #tpu.memory_space<vmem_shared>>) dst(%arg6 : memref<128x128xf32, #tpu.memory_space<vmem>>)
        tpu.yield
      }) : () -> ()
      %mul3A_138 = arith.constant 84 : i32
      %mul3A_139 = arith.muli %add3A, %mul3A_138 : i32
      %add3A_140 = arith.addi %mul3A_139, %add3A_112 : i32
      %mul3A_141 = arith.constant 128 : i32
      %mul3A_142 = arith.muli %add3A_140, %mul3A_141 : i32
      %dma_start3A_143 = arith.constant 0 : i32
      %dma_start3A_144 = tpu.memref_slice %arg4[%mul3A_142, %dma_start3A_143] : memref<344064x128xf32, #tpu.memory_space<hbm>> -> memref<128x128xf32, #tpu.memory_space<hbm>>
      %dma_start3A_145 = arith.constant 0 : i32
      %dma_start3A_146 = tpu.memref_slice %arg4[%mul3A_142, %dma_start3A_145] : memref<344064x128xf32, #tpu.memory_space<hbm>> -> memref<128x128xf32, #tpu.memory_space<hbm>>
      tpu.enqueue_dma source(%arg6 : memref<128x128xf32, #tpu.memory_space<vmem>>) target(%dma_start3A_146 : memref<128x128xf32, #tpu.memory_space<hbm>>) target_semaphore(%arg13 : memref<!tpu.dma_semaphore, #tpu.memory_space<semaphore_mem>>)
      %add3A_147 = arith.constant 4 : i32
      %add3A_148 = arith.addi %add3A_112, %add3A_147 : i32
      %lt3A = arith.constant 84 : i32
      %lt3A_149 = arith.cmpi slt, %add3A_148, %lt3A : i32
      %convert_element_type3A_150 = arith.extui %lt3A_149 : i1 to i32
      %cond3A_151 = arith.constant 0 : i32
      %cond3A_152 = arith.cmpi ne, %convert_element_type3A_150, %cond3A_151 : i32
      scf.if %cond3A_152 {
        %dma_start3A_300 = arith.constant 0 : i32
        %dma_start3A_301 = arith.constant 0 : i32
        %dma_start3A_302 = tpu.memref_slice %arg5[%dma_start3A_300, %dma_start3A_301] : memref<4x128xi32, #tpu.memory_space<vmem>> -> memref<1x128xi32, #tpu.memory_space<vmem>>
        %dma_start3A_303 = tpu.memref_squeeze %dma_start3A_302 : memref<1x128xi32, #tpu.memory_space<vmem>> -> memref<128xi32, #tpu.memory_space<vmem>>
        %dma_start3A_304 = arith.constant 0 : i32
        %dma_start3A_305 = arith.constant 0 : i32
        %dma_start3A_306 = tpu.memref_slice %arg3[%add3A, %dma_start3A_304, %dma_start3A_305] : memref<32x84x128xi32, #tpu.memory_space<hbm>> -> memref<1x84x128xi32, #tpu.memory_space<hbm>>
        %dma_start3A_307 = tpu.memref_squeeze %dma_start3A_306 : memref<1x84x128xi32, #tpu.memory_space<hbm>> -> memref<84x128xi32, #tpu.memory_space<hbm>>
        %dma_start3A_308 = arith.constant 0 : i32
        %dma_start3A_309 = tpu.memref_slice %dma_start3A_307[%add3A_148, %dma_start3A_308] : memref<84x128xi32, #tpu.memory_space<hbm>> -> memref<1x128xi32, #tpu.memory_space<hbm>>
        %dma_start3A_310 = tpu.memref_squeeze %dma_start3A_309 : memref<1x128xi32, #tpu.memory_space<hbm>> -> memref<128xi32, #tpu.memory_space<hbm>>
        %dma_start3A_311 = arith.constant 0 : i32
        %dma_start3A_312 = tpu.memref_slice %arg5[%dma_start3A_300, %dma_start3A_311] : memref<4x128xi32, #tpu.memory_space<vmem>> -> memref<1x128xi32, #tpu.memory_space<vmem>>
        %dma_start3A_313 = tpu.memref_squeeze %dma_start3A_312 : memref<1x128xi32, #tpu.memory_space<vmem>> -> memref<128xi32, #tpu.memory_space<vmem>>
        %dma_start3A_314 = arith.constant 0 : i32
        %dma_start3A_315 = arith.constant 0 : i32
        %dma_start3A_316 = tpu.memref_slice %arg3[%add3A, %dma_start3A_314, %dma_start3A_315] : memref<32x84x128xi32, #tpu.memory_space<hbm>> -> memref<1x84x128xi32, #tpu.memory_space<hbm>>
        %dma_start3A_317 = tpu.memref_squeeze %dma_start3A_316 : memref<1x84x128xi32, #tpu.memory_space<hbm>> -> memref<84x128xi32, #tpu.memory_space<hbm>>
        %dma_start3A_318 = arith.constant 0 : i32
        %dma_start3A_319 = tpu.memref_slice %dma_start3A_317[%add3A_148, %dma_start3A_318] : memref<84x128xi32, #tpu.memory_space<hbm>> -> memref<1x128xi32, #tpu.memory_space<hbm>>
        %dma_start3A_320 = tpu.memref_squeeze %dma_start3A_319 : memref<1x128xi32, #tpu.memory_space<hbm>> -> memref<128xi32, #tpu.memory_space<hbm>>
        tpu.enqueue_dma source(%dma_start3A_320 : memref<128xi32, #tpu.memory_space<hbm>>) target(%dma_start3A_313 : memref<128xi32, #tpu.memory_space<vmem>>) target_semaphore(%arg9 : memref<!tpu.dma_semaphore, #tpu.memory_space<semaphore_mem>>)
      } else {
      }
      %mul3A_153 = arith.constant 4 : i32
      %mul3A_154 = arith.muli %scan3A_108, %mul3A_153 : i32
      %add3A_155 = arith.constant 1 : i32
      %add3A_156 = arith.addi %mul3A_154, %add3A_155 : i32
      %ge3A_157 = arith.constant 2 : i32
      %ge3A_158 = arith.cmpi sge, %add3A_156, %ge3A_157 : i32
      %convert_element_type3A_159 = arith.extui %ge3A_158 : i1 to i32
      %cond3A_160 = arith.constant 0 : i32
      %cond3A_161 = arith.cmpi ne, %convert_element_type3A_159, %cond3A_160 : i32
      scf.if %cond3A_161 {
        %dma_wait3A_300 = arith.constant 0 : i32
        %dma_wait3A_301 = arith.constant 0 : i32
        %dma_wait3A_302 = tpu.memref_slice %arg4[%dma_wait3A_300, %dma_wait3A_301] : memref<344064x128xf32, #tpu.memory_space<hbm>> -> memref<128x128xf32, #tpu.memory_space<hbm>>
        %dma_wait3A_303 = arith.constant 0 : i32
        %dma_wait3A_304 = arith.constant 0 : i32
        %dma_wait3A_305 = tpu.memref_slice %arg4[%dma_wait3A_303, %dma_wait3A_304] : memref<344064x128xf32, #tpu.memory_space<hbm>> -> memref<128x128xf32, #tpu.memory_space<hbm>>
        tpu.wait_dma2 semaphore(%arg14 : memref<!tpu.dma_semaphore, #tpu.memory_space<semaphore_mem>>) src(%arg7 : memref<128x128xf32, #tpu.memory_space<vmem>>) dst(%dma_wait3A_305 : memref<128x128xf32, #tpu.memory_space<hbm>>)
      } else {
      }
      %dma_wait3A_162 = arith.constant 0 : i32
      %dma_wait3A_163 = arith.constant 0 : i32
      %dma_wait3A_164 = arith.constant 1 : i32
      %dma_wait3A_165 = arith.constant 0 : i32
      %dma_wait3A_166 = tpu.memref_slice %arg5[%dma_wait3A_164, %dma_wait3A_165] : memref<4x128xi32, #tpu.memory_space<vmem>> -> memref<1x128xi32, #tpu.memory_space<vmem>>
      %dma_wait3A_167 = tpu.memref_squeeze %dma_wait3A_166 : memref<1x128xi32, #tpu.memory_space<vmem>> -> memref<128xi32, #tpu.memory_space<vmem>>
      %dma_wait3A_168 = arith.constant 0 : i32
      %dma_wait3A_169 = arith.constant 0 : i32
      %dma_wait3A_170 = tpu.memref_slice %arg3[%dma_wait3A_162, %dma_wait3A_168, %dma_wait3A_169] : memref<32x84x128xi32, #tpu.memory_space<hbm>> -> memref<1x84x128xi32, #tpu.memory_space<hbm>>
      %dma_wait3A_171 = tpu.memref_squeeze %dma_wait3A_170 : memref<1x84x128xi32, #tpu.memory_space<hbm>> -> memref<84x128xi32, #tpu.memory_space<hbm>>
      %dma_wait3A_172 = arith.constant 0 : i32
      %dma_wait3A_173 = tpu.memref_slice %dma_wait3A_171[%dma_wait3A_163, %dma_wait3A_172] : memref<84x128xi32, #tpu.memory_space<hbm>> -> memref<1x128xi32, #tpu.memory_space<hbm>>
      %dma_wait3A_174 = tpu.memref_squeeze %dma_wait3A_173 : memref<1x128xi32, #tpu.memory_space<hbm>> -> memref<128xi32, #tpu.memory_space<hbm>>
      %dma_wait3A_175 = arith.constant 0 : i32
      %dma_wait3A_176 = tpu.memref_slice %arg5[%dma_wait3A_164, %dma_wait3A_175] : memref<4x128xi32, #tpu.memory_space<vmem>> -> memref<1x128xi32, #tpu.memory_space<vmem>>
      %dma_wait3A_177 = tpu.memref_squeeze %dma_wait3A_176 : memref<1x128xi32, #tpu.memory_space<vmem>> -> memref<128xi32, #tpu.memory_space<vmem>>
      %dma_wait3A_178 = arith.constant 0 : i32
      %dma_wait3A_179 = arith.constant 0 : i32
      %dma_wait3A_180 = tpu.memref_slice %arg3[%dma_wait3A_162, %dma_wait3A_178, %dma_wait3A_179] : memref<32x84x128xi32, #tpu.memory_space<hbm>> -> memref<1x84x128xi32, #tpu.memory_space<hbm>>
      %dma_wait3A_181 = tpu.memref_squeeze %dma_wait3A_180 : memref<1x84x128xi32, #tpu.memory_space<hbm>> -> memref<84x128xi32, #tpu.memory_space<hbm>>
      %dma_wait3A_182 = arith.constant 0 : i32
      %dma_wait3A_183 = tpu.memref_slice %dma_wait3A_181[%dma_wait3A_163, %dma_wait3A_182] : memref<84x128xi32, #tpu.memory_space<hbm>> -> memref<1x128xi32, #tpu.memory_space<hbm>>
      %dma_wait3A_184 = tpu.memref_squeeze %dma_wait3A_183 : memref<1x128xi32, #tpu.memory_space<hbm>> -> memref<128xi32, #tpu.memory_space<hbm>>
      tpu.wait_dma2 semaphore(%arg10 : memref<!tpu.dma_semaphore, #tpu.memory_space<semaphore_mem>>) src(%dma_wait3A_184 : memref<128xi32, #tpu.memory_space<hbm>>) dst(%dma_wait3A_177 : memref<128xi32, #tpu.memory_space<vmem>>)
      %run_scoped3A_185 = arith.constant 1 : i32
      "tpu.region"() ({
        %run_scoped3A_300 = tpu.sem_alloc : memref<!tpu.dma_semaphore, #tpu.memory_space<semaphore_mem>>
        %dma_start3A_301 = arith.constant 0 : i32
        %dma_start3A_302 = tpu.memref_slice %arg5[%run_scoped3A_185, %dma_start3A_301] : memref<4x128xi32, #tpu.memory_space<vmem>> -> memref<1x128xi32, #tpu.memory_space<vmem>>
        %dma_start3A_303 = tpu.memref_squeeze %dma_start3A_302 : memref<1x128xi32, #tpu.memory_space<vmem>> -> memref<128xi32, #tpu.memory_space<vmem>>
        %dma_start3A_304 = arith.constant 0 : i32
        %dma_start3A_305 = arith.constant 0 : i32
        %dma_start3A_306 = tpu.memref_slice %arg8[%dma_start3A_304, %dma_start3A_305] : memref<10112x128xf32, #tpu.memory_space<vmem_shared>> -> memref<10112x128xf32, #tpu.memory_space<vmem_shared>>
        tpu.enqueue_indirect_dma source(%dma_start3A_306 : memref<10112x128xf32, #tpu.memory_space<vmem_shared>>) target(%arg7 : memref<128x128xf32, #tpu.memory_space<vmem>>) offsets(%dma_start3A_303 : memref<128xi32, #tpu.memory_space<vmem>>) semaphore(%run_scoped3A_300 : memref<!tpu.dma_semaphore, #tpu.memory_space<semaphore_mem>>)
        %dma_wait3A_307 = arith.constant 0 : i32
        %dma_wait3A_308 = tpu.memref_slice %arg5[%run_scoped3A_185, %dma_wait3A_307] : memref<4x128xi32, #tpu.memory_space<vmem>> -> memref<1x128xi32, #tpu.memory_space<vmem>>
        %dma_wait3A_309 = tpu.memref_squeeze %dma_wait3A_308 : memref<1x128xi32, #tpu.memory_space<vmem>> -> memref<128xi32, #tpu.memory_space<vmem>>
        %dma_wait3A_310 = arith.constant 0 : i32
        %dma_wait3A_311 = arith.constant 0 : i32
        %dma_wait3A_312 = tpu.memref_slice %arg8[%dma_wait3A_310, %dma_wait3A_311] : memref<10112x128xf32, #tpu.memory_space<vmem_shared>> -> memref<10112x128xf32, #tpu.memory_space<vmem_shared>>
        tpu.wait_indirect_dma semaphore(%run_scoped3A_300 : memref<!tpu.dma_semaphore, #tpu.memory_space<semaphore_mem>>) src(%dma_wait3A_312 : memref<10112x128xf32, #tpu.memory_space<vmem_shared>>) dst(%arg7 : memref<128x128xf32, #tpu.memory_space<vmem>>)
        tpu.yield
      }) : () -> ()
      %mul3A_186 = arith.constant 84 : i32
      %mul3A_187 = arith.muli %add3A, %mul3A_186 : i32
      %add3A_188 = arith.addi %mul3A_187, %add3A_156 : i32
      %mul3A_189 = arith.constant 128 : i32
      %mul3A_190 = arith.muli %add3A_188, %mul3A_189 : i32
      %dma_start3A_191 = arith.constant 0 : i32
      %dma_start3A_192 = tpu.memref_slice %arg4[%mul3A_190, %dma_start3A_191] : memref<344064x128xf32, #tpu.memory_space<hbm>> -> memref<128x128xf32, #tpu.memory_space<hbm>>
      %dma_start3A_193 = arith.constant 0 : i32
      %dma_start3A_194 = tpu.memref_slice %arg4[%mul3A_190, %dma_start3A_193] : memref<344064x128xf32, #tpu.memory_space<hbm>> -> memref<128x128xf32, #tpu.memory_space<hbm>>
      tpu.enqueue_dma source(%arg7 : memref<128x128xf32, #tpu.memory_space<vmem>>) target(%dma_start3A_194 : memref<128x128xf32, #tpu.memory_space<hbm>>) target_semaphore(%arg14 : memref<!tpu.dma_semaphore, #tpu.memory_space<semaphore_mem>>)
      %add3A_195 = arith.constant 4 : i32
      %add3A_196 = arith.addi %add3A_156, %add3A_195 : i32
      %lt3A_197 = arith.constant 84 : i32
      %lt3A_198 = arith.cmpi slt, %add3A_196, %lt3A_197 : i32
      %convert_element_type3A_199 = arith.extui %lt3A_198 : i1 to i32
      %cond3A_200 = arith.constant 0 : i32
      %cond3A_201 = arith.cmpi ne, %convert_element_type3A_199, %cond3A_200 : i32
      scf.if %cond3A_201 {
        %dma_start3A_300 = arith.constant 1 : i32
        %dma_start3A_301 = arith.constant 0 : i32
        %dma_start3A_302 = tpu.memref_slice %arg5[%dma_start3A_300, %dma_start3A_301] : memref<4x128xi32, #tpu.memory_space<vmem>> -> memref<1x128xi32, #tpu.memory_space<vmem>>
        %dma_start3A_303 = tpu.memref_squeeze %dma_start3A_302 : memref<1x128xi32, #tpu.memory_space<vmem>> -> memref<128xi32, #tpu.memory_space<vmem>>
        %dma_start3A_304 = arith.constant 0 : i32
        %dma_start3A_305 = arith.constant 0 : i32
        %dma_start3A_306 = tpu.memref_slice %arg3[%add3A, %dma_start3A_304, %dma_start3A_305] : memref<32x84x128xi32, #tpu.memory_space<hbm>> -> memref<1x84x128xi32, #tpu.memory_space<hbm>>
        %dma_start3A_307 = tpu.memref_squeeze %dma_start3A_306 : memref<1x84x128xi32, #tpu.memory_space<hbm>> -> memref<84x128xi32, #tpu.memory_space<hbm>>
        %dma_start3A_308 = arith.constant 0 : i32
        %dma_start3A_309 = tpu.memref_slice %dma_start3A_307[%add3A_196, %dma_start3A_308] : memref<84x128xi32, #tpu.memory_space<hbm>> -> memref<1x128xi32, #tpu.memory_space<hbm>>
        %dma_start3A_310 = tpu.memref_squeeze %dma_start3A_309 : memref<1x128xi32, #tpu.memory_space<hbm>> -> memref<128xi32, #tpu.memory_space<hbm>>
        %dma_start3A_311 = arith.constant 0 : i32
        %dma_start3A_312 = tpu.memref_slice %arg5[%dma_start3A_300, %dma_start3A_311] : memref<4x128xi32, #tpu.memory_space<vmem>> -> memref<1x128xi32, #tpu.memory_space<vmem>>
        %dma_start3A_313 = tpu.memref_squeeze %dma_start3A_312 : memref<1x128xi32, #tpu.memory_space<vmem>> -> memref<128xi32, #tpu.memory_space<vmem>>
        %dma_start3A_314 = arith.constant 0 : i32
        %dma_start3A_315 = arith.constant 0 : i32
        %dma_start3A_316 = tpu.memref_slice %arg3[%add3A, %dma_start3A_314, %dma_start3A_315] : memref<32x84x128xi32, #tpu.memory_space<hbm>> -> memref<1x84x128xi32, #tpu.memory_space<hbm>>
        %dma_start3A_317 = tpu.memref_squeeze %dma_start3A_316 : memref<1x84x128xi32, #tpu.memory_space<hbm>> -> memref<84x128xi32, #tpu.memory_space<hbm>>
        %dma_start3A_318 = arith.constant 0 : i32
        %dma_start3A_319 = tpu.memref_slice %dma_start3A_317[%add3A_196, %dma_start3A_318] : memref<84x128xi32, #tpu.memory_space<hbm>> -> memref<1x128xi32, #tpu.memory_space<hbm>>
        %dma_start3A_320 = tpu.memref_squeeze %dma_start3A_319 : memref<1x128xi32, #tpu.memory_space<hbm>> -> memref<128xi32, #tpu.memory_space<hbm>>
        tpu.enqueue_dma source(%dma_start3A_320 : memref<128xi32, #tpu.memory_space<hbm>>) target(%dma_start3A_313 : memref<128xi32, #tpu.memory_space<vmem>>) target_semaphore(%arg10 : memref<!tpu.dma_semaphore, #tpu.memory_space<semaphore_mem>>)
      } else {
      }
      %mul3A_202 = arith.constant 4 : i32
      %mul3A_203 = arith.muli %scan3A_108, %mul3A_202 : i32
      %add3A_204 = arith.constant 2 : i32
      %add3A_205 = arith.addi %mul3A_203, %add3A_204 : i32
      %ge3A_206 = arith.constant 2 : i32
      %ge3A_207 = arith.cmpi sge, %add3A_205, %ge3A_206 : i32
      %convert_element_type3A_208 = arith.extui %ge3A_207 : i1 to i32
      %cond3A_209 = arith.constant 0 : i32
      %cond3A_210 = arith.cmpi ne, %convert_element_type3A_208, %cond3A_209 : i32
      scf.if %cond3A_210 {
        %dma_wait3A_300 = arith.constant 0 : i32
        %dma_wait3A_301 = arith.constant 0 : i32
        %dma_wait3A_302 = tpu.memref_slice %arg4[%dma_wait3A_300, %dma_wait3A_301] : memref<344064x128xf32, #tpu.memory_space<hbm>> -> memref<128x128xf32, #tpu.memory_space<hbm>>
        %dma_wait3A_303 = arith.constant 0 : i32
        %dma_wait3A_304 = arith.constant 0 : i32
        %dma_wait3A_305 = tpu.memref_slice %arg4[%dma_wait3A_303, %dma_wait3A_304] : memref<344064x128xf32, #tpu.memory_space<hbm>> -> memref<128x128xf32, #tpu.memory_space<hbm>>
        tpu.wait_dma2 semaphore(%arg13 : memref<!tpu.dma_semaphore, #tpu.memory_space<semaphore_mem>>) src(%arg6 : memref<128x128xf32, #tpu.memory_space<vmem>>) dst(%dma_wait3A_305 : memref<128x128xf32, #tpu.memory_space<hbm>>)
      } else {
      }
      %dma_wait3A_211 = arith.constant 0 : i32
      %dma_wait3A_212 = arith.constant 0 : i32
      %dma_wait3A_213 = arith.constant 2 : i32
      %dma_wait3A_214 = arith.constant 0 : i32
      %dma_wait3A_215 = tpu.memref_slice %arg5[%dma_wait3A_213, %dma_wait3A_214] : memref<4x128xi32, #tpu.memory_space<vmem>> -> memref<1x128xi32, #tpu.memory_space<vmem>>
      %dma_wait3A_216 = tpu.memref_squeeze %dma_wait3A_215 : memref<1x128xi32, #tpu.memory_space<vmem>> -> memref<128xi32, #tpu.memory_space<vmem>>
      %dma_wait3A_217 = arith.constant 0 : i32
      %dma_wait3A_218 = arith.constant 0 : i32
      %dma_wait3A_219 = tpu.memref_slice %arg3[%dma_wait3A_211, %dma_wait3A_217, %dma_wait3A_218] : memref<32x84x128xi32, #tpu.memory_space<hbm>> -> memref<1x84x128xi32, #tpu.memory_space<hbm>>
      %dma_wait3A_220 = tpu.memref_squeeze %dma_wait3A_219 : memref<1x84x128xi32, #tpu.memory_space<hbm>> -> memref<84x128xi32, #tpu.memory_space<hbm>>
      %dma_wait3A_221 = arith.constant 0 : i32
      %dma_wait3A_222 = tpu.memref_slice %dma_wait3A_220[%dma_wait3A_212, %dma_wait3A_221] : memref<84x128xi32, #tpu.memory_space<hbm>> -> memref<1x128xi32, #tpu.memory_space<hbm>>
      %dma_wait3A_223 = tpu.memref_squeeze %dma_wait3A_222 : memref<1x128xi32, #tpu.memory_space<hbm>> -> memref<128xi32, #tpu.memory_space<hbm>>
      %dma_wait3A_224 = arith.constant 0 : i32
      %dma_wait3A_225 = tpu.memref_slice %arg5[%dma_wait3A_213, %dma_wait3A_224] : memref<4x128xi32, #tpu.memory_space<vmem>> -> memref<1x128xi32, #tpu.memory_space<vmem>>
      %dma_wait3A_226 = tpu.memref_squeeze %dma_wait3A_225 : memref<1x128xi32, #tpu.memory_space<vmem>> -> memref<128xi32, #tpu.memory_space<vmem>>
      %dma_wait3A_227 = arith.constant 0 : i32
      %dma_wait3A_228 = arith.constant 0 : i32
      %dma_wait3A_229 = tpu.memref_slice %arg3[%dma_wait3A_211, %dma_wait3A_227, %dma_wait3A_228] : memref<32x84x128xi32, #tpu.memory_space<hbm>> -> memref<1x84x128xi32, #tpu.memory_space<hbm>>
      %dma_wait3A_230 = tpu.memref_squeeze %dma_wait3A_229 : memref<1x84x128xi32, #tpu.memory_space<hbm>> -> memref<84x128xi32, #tpu.memory_space<hbm>>
      %dma_wait3A_231 = arith.constant 0 : i32
      %dma_wait3A_232 = tpu.memref_slice %dma_wait3A_230[%dma_wait3A_212, %dma_wait3A_231] : memref<84x128xi32, #tpu.memory_space<hbm>> -> memref<1x128xi32, #tpu.memory_space<hbm>>
      %dma_wait3A_233 = tpu.memref_squeeze %dma_wait3A_232 : memref<1x128xi32, #tpu.memory_space<hbm>> -> memref<128xi32, #tpu.memory_space<hbm>>
      tpu.wait_dma2 semaphore(%arg11 : memref<!tpu.dma_semaphore, #tpu.memory_space<semaphore_mem>>) src(%dma_wait3A_233 : memref<128xi32, #tpu.memory_space<hbm>>) dst(%dma_wait3A_226 : memref<128xi32, #tpu.memory_space<vmem>>)
      %run_scoped3A_234 = arith.constant 2 : i32
      "tpu.region"() ({
        %run_scoped3A_300 = tpu.sem_alloc : memref<!tpu.dma_semaphore, #tpu.memory_space<semaphore_mem>>
        %dma_start3A_301 = arith.constant 0 : i32
        %dma_start3A_302 = tpu.memref_slice %arg5[%run_scoped3A_234, %dma_start3A_301] : memref<4x128xi32, #tpu.memory_space<vmem>> -> memref<1x128xi32, #tpu.memory_space<vmem>>
        %dma_start3A_303 = tpu.memref_squeeze %dma_start3A_302 : memref<1x128xi32, #tpu.memory_space<vmem>> -> memref<128xi32, #tpu.memory_space<vmem>>
        %dma_start3A_304 = arith.constant 0 : i32
        %dma_start3A_305 = arith.constant 0 : i32
        %dma_start3A_306 = tpu.memref_slice %arg8[%dma_start3A_304, %dma_start3A_305] : memref<10112x128xf32, #tpu.memory_space<vmem_shared>> -> memref<10112x128xf32, #tpu.memory_space<vmem_shared>>
        tpu.enqueue_indirect_dma source(%dma_start3A_306 : memref<10112x128xf32, #tpu.memory_space<vmem_shared>>) target(%arg6 : memref<128x128xf32, #tpu.memory_space<vmem>>) offsets(%dma_start3A_303 : memref<128xi32, #tpu.memory_space<vmem>>) semaphore(%run_scoped3A_300 : memref<!tpu.dma_semaphore, #tpu.memory_space<semaphore_mem>>)
        %dma_wait3A_307 = arith.constant 0 : i32
        %dma_wait3A_308 = tpu.memref_slice %arg5[%run_scoped3A_234, %dma_wait3A_307] : memref<4x128xi32, #tpu.memory_space<vmem>> -> memref<1x128xi32, #tpu.memory_space<vmem>>
        %dma_wait3A_309 = tpu.memref_squeeze %dma_wait3A_308 : memref<1x128xi32, #tpu.memory_space<vmem>> -> memref<128xi32, #tpu.memory_space<vmem>>
        %dma_wait3A_310 = arith.constant 0 : i32
        %dma_wait3A_311 = arith.constant 0 : i32
        %dma_wait3A_312 = tpu.memref_slice %arg8[%dma_wait3A_310, %dma_wait3A_311] : memref<10112x128xf32, #tpu.memory_space<vmem_shared>> -> memref<10112x128xf32, #tpu.memory_space<vmem_shared>>
        tpu.wait_indirect_dma semaphore(%run_scoped3A_300 : memref<!tpu.dma_semaphore, #tpu.memory_space<semaphore_mem>>) src(%dma_wait3A_312 : memref<10112x128xf32, #tpu.memory_space<vmem_shared>>) dst(%arg6 : memref<128x128xf32, #tpu.memory_space<vmem>>)
        tpu.yield
      }) : () -> ()
      %mul3A_235 = arith.constant 84 : i32
      %mul3A_236 = arith.muli %add3A, %mul3A_235 : i32
      %add3A_237 = arith.addi %mul3A_236, %add3A_205 : i32
      %mul3A_238 = arith.constant 128 : i32
      %mul3A_239 = arith.muli %add3A_237, %mul3A_238 : i32
      %dma_start3A_240 = arith.constant 0 : i32
      %dma_start3A_241 = tpu.memref_slice %arg4[%mul3A_239, %dma_start3A_240] : memref<344064x128xf32, #tpu.memory_space<hbm>> -> memref<128x128xf32, #tpu.memory_space<hbm>>
      %dma_start3A_242 = arith.constant 0 : i32
      %dma_start3A_243 = tpu.memref_slice %arg4[%mul3A_239, %dma_start3A_242] : memref<344064x128xf32, #tpu.memory_space<hbm>> -> memref<128x128xf32, #tpu.memory_space<hbm>>
      tpu.enqueue_dma source(%arg6 : memref<128x128xf32, #tpu.memory_space<vmem>>) target(%dma_start3A_243 : memref<128x128xf32, #tpu.memory_space<hbm>>) target_semaphore(%arg13 : memref<!tpu.dma_semaphore, #tpu.memory_space<semaphore_mem>>)
      %add3A_244 = arith.constant 4 : i32
      %add3A_245 = arith.addi %add3A_205, %add3A_244 : i32
      %lt3A_246 = arith.constant 84 : i32
      %lt3A_247 = arith.cmpi slt, %add3A_245, %lt3A_246 : i32
      %convert_element_type3A_248 = arith.extui %lt3A_247 : i1 to i32
      %cond3A_249 = arith.constant 0 : i32
      %cond3A_250 = arith.cmpi ne, %convert_element_type3A_248, %cond3A_249 : i32
      scf.if %cond3A_250 {
        %dma_start3A_300 = arith.constant 2 : i32
        %dma_start3A_301 = arith.constant 0 : i32
        %dma_start3A_302 = tpu.memref_slice %arg5[%dma_start3A_300, %dma_start3A_301] : memref<4x128xi32, #tpu.memory_space<vmem>> -> memref<1x128xi32, #tpu.memory_space<vmem>>
        %dma_start3A_303 = tpu.memref_squeeze %dma_start3A_302 : memref<1x128xi32, #tpu.memory_space<vmem>> -> memref<128xi32, #tpu.memory_space<vmem>>
        %dma_start3A_304 = arith.constant 0 : i32
        %dma_start3A_305 = arith.constant 0 : i32
        %dma_start3A_306 = tpu.memref_slice %arg3[%add3A, %dma_start3A_304, %dma_start3A_305] : memref<32x84x128xi32, #tpu.memory_space<hbm>> -> memref<1x84x128xi32, #tpu.memory_space<hbm>>
        %dma_start3A_307 = tpu.memref_squeeze %dma_start3A_306 : memref<1x84x128xi32, #tpu.memory_space<hbm>> -> memref<84x128xi32, #tpu.memory_space<hbm>>
        %dma_start3A_308 = arith.constant 0 : i32
        %dma_start3A_309 = tpu.memref_slice %dma_start3A_307[%add3A_245, %dma_start3A_308] : memref<84x128xi32, #tpu.memory_space<hbm>> -> memref<1x128xi32, #tpu.memory_space<hbm>>
        %dma_start3A_310 = tpu.memref_squeeze %dma_start3A_309 : memref<1x128xi32, #tpu.memory_space<hbm>> -> memref<128xi32, #tpu.memory_space<hbm>>
        %dma_start3A_311 = arith.constant 0 : i32
        %dma_start3A_312 = tpu.memref_slice %arg5[%dma_start3A_300, %dma_start3A_311] : memref<4x128xi32, #tpu.memory_space<vmem>> -> memref<1x128xi32, #tpu.memory_space<vmem>>
        %dma_start3A_313 = tpu.memref_squeeze %dma_start3A_312 : memref<1x128xi32, #tpu.memory_space<vmem>> -> memref<128xi32, #tpu.memory_space<vmem>>
        %dma_start3A_314 = arith.constant 0 : i32
        %dma_start3A_315 = arith.constant 0 : i32
        %dma_start3A_316 = tpu.memref_slice %arg3[%add3A, %dma_start3A_314, %dma_start3A_315] : memref<32x84x128xi32, #tpu.memory_space<hbm>> -> memref<1x84x128xi32, #tpu.memory_space<hbm>>
        %dma_start3A_317 = tpu.memref_squeeze %dma_start3A_316 : memref<1x84x128xi32, #tpu.memory_space<hbm>> -> memref<84x128xi32, #tpu.memory_space<hbm>>
        %dma_start3A_318 = arith.constant 0 : i32
        %dma_start3A_319 = tpu.memref_slice %dma_start3A_317[%add3A_245, %dma_start3A_318] : memref<84x128xi32, #tpu.memory_space<hbm>> -> memref<1x128xi32, #tpu.memory_space<hbm>>
        %dma_start3A_320 = tpu.memref_squeeze %dma_start3A_319 : memref<1x128xi32, #tpu.memory_space<hbm>> -> memref<128xi32, #tpu.memory_space<hbm>>
        tpu.enqueue_dma source(%dma_start3A_320 : memref<128xi32, #tpu.memory_space<hbm>>) target(%dma_start3A_313 : memref<128xi32, #tpu.memory_space<vmem>>) target_semaphore(%arg11 : memref<!tpu.dma_semaphore, #tpu.memory_space<semaphore_mem>>)
      } else {
      }
      %mul3A_251 = arith.constant 4 : i32
      %mul3A_252 = arith.muli %scan3A_108, %mul3A_251 : i32
      %add3A_253 = arith.constant 3 : i32
      %add3A_254 = arith.addi %mul3A_252, %add3A_253 : i32
      %ge3A_255 = arith.constant 2 : i32
      %ge3A_256 = arith.cmpi sge, %add3A_254, %ge3A_255 : i32
      %convert_element_type3A_257 = arith.extui %ge3A_256 : i1 to i32
      %cond3A_258 = arith.constant 0 : i32
      %cond3A_259 = arith.cmpi ne, %convert_element_type3A_257, %cond3A_258 : i32
      scf.if %cond3A_259 {
        %dma_wait3A_300 = arith.constant 0 : i32
        %dma_wait3A_301 = arith.constant 0 : i32
        %dma_wait3A_302 = tpu.memref_slice %arg4[%dma_wait3A_300, %dma_wait3A_301] : memref<344064x128xf32, #tpu.memory_space<hbm>> -> memref<128x128xf32, #tpu.memory_space<hbm>>
        %dma_wait3A_303 = arith.constant 0 : i32
        %dma_wait3A_304 = arith.constant 0 : i32
        %dma_wait3A_305 = tpu.memref_slice %arg4[%dma_wait3A_303, %dma_wait3A_304] : memref<344064x128xf32, #tpu.memory_space<hbm>> -> memref<128x128xf32, #tpu.memory_space<hbm>>
        tpu.wait_dma2 semaphore(%arg14 : memref<!tpu.dma_semaphore, #tpu.memory_space<semaphore_mem>>) src(%arg7 : memref<128x128xf32, #tpu.memory_space<vmem>>) dst(%dma_wait3A_305 : memref<128x128xf32, #tpu.memory_space<hbm>>)
      } else {
      }
      %dma_wait3A_260 = arith.constant 0 : i32
      %dma_wait3A_261 = arith.constant 0 : i32
      %dma_wait3A_262 = arith.constant 3 : i32
      %dma_wait3A_263 = arith.constant 0 : i32
      %dma_wait3A_264 = tpu.memref_slice %arg5[%dma_wait3A_262, %dma_wait3A_263] : memref<4x128xi32, #tpu.memory_space<vmem>> -> memref<1x128xi32, #tpu.memory_space<vmem>>
      %dma_wait3A_265 = tpu.memref_squeeze %dma_wait3A_264 : memref<1x128xi32, #tpu.memory_space<vmem>> -> memref<128xi32, #tpu.memory_space<vmem>>
      %dma_wait3A_266 = arith.constant 0 : i32
      %dma_wait3A_267 = arith.constant 0 : i32
      %dma_wait3A_268 = tpu.memref_slice %arg3[%dma_wait3A_260, %dma_wait3A_266, %dma_wait3A_267] : memref<32x84x128xi32, #tpu.memory_space<hbm>> -> memref<1x84x128xi32, #tpu.memory_space<hbm>>
      %dma_wait3A_269 = tpu.memref_squeeze %dma_wait3A_268 : memref<1x84x128xi32, #tpu.memory_space<hbm>> -> memref<84x128xi32, #tpu.memory_space<hbm>>
      %dma_wait3A_270 = arith.constant 0 : i32
      %dma_wait3A_271 = tpu.memref_slice %dma_wait3A_269[%dma_wait3A_261, %dma_wait3A_270] : memref<84x128xi32, #tpu.memory_space<hbm>> -> memref<1x128xi32, #tpu.memory_space<hbm>>
      %dma_wait3A_272 = tpu.memref_squeeze %dma_wait3A_271 : memref<1x128xi32, #tpu.memory_space<hbm>> -> memref<128xi32, #tpu.memory_space<hbm>>
      %dma_wait3A_273 = arith.constant 0 : i32
      %dma_wait3A_274 = tpu.memref_slice %arg5[%dma_wait3A_262, %dma_wait3A_273] : memref<4x128xi32, #tpu.memory_space<vmem>> -> memref<1x128xi32, #tpu.memory_space<vmem>>
      %dma_wait3A_275 = tpu.memref_squeeze %dma_wait3A_274 : memref<1x128xi32, #tpu.memory_space<vmem>> -> memref<128xi32, #tpu.memory_space<vmem>>
      %dma_wait3A_276 = arith.constant 0 : i32
      %dma_wait3A_277 = arith.constant 0 : i32
      %dma_wait3A_278 = tpu.memref_slice %arg3[%dma_wait3A_260, %dma_wait3A_276, %dma_wait3A_277] : memref<32x84x128xi32, #tpu.memory_space<hbm>> -> memref<1x84x128xi32, #tpu.memory_space<hbm>>
      %dma_wait3A_279 = tpu.memref_squeeze %dma_wait3A_278 : memref<1x84x128xi32, #tpu.memory_space<hbm>> -> memref<84x128xi32, #tpu.memory_space<hbm>>
      %dma_wait3A_280 = arith.constant 0 : i32
      %dma_wait3A_281 = tpu.memref_slice %dma_wait3A_279[%dma_wait3A_261, %dma_wait3A_280] : memref<84x128xi32, #tpu.memory_space<hbm>> -> memref<1x128xi32, #tpu.memory_space<hbm>>
      %dma_wait3A_282 = tpu.memref_squeeze %dma_wait3A_281 : memref<1x128xi32, #tpu.memory_space<hbm>> -> memref<128xi32, #tpu.memory_space<hbm>>
      tpu.wait_dma2 semaphore(%arg12 : memref<!tpu.dma_semaphore, #tpu.memory_space<semaphore_mem>>) src(%dma_wait3A_282 : memref<128xi32, #tpu.memory_space<hbm>>) dst(%dma_wait3A_275 : memref<128xi32, #tpu.memory_space<vmem>>)
      %run_scoped3A_283 = arith.constant 3 : i32
      "tpu.region"() ({
        %run_scoped3A_300 = tpu.sem_alloc : memref<!tpu.dma_semaphore, #tpu.memory_space<semaphore_mem>>
        %dma_start3A_301 = arith.constant 0 : i32
        %dma_start3A_302 = tpu.memref_slice %arg5[%run_scoped3A_283, %dma_start3A_301] : memref<4x128xi32, #tpu.memory_space<vmem>> -> memref<1x128xi32, #tpu.memory_space<vmem>>
        %dma_start3A_303 = tpu.memref_squeeze %dma_start3A_302 : memref<1x128xi32, #tpu.memory_space<vmem>> -> memref<128xi32, #tpu.memory_space<vmem>>
        %dma_start3A_304 = arith.constant 0 : i32
        %dma_start3A_305 = arith.constant 0 : i32
        %dma_start3A_306 = tpu.memref_slice %arg8[%dma_start3A_304, %dma_start3A_305] : memref<10112x128xf32, #tpu.memory_space<vmem_shared>> -> memref<10112x128xf32, #tpu.memory_space<vmem_shared>>
        tpu.enqueue_indirect_dma source(%dma_start3A_306 : memref<10112x128xf32, #tpu.memory_space<vmem_shared>>) target(%arg7 : memref<128x128xf32, #tpu.memory_space<vmem>>) offsets(%dma_start3A_303 : memref<128xi32, #tpu.memory_space<vmem>>) semaphore(%run_scoped3A_300 : memref<!tpu.dma_semaphore, #tpu.memory_space<semaphore_mem>>)
        %dma_wait3A_307 = arith.constant 0 : i32
        %dma_wait3A_308 = tpu.memref_slice %arg5[%run_scoped3A_283, %dma_wait3A_307] : memref<4x128xi32, #tpu.memory_space<vmem>> -> memref<1x128xi32, #tpu.memory_space<vmem>>
        %dma_wait3A_309 = tpu.memref_squeeze %dma_wait3A_308 : memref<1x128xi32, #tpu.memory_space<vmem>> -> memref<128xi32, #tpu.memory_space<vmem>>
        %dma_wait3A_310 = arith.constant 0 : i32
        %dma_wait3A_311 = arith.constant 0 : i32
        %dma_wait3A_312 = tpu.memref_slice %arg8[%dma_wait3A_310, %dma_wait3A_311] : memref<10112x128xf32, #tpu.memory_space<vmem_shared>> -> memref<10112x128xf32, #tpu.memory_space<vmem_shared>>
        tpu.wait_indirect_dma semaphore(%run_scoped3A_300 : memref<!tpu.dma_semaphore, #tpu.memory_space<semaphore_mem>>) src(%dma_wait3A_312 : memref<10112x128xf32, #tpu.memory_space<vmem_shared>>) dst(%arg7 : memref<128x128xf32, #tpu.memory_space<vmem>>)
        tpu.yield
      }) : () -> ()
      %mul3A_284 = arith.constant 84 : i32
      %mul3A_285 = arith.muli %add3A, %mul3A_284 : i32
      %add3A_286 = arith.addi %mul3A_285, %add3A_254 : i32
      %mul3A_287 = arith.constant 128 : i32
      %mul3A_288 = arith.muli %add3A_286, %mul3A_287 : i32
      %dma_start3A_289 = arith.constant 0 : i32
      %dma_start3A_290 = tpu.memref_slice %arg4[%mul3A_288, %dma_start3A_289] : memref<344064x128xf32, #tpu.memory_space<hbm>> -> memref<128x128xf32, #tpu.memory_space<hbm>>
      %dma_start3A_291 = arith.constant 0 : i32
      %dma_start3A_292 = tpu.memref_slice %arg4[%mul3A_288, %dma_start3A_291] : memref<344064x128xf32, #tpu.memory_space<hbm>> -> memref<128x128xf32, #tpu.memory_space<hbm>>
      tpu.enqueue_dma source(%arg7 : memref<128x128xf32, #tpu.memory_space<vmem>>) target(%dma_start3A_292 : memref<128x128xf32, #tpu.memory_space<hbm>>) target_semaphore(%arg14 : memref<!tpu.dma_semaphore, #tpu.memory_space<semaphore_mem>>)
      %add3A_293 = arith.constant 4 : i32
      %add3A_294 = arith.addi %add3A_254, %add3A_293 : i32
      %lt3A_295 = arith.constant 84 : i32
      %lt3A_296 = arith.cmpi slt, %add3A_294, %lt3A_295 : i32
      %convert_element_type3A_297 = arith.extui %lt3A_296 : i1 to i32
      %cond3A_298 = arith.constant 0 : i32
      %cond3A_299 = arith.cmpi ne, %convert_element_type3A_297, %cond3A_298 : i32
      scf.if %cond3A_299 {
        %dma_start3A_300 = arith.constant 3 : i32
        %dma_start3A_301 = arith.constant 0 : i32
        %dma_start3A_302 = tpu.memref_slice %arg5[%dma_start3A_300, %dma_start3A_301] : memref<4x128xi32, #tpu.memory_space<vmem>> -> memref<1x128xi32, #tpu.memory_space<vmem>>
        %dma_start3A_303 = tpu.memref_squeeze %dma_start3A_302 : memref<1x128xi32, #tpu.memory_space<vmem>> -> memref<128xi32, #tpu.memory_space<vmem>>
        %dma_start3A_304 = arith.constant 0 : i32
        %dma_start3A_305 = arith.constant 0 : i32
        %dma_start3A_306 = tpu.memref_slice %arg3[%add3A, %dma_start3A_304, %dma_start3A_305] : memref<32x84x128xi32, #tpu.memory_space<hbm>> -> memref<1x84x128xi32, #tpu.memory_space<hbm>>
        %dma_start3A_307 = tpu.memref_squeeze %dma_start3A_306 : memref<1x84x128xi32, #tpu.memory_space<hbm>> -> memref<84x128xi32, #tpu.memory_space<hbm>>
        %dma_start3A_308 = arith.constant 0 : i32
        %dma_start3A_309 = tpu.memref_slice %dma_start3A_307[%add3A_294, %dma_start3A_308] : memref<84x128xi32, #tpu.memory_space<hbm>> -> memref<1x128xi32, #tpu.memory_space<hbm>>
        %dma_start3A_310 = tpu.memref_squeeze %dma_start3A_309 : memref<1x128xi32, #tpu.memory_space<hbm>> -> memref<128xi32, #tpu.memory_space<hbm>>
        %dma_start3A_311 = arith.constant 0 : i32
        %dma_start3A_312 = tpu.memref_slice %arg5[%dma_start3A_300, %dma_start3A_311] : memref<4x128xi32, #tpu.memory_space<vmem>> -> memref<1x128xi32, #tpu.memory_space<vmem>>
        %dma_start3A_313 = tpu.memref_squeeze %dma_start3A_312 : memref<1x128xi32, #tpu.memory_space<vmem>> -> memref<128xi32, #tpu.memory_space<vmem>>
        %dma_start3A_314 = arith.constant 0 : i32
        %dma_start3A_315 = arith.constant 0 : i32
        %dma_start3A_316 = tpu.memref_slice %arg3[%add3A, %dma_start3A_314, %dma_start3A_315] : memref<32x84x128xi32, #tpu.memory_space<hbm>> -> memref<1x84x128xi32, #tpu.memory_space<hbm>>
        %dma_start3A_317 = tpu.memref_squeeze %dma_start3A_316 : memref<1x84x128xi32, #tpu.memory_space<hbm>> -> memref<84x128xi32, #tpu.memory_space<hbm>>
        %dma_start3A_318 = arith.constant 0 : i32
        %dma_start3A_319 = tpu.memref_slice %dma_start3A_317[%add3A_294, %dma_start3A_318] : memref<84x128xi32, #tpu.memory_space<hbm>> -> memref<1x128xi32, #tpu.memory_space<hbm>>
        %dma_start3A_320 = tpu.memref_squeeze %dma_start3A_319 : memref<1x128xi32, #tpu.memory_space<hbm>> -> memref<128xi32, #tpu.memory_space<hbm>>
        tpu.enqueue_dma source(%dma_start3A_320 : memref<128xi32, #tpu.memory_space<hbm>>) target(%dma_start3A_313 : memref<128xi32, #tpu.memory_space<vmem>>) target_semaphore(%arg12 : memref<!tpu.dma_semaphore, #tpu.memory_space<semaphore_mem>>)
      } else {
      }
    }
    %scan3A_96 = arith.constant 21 : i32
    %dma_wait3A = arith.constant 0 : i32
    %dma_wait3A_97 = arith.constant 0 : i32
    %dma_wait3A_98 = tpu.memref_slice %arg4[%dma_wait3A, %dma_wait3A_97] : memref<344064x128xf32, #tpu.memory_space<hbm>> -> memref<128x128xf32, #tpu.memory_space<hbm>>
    %dma_wait3A_99 = arith.constant 0 : i32
    %dma_wait3A_100 = arith.constant 0 : i32
    %dma_wait3A_101 = tpu.memref_slice %arg4[%dma_wait3A_99, %dma_wait3A_100] : memref<344064x128xf32, #tpu.memory_space<hbm>> -> memref<128x128xf32, #tpu.memory_space<hbm>>
    tpu.wait_dma2 semaphore(%arg13 : memref<!tpu.dma_semaphore, #tpu.memory_space<semaphore_mem>>) src(%arg6 : memref<128x128xf32, #tpu.memory_space<vmem>>) dst(%dma_wait3A_101 : memref<128x128xf32, #tpu.memory_space<hbm>>)
    %dma_wait3A_102 = arith.constant 0 : i32
    %dma_wait3A_103 = arith.constant 0 : i32
    %dma_wait3A_104 = tpu.memref_slice %arg4[%dma_wait3A_102, %dma_wait3A_103] : memref<344064x128xf32, #tpu.memory_space<hbm>> -> memref<128x128xf32, #tpu.memory_space<hbm>>
    %dma_wait3A_105 = arith.constant 0 : i32
    %dma_wait3A_106 = arith.constant 0 : i32
    %dma_wait3A_107 = tpu.memref_slice %arg4[%dma_wait3A_105, %dma_wait3A_106] : memref<344064x128xf32, #tpu.memory_space<hbm>> -> memref<128x128xf32, #tpu.memory_space<hbm>>
    tpu.wait_dma2 semaphore(%arg14 : memref<!tpu.dma_semaphore, #tpu.memory_space<semaphore_mem>>) src(%arg7 : memref<128x128xf32, #tpu.memory_space<vmem>>) dst(%dma_wait3A_107 : memref<128x128xf32, #tpu.memory_space<hbm>>)
    return
  }
}

#map = affine_map<(d0, d1) -> (0, 0)>
#map1 = affine_map<(d0, d1) -> (0, 0, 0)>
module attributes {stable_mosaic.version = 14 : i64} {
  func.func @_expand(%arg0: i32, %arg1: i32, %arg2: memref<10112x128xf32, #tpu.memory_space<hbm>>, %arg3: memref<32x84x128xi32, #tpu.memory_space<hbm>>, %arg4: memref<344064x128xf32, #tpu.memory_space<hbm>>, %arg5: memref<4x128xi32, #tpu.memory_space<vmem>>, %arg6: memref<128x128xf32, #tpu.memory_space<vmem>>, %arg7: memref<128x128xf32, #tpu.memory_space<vmem>>, %arg8: memref<10112x128xf32, #tpu.memory_space<vmem_shared>>, %arg9: memref<!tpu.dma_semaphore, #tpu.memory_space<semaphore_mem>>, %arg10: memref<!tpu.dma_semaphore, #tpu.memory_space<semaphore_mem>>, %arg11: memref<!tpu.dma_semaphore, #tpu.memory_space<semaphore_mem>>, %arg12: memref<!tpu.dma_semaphore, #tpu.memory_space<semaphore_mem>>, %arg13: memref<!tpu.dma_semaphore, #tpu.memory_space<semaphore_mem>>, %arg14: memref<!tpu.dma_semaphore, #tpu.memory_space<semaphore_mem>>) attributes {dimension_semantics = [#tpu.dimension_semantics<core_parallel>, #tpu.dimension_semantics<subcore_parallel>], iteration_bounds = array<i64: 2, 16>, scalar_prefetch = 0 : i64, scratch_operands = 10 : i64, tpu.core_type = #tpu.core_type<sc_vector_subcore>, window_params = [{transform_indices = #map}, {transform_indices = #map1}, {transform_indices = #map}]} {
    %mul3A = arith.constant 16 : i32
    %mul3A_0 = arith.muli %arg0, %mul3A : i32
    %add3A = arith.addi %mul3A_0, %arg1 : i32
    %mul3A_1 = arith.constant 632 : i32
    %mul3A_2 = arith.muli %arg1, %mul3A_1 : i32
    %mul3A_3 = arith.constant 632 : i32
    %mul3A_4 = arith.muli %arg1, %mul3A_3 : i32
    "tpu.region"() ({
      %run_scoped3A = tpu.sem_alloc : memref<!tpu.dma_semaphore, #tpu.memory_space<semaphore_mem>>
      %dma_start3A_108 = arith.constant 0 : i32
      %dma_start3A_109 = tpu.memref_slice %arg8[%mul3A_4, %dma_start3A_108] : memref<10112x128xf32, #tpu.memory_space<vmem_shared>> -> memref<632x128xf32, #tpu.memory_space<vmem_shared>>
      %dma_start3A_110 = arith.constant 0 : i32
      %dma_start3A_111 = tpu.memref_slice %arg2[%mul3A_2, %dma_start3A_110] : memref<10112x128xf32, #tpu.memory_space<hbm>> -> memref<632x128xf32, #tpu.memory_space<hbm>>
      tpu.enqueue_dma source(%dma_start3A_111 : memref<632x128xf32, #tpu.memory_space<hbm>>) target(%dma_start3A_109 : memref<632x128xf32, #tpu.memory_space<vmem_shared>>) target_semaphore(%run_scoped3A : memref<!tpu.dma_semaphore, #tpu.memory_space<semaphore_mem>>)
      %dma_wait3A_112 = arith.constant 0 : i32
      %dma_wait3A_113 = tpu.memref_slice %arg8[%mul3A_4, %dma_wait3A_112] : memref<10112x128xf32, #tpu.memory_space<vmem_shared>> -> memref<632x128xf32, #tpu.memory_space<vmem_shared>>
      %dma_wait3A_114 = arith.constant 0 : i32
      %dma_wait3A_115 = tpu.memref_slice %arg2[%mul3A_2, %dma_wait3A_114] : memref<10112x128xf32, #tpu.memory_space<hbm>> -> memref<632x128xf32, #tpu.memory_space<hbm>>
      tpu.wait_dma2 semaphore(%run_scoped3A : memref<!tpu.dma_semaphore, #tpu.memory_space<semaphore_mem>>) src(%dma_wait3A_115 : memref<632x128xf32, #tpu.memory_space<hbm>>) dst(%dma_wait3A_113 : memref<632x128xf32, #tpu.memory_space<vmem_shared>>)
      tpu.yield
    }) : () -> ()
    %barrier3A = arith.constant 0 : index
    tpu.barrier barrier_id(%barrier3A)
    %dma_start3A = arith.constant 0 : i32
    %dma_start3A_5 = arith.constant 0 : i32
    %dma_start3A_6 = arith.constant 0 : i32
    %dma_start3A_7 = tpu.memref_slice %arg5[%dma_start3A_5, %dma_start3A_6] : memref<4x128xi32, #tpu.memory_space<vmem>> -> memref<1x128xi32, #tpu.memory_space<vmem>>
    %dma_start3A_8 = tpu.memref_squeeze %dma_start3A_7 : memref<1x128xi32, #tpu.memory_space<vmem>> -> memref<128xi32, #tpu.memory_space<vmem>>
    %dma_start3A_9 = arith.constant 0 : i32
    %dma_start3A_10 = arith.constant 0 : i32
    %dma_start3A_11 = tpu.memref_slice %arg3[%add3A, %dma_start3A_9, %dma_start3A_10] : memref<32x84x128xi32, #tpu.memory_space<hbm>> -> memref<1x84x128xi32, #tpu.memory_space<hbm>>
    %dma_start3A_12 = tpu.memref_squeeze %dma_start3A_11 : memref<1x84x128xi32, #tpu.memory_space<hbm>> -> memref<84x128xi32, #tpu.memory_space<hbm>>
    %dma_start3A_13 = arith.constant 0 : i32
    %dma_start3A_14 = tpu.memref_slice %dma_start3A_12[%dma_start3A, %dma_start3A_13] : memref<84x128xi32, #tpu.memory_space<hbm>> -> memref<1x128xi32, #tpu.memory_space<hbm>>
    %dma_start3A_15 = tpu.memref_squeeze %dma_start3A_14 : memref<1x128xi32, #tpu.memory_space<hbm>> -> memref<128xi32, #tpu.memory_space<hbm>>
    %dma_start3A_16 = arith.constant 0 : i32
    %dma_start3A_17 = tpu.memref_slice %arg5[%dma_start3A_5, %dma_start3A_16] : memref<4x128xi32, #tpu.memory_space<vmem>> -> memref<1x128xi32, #tpu.memory_space<vmem>>
    %dma_start3A_18 = tpu.memref_squeeze %dma_start3A_17 : memref<1x128xi32, #tpu.memory_space<vmem>> -> memref<128xi32, #tpu.memory_space<vmem>>
    %dma_start3A_19 = arith.constant 0 : i32
    %dma_start3A_20 = arith.constant 0 : i32
    %dma_start3A_21 = tpu.memref_slice %arg3[%add3A, %dma_start3A_19, %dma_start3A_20] : memref<32x84x128xi32, #tpu.memory_space<hbm>> -> memref<1x84x128xi32, #tpu.memory_space<hbm>>
    %dma_start3A_22 = tpu.memref_squeeze %dma_start3A_21 : memref<1x84x128xi32, #tpu.memory_space<hbm>> -> memref<84x128xi32, #tpu.memory_space<hbm>>
    %dma_start3A_23 = arith.constant 0 : i32
    %dma_start3A_24 = tpu.memref_slice %dma_start3A_22[%dma_start3A, %dma_start3A_23] : memref<84x128xi32, #tpu.memory_space<hbm>> -> memref<1x128xi32, #tpu.memory_space<hbm>>
    %dma_start3A_25 = tpu.memref_squeeze %dma_start3A_24 : memref<1x128xi32, #tpu.memory_space<hbm>> -> memref<128xi32, #tpu.memory_space<hbm>>
    tpu.enqueue_dma source(%dma_start3A_25 : memref<128xi32, #tpu.memory_space<hbm>>) target(%dma_start3A_18 : memref<128xi32, #tpu.memory_space<vmem>>) target_semaphore(%arg9 : memref<!tpu.dma_semaphore, #tpu.memory_space<semaphore_mem>>)
    %dma_start3A_26 = arith.constant 1 : i32
    %dma_start3A_27 = arith.constant 1 : i32
    %dma_start3A_28 = arith.constant 0 : i32
    %dma_start3A_29 = tpu.memref_slice %arg5[%dma_start3A_27, %dma_start3A_28] : memref<4x128xi32, #tpu.memory_space<vmem>> -> memref<1x128xi32, #tpu.memory_space<vmem>>
    %dma_start3A_30 = tpu.memref_squeeze %dma_start3A_29 : memref<1x128xi32, #tpu.memory_space<vmem>> -> memref<128xi32, #tpu.memory_space<vmem>>
    %dma_start3A_31 = arith.constant 0 : i32
    %dma_start3A_32 = arith.constant 0 : i32
    %dma_start3A_33 = tpu.memref_slice %arg3[%add3A, %dma_start3A_31, %dma_start3A_32] : memref<32x84x128xi32, #tpu.memory_space<hbm>> -> memref<1x84x128xi32, #tpu.memory_space<hbm>>
    %dma_start3A_34 = tpu.memref_squeeze %dma_start3A_33 : memref<1x84x128xi32, #tpu.memory_space<hbm>> -> memref<84x128xi32, #tpu.memory_space<hbm>>
    %dma_start3A_35 = arith.constant 0 : i32
    %dma_start3A_36 = tpu.memref_slice %dma_start3A_34[%dma_start3A_26, %dma_start3A_35] : memref<84x128xi32, #tpu.memory_space<hbm>> -> memref<1x128xi32, #tpu.memory_space<hbm>>
    %dma_start3A_37 = tpu.memref_squeeze %dma_start3A_36 : memref<1x128xi32, #tpu.memory_space<hbm>> -> memref<128xi32, #tpu.memory_space<hbm>>
    %dma_start3A_38 = arith.constant 0 : i32
    %dma_start3A_39 = tpu.memref_slice %arg5[%dma_start3A_27, %dma_start3A_38] : memref<4x128xi32, #tpu.memory_space<vmem>> -> memref<1x128xi32, #tpu.memory_space<vmem>>
    %dma_start3A_40 = tpu.memref_squeeze %dma_start3A_39 : memref<1x128xi32, #tpu.memory_space<vmem>> -> memref<128xi32, #tpu.memory_space<vmem>>
    %dma_start3A_41 = arith.constant 0 : i32
    %dma_start3A_42 = arith.constant 0 : i32
    %dma_start3A_43 = tpu.memref_slice %arg3[%add3A, %dma_start3A_41, %dma_start3A_42] : memref<32x84x128xi32, #tpu.memory_space<hbm>> -> memref<1x84x128xi32, #tpu.memory_space<hbm>>
    %dma_start3A_44 = tpu.memref_squeeze %dma_start3A_43 : memref<1x84x128xi32, #tpu.memory_space<hbm>> -> memref<84x128xi32, #tpu.memory_space<hbm>>
    %dma_start3A_45 = arith.constant 0 : i32
    %dma_start3A_46 = tpu.memref_slice %dma_start3A_44[%dma_start3A_26, %dma_start3A_45] : memref<84x128xi32, #tpu.memory_space<hbm>> -> memref<1x128xi32, #tpu.memory_space<hbm>>
    %dma_start3A_47 = tpu.memref_squeeze %dma_start3A_46 : memref<1x128xi32, #tpu.memory_space<hbm>> -> memref<128xi32, #tpu.memory_space<hbm>>
    tpu.enqueue_dma source(%dma_start3A_47 : memref<128xi32, #tpu.memory_space<hbm>>) target(%dma_start3A_40 : memref<128xi32, #tpu.memory_space<vmem>>) target_semaphore(%arg10 : memref<!tpu.dma_semaphore, #tpu.memory_space<semaphore_mem>>)
    %dma_start3A_48 = arith.constant 2 : i32
    %dma_start3A_49 = arith.constant 2 : i32
    %dma_start3A_50 = arith.constant 0 : i32
    %dma_start3A_51 = tpu.memref_slice %arg5[%dma_start3A_49, %dma_start3A_50] : memref<4x128xi32, #tpu.memory_space<vmem>> -> memref<1x128xi32, #tpu.memory_space<vmem>>
    %dma_start3A_52 = tpu.memref_squeeze %dma_start3A_51 : memref<1x128xi32, #tpu.memory_space<vmem>> -> memref<128xi32, #tpu.memory_space<vmem>>
    %dma_start3A_53 = arith.constant 0 : i32
    %dma_start3A_54 = arith.constant 0 : i32
    %dma_start3A_55 = tpu.memref_slice %arg3[%add3A, %dma_start3A_53, %dma_start3A_54] : memref<32x84x128xi32, #tpu.memory_space<hbm>> -> memref<1x84x128xi32, #tpu.memory_space<hbm>>
    %dma_start3A_56 = tpu.memref_squeeze %dma_start3A_55 : memref<1x84x128xi32, #tpu.memory_space<hbm>> -> memref<84x128xi32, #tpu.memory_space<hbm>>
    %dma_start3A_57 = arith.constant 0 : i32
    %dma_start3A_58 = tpu.memref_slice %dma_start3A_56[%dma_start3A_48, %dma_start3A_57] : memref<84x128xi32, #tpu.memory_space<hbm>> -> memref<1x128xi32, #tpu.memory_space<hbm>>
    %dma_start3A_59 = tpu.memref_squeeze %dma_start3A_58 : memref<1x128xi32, #tpu.memory_space<hbm>> -> memref<128xi32, #tpu.memory_space<hbm>>
    %dma_start3A_60 = arith.constant 0 : i32
    %dma_start3A_61 = tpu.memref_slice %arg5[%dma_start3A_49, %dma_start3A_60] : memref<4x128xi32, #tpu.memory_space<vmem>> -> memref<1x128xi32, #tpu.memory_space<vmem>>
    %dma_start3A_62 = tpu.memref_squeeze %dma_start3A_61 : memref<1x128xi32, #tpu.memory_space<vmem>> -> memref<128xi32, #tpu.memory_space<vmem>>
    %dma_start3A_63 = arith.constant 0 : i32
    %dma_start3A_64 = arith.constant 0 : i32
    %dma_start3A_65 = tpu.memref_slice %arg3[%add3A, %dma_start3A_63, %dma_start3A_64] : memref<32x84x128xi32, #tpu.memory_space<hbm>> -> memref<1x84x128xi32, #tpu.memory_space<hbm>>
    %dma_start3A_66 = tpu.memref_squeeze %dma_start3A_65 : memref<1x84x128xi32, #tpu.memory_space<hbm>> -> memref<84x128xi32, #tpu.memory_space<hbm>>
    %dma_start3A_67 = arith.constant 0 : i32
    %dma_start3A_68 = tpu.memref_slice %dma_start3A_66[%dma_start3A_48, %dma_start3A_67] : memref<84x128xi32, #tpu.memory_space<hbm>> -> memref<1x128xi32, #tpu.memory_space<hbm>>
    %dma_start3A_69 = tpu.memref_squeeze %dma_start3A_68 : memref<1x128xi32, #tpu.memory_space<hbm>> -> memref<128xi32, #tpu.memory_space<hbm>>
    tpu.enqueue_dma source(%dma_start3A_69 : memref<128xi32, #tpu.memory_space<hbm>>) target(%dma_start3A_62 : memref<128xi32, #tpu.memory_space<vmem>>) target_semaphore(%arg11 : memref<!tpu.dma_semaphore, #tpu.memory_space<semaphore_mem>>)
    %dma_start3A_70 = arith.constant 3 : i32
    %dma_start3A_71 = arith.constant 3 : i32
    %dma_start3A_72 = arith.constant 0 : i32
    %dma_start3A_73 = tpu.memref_slice %arg5[%dma_start3A_71, %dma_start3A_72] : memref<4x128xi32, #tpu.memory_space<vmem>> -> memref<1x128xi32, #tpu.memory_space<vmem>>
    %dma_start3A_74 = tpu.memref_squeeze %dma_start3A_73 : memref<1x128xi32, #tpu.memory_space<vmem>> -> memref<128xi32, #tpu.memory_space<vmem>>
    %dma_start3A_75 = arith.constant 0 : i32
    %dma_start3A_76 = arith.constant 0 : i32
    %dma_start3A_77 = tpu.memref_slice %arg3[%add3A, %dma_start3A_75, %dma_start3A_76] : memref<32x84x128xi32, #tpu.memory_space<hbm>> -> memref<1x84x128xi32, #tpu.memory_space<hbm>>
    %dma_start3A_78 = tpu.memref_squeeze %dma_start3A_77 : memref<1x84x128xi32, #tpu.memory_space<hbm>> -> memref<84x128xi32, #tpu.memory_space<hbm>>
    %dma_start3A_79 = arith.constant 0 : i32
    %dma_start3A_80 = tpu.memref_slice %dma_start3A_78[%dma_start3A_70, %dma_start3A_79] : memref<84x128xi32, #tpu.memory_space<hbm>> -> memref<1x128xi32, #tpu.memory_space<hbm>>
    %dma_start3A_81 = tpu.memref_squeeze %dma_start3A_80 : memref<1x128xi32, #tpu.memory_space<hbm>> -> memref<128xi32, #tpu.memory_space<hbm>>
    %dma_start3A_82 = arith.constant 0 : i32
    %dma_start3A_83 = tpu.memref_slice %arg5[%dma_start3A_71, %dma_start3A_82] : memref<4x128xi32, #tpu.memory_space<vmem>> -> memref<1x128xi32, #tpu.memory_space<vmem>>
    %dma_start3A_84 = tpu.memref_squeeze %dma_start3A_83 : memref<1x128xi32, #tpu.memory_space<vmem>> -> memref<128xi32, #tpu.memory_space<vmem>>
    %dma_start3A_85 = arith.constant 0 : i32
    %dma_start3A_86 = arith.constant 0 : i32
    %dma_start3A_87 = tpu.memref_slice %arg3[%add3A, %dma_start3A_85, %dma_start3A_86] : memref<32x84x128xi32, #tpu.memory_space<hbm>> -> memref<1x84x128xi32, #tpu.memory_space<hbm>>
    %dma_start3A_88 = tpu.memref_squeeze %dma_start3A_87 : memref<1x84x128xi32, #tpu.memory_space<hbm>> -> memref<84x128xi32, #tpu.memory_space<hbm>>
    %dma_start3A_89 = arith.constant 0 : i32
    %dma_start3A_90 = tpu.memref_slice %dma_start3A_88[%dma_start3A_70, %dma_start3A_89] : memref<84x128xi32, #tpu.memory_space<hbm>> -> memref<1x128xi32, #tpu.memory_space<hbm>>
    %dma_start3A_91 = tpu.memref_squeeze %dma_start3A_90 : memref<1x128xi32, #tpu.memory_space<hbm>> -> memref<128xi32, #tpu.memory_space<hbm>>
    tpu.enqueue_dma source(%dma_start3A_91 : memref<128xi32, #tpu.memory_space<hbm>>) target(%dma_start3A_84 : memref<128xi32, #tpu.memory_space<vmem>>) target_semaphore(%arg12 : memref<!tpu.dma_semaphore, #tpu.memory_space<semaphore_mem>>)
    %scan3A = arith.constant 0 : i32
    %scan3A_92 = arith.constant 0 : i32
    %scan3A_93 = arith.constant 21 : i32
    %scan3A_94 = arith.addi %scan3A_92, %scan3A_93 : i32
    %scan3A_95 = arith.constant 1 : i32
    scf.for %scan3A_108 = %scan3A_92 to %scan3A_94 step %scan3A_95  : i32 {
      %mul3A_109 = arith.constant 4 : i32
      %mul3A_110 = arith.muli %scan3A_108, %mul3A_109 : i32
      %add3A_111 = arith.constant 0 : i32
      %add3A_112 = arith.addi %mul3A_110, %add3A_111 : i32
      %ge3A = arith.constant 2 : i32
      %ge3A_113 = arith.cmpi sge, %add3A_112, %ge3A : i32
      %convert_element_type3A = arith.extui %ge3A_113 : i1 to i32
      %cond3A = arith.constant 0 : i32
      %cond3A_114 = arith.cmpi ne, %convert_element_type3A, %cond3A : i32
      scf.if %cond3A_114 {
        %dma_wait3A_300 = arith.constant 0 : i32
        %dma_wait3A_301 = arith.constant 0 : i32
        %dma_wait3A_302 = tpu.memref_slice %arg4[%dma_wait3A_300, %dma_wait3A_301] : memref<344064x128xf32, #tpu.memory_space<hbm>> -> memref<128x128xf32, #tpu.memory_space<hbm>>
        %dma_wait3A_303 = arith.constant 0 : i32
        %dma_wait3A_304 = arith.constant 0 : i32
        %dma_wait3A_305 = tpu.memref_slice %arg4[%dma_wait3A_303, %dma_wait3A_304] : memref<344064x128xf32, #tpu.memory_space<hbm>> -> memref<128x128xf32, #tpu.memory_space<hbm>>
        tpu.wait_dma2 semaphore(%arg13 : memref<!tpu.dma_semaphore, #tpu.memory_space<semaphore_mem>>) src(%arg6 : memref<128x128xf32, #tpu.memory_space<vmem>>) dst(%dma_wait3A_305 : memref<128x128xf32, #tpu.memory_space<hbm>>)
      } else {
      }
      %dma_wait3A_115 = arith.constant 0 : i32
      %dma_wait3A_116 = arith.constant 0 : i32
      %dma_wait3A_117 = arith.constant 0 : i32
      %dma_wait3A_118 = arith.constant 0 : i32
      %dma_wait3A_119 = tpu.memref_slice %arg5[%dma_wait3A_117, %dma_wait3A_118] : memref<4x128xi32, #tpu.memory_space<vmem>> -> memref<1x128xi32, #tpu.memory_space<vmem>>
      %dma_wait3A_120 = tpu.memref_squeeze %dma_wait3A_119 : memref<1x128xi32, #tpu.memory_space<vmem>> -> memref<128xi32, #tpu.memory_space<vmem>>
      %dma_wait3A_121 = arith.constant 0 : i32
      %dma_wait3A_122 = arith.constant 0 : i32
      %dma_wait3A_123 = tpu.memref_slice %arg3[%dma_wait3A_115, %dma_wait3A_121, %dma_wait3A_122] : memref<32x84x128xi32, #tpu.memory_space<hbm>> -> memref<1x84x128xi32, #tpu.memory_space<hbm>>
      %dma_wait3A_124 = tpu.memref_squeeze %dma_wait3A_123 : memref<1x84x128xi32, #tpu.memory_space<hbm>> -> memref<84x128xi32, #tpu.memory_space<hbm>>
      %dma_wait3A_125 = arith.constant 0 : i32
      %dma_wait3A_126 = tpu.memref_slice %dma_wait3A_124[%dma_wait3A_116, %dma_wait3A_125] : memref<84x128xi32, #tpu.memory_space<hbm>> -> memref<1x128xi32, #tpu.memory_space<hbm>>
      %dma_wait3A_127 = tpu.memref_squeeze %dma_wait3A_126 : memref<1x128xi32, #tpu.memory_space<hbm>> -> memref<128xi32, #tpu.memory_space<hbm>>
      %dma_wait3A_128 = arith.constant 0 : i32
      %dma_wait3A_129 = tpu.memref_slice %arg5[%dma_wait3A_117, %dma_wait3A_128] : memref<4x128xi32, #tpu.memory_space<vmem>> -> memref<1x128xi32, #tpu.memory_space<vmem>>
      %dma_wait3A_130 = tpu.memref_squeeze %dma_wait3A_129 : memref<1x128xi32, #tpu.memory_space<vmem>> -> memref<128xi32, #tpu.memory_space<vmem>>
      %dma_wait3A_131 = arith.constant 0 : i32
      %dma_wait3A_132 = arith.constant 0 : i32
      %dma_wait3A_133 = tpu.memref_slice %arg3[%dma_wait3A_115, %dma_wait3A_131, %dma_wait3A_132] : memref<32x84x128xi32, #tpu.memory_space<hbm>> -> memref<1x84x128xi32, #tpu.memory_space<hbm>>
      %dma_wait3A_134 = tpu.memref_squeeze %dma_wait3A_133 : memref<1x84x128xi32, #tpu.memory_space<hbm>> -> memref<84x128xi32, #tpu.memory_space<hbm>>
      %dma_wait3A_135 = arith.constant 0 : i32
      %dma_wait3A_136 = tpu.memref_slice %dma_wait3A_134[%dma_wait3A_116, %dma_wait3A_135] : memref<84x128xi32, #tpu.memory_space<hbm>> -> memref<1x128xi32, #tpu.memory_space<hbm>>
      %dma_wait3A_137 = tpu.memref_squeeze %dma_wait3A_136 : memref<1x128xi32, #tpu.memory_space<hbm>> -> memref<128xi32, #tpu.memory_space<hbm>>
      tpu.wait_dma2 semaphore(%arg9 : memref<!tpu.dma_semaphore, #tpu.memory_space<semaphore_mem>>) src(%dma_wait3A_137 : memref<128xi32, #tpu.memory_space<hbm>>) dst(%dma_wait3A_130 : memref<128xi32, #tpu.memory_space<vmem>>)
      %run_scoped3A = arith.constant 0 : i32
      "tpu.region"() ({
        %run_scoped3A_300 = tpu.sem_alloc : memref<!tpu.dma_semaphore, #tpu.memory_space<semaphore_mem>>
        %dma_start3A_301 = arith.constant 0 : i32
        %dma_start3A_302 = tpu.memref_slice %arg5[%run_scoped3A, %dma_start3A_301] : memref<4x128xi32, #tpu.memory_space<vmem>> -> memref<1x128xi32, #tpu.memory_space<vmem>>
        %dma_start3A_303 = tpu.memref_squeeze %dma_start3A_302 : memref<1x128xi32, #tpu.memory_space<vmem>> -> memref<128xi32, #tpu.memory_space<vmem>>
        %dma_start3A_304 = arith.constant 0 : i32
        %dma_start3A_305 = arith.constant 0 : i32
        %dma_start3A_306 = tpu.memref_slice %arg8[%dma_start3A_304, %dma_start3A_305] : memref<10112x128xf32, #tpu.memory_space<vmem_shared>> -> memref<10112x128xf32, #tpu.memory_space<vmem_shared>>
        tpu.enqueue_indirect_dma source(%dma_start3A_306 : memref<10112x128xf32, #tpu.memory_space<vmem_shared>>) target(%arg6 : memref<128x128xf32, #tpu.memory_space<vmem>>) offsets(%dma_start3A_303 : memref<128xi32, #tpu.memory_space<vmem>>) semaphore(%run_scoped3A_300 : memref<!tpu.dma_semaphore, #tpu.memory_space<semaphore_mem>>)
        %dma_wait3A_307 = arith.constant 0 : i32
        %dma_wait3A_308 = tpu.memref_slice %arg5[%run_scoped3A, %dma_wait3A_307] : memref<4x128xi32, #tpu.memory_space<vmem>> -> memref<1x128xi32, #tpu.memory_space<vmem>>
        %dma_wait3A_309 = tpu.memref_squeeze %dma_wait3A_308 : memref<1x128xi32, #tpu.memory_space<vmem>> -> memref<128xi32, #tpu.memory_space<vmem>>
        %dma_wait3A_310 = arith.constant 0 : i32
        %dma_wait3A_311 = arith.constant 0 : i32
        %dma_wait3A_312 = tpu.memref_slice %arg8[%dma_wait3A_310, %dma_wait3A_311] : memref<10112x128xf32, #tpu.memory_space<vmem_shared>> -> memref<10112x128xf32, #tpu.memory_space<vmem_shared>>
        tpu.wait_indirect_dma semaphore(%run_scoped3A_300 : memref<!tpu.dma_semaphore, #tpu.memory_space<semaphore_mem>>) src(%dma_wait3A_312 : memref<10112x128xf32, #tpu.memory_space<vmem_shared>>) dst(%arg6 : memref<128x128xf32, #tpu.memory_space<vmem>>)
        tpu.yield
      }) : () -> ()
      %mul3A_138 = arith.constant 84 : i32
      %mul3A_139 = arith.muli %add3A, %mul3A_138 : i32
      %add3A_140 = arith.addi %mul3A_139, %add3A_112 : i32
      %mul3A_141 = arith.constant 128 : i32
      %mul3A_142 = arith.muli %add3A_140, %mul3A_141 : i32
      %dma_start3A_143 = arith.constant 0 : i32
      %dma_start3A_144 = tpu.memref_slice %arg4[%mul3A_142, %dma_start3A_143] : memref<344064x128xf32, #tpu.memory_space<hbm>> -> memref<128x128xf32, #tpu.memory_space<hbm>>
      %dma_start3A_145 = arith.constant 0 : i32
      %dma_start3A_146 = tpu.memref_slice %arg4[%mul3A_142, %dma_start3A_145] : memref<344064x128xf32, #tpu.memory_space<hbm>> -> memref<128x128xf32, #tpu.memory_space<hbm>>
      tpu.enqueue_dma source(%arg6 : memref<128x128xf32, #tpu.memory_space<vmem>>) target(%dma_start3A_146 : memref<128x128xf32, #tpu.memory_space<hbm>>) target_semaphore(%arg13 : memref<!tpu.dma_semaphore, #tpu.memory_space<semaphore_mem>>)
      %add3A_147 = arith.constant 4 : i32
      %add3A_148 = arith.addi %add3A_112, %add3A_147 : i32
      %lt3A = arith.constant 84 : i32
      %lt3A_149 = arith.cmpi slt, %add3A_148, %lt3A : i32
      %convert_element_type3A_150 = arith.extui %lt3A_149 : i1 to i32
      %cond3A_151 = arith.constant 0 : i32
      %cond3A_152 = arith.cmpi ne, %convert_element_type3A_150, %cond3A_151 : i32
      scf.if %cond3A_152 {
        %dma_start3A_300 = arith.constant 0 : i32
        %dma_start3A_301 = arith.constant 0 : i32
        %dma_start3A_302 = tpu.memref_slice %arg5[%dma_start3A_300, %dma_start3A_301] : memref<4x128xi32, #tpu.memory_space<vmem>> -> memref<1x128xi32, #tpu.memory_space<vmem>>
        %dma_start3A_303 = tpu.memref_squeeze %dma_start3A_302 : memref<1x128xi32, #tpu.memory_space<vmem>> -> memref<128xi32, #tpu.memory_space<vmem>>
        %dma_start3A_304 = arith.constant 0 : i32
        %dma_start3A_305 = arith.constant 0 : i32
        %dma_start3A_306 = tpu.memref_slice %arg3[%add3A, %dma_start3A_304, %dma_start3A_305] : memref<32x84x128xi32, #tpu.memory_space<hbm>> -> memref<1x84x128xi32, #tpu.memory_space<hbm>>
        %dma_start3A_307 = tpu.memref_squeeze %dma_start3A_306 : memref<1x84x128xi32, #tpu.memory_space<hbm>> -> memref<84x128xi32, #tpu.memory_space<hbm>>
        %dma_start3A_308 = arith.constant 0 : i32
        %dma_start3A_309 = tpu.memref_slice %dma_start3A_307[%add3A_148, %dma_start3A_308] : memref<84x128xi32, #tpu.memory_space<hbm>> -> memref<1x128xi32, #tpu.memory_space<hbm>>
        %dma_start3A_310 = tpu.memref_squeeze %dma_start3A_309 : memref<1x128xi32, #tpu.memory_space<hbm>> -> memref<128xi32, #tpu.memory_space<hbm>>
        %dma_start3A_311 = arith.constant 0 : i32
        %dma_start3A_312 = tpu.memref_slice %arg5[%dma_start3A_300, %dma_start3A_311] : memref<4x128xi32, #tpu.memory_space<vmem>> -> memref<1x128xi32, #tpu.memory_space<vmem>>
        %dma_start3A_313 = tpu.memref_squeeze %dma_start3A_312 : memref<1x128xi32, #tpu.memory_space<vmem>> -> memref<128xi32, #tpu.memory_space<vmem>>
        %dma_start3A_314 = arith.constant 0 : i32
        %dma_start3A_315 = arith.constant 0 : i32
        %dma_start3A_316 = tpu.memref_slice %arg3[%add3A, %dma_start3A_314, %dma_start3A_315] : memref<32x84x128xi32, #tpu.memory_space<hbm>> -> memref<1x84x128xi32, #tpu.memory_space<hbm>>
        %dma_start3A_317 = tpu.memref_squeeze %dma_start3A_316 : memref<1x84x128xi32, #tpu.memory_space<hbm>> -> memref<84x128xi32, #tpu.memory_space<hbm>>
        %dma_start3A_318 = arith.constant 0 : i32
        %dma_start3A_319 = tpu.memref_slice %dma_start3A_317[%add3A_148, %dma_start3A_318] : memref<84x128xi32, #tpu.memory_space<hbm>> -> memref<1x128xi32, #tpu.memory_space<hbm>>
        %dma_start3A_320 = tpu.memref_squeeze %dma_start3A_319 : memref<1x128xi32, #tpu.memory_space<hbm>> -> memref<128xi32, #tpu.memory_space<hbm>>
        tpu.enqueue_dma source(%dma_start3A_320 : memref<128xi32, #tpu.memory_space<hbm>>) target(%dma_start3A_313 : memref<128xi32, #tpu.memory_space<vmem>>) target_semaphore(%arg9 : memref<!tpu.dma_semaphore, #tpu.memory_space<semaphore_mem>>)
      } else {
      }
      %mul3A_153 = arith.constant 4 : i32
      %mul3A_154 = arith.muli %scan3A_108, %mul3A_153 : i32
      %add3A_155 = arith.constant 1 : i32
      %add3A_156 = arith.addi %mul3A_154, %add3A_155 : i32
      %ge3A_157 = arith.constant 2 : i32
      %ge3A_158 = arith.cmpi sge, %add3A_156, %ge3A_157 : i32
      %convert_element_type3A_159 = arith.extui %ge3A_158 : i1 to i32
      %cond3A_160 = arith.constant 0 : i32
      %cond3A_161 = arith.cmpi ne, %convert_element_type3A_159, %cond3A_160 : i32
      scf.if %cond3A_161 {
        %dma_wait3A_300 = arith.constant 0 : i32
        %dma_wait3A_301 = arith.constant 0 : i32
        %dma_wait3A_302 = tpu.memref_slice %arg4[%dma_wait3A_300, %dma_wait3A_301] : memref<344064x128xf32, #tpu.memory_space<hbm>> -> memref<128x128xf32, #tpu.memory_space<hbm>>
        %dma_wait3A_303 = arith.constant 0 : i32
        %dma_wait3A_304 = arith.constant 0 : i32
        %dma_wait3A_305 = tpu.memref_slice %arg4[%dma_wait3A_303, %dma_wait3A_304] : memref<344064x128xf32, #tpu.memory_space<hbm>> -> memref<128x128xf32, #tpu.memory_space<hbm>>
        tpu.wait_dma2 semaphore(%arg14 : memref<!tpu.dma_semaphore, #tpu.memory_space<semaphore_mem>>) src(%arg7 : memref<128x128xf32, #tpu.memory_space<vmem>>) dst(%dma_wait3A_305 : memref<128x128xf32, #tpu.memory_space<hbm>>)
      } else {
      }
      %dma_wait3A_162 = arith.constant 0 : i32
      %dma_wait3A_163 = arith.constant 0 : i32
      %dma_wait3A_164 = arith.constant 1 : i32
      %dma_wait3A_165 = arith.constant 0 : i32
      %dma_wait3A_166 = tpu.memref_slice %arg5[%dma_wait3A_164, %dma_wait3A_165] : memref<4x128xi32, #tpu.memory_space<vmem>> -> memref<1x128xi32, #tpu.memory_space<vmem>>
      %dma_wait3A_167 = tpu.memref_squeeze %dma_wait3A_166 : memref<1x128xi32, #tpu.memory_space<vmem>> -> memref<128xi32, #tpu.memory_space<vmem>>
      %dma_wait3A_168 = arith.constant 0 : i32
      %dma_wait3A_169 = arith.constant 0 : i32
      %dma_wait3A_170 = tpu.memref_slice %arg3[%dma_wait3A_162, %dma_wait3A_168, %dma_wait3A_169] : memref<32x84x128xi32, #tpu.memory_space<hbm>> -> memref<1x84x128xi32, #tpu.memory_space<hbm>>
      %dma_wait3A_171 = tpu.memref_squeeze %dma_wait3A_170 : memref<1x84x128xi32, #tpu.memory_space<hbm>> -> memref<84x128xi32, #tpu.memory_space<hbm>>
      %dma_wait3A_172 = arith.constant 0 : i32
      %dma_wait3A_173 = tpu.memref_slice %dma_wait3A_171[%dma_wait3A_163, %dma_wait3A_172] : memref<84x128xi32, #tpu.memory_space<hbm>> -> memref<1x128xi32, #tpu.memory_space<hbm>>
      %dma_wait3A_174 = tpu.memref_squeeze %dma_wait3A_173 : memref<1x128xi32, #tpu.memory_space<hbm>> -> memref<128xi32, #tpu.memory_space<hbm>>
      %dma_wait3A_175 = arith.constant 0 : i32
      %dma_wait3A_176 = tpu.memref_slice %arg5[%dma_wait3A_164, %dma_wait3A_175] : memref<4x128xi32, #tpu.memory_space<vmem>> -> memref<1x128xi32, #tpu.memory_space<vmem>>
      %dma_wait3A_177 = tpu.memref_squeeze %dma_wait3A_176 : memref<1x128xi32, #tpu.memory_space<vmem>> -> memref<128xi32, #tpu.memory_space<vmem>>
      %dma_wait3A_178 = arith.constant 0 : i32
      %dma_wait3A_179 = arith.constant 0 : i32
      %dma_wait3A_180 = tpu.memref_slice %arg3[%dma_wait3A_162, %dma_wait3A_178, %dma_wait3A_179] : memref<32x84x128xi32, #tpu.memory_space<hbm>> -> memref<1x84x128xi32, #tpu.memory_space<hbm>>
      %dma_wait3A_181 = tpu.memref_squeeze %dma_wait3A_180 : memref<1x84x128xi32, #tpu.memory_space<hbm>> -> memref<84x128xi32, #tpu.memory_space<hbm>>
      %dma_wait3A_182 = arith.constant 0 : i32
      %dma_wait3A_183 = tpu.memref_slice %dma_wait3A_181[%dma_wait3A_163, %dma_wait3A_182] : memref<84x128xi32, #tpu.memory_space<hbm>> -> memref<1x128xi32, #tpu.memory_space<hbm>>
      %dma_wait3A_184 = tpu.memref_squeeze %dma_wait3A_183 : memref<1x128xi32, #tpu.memory_space<hbm>> -> memref<128xi32, #tpu.memory_space<hbm>>
      tpu.wait_dma2 semaphore(%arg10 : memref<!tpu.dma_semaphore, #tpu.memory_space<semaphore_mem>>) src(%dma_wait3A_184 : memref<128xi32, #tpu.memory_space<hbm>>) dst(%dma_wait3A_177 : memref<128xi32, #tpu.memory_space<vmem>>)
      %run_scoped3A_185 = arith.constant 1 : i32
      "tpu.region"() ({
        %run_scoped3A_300 = tpu.sem_alloc : memref<!tpu.dma_semaphore, #tpu.memory_space<semaphore_mem>>
        %dma_start3A_301 = arith.constant 0 : i32
        %dma_start3A_302 = tpu.memref_slice %arg5[%run_scoped3A_185, %dma_start3A_301] : memref<4x128xi32, #tpu.memory_space<vmem>> -> memref<1x128xi32, #tpu.memory_space<vmem>>
        %dma_start3A_303 = tpu.memref_squeeze %dma_start3A_302 : memref<1x128xi32, #tpu.memory_space<vmem>> -> memref<128xi32, #tpu.memory_space<vmem>>
        %dma_start3A_304 = arith.constant 0 : i32
        %dma_start3A_305 = arith.constant 0 : i32
        %dma_start3A_306 = tpu.memref_slice %arg8[%dma_start3A_304, %dma_start3A_305] : memref<10112x128xf32, #tpu.memory_space<vmem_shared>> -> memref<10112x128xf32, #tpu.memory_space<vmem_shared>>
        tpu.enqueue_indirect_dma source(%dma_start3A_306 : memref<10112x128xf32, #tpu.memory_space<vmem_shared>>) target(%arg7 : memref<128x128xf32, #tpu.memory_space<vmem>>) offsets(%dma_start3A_303 : memref<128xi32, #tpu.memory_space<vmem>>) semaphore(%run_scoped3A_300 : memref<!tpu.dma_semaphore, #tpu.memory_space<semaphore_mem>>)
        %dma_wait3A_307 = arith.constant 0 : i32
        %dma_wait3A_308 = tpu.memref_slice %arg5[%run_scoped3A_185, %dma_wait3A_307] : memref<4x128xi32, #tpu.memory_space<vmem>> -> memref<1x128xi32, #tpu.memory_space<vmem>>
        %dma_wait3A_309 = tpu.memref_squeeze %dma_wait3A_308 : memref<1x128xi32, #tpu.memory_space<vmem>> -> memref<128xi32, #tpu.memory_space<vmem>>
        %dma_wait3A_310 = arith.constant 0 : i32
        %dma_wait3A_311 = arith.constant 0 : i32
        %dma_wait3A_312 = tpu.memref_slice %arg8[%dma_wait3A_310, %dma_wait3A_311] : memref<10112x128xf32, #tpu.memory_space<vmem_shared>> -> memref<10112x128xf32, #tpu.memory_space<vmem_shared>>
        tpu.wait_indirect_dma semaphore(%run_scoped3A_300 : memref<!tpu.dma_semaphore, #tpu.memory_space<semaphore_mem>>) src(%dma_wait3A_312 : memref<10112x128xf32, #tpu.memory_space<vmem_shared>>) dst(%arg7 : memref<128x128xf32, #tpu.memory_space<vmem>>)
        tpu.yield
      }) : () -> ()
      %mul3A_186 = arith.constant 84 : i32
      %mul3A_187 = arith.muli %add3A, %mul3A_186 : i32
      %add3A_188 = arith.addi %mul3A_187, %add3A_156 : i32
      %mul3A_189 = arith.constant 128 : i32
      %mul3A_190 = arith.muli %add3A_188, %mul3A_189 : i32
      %dma_start3A_191 = arith.constant 0 : i32
      %dma_start3A_192 = tpu.memref_slice %arg4[%mul3A_190, %dma_start3A_191] : memref<344064x128xf32, #tpu.memory_space<hbm>> -> memref<128x128xf32, #tpu.memory_space<hbm>>
      %dma_start3A_193 = arith.constant 0 : i32
      %dma_start3A_194 = tpu.memref_slice %arg4[%mul3A_190, %dma_start3A_193] : memref<344064x128xf32, #tpu.memory_space<hbm>> -> memref<128x128xf32, #tpu.memory_space<hbm>>
      tpu.enqueue_dma source(%arg7 : memref<128x128xf32, #tpu.memory_space<vmem>>) target(%dma_start3A_194 : memref<128x128xf32, #tpu.memory_space<hbm>>) target_semaphore(%arg14 : memref<!tpu.dma_semaphore, #tpu.memory_space<semaphore_mem>>)
      %add3A_195 = arith.constant 4 : i32
      %add3A_196 = arith.addi %add3A_156, %add3A_195 : i32
      %lt3A_197 = arith.constant 84 : i32
      %lt3A_198 = arith.cmpi slt, %add3A_196, %lt3A_197 : i32
      %convert_element_type3A_199 = arith.extui %lt3A_198 : i1 to i32
      %cond3A_200 = arith.constant 0 : i32
      %cond3A_201 = arith.cmpi ne, %convert_element_type3A_199, %cond3A_200 : i32
      scf.if %cond3A_201 {
        %dma_start3A_300 = arith.constant 1 : i32
        %dma_start3A_301 = arith.constant 0 : i32
        %dma_start3A_302 = tpu.memref_slice %arg5[%dma_start3A_300, %dma_start3A_301] : memref<4x128xi32, #tpu.memory_space<vmem>> -> memref<1x128xi32, #tpu.memory_space<vmem>>
        %dma_start3A_303 = tpu.memref_squeeze %dma_start3A_302 : memref<1x128xi32, #tpu.memory_space<vmem>> -> memref<128xi32, #tpu.memory_space<vmem>>
        %dma_start3A_304 = arith.constant 0 : i32
        %dma_start3A_305 = arith.constant 0 : i32
        %dma_start3A_306 = tpu.memref_slice %arg3[%add3A, %dma_start3A_304, %dma_start3A_305] : memref<32x84x128xi32, #tpu.memory_space<hbm>> -> memref<1x84x128xi32, #tpu.memory_space<hbm>>
        %dma_start3A_307 = tpu.memref_squeeze %dma_start3A_306 : memref<1x84x128xi32, #tpu.memory_space<hbm>> -> memref<84x128xi32, #tpu.memory_space<hbm>>
        %dma_start3A_308 = arith.constant 0 : i32
        %dma_start3A_309 = tpu.memref_slice %dma_start3A_307[%add3A_196, %dma_start3A_308] : memref<84x128xi32, #tpu.memory_space<hbm>> -> memref<1x128xi32, #tpu.memory_space<hbm>>
        %dma_start3A_310 = tpu.memref_squeeze %dma_start3A_309 : memref<1x128xi32, #tpu.memory_space<hbm>> -> memref<128xi32, #tpu.memory_space<hbm>>
        %dma_start3A_311 = arith.constant 0 : i32
        %dma_start3A_312 = tpu.memref_slice %arg5[%dma_start3A_300, %dma_start3A_311] : memref<4x128xi32, #tpu.memory_space<vmem>> -> memref<1x128xi32, #tpu.memory_space<vmem>>
        %dma_start3A_313 = tpu.memref_squeeze %dma_start3A_312 : memref<1x128xi32, #tpu.memory_space<vmem>> -> memref<128xi32, #tpu.memory_space<vmem>>
        %dma_start3A_314 = arith.constant 0 : i32
        %dma_start3A_315 = arith.constant 0 : i32
        %dma_start3A_316 = tpu.memref_slice %arg3[%add3A, %dma_start3A_314, %dma_start3A_315] : memref<32x84x128xi32, #tpu.memory_space<hbm>> -> memref<1x84x128xi32, #tpu.memory_space<hbm>>
        %dma_start3A_317 = tpu.memref_squeeze %dma_start3A_316 : memref<1x84x128xi32, #tpu.memory_space<hbm>> -> memref<84x128xi32, #tpu.memory_space<hbm>>
        %dma_start3A_318 = arith.constant 0 : i32
        %dma_start3A_319 = tpu.memref_slice %dma_start3A_317[%add3A_196, %dma_start3A_318] : memref<84x128xi32, #tpu.memory_space<hbm>> -> memref<1x128xi32, #tpu.memory_space<hbm>>
        %dma_start3A_320 = tpu.memref_squeeze %dma_start3A_319 : memref<1x128xi32, #tpu.memory_space<hbm>> -> memref<128xi32, #tpu.memory_space<hbm>>
        tpu.enqueue_dma source(%dma_start3A_320 : memref<128xi32, #tpu.memory_space<hbm>>) target(%dma_start3A_313 : memref<128xi32, #tpu.memory_space<vmem>>) target_semaphore(%arg10 : memref<!tpu.dma_semaphore, #tpu.memory_space<semaphore_mem>>)
      } else {
      }
      %mul3A_202 = arith.constant 4 : i32
      %mul3A_203 = arith.muli %scan3A_108, %mul3A_202 : i32
      %add3A_204 = arith.constant 2 : i32
      %add3A_205 = arith.addi %mul3A_203, %add3A_204 : i32
      %ge3A_206 = arith.constant 2 : i32
      %ge3A_207 = arith.cmpi sge, %add3A_205, %ge3A_206 : i32
      %convert_element_type3A_208 = arith.extui %ge3A_207 : i1 to i32
      %cond3A_209 = arith.constant 0 : i32
      %cond3A_210 = arith.cmpi ne, %convert_element_type3A_208, %cond3A_209 : i32
      scf.if %cond3A_210 {
        %dma_wait3A_300 = arith.constant 0 : i32
        %dma_wait3A_301 = arith.constant 0 : i32
        %dma_wait3A_302 = tpu.memref_slice %arg4[%dma_wait3A_300, %dma_wait3A_301] : memref<344064x128xf32, #tpu.memory_space<hbm>> -> memref<128x128xf32, #tpu.memory_space<hbm>>
        %dma_wait3A_303 = arith.constant 0 : i32
        %dma_wait3A_304 = arith.constant 0 : i32
        %dma_wait3A_305 = tpu.memref_slice %arg4[%dma_wait3A_303, %dma_wait3A_304] : memref<344064x128xf32, #tpu.memory_space<hbm>> -> memref<128x128xf32, #tpu.memory_space<hbm>>
        tpu.wait_dma2 semaphore(%arg13 : memref<!tpu.dma_semaphore, #tpu.memory_space<semaphore_mem>>) src(%arg6 : memref<128x128xf32, #tpu.memory_space<vmem>>) dst(%dma_wait3A_305 : memref<128x128xf32, #tpu.memory_space<hbm>>)
      } else {
      }
      %dma_wait3A_211 = arith.constant 0 : i32
      %dma_wait3A_212 = arith.constant 0 : i32
      %dma_wait3A_213 = arith.constant 2 : i32
      %dma_wait3A_214 = arith.constant 0 : i32
      %dma_wait3A_215 = tpu.memref_slice %arg5[%dma_wait3A_213, %dma_wait3A_214] : memref<4x128xi32, #tpu.memory_space<vmem>> -> memref<1x128xi32, #tpu.memory_space<vmem>>
      %dma_wait3A_216 = tpu.memref_squeeze %dma_wait3A_215 : memref<1x128xi32, #tpu.memory_space<vmem>> -> memref<128xi32, #tpu.memory_space<vmem>>
      %dma_wait3A_217 = arith.constant 0 : i32
      %dma_wait3A_218 = arith.constant 0 : i32
      %dma_wait3A_219 = tpu.memref_slice %arg3[%dma_wait3A_211, %dma_wait3A_217, %dma_wait3A_218] : memref<32x84x128xi32, #tpu.memory_space<hbm>> -> memref<1x84x128xi32, #tpu.memory_space<hbm>>
      %dma_wait3A_220 = tpu.memref_squeeze %dma_wait3A_219 : memref<1x84x128xi32, #tpu.memory_space<hbm>> -> memref<84x128xi32, #tpu.memory_space<hbm>>
      %dma_wait3A_221 = arith.constant 0 : i32
      %dma_wait3A_222 = tpu.memref_slice %dma_wait3A_220[%dma_wait3A_212, %dma_wait3A_221] : memref<84x128xi32, #tpu.memory_space<hbm>> -> memref<1x128xi32, #tpu.memory_space<hbm>>
      %dma_wait3A_223 = tpu.memref_squeeze %dma_wait3A_222 : memref<1x128xi32, #tpu.memory_space<hbm>> -> memref<128xi32, #tpu.memory_space<hbm>>
      %dma_wait3A_224 = arith.constant 0 : i32
      %dma_wait3A_225 = tpu.memref_slice %arg5[%dma_wait3A_213, %dma_wait3A_224] : memref<4x128xi32, #tpu.memory_space<vmem>> -> memref<1x128xi32, #tpu.memory_space<vmem>>
      %dma_wait3A_226 = tpu.memref_squeeze %dma_wait3A_225 : memref<1x128xi32, #tpu.memory_space<vmem>> -> memref<128xi32, #tpu.memory_space<vmem>>
      %dma_wait3A_227 = arith.constant 0 : i32
      %dma_wait3A_228 = arith.constant 0 : i32
      %dma_wait3A_229 = tpu.memref_slice %arg3[%dma_wait3A_211, %dma_wait3A_227, %dma_wait3A_228] : memref<32x84x128xi32, #tpu.memory_space<hbm>> -> memref<1x84x128xi32, #tpu.memory_space<hbm>>
      %dma_wait3A_230 = tpu.memref_squeeze %dma_wait3A_229 : memref<1x84x128xi32, #tpu.memory_space<hbm>> -> memref<84x128xi32, #tpu.memory_space<hbm>>
      %dma_wait3A_231 = arith.constant 0 : i32
      %dma_wait3A_232 = tpu.memref_slice %dma_wait3A_230[%dma_wait3A_212, %dma_wait3A_231] : memref<84x128xi32, #tpu.memory_space<hbm>> -> memref<1x128xi32, #tpu.memory_space<hbm>>
      %dma_wait3A_233 = tpu.memref_squeeze %dma_wait3A_232 : memref<1x128xi32, #tpu.memory_space<hbm>> -> memref<128xi32, #tpu.memory_space<hbm>>
      tpu.wait_dma2 semaphore(%arg11 : memref<!tpu.dma_semaphore, #tpu.memory_space<semaphore_mem>>) src(%dma_wait3A_233 : memref<128xi32, #tpu.memory_space<hbm>>) dst(%dma_wait3A_226 : memref<128xi32, #tpu.memory_space<vmem>>)
      %run_scoped3A_234 = arith.constant 2 : i32
      "tpu.region"() ({
        %run_scoped3A_300 = tpu.sem_alloc : memref<!tpu.dma_semaphore, #tpu.memory_space<semaphore_mem>>
        %dma_start3A_301 = arith.constant 0 : i32
        %dma_start3A_302 = tpu.memref_slice %arg5[%run_scoped3A_234, %dma_start3A_301] : memref<4x128xi32, #tpu.memory_space<vmem>> -> memref<1x128xi32, #tpu.memory_space<vmem>>
        %dma_start3A_303 = tpu.memref_squeeze %dma_start3A_302 : memref<1x128xi32, #tpu.memory_space<vmem>> -> memref<128xi32, #tpu.memory_space<vmem>>
        %dma_start3A_304 = arith.constant 0 : i32
        %dma_start3A_305 = arith.constant 0 : i32
        %dma_start3A_306 = tpu.memref_slice %arg8[%dma_start3A_304, %dma_start3A_305] : memref<10112x128xf32, #tpu.memory_space<vmem_shared>> -> memref<10112x128xf32, #tpu.memory_space<vmem_shared>>
        tpu.enqueue_indirect_dma source(%dma_start3A_306 : memref<10112x128xf32, #tpu.memory_space<vmem_shared>>) target(%arg6 : memref<128x128xf32, #tpu.memory_space<vmem>>) offsets(%dma_start3A_303 : memref<128xi32, #tpu.memory_space<vmem>>) semaphore(%run_scoped3A_300 : memref<!tpu.dma_semaphore, #tpu.memory_space<semaphore_mem>>)
        %dma_wait3A_307 = arith.constant 0 : i32
        %dma_wait3A_308 = tpu.memref_slice %arg5[%run_scoped3A_234, %dma_wait3A_307] : memref<4x128xi32, #tpu.memory_space<vmem>> -> memref<1x128xi32, #tpu.memory_space<vmem>>
        %dma_wait3A_309 = tpu.memref_squeeze %dma_wait3A_308 : memref<1x128xi32, #tpu.memory_space<vmem>> -> memref<128xi32, #tpu.memory_space<vmem>>
        %dma_wait3A_310 = arith.constant 0 : i32
        %dma_wait3A_311 = arith.constant 0 : i32
        %dma_wait3A_312 = tpu.memref_slice %arg8[%dma_wait3A_310, %dma_wait3A_311] : memref<10112x128xf32, #tpu.memory_space<vmem_shared>> -> memref<10112x128xf32, #tpu.memory_space<vmem_shared>>
        tpu.wait_indirect_dma semaphore(%run_scoped3A_300 : memref<!tpu.dma_semaphore, #tpu.memory_space<semaphore_mem>>) src(%dma_wait3A_312 : memref<10112x128xf32, #tpu.memory_space<vmem_shared>>) dst(%arg6 : memref<128x128xf32, #tpu.memory_space<vmem>>)
        tpu.yield
      }) : () -> ()
      %mul3A_235 = arith.constant 84 : i32
      %mul3A_236 = arith.muli %add3A, %mul3A_235 : i32
      %add3A_237 = arith.addi %mul3A_236, %add3A_205 : i32
      %mul3A_238 = arith.constant 128 : i32
      %mul3A_239 = arith.muli %add3A_237, %mul3A_238 : i32
      %dma_start3A_240 = arith.constant 0 : i32
      %dma_start3A_241 = tpu.memref_slice %arg4[%mul3A_239, %dma_start3A_240] : memref<344064x128xf32, #tpu.memory_space<hbm>> -> memref<128x128xf32, #tpu.memory_space<hbm>>
      %dma_start3A_242 = arith.constant 0 : i32
      %dma_start3A_243 = tpu.memref_slice %arg4[%mul3A_239, %dma_start3A_242] : memref<344064x128xf32, #tpu.memory_space<hbm>> -> memref<128x128xf32, #tpu.memory_space<hbm>>
      tpu.enqueue_dma source(%arg6 : memref<128x128xf32, #tpu.memory_space<vmem>>) target(%dma_start3A_243 : memref<128x128xf32, #tpu.memory_space<hbm>>) target_semaphore(%arg13 : memref<!tpu.dma_semaphore, #tpu.memory_space<semaphore_mem>>)
      %add3A_244 = arith.constant 4 : i32
      %add3A_245 = arith.addi %add3A_205, %add3A_244 : i32
      %lt3A_246 = arith.constant 84 : i32
      %lt3A_247 = arith.cmpi slt, %add3A_245, %lt3A_246 : i32
      %convert_element_type3A_248 = arith.extui %lt3A_247 : i1 to i32
      %cond3A_249 = arith.constant 0 : i32
      %cond3A_250 = arith.cmpi ne, %convert_element_type3A_248, %cond3A_249 : i32
      scf.if %cond3A_250 {
        %dma_start3A_300 = arith.constant 2 : i32
        %dma_start3A_301 = arith.constant 0 : i32
        %dma_start3A_302 = tpu.memref_slice %arg5[%dma_start3A_300, %dma_start3A_301] : memref<4x128xi32, #tpu.memory_space<vmem>> -> memref<1x128xi32, #tpu.memory_space<vmem>>
        %dma_start3A_303 = tpu.memref_squeeze %dma_start3A_302 : memref<1x128xi32, #tpu.memory_space<vmem>> -> memref<128xi32, #tpu.memory_space<vmem>>
        %dma_start3A_304 = arith.constant 0 : i32
        %dma_start3A_305 = arith.constant 0 : i32
        %dma_start3A_306 = tpu.memref_slice %arg3[%add3A, %dma_start3A_304, %dma_start3A_305] : memref<32x84x128xi32, #tpu.memory_space<hbm>> -> memref<1x84x128xi32, #tpu.memory_space<hbm>>
        %dma_start3A_307 = tpu.memref_squeeze %dma_start3A_306 : memref<1x84x128xi32, #tpu.memory_space<hbm>> -> memref<84x128xi32, #tpu.memory_space<hbm>>
        %dma_start3A_308 = arith.constant 0 : i32
        %dma_start3A_309 = tpu.memref_slice %dma_start3A_307[%add3A_245, %dma_start3A_308] : memref<84x128xi32, #tpu.memory_space<hbm>> -> memref<1x128xi32, #tpu.memory_space<hbm>>
        %dma_start3A_310 = tpu.memref_squeeze %dma_start3A_309 : memref<1x128xi32, #tpu.memory_space<hbm>> -> memref<128xi32, #tpu.memory_space<hbm>>
        %dma_start3A_311 = arith.constant 0 : i32
        %dma_start3A_312 = tpu.memref_slice %arg5[%dma_start3A_300, %dma_start3A_311] : memref<4x128xi32, #tpu.memory_space<vmem>> -> memref<1x128xi32, #tpu.memory_space<vmem>>
        %dma_start3A_313 = tpu.memref_squeeze %dma_start3A_312 : memref<1x128xi32, #tpu.memory_space<vmem>> -> memref<128xi32, #tpu.memory_space<vmem>>
        %dma_start3A_314 = arith.constant 0 : i32
        %dma_start3A_315 = arith.constant 0 : i32
        %dma_start3A_316 = tpu.memref_slice %arg3[%add3A, %dma_start3A_314, %dma_start3A_315] : memref<32x84x128xi32, #tpu.memory_space<hbm>> -> memref<1x84x128xi32, #tpu.memory_space<hbm>>
        %dma_start3A_317 = tpu.memref_squeeze %dma_start3A_316 : memref<1x84x128xi32, #tpu.memory_space<hbm>> -> memref<84x128xi32, #tpu.memory_space<hbm>>
        %dma_start3A_318 = arith.constant 0 : i32
        %dma_start3A_319 = tpu.memref_slice %dma_start3A_317[%add3A_245, %dma_start3A_318] : memref<84x128xi32, #tpu.memory_space<hbm>> -> memref<1x128xi32, #tpu.memory_space<hbm>>
        %dma_start3A_320 = tpu.memref_squeeze %dma_start3A_319 : memref<1x128xi32, #tpu.memory_space<hbm>> -> memref<128xi32, #tpu.memory_space<hbm>>
        tpu.enqueue_dma source(%dma_start3A_320 : memref<128xi32, #tpu.memory_space<hbm>>) target(%dma_start3A_313 : memref<128xi32, #tpu.memory_space<vmem>>) target_semaphore(%arg11 : memref<!tpu.dma_semaphore, #tpu.memory_space<semaphore_mem>>)
      } else {
      }
      %mul3A_251 = arith.constant 4 : i32
      %mul3A_252 = arith.muli %scan3A_108, %mul3A_251 : i32
      %add3A_253 = arith.constant 3 : i32
      %add3A_254 = arith.addi %mul3A_252, %add3A_253 : i32
      %ge3A_255 = arith.constant 2 : i32
      %ge3A_256 = arith.cmpi sge, %add3A_254, %ge3A_255 : i32
      %convert_element_type3A_257 = arith.extui %ge3A_256 : i1 to i32
      %cond3A_258 = arith.constant 0 : i32
      %cond3A_259 = arith.cmpi ne, %convert_element_type3A_257, %cond3A_258 : i32
      scf.if %cond3A_259 {
        %dma_wait3A_300 = arith.constant 0 : i32
        %dma_wait3A_301 = arith.constant 0 : i32
        %dma_wait3A_302 = tpu.memref_slice %arg4[%dma_wait3A_300, %dma_wait3A_301] : memref<344064x128xf32, #tpu.memory_space<hbm>> -> memref<128x128xf32, #tpu.memory_space<hbm>>
        %dma_wait3A_303 = arith.constant 0 : i32
        %dma_wait3A_304 = arith.constant 0 : i32
        %dma_wait3A_305 = tpu.memref_slice %arg4[%dma_wait3A_303, %dma_wait3A_304] : memref<344064x128xf32, #tpu.memory_space<hbm>> -> memref<128x128xf32, #tpu.memory_space<hbm>>
        tpu.wait_dma2 semaphore(%arg14 : memref<!tpu.dma_semaphore, #tpu.memory_space<semaphore_mem>>) src(%arg7 : memref<128x128xf32, #tpu.memory_space<vmem>>) dst(%dma_wait3A_305 : memref<128x128xf32, #tpu.memory_space<hbm>>)
      } else {
      }
      %dma_wait3A_260 = arith.constant 0 : i32
      %dma_wait3A_261 = arith.constant 0 : i32
      %dma_wait3A_262 = arith.constant 3 : i32
      %dma_wait3A_263 = arith.constant 0 : i32
      %dma_wait3A_264 = tpu.memref_slice %arg5[%dma_wait3A_262, %dma_wait3A_263] : memref<4x128xi32, #tpu.memory_space<vmem>> -> memref<1x128xi32, #tpu.memory_space<vmem>>
      %dma_wait3A_265 = tpu.memref_squeeze %dma_wait3A_264 : memref<1x128xi32, #tpu.memory_space<vmem>> -> memref<128xi32, #tpu.memory_space<vmem>>
      %dma_wait3A_266 = arith.constant 0 : i32
      %dma_wait3A_267 = arith.constant 0 : i32
      %dma_wait3A_268 = tpu.memref_slice %arg3[%dma_wait3A_260, %dma_wait3A_266, %dma_wait3A_267] : memref<32x84x128xi32, #tpu.memory_space<hbm>> -> memref<1x84x128xi32, #tpu.memory_space<hbm>>
      %dma_wait3A_269 = tpu.memref_squeeze %dma_wait3A_268 : memref<1x84x128xi32, #tpu.memory_space<hbm>> -> memref<84x128xi32, #tpu.memory_space<hbm>>
      %dma_wait3A_270 = arith.constant 0 : i32
      %dma_wait3A_271 = tpu.memref_slice %dma_wait3A_269[%dma_wait3A_261, %dma_wait3A_270] : memref<84x128xi32, #tpu.memory_space<hbm>> -> memref<1x128xi32, #tpu.memory_space<hbm>>
      %dma_wait3A_272 = tpu.memref_squeeze %dma_wait3A_271 : memref<1x128xi32, #tpu.memory_space<hbm>> -> memref<128xi32, #tpu.memory_space<hbm>>
      %dma_wait3A_273 = arith.constant 0 : i32
      %dma_wait3A_274 = tpu.memref_slice %arg5[%dma_wait3A_262, %dma_wait3A_273] : memref<4x128xi32, #tpu.memory_space<vmem>> -> memref<1x128xi32, #tpu.memory_space<vmem>>
      %dma_wait3A_275 = tpu.memref_squeeze %dma_wait3A_274 : memref<1x128xi32, #tpu.memory_space<vmem>> -> memref<128xi32, #tpu.memory_space<vmem>>
      %dma_wait3A_276 = arith.constant 0 : i32
      %dma_wait3A_277 = arith.constant 0 : i32
      %dma_wait3A_278 = tpu.memref_slice %arg3[%dma_wait3A_260, %dma_wait3A_276, %dma_wait3A_277] : memref<32x84x128xi32, #tpu.memory_space<hbm>> -> memref<1x84x128xi32, #tpu.memory_space<hbm>>
      %dma_wait3A_279 = tpu.memref_squeeze %dma_wait3A_278 : memref<1x84x128xi32, #tpu.memory_space<hbm>> -> memref<84x128xi32, #tpu.memory_space<hbm>>
      %dma_wait3A_280 = arith.constant 0 : i32
      %dma_wait3A_281 = tpu.memref_slice %dma_wait3A_279[%dma_wait3A_261, %dma_wait3A_280] : memref<84x128xi32, #tpu.memory_space<hbm>> -> memref<1x128xi32, #tpu.memory_space<hbm>>
      %dma_wait3A_282 = tpu.memref_squeeze %dma_wait3A_281 : memref<1x128xi32, #tpu.memory_space<hbm>> -> memref<128xi32, #tpu.memory_space<hbm>>
      tpu.wait_dma2 semaphore(%arg12 : memref<!tpu.dma_semaphore, #tpu.memory_space<semaphore_mem>>) src(%dma_wait3A_282 : memref<128xi32, #tpu.memory_space<hbm>>) dst(%dma_wait3A_275 : memref<128xi32, #tpu.memory_space<vmem>>)
      %run_scoped3A_283 = arith.constant 3 : i32
      "tpu.region"() ({
        %run_scoped3A_300 = tpu.sem_alloc : memref<!tpu.dma_semaphore, #tpu.memory_space<semaphore_mem>>
        %dma_start3A_301 = arith.constant 0 : i32
        %dma_start3A_302 = tpu.memref_slice %arg5[%run_scoped3A_283, %dma_start3A_301] : memref<4x128xi32, #tpu.memory_space<vmem>> -> memref<1x128xi32, #tpu.memory_space<vmem>>
        %dma_start3A_303 = tpu.memref_squeeze %dma_start3A_302 : memref<1x128xi32, #tpu.memory_space<vmem>> -> memref<128xi32, #tpu.memory_space<vmem>>
        %dma_start3A_304 = arith.constant 0 : i32
        %dma_start3A_305 = arith.constant 0 : i32
        %dma_start3A_306 = tpu.memref_slice %arg8[%dma_start3A_304, %dma_start3A_305] : memref<10112x128xf32, #tpu.memory_space<vmem_shared>> -> memref<10112x128xf32, #tpu.memory_space<vmem_shared>>
        tpu.enqueue_indirect_dma source(%dma_start3A_306 : memref<10112x128xf32, #tpu.memory_space<vmem_shared>>) target(%arg7 : memref<128x128xf32, #tpu.memory_space<vmem>>) offsets(%dma_start3A_303 : memref<128xi32, #tpu.memory_space<vmem>>) semaphore(%run_scoped3A_300 : memref<!tpu.dma_semaphore, #tpu.memory_space<semaphore_mem>>)
        %dma_wait3A_307 = arith.constant 0 : i32
        %dma_wait3A_308 = tpu.memref_slice %arg5[%run_scoped3A_283, %dma_wait3A_307] : memref<4x128xi32, #tpu.memory_space<vmem>> -> memref<1x128xi32, #tpu.memory_space<vmem>>
        %dma_wait3A_309 = tpu.memref_squeeze %dma_wait3A_308 : memref<1x128xi32, #tpu.memory_space<vmem>> -> memref<128xi32, #tpu.memory_space<vmem>>
        %dma_wait3A_310 = arith.constant 0 : i32
        %dma_wait3A_311 = arith.constant 0 : i32
        %dma_wait3A_312 = tpu.memref_slice %arg8[%dma_wait3A_310, %dma_wait3A_311] : memref<10112x128xf32, #tpu.memory_space<vmem_shared>> -> memref<10112x128xf32, #tpu.memory_space<vmem_shared>>
        tpu.wait_indirect_dma semaphore(%run_scoped3A_300 : memref<!tpu.dma_semaphore, #tpu.memory_space<semaphore_mem>>) src(%dma_wait3A_312 : memref<10112x128xf32, #tpu.memory_space<vmem_shared>>) dst(%arg7 : memref<128x128xf32, #tpu.memory_space<vmem>>)
        tpu.yield
      }) : () -> ()
      %mul3A_284 = arith.constant 84 : i32
      %mul3A_285 = arith.muli %add3A, %mul3A_284 : i32
      %add3A_286 = arith.addi %mul3A_285, %add3A_254 : i32
      %mul3A_287 = arith.constant 128 : i32
      %mul3A_288 = arith.muli %add3A_286, %mul3A_287 : i32
      %dma_start3A_289 = arith.constant 0 : i32
      %dma_start3A_290 = tpu.memref_slice %arg4[%mul3A_288, %dma_start3A_289] : memref<344064x128xf32, #tpu.memory_space<hbm>> -> memref<128x128xf32, #tpu.memory_space<hbm>>
      %dma_start3A_291 = arith.constant 0 : i32
      %dma_start3A_292 = tpu.memref_slice %arg4[%mul3A_288, %dma_start3A_291] : memref<344064x128xf32, #tpu.memory_space<hbm>> -> memref<128x128xf32, #tpu.memory_space<hbm>>
      tpu.enqueue_dma source(%arg7 : memref<128x128xf32, #tpu.memory_space<vmem>>) target(%dma_start3A_292 : memref<128x128xf32, #tpu.memory_space<hbm>>) target_semaphore(%arg14 : memref<!tpu.dma_semaphore, #tpu.memory_space<semaphore_mem>>)
      %add3A_293 = arith.constant 4 : i32
      %add3A_294 = arith.addi %add3A_254, %add3A_293 : i32
      %lt3A_295 = arith.constant 84 : i32
      %lt3A_296 = arith.cmpi slt, %add3A_294, %lt3A_295 : i32
      %convert_element_type3A_297 = arith.extui %lt3A_296 : i1 to i32
      %cond3A_298 = arith.constant 0 : i32
      %cond3A_299 = arith.cmpi ne, %convert_element_type3A_297, %cond3A_298 : i32
      scf.if %cond3A_299 {
        %dma_start3A_300 = arith.constant 3 : i32
        %dma_start3A_301 = arith.constant 0 : i32
        %dma_start3A_302 = tpu.memref_slice %arg5[%dma_start3A_300, %dma_start3A_301] : memref<4x128xi32, #tpu.memory_space<vmem>> -> memref<1x128xi32, #tpu.memory_space<vmem>>
        %dma_start3A_303 = tpu.memref_squeeze %dma_start3A_302 : memref<1x128xi32, #tpu.memory_space<vmem>> -> memref<128xi32, #tpu.memory_space<vmem>>
        %dma_start3A_304 = arith.constant 0 : i32
        %dma_start3A_305 = arith.constant 0 : i32
        %dma_start3A_306 = tpu.memref_slice %arg3[%add3A, %dma_start3A_304, %dma_start3A_305] : memref<32x84x128xi32, #tpu.memory_space<hbm>> -> memref<1x84x128xi32, #tpu.memory_space<hbm>>
        %dma_start3A_307 = tpu.memref_squeeze %dma_start3A_306 : memref<1x84x128xi32, #tpu.memory_space<hbm>> -> memref<84x128xi32, #tpu.memory_space<hbm>>
        %dma_start3A_308 = arith.constant 0 : i32
        %dma_start3A_309 = tpu.memref_slice %dma_start3A_307[%add3A_294, %dma_start3A_308] : memref<84x128xi32, #tpu.memory_space<hbm>> -> memref<1x128xi32, #tpu.memory_space<hbm>>
        %dma_start3A_310 = tpu.memref_squeeze %dma_start3A_309 : memref<1x128xi32, #tpu.memory_space<hbm>> -> memref<128xi32, #tpu.memory_space<hbm>>
        %dma_start3A_311 = arith.constant 0 : i32
        %dma_start3A_312 = tpu.memref_slice %arg5[%dma_start3A_300, %dma_start3A_311] : memref<4x128xi32, #tpu.memory_space<vmem>> -> memref<1x128xi32, #tpu.memory_space<vmem>>
        %dma_start3A_313 = tpu.memref_squeeze %dma_start3A_312 : memref<1x128xi32, #tpu.memory_space<vmem>> -> memref<128xi32, #tpu.memory_space<vmem>>
        %dma_start3A_314 = arith.constant 0 : i32
        %dma_start3A_315 = arith.constant 0 : i32
        %dma_start3A_316 = tpu.memref_slice %arg3[%add3A, %dma_start3A_314, %dma_start3A_315] : memref<32x84x128xi32, #tpu.memory_space<hbm>> -> memref<1x84x128xi32, #tpu.memory_space<hbm>>
        %dma_start3A_317 = tpu.memref_squeeze %dma_start3A_316 : memref<1x84x128xi32, #tpu.memory_space<hbm>> -> memref<84x128xi32, #tpu.memory_space<hbm>>
        %dma_start3A_318 = arith.constant 0 : i32
        %dma_start3A_319 = tpu.memref_slice %dma_start3A_317[%add3A_294, %dma_start3A_318] : memref<84x128xi32, #tpu.memory_space<hbm>> -> memref<1x128xi32, #tpu.memory_space<hbm>>
        %dma_start3A_320 = tpu.memref_squeeze %dma_start3A_319 : memref<1x128xi32, #tpu.memory_space<hbm>> -> memref<128xi32, #tpu.memory_space<hbm>>
        tpu.enqueue_dma source(%dma_start3A_320 : memref<128xi32, #tpu.memory_space<hbm>>) target(%dma_start3A_313 : memref<128xi32, #tpu.memory_space<vmem>>) target_semaphore(%arg12 : memref<!tpu.dma_semaphore, #tpu.memory_space<semaphore_mem>>)
      } else {
      }
    }
    %scan3A_96 = arith.constant 21 : i32
    %dma_wait3A = arith.constant 0 : i32
    %dma_wait3A_97 = arith.constant 0 : i32
    %dma_wait3A_98 = tpu.memref_slice %arg4[%dma_wait3A, %dma_wait3A_97] : memref<344064x128xf32, #tpu.memory_space<hbm>> -> memref<128x128xf32, #tpu.memory_space<hbm>>
    %dma_wait3A_99 = arith.constant 0 : i32
    %dma_wait3A_100 = arith.constant 0 : i32
    %dma_wait3A_101 = tpu.memref_slice %arg4[%dma_wait3A_99, %dma_wait3A_100] : memref<344064x128xf32, #tpu.memory_space<hbm>> -> memref<128x128xf32, #tpu.memory_space<hbm>>
    tpu.wait_dma2 semaphore(%arg13 : memref<!tpu.dma_semaphore, #tpu.memory_space<semaphore_mem>>) src(%arg6 : memref<128x128xf32, #tpu.memory_space<vmem>>) dst(%dma_wait3A_101 : memref<128x128xf32, #tpu.memory_space<hbm>>)
    %dma_wait3A_102 = arith.constant 0 : i32
    %dma_wait3A_103 = arith.constant 0 : i32
    %dma_wait3A_104 = tpu.memref_slice %arg4[%dma_wait3A_102, %dma_wait3A_103] : memref<344064x128xf32, #tpu.memory_space<hbm>> -> memref<128x128xf32, #tpu.memory_space<hbm>>
    %dma_wait3A_105 = arith.constant 0 : i32
    %dma_wait3A_106 = arith.constant 0 : i32
    %dma_wait3A_107 = tpu.memref_slice %arg4[%dma_wait3A_105, %dma_wait3A_106] : memref<344064x128xf32, #tpu.memory_space<hbm>> -> memref<128x128xf32, #tpu.memory_space<hbm>>
    tpu.wait_dma2 semaphore(%arg14 : memref<!tpu.dma_semaphore, #tpu.memory_space<semaphore_mem>>) src(%arg7 : memref<128x128xf32, #tpu.memory_space<vmem>>) dst(%dma_wait3A_107 : memref<128x128xf32, #tpu.memory_space<hbm>>)
    return
  }
}

#map = affine_map<(d0, d1) -> (0, 0)>
#map1 = affine_map<(d0, d1) -> (0, 0, 0)>
module attributes {stable_mosaic.version = 14 : i64} {
  func.func @_reduce(%arg0: i32, %arg1: i32, %arg2: memref<344064x128xf32, #tpu.memory_space<hbm>>, %arg3: memref<32x84x128xi32, #tpu.memory_space<hbm>>, %arg4: memref<10112x128xf32, #tpu.memory_space<hbm>>, %arg5: memref<2x10112x128xf32, #tpu.memory_space<hbm>>, %arg6: memref<84x128xi32, #tpu.memory_space<vmem>>, %arg7: memref<128x128xf32, #tpu.memory_space<vmem>>, %arg8: memref<128x128xf32, #tpu.memory_space<vmem>>, %arg9: memref<10112x128xf32, #tpu.memory_space<vmem_shared>>, %arg10: memref<!tpu.dma_semaphore, #tpu.memory_space<semaphore_mem>>, %arg11: memref<!tpu.dma_semaphore, #tpu.memory_space<semaphore_mem>>) attributes {dimension_semantics = [#tpu.dimension_semantics<core_parallel>, #tpu.dimension_semantics<subcore_parallel>], iteration_bounds = array<i64: 2, 16>, scalar_prefetch = 0 : i64, scratch_operands = 6 : i64, tpu.core_type = #tpu.core_type<sc_vector_subcore>, window_params = [{transform_indices = #map}, {transform_indices = #map1}, {transform_indices = #map}, {transform_indices = #map1}]} {
    %mul3A = arith.constant 16 : i32
    %mul3A_0 = arith.muli %arg0, %mul3A : i32
    %add3A = arith.addi %mul3A_0, %arg1 : i32
    %mul3A_1 = arith.constant 632 : i32
    %mul3A_2 = arith.muli %arg1, %mul3A_1 : i32
    %mul3A_3 = arith.constant 632 : i32
    %mul3A_4 = arith.muli %arg1, %mul3A_3 : i32
    "tpu.region"() ({
      %run_scoped3A = tpu.sem_alloc : memref<!tpu.dma_semaphore, #tpu.memory_space<semaphore_mem>>
      %dma_start3A_34 = arith.constant 0 : i32
      %dma_start3A_35 = tpu.memref_slice %arg9[%mul3A_4, %dma_start3A_34] : memref<10112x128xf32, #tpu.memory_space<vmem_shared>> -> memref<632x128xf32, #tpu.memory_space<vmem_shared>>
      %dma_start3A_36 = arith.constant 0 : i32
      %dma_start3A_37 = tpu.memref_slice %arg4[%mul3A_2, %dma_start3A_36] : memref<10112x128xf32, #tpu.memory_space<hbm>> -> memref<632x128xf32, #tpu.memory_space<hbm>>
      tpu.enqueue_dma source(%dma_start3A_37 : memref<632x128xf32, #tpu.memory_space<hbm>>) target(%dma_start3A_35 : memref<632x128xf32, #tpu.memory_space<vmem_shared>>) target_semaphore(%run_scoped3A : memref<!tpu.dma_semaphore, #tpu.memory_space<semaphore_mem>>)
      %dma_wait3A = arith.constant 0 : i32
      %dma_wait3A_38 = tpu.memref_slice %arg9[%mul3A_4, %dma_wait3A] : memref<10112x128xf32, #tpu.memory_space<vmem_shared>> -> memref<632x128xf32, #tpu.memory_space<vmem_shared>>
      %dma_wait3A_39 = arith.constant 0 : i32
      %dma_wait3A_40 = tpu.memref_slice %arg4[%mul3A_2, %dma_wait3A_39] : memref<10112x128xf32, #tpu.memory_space<hbm>> -> memref<632x128xf32, #tpu.memory_space<hbm>>
      tpu.wait_dma2 semaphore(%run_scoped3A : memref<!tpu.dma_semaphore, #tpu.memory_space<semaphore_mem>>) src(%dma_wait3A_40 : memref<632x128xf32, #tpu.memory_space<hbm>>) dst(%dma_wait3A_38 : memref<632x128xf32, #tpu.memory_space<vmem_shared>>)
      tpu.yield
    }) : () -> ()
    "tpu.region"() ({
      %run_scoped3A = tpu.sem_alloc : memref<!tpu.dma_semaphore, #tpu.memory_space<semaphore_mem>>
      %dma_start3A_34 = arith.constant 0 : i32
      %dma_start3A_35 = arith.constant 0 : i32
      %dma_start3A_36 = tpu.memref_slice %arg3[%add3A, %dma_start3A_34, %dma_start3A_35] : memref<32x84x128xi32, #tpu.memory_space<hbm>> -> memref<1x84x128xi32, #tpu.memory_space<hbm>>
      %dma_start3A_37 = tpu.memref_squeeze %dma_start3A_36 : memref<1x84x128xi32, #tpu.memory_space<hbm>> -> memref<84x128xi32, #tpu.memory_space<hbm>>
      %dma_start3A_38 = arith.constant 0 : i32
      %dma_start3A_39 = arith.constant 0 : i32
      %dma_start3A_40 = tpu.memref_slice %arg3[%add3A, %dma_start3A_38, %dma_start3A_39] : memref<32x84x128xi32, #tpu.memory_space<hbm>> -> memref<1x84x128xi32, #tpu.memory_space<hbm>>
      %dma_start3A_41 = tpu.memref_squeeze %dma_start3A_40 : memref<1x84x128xi32, #tpu.memory_space<hbm>> -> memref<84x128xi32, #tpu.memory_space<hbm>>
      tpu.enqueue_dma source(%dma_start3A_41 : memref<84x128xi32, #tpu.memory_space<hbm>>) target(%arg6 : memref<84x128xi32, #tpu.memory_space<vmem>>) target_semaphore(%run_scoped3A : memref<!tpu.dma_semaphore, #tpu.memory_space<semaphore_mem>>)
      %dma_wait3A = arith.constant 0 : i32
      %dma_wait3A_42 = arith.constant 0 : i32
      %dma_wait3A_43 = tpu.memref_slice %arg3[%add3A, %dma_wait3A, %dma_wait3A_42] : memref<32x84x128xi32, #tpu.memory_space<hbm>> -> memref<1x84x128xi32, #tpu.memory_space<hbm>>
      %dma_wait3A_44 = tpu.memref_squeeze %dma_wait3A_43 : memref<1x84x128xi32, #tpu.memory_space<hbm>> -> memref<84x128xi32, #tpu.memory_space<hbm>>
      %dma_wait3A_45 = arith.constant 0 : i32
      %dma_wait3A_46 = arith.constant 0 : i32
      %dma_wait3A_47 = tpu.memref_slice %arg3[%add3A, %dma_wait3A_45, %dma_wait3A_46] : memref<32x84x128xi32, #tpu.memory_space<hbm>> -> memref<1x84x128xi32, #tpu.memory_space<hbm>>
      %dma_wait3A_48 = tpu.memref_squeeze %dma_wait3A_47 : memref<1x84x128xi32, #tpu.memory_space<hbm>> -> memref<84x128xi32, #tpu.memory_space<hbm>>
      tpu.wait_dma2 semaphore(%run_scoped3A : memref<!tpu.dma_semaphore, #tpu.memory_space<semaphore_mem>>) src(%dma_wait3A_48 : memref<84x128xi32, #tpu.memory_space<hbm>>) dst(%arg6 : memref<84x128xi32, #tpu.memory_space<vmem>>)
      tpu.yield
    }) : () -> ()
    %barrier3A = arith.constant 0 : index
    tpu.barrier barrier_id(%barrier3A)
    %mul3A_5 = arith.constant 84 : i32
    %mul3A_6 = arith.muli %add3A, %mul3A_5 : i32
    %add3A_7 = arith.constant 0 : i32
    %add3A_8 = arith.addi %mul3A_6, %add3A_7 : i32
    %mul3A_9 = arith.constant 128 : i32
    %mul3A_10 = arith.muli %add3A_8, %mul3A_9 : i32
    %dma_start3A = arith.constant 0 : i32
    %dma_start3A_11 = tpu.memref_slice %arg2[%mul3A_10, %dma_start3A] : memref<344064x128xf32, #tpu.memory_space<hbm>> -> memref<128x128xf32, #tpu.memory_space<hbm>>
    %dma_start3A_12 = arith.constant 0 : i32
    %dma_start3A_13 = tpu.memref_slice %arg2[%mul3A_10, %dma_start3A_12] : memref<344064x128xf32, #tpu.memory_space<hbm>> -> memref<128x128xf32, #tpu.memory_space<hbm>>
    tpu.enqueue_dma source(%dma_start3A_13 : memref<128x128xf32, #tpu.memory_space<hbm>>) target(%arg7 : memref<128x128xf32, #tpu.memory_space<vmem>>) target_semaphore(%arg10 : memref<!tpu.dma_semaphore, #tpu.memory_space<semaphore_mem>>)
    %mul3A_14 = arith.constant 84 : i32
    %mul3A_15 = arith.muli %add3A, %mul3A_14 : i32
    %add3A_16 = arith.constant 1 : i32
    %add3A_17 = arith.addi %mul3A_15, %add3A_16 : i32
    %mul3A_18 = arith.constant 128 : i32
    %mul3A_19 = arith.muli %add3A_17, %mul3A_18 : i32
    %dma_start3A_20 = arith.constant 0 : i32
    %dma_start3A_21 = tpu.memref_slice %arg2[%mul3A_19, %dma_start3A_20] : memref<344064x128xf32, #tpu.memory_space<hbm>> -> memref<128x128xf32, #tpu.memory_space<hbm>>
    %dma_start3A_22 = arith.constant 0 : i32
    %dma_start3A_23 = tpu.memref_slice %arg2[%mul3A_19, %dma_start3A_22] : memref<344064x128xf32, #tpu.memory_space<hbm>> -> memref<128x128xf32, #tpu.memory_space<hbm>>
    tpu.enqueue_dma source(%dma_start3A_23 : memref<128x128xf32, #tpu.memory_space<hbm>>) target(%arg8 : memref<128x128xf32, #tpu.memory_space<vmem>>) target_semaphore(%arg11 : memref<!tpu.dma_semaphore, #tpu.memory_space<semaphore_mem>>)
    %scan3A = arith.constant 0 : i32
    %scan3A_24 = arith.constant 0 : i32
    %scan3A_25 = arith.constant 42 : i32
    %scan3A_26 = arith.addi %scan3A_24, %scan3A_25 : i32
    %scan3A_27 = arith.constant 1 : i32
    scf.for %scan3A_34 = %scan3A_24 to %scan3A_26 step %scan3A_27  : i32 {
      %mul3A_35 = arith.constant 2 : i32
      %mul3A_36 = arith.muli %scan3A_34, %mul3A_35 : i32
      %add3A_37 = arith.constant 0 : i32
      %add3A_38 = arith.addi %mul3A_36, %add3A_37 : i32
      %dma_wait3A = arith.constant 0 : i32
      %dma_wait3A_39 = arith.constant 0 : i32
      %dma_wait3A_40 = tpu.memref_slice %arg2[%dma_wait3A, %dma_wait3A_39] : memref<344064x128xf32, #tpu.memory_space<hbm>> -> memref<128x128xf32, #tpu.memory_space<hbm>>
      %dma_wait3A_41 = arith.constant 0 : i32
      %dma_wait3A_42 = arith.constant 0 : i32
      %dma_wait3A_43 = tpu.memref_slice %arg2[%dma_wait3A_41, %dma_wait3A_42] : memref<344064x128xf32, #tpu.memory_space<hbm>> -> memref<128x128xf32, #tpu.memory_space<hbm>>
      tpu.wait_dma2 semaphore(%arg10 : memref<!tpu.dma_semaphore, #tpu.memory_space<semaphore_mem>>) src(%dma_wait3A_43 : memref<128x128xf32, #tpu.memory_space<hbm>>) dst(%arg7 : memref<128x128xf32, #tpu.memory_space<vmem>>)
      "tpu.region"() ({
        %run_scoped3A = tpu.sem_alloc : memref<!tpu.dma_semaphore, #tpu.memory_space<semaphore_mem>>
        %dma_start3A_65 = arith.constant 0 : i32
        %dma_start3A_66 = tpu.memref_slice %arg6[%add3A_38, %dma_start3A_65] : memref<84x128xi32, #tpu.memory_space<vmem>> -> memref<1x128xi32, #tpu.memory_space<vmem>>
        %dma_start3A_67 = tpu.memref_squeeze %dma_start3A_66 : memref<1x128xi32, #tpu.memory_space<vmem>> -> memref<128xi32, #tpu.memory_space<vmem>>
        %dma_start3A_68 = arith.constant 0 : i32
        %dma_start3A_69 = arith.constant 0 : i32
        %dma_start3A_70 = tpu.memref_slice %arg9[%dma_start3A_68, %dma_start3A_69] : memref<10112x128xf32, #tpu.memory_space<vmem_shared>> -> memref<10112x128xf32, #tpu.memory_space<vmem_shared>>
        tpu.enqueue_indirect_dma source(%arg7 : memref<128x128xf32, #tpu.memory_space<vmem>>) target(%dma_start3A_70 : memref<10112x128xf32, #tpu.memory_space<vmem_shared>>) offsets(%dma_start3A_67 : memref<128xi32, #tpu.memory_space<vmem>>) semaphore(%run_scoped3A : memref<!tpu.dma_semaphore, #tpu.memory_space<semaphore_mem>>) {add = true}
        %dma_wait3A_71 = arith.constant 0 : i32
        %dma_wait3A_72 = tpu.memref_slice %arg6[%add3A_38, %dma_wait3A_71] : memref<84x128xi32, #tpu.memory_space<vmem>> -> memref<1x128xi32, #tpu.memory_space<vmem>>
        %dma_wait3A_73 = tpu.memref_squeeze %dma_wait3A_72 : memref<1x128xi32, #tpu.memory_space<vmem>> -> memref<128xi32, #tpu.memory_space<vmem>>
        %dma_wait3A_74 = arith.constant 0 : i32
        %dma_wait3A_75 = arith.constant 0 : i32
        %dma_wait3A_76 = tpu.memref_slice %arg9[%dma_wait3A_74, %dma_wait3A_75] : memref<10112x128xf32, #tpu.memory_space<vmem_shared>> -> memref<10112x128xf32, #tpu.memory_space<vmem_shared>>
        tpu.wait_indirect_dma semaphore(%run_scoped3A : memref<!tpu.dma_semaphore, #tpu.memory_space<semaphore_mem>>) src(%arg7 : memref<128x128xf32, #tpu.memory_space<vmem>>) dst(%dma_wait3A_76 : memref<10112x128xf32, #tpu.memory_space<vmem_shared>>)
        tpu.yield
      }) : () -> ()
      %add3A_44 = arith.constant 2 : i32
      %add3A_45 = arith.addi %add3A_38, %add3A_44 : i32
      %lt3A = arith.constant 84 : i32
      %lt3A_46 = arith.cmpi slt, %add3A_45, %lt3A : i32
      %convert_element_type3A = arith.extui %lt3A_46 : i1 to i32
      %cond3A = arith.constant 0 : i32
      %cond3A_47 = arith.cmpi ne, %convert_element_type3A, %cond3A : i32
      scf.if %cond3A_47 {
        %mul3A_65 = arith.constant 84 : i32
        %mul3A_66 = arith.muli %add3A, %mul3A_65 : i32
        %add3A_67 = arith.addi %mul3A_66, %add3A_45 : i32
        %mul3A_68 = arith.constant 128 : i32
        %mul3A_69 = arith.muli %add3A_67, %mul3A_68 : i32
        %dma_start3A_70 = arith.constant 0 : i32
        %dma_start3A_71 = tpu.memref_slice %arg2[%mul3A_69, %dma_start3A_70] : memref<344064x128xf32, #tpu.memory_space<hbm>> -> memref<128x128xf32, #tpu.memory_space<hbm>>
        %dma_start3A_72 = arith.constant 0 : i32
        %dma_start3A_73 = tpu.memref_slice %arg2[%mul3A_69, %dma_start3A_72] : memref<344064x128xf32, #tpu.memory_space<hbm>> -> memref<128x128xf32, #tpu.memory_space<hbm>>
        tpu.enqueue_dma source(%dma_start3A_73 : memref<128x128xf32, #tpu.memory_space<hbm>>) target(%arg7 : memref<128x128xf32, #tpu.memory_space<vmem>>) target_semaphore(%arg10 : memref<!tpu.dma_semaphore, #tpu.memory_space<semaphore_mem>>)
      } else {
      }
      %mul3A_48 = arith.constant 2 : i32
      %mul3A_49 = arith.muli %scan3A_34, %mul3A_48 : i32
      %add3A_50 = arith.constant 1 : i32
      %add3A_51 = arith.addi %mul3A_49, %add3A_50 : i32
      %dma_wait3A_52 = arith.constant 0 : i32
      %dma_wait3A_53 = arith.constant 0 : i32
      %dma_wait3A_54 = tpu.memref_slice %arg2[%dma_wait3A_52, %dma_wait3A_53] : memref<344064x128xf32, #tpu.memory_space<hbm>> -> memref<128x128xf32, #tpu.memory_space<hbm>>
      %dma_wait3A_55 = arith.constant 0 : i32
      %dma_wait3A_56 = arith.constant 0 : i32
      %dma_wait3A_57 = tpu.memref_slice %arg2[%dma_wait3A_55, %dma_wait3A_56] : memref<344064x128xf32, #tpu.memory_space<hbm>> -> memref<128x128xf32, #tpu.memory_space<hbm>>
      tpu.wait_dma2 semaphore(%arg11 : memref<!tpu.dma_semaphore, #tpu.memory_space<semaphore_mem>>) src(%dma_wait3A_57 : memref<128x128xf32, #tpu.memory_space<hbm>>) dst(%arg8 : memref<128x128xf32, #tpu.memory_space<vmem>>)
      "tpu.region"() ({
        %run_scoped3A = tpu.sem_alloc : memref<!tpu.dma_semaphore, #tpu.memory_space<semaphore_mem>>
        %dma_start3A_65 = arith.constant 0 : i32
        %dma_start3A_66 = tpu.memref_slice %arg6[%add3A_51, %dma_start3A_65] : memref<84x128xi32, #tpu.memory_space<vmem>> -> memref<1x128xi32, #tpu.memory_space<vmem>>
        %dma_start3A_67 = tpu.memref_squeeze %dma_start3A_66 : memref<1x128xi32, #tpu.memory_space<vmem>> -> memref<128xi32, #tpu.memory_space<vmem>>
        %dma_start3A_68 = arith.constant 0 : i32
        %dma_start3A_69 = arith.constant 0 : i32
        %dma_start3A_70 = tpu.memref_slice %arg9[%dma_start3A_68, %dma_start3A_69] : memref<10112x128xf32, #tpu.memory_space<vmem_shared>> -> memref<10112x128xf32, #tpu.memory_space<vmem_shared>>
        tpu.enqueue_indirect_dma source(%arg8 : memref<128x128xf32, #tpu.memory_space<vmem>>) target(%dma_start3A_70 : memref<10112x128xf32, #tpu.memory_space<vmem_shared>>) offsets(%dma_start3A_67 : memref<128xi32, #tpu.memory_space<vmem>>) semaphore(%run_scoped3A : memref<!tpu.dma_semaphore, #tpu.memory_space<semaphore_mem>>) {add = true}
        %dma_wait3A_71 = arith.constant 0 : i32
        %dma_wait3A_72 = tpu.memref_slice %arg6[%add3A_51, %dma_wait3A_71] : memref<84x128xi32, #tpu.memory_space<vmem>> -> memref<1x128xi32, #tpu.memory_space<vmem>>
        %dma_wait3A_73 = tpu.memref_squeeze %dma_wait3A_72 : memref<1x128xi32, #tpu.memory_space<vmem>> -> memref<128xi32, #tpu.memory_space<vmem>>
        %dma_wait3A_74 = arith.constant 0 : i32
        %dma_wait3A_75 = arith.constant 0 : i32
        %dma_wait3A_76 = tpu.memref_slice %arg9[%dma_wait3A_74, %dma_wait3A_75] : memref<10112x128xf32, #tpu.memory_space<vmem_shared>> -> memref<10112x128xf32, #tpu.memory_space<vmem_shared>>
        tpu.wait_indirect_dma semaphore(%run_scoped3A : memref<!tpu.dma_semaphore, #tpu.memory_space<semaphore_mem>>) src(%arg8 : memref<128x128xf32, #tpu.memory_space<vmem>>) dst(%dma_wait3A_76 : memref<10112x128xf32, #tpu.memory_space<vmem_shared>>)
        tpu.yield
      }) : () -> ()
      %add3A_58 = arith.constant 2 : i32
      %add3A_59 = arith.addi %add3A_51, %add3A_58 : i32
      %lt3A_60 = arith.constant 84 : i32
      %lt3A_61 = arith.cmpi slt, %add3A_59, %lt3A_60 : i32
      %convert_element_type3A_62 = arith.extui %lt3A_61 : i1 to i32
      %cond3A_63 = arith.constant 0 : i32
      %cond3A_64 = arith.cmpi ne, %convert_element_type3A_62, %cond3A_63 : i32
      scf.if %cond3A_64 {
        %mul3A_65 = arith.constant 84 : i32
        %mul3A_66 = arith.muli %add3A, %mul3A_65 : i32
        %add3A_67 = arith.addi %mul3A_66, %add3A_59 : i32
        %mul3A_68 = arith.constant 128 : i32
        %mul3A_69 = arith.muli %add3A_67, %mul3A_68 : i32
        %dma_start3A_70 = arith.constant 0 : i32
        %dma_start3A_71 = tpu.memref_slice %arg2[%mul3A_69, %dma_start3A_70] : memref<344064x128xf32, #tpu.memory_space<hbm>> -> memref<128x128xf32, #tpu.memory_space<hbm>>
        %dma_start3A_72 = arith.constant 0 : i32
        %dma_start3A_73 = tpu.memref_slice %arg2[%mul3A_69, %dma_start3A_72] : memref<344064x128xf32, #tpu.memory_space<hbm>> -> memref<128x128xf32, #tpu.memory_space<hbm>>
        tpu.enqueue_dma source(%dma_start3A_73 : memref<128x128xf32, #tpu.memory_space<hbm>>) target(%arg8 : memref<128x128xf32, #tpu.memory_space<vmem>>) target_semaphore(%arg11 : memref<!tpu.dma_semaphore, #tpu.memory_space<semaphore_mem>>)
      } else {
      }
    }
    %scan3A_28 = arith.constant 42 : i32
    %barrier3A_29 = arith.constant 0 : index
    tpu.barrier barrier_id(%barrier3A_29)
    %mul3A_30 = arith.constant 632 : i32
    %mul3A_31 = arith.muli %arg1, %mul3A_30 : i32
    %mul3A_32 = arith.constant 632 : i32
    %mul3A_33 = arith.muli %arg1, %mul3A_32 : i32
    "tpu.region"() ({
      %run_scoped3A = tpu.sem_alloc : memref<!tpu.dma_semaphore, #tpu.memory_space<semaphore_mem>>
      %dma_start3A_34 = arith.constant 0 : i32
      %dma_start3A_35 = arith.constant 0 : i32
      %dma_start3A_36 = tpu.memref_slice %arg5[%arg0, %dma_start3A_34, %dma_start3A_35] : memref<2x10112x128xf32, #tpu.memory_space<hbm>> -> memref<1x10112x128xf32, #tpu.memory_space<hbm>>
      %dma_start3A_37 = tpu.memref_squeeze %dma_start3A_36 : memref<1x10112x128xf32, #tpu.memory_space<hbm>> -> memref<10112x128xf32, #tpu.memory_space<hbm>>
      %dma_start3A_38 = arith.constant 0 : i32
      %dma_start3A_39 = tpu.memref_slice %dma_start3A_37[%mul3A_33, %dma_start3A_38] : memref<10112x128xf32, #tpu.memory_space<hbm>> -> memref<632x128xf32, #tpu.memory_space<hbm>>
      %dma_start3A_40 = arith.constant 0 : i32
      %dma_start3A_41 = tpu.memref_slice %arg9[%mul3A_31, %dma_start3A_40] : memref<10112x128xf32, #tpu.memory_space<vmem_shared>> -> memref<632x128xf32, #tpu.memory_space<vmem_shared>>
      tpu.enqueue_dma source(%dma_start3A_41 : memref<632x128xf32, #tpu.memory_space<vmem_shared>>) target(%dma_start3A_39 : memref<632x128xf32, #tpu.memory_space<hbm>>) target_semaphore(%run_scoped3A : memref<!tpu.dma_semaphore, #tpu.memory_space<semaphore_mem>>)
      %dma_wait3A = arith.constant 0 : i32
      %dma_wait3A_42 = arith.constant 0 : i32
      %dma_wait3A_43 = tpu.memref_slice %arg5[%arg0, %dma_wait3A, %dma_wait3A_42] : memref<2x10112x128xf32, #tpu.memory_space<hbm>> -> memref<1x10112x128xf32, #tpu.memory_space<hbm>>
      %dma_wait3A_44 = tpu.memref_squeeze %dma_wait3A_43 : memref<1x10112x128xf32, #tpu.memory_space<hbm>> -> memref<10112x128xf32, #tpu.memory_space<hbm>>
      %dma_wait3A_45 = arith.constant 0 : i32
      %dma_wait3A_46 = tpu.memref_slice %dma_wait3A_44[%mul3A_33, %dma_wait3A_45] : memref<10112x128xf32, #tpu.memory_space<hbm>> -> memref<632x128xf32, #tpu.memory_space<hbm>>
      %dma_wait3A_47 = arith.constant 0 : i32
      %dma_wait3A_48 = tpu.memref_slice %arg9[%mul3A_31, %dma_wait3A_47] : memref<10112x128xf32, #tpu.memory_space<vmem_shared>> -> memref<632x128xf32, #tpu.memory_space<vmem_shared>>
      tpu.wait_dma2 semaphore(%run_scoped3A : memref<!tpu.dma_semaphore, #tpu.memory_space<semaphore_mem>>) src(%dma_wait3A_48 : memref<632x128xf32, #tpu.memory_space<vmem_shared>>) dst(%dma_wait3A_46 : memref<632x128xf32, #tpu.memory_space<hbm>>)
      tpu.yield
    }) : () -> ()
    return
  }
}

#map = affine_map<(d0, d1) -> (0, 0)>
#map1 = affine_map<(d0, d1) -> (0, 0, 0)>
module attributes {stable_mosaic.version = 14 : i64} {
  func.func @_agg(%arg0: i32, %arg1: i32, %arg2: memref<10112x128xf32, #tpu.memory_space<hbm>>, %arg3: memref<32x84x128xi32, #tpu.memory_space<hbm>>, %arg4: memref<32x84x128xi32, #tpu.memory_space<hbm>>, %arg5: memref<10112x128xf32, #tpu.memory_space<hbm>>, %arg6: memref<2x10112x128xf32, #tpu.memory_space<hbm>>, %arg7: memref<84x128xi32, #tpu.memory_space<vmem>>, %arg8: memref<4x128xi32, #tpu.memory_space<vmem>>, %arg9: memref<128x128xf32, #tpu.memory_space<vmem>>, %arg10: memref<128x128xf32, #tpu.memory_space<vmem>>, %arg11: memref<10112x128xf32, #tpu.memory_space<vmem_shared>>, %arg12: memref<!tpu.dma_semaphore, #tpu.memory_space<semaphore_mem>>, %arg13: memref<!tpu.dma_semaphore, #tpu.memory_space<semaphore_mem>>, %arg14: memref<!tpu.dma_semaphore, #tpu.memory_space<semaphore_mem>>, %arg15: memref<!tpu.dma_semaphore, #tpu.memory_space<semaphore_mem>>, %arg16: memref<!tpu.dma_semaphore, #tpu.memory_space<semaphore_mem>>, %arg17: memref<!tpu.dma_semaphore, #tpu.memory_space<semaphore_mem>>) attributes {dimension_semantics = [#tpu.dimension_semantics<core_parallel>, #tpu.dimension_semantics<subcore_parallel>], iteration_bounds = array<i64: 2, 16>, scalar_prefetch = 0 : i64, scratch_operands = 11 : i64, tpu.core_type = #tpu.core_type<sc_vector_subcore>, window_params = [{transform_indices = #map}, {transform_indices = #map1}, {transform_indices = #map1}, {transform_indices = #map}, {transform_indices = #map1}]} {
    %mul3A = arith.constant 16 : i32
    %mul3A_0 = arith.muli %arg0, %mul3A : i32
    %add3A = arith.addi %mul3A_0, %arg1 : i32
    %mul3A_1 = arith.constant 632 : i32
    %mul3A_2 = arith.muli %arg1, %mul3A_1 : i32
    %mul3A_3 = arith.constant 632 : i32
    %mul3A_4 = arith.muli %arg1, %mul3A_3 : i32
    "tpu.region"() ({
      %run_scoped3A = tpu.sem_alloc : memref<!tpu.dma_semaphore, #tpu.memory_space<semaphore_mem>>
      %dma_start3A_161 = arith.constant 0 : i32
      %dma_start3A_162 = tpu.memref_slice %arg11[%mul3A_4, %dma_start3A_161] : memref<10112x128xf32, #tpu.memory_space<vmem_shared>> -> memref<632x128xf32, #tpu.memory_space<vmem_shared>>
      %dma_start3A_163 = arith.constant 0 : i32
      %dma_start3A_164 = tpu.memref_slice %arg5[%mul3A_2, %dma_start3A_163] : memref<10112x128xf32, #tpu.memory_space<hbm>> -> memref<632x128xf32, #tpu.memory_space<hbm>>
      tpu.enqueue_dma source(%dma_start3A_164 : memref<632x128xf32, #tpu.memory_space<hbm>>) target(%dma_start3A_162 : memref<632x128xf32, #tpu.memory_space<vmem_shared>>) target_semaphore(%run_scoped3A : memref<!tpu.dma_semaphore, #tpu.memory_space<semaphore_mem>>)
      %dma_wait3A_165 = arith.constant 0 : i32
      %dma_wait3A_166 = tpu.memref_slice %arg11[%mul3A_4, %dma_wait3A_165] : memref<10112x128xf32, #tpu.memory_space<vmem_shared>> -> memref<632x128xf32, #tpu.memory_space<vmem_shared>>
      %dma_wait3A_167 = arith.constant 0 : i32
      %dma_wait3A_168 = tpu.memref_slice %arg5[%mul3A_2, %dma_wait3A_167] : memref<10112x128xf32, #tpu.memory_space<hbm>> -> memref<632x128xf32, #tpu.memory_space<hbm>>
      tpu.wait_dma2 semaphore(%run_scoped3A : memref<!tpu.dma_semaphore, #tpu.memory_space<semaphore_mem>>) src(%dma_wait3A_168 : memref<632x128xf32, #tpu.memory_space<hbm>>) dst(%dma_wait3A_166 : memref<632x128xf32, #tpu.memory_space<vmem_shared>>)
      tpu.yield
    }) : () -> ()
    "tpu.region"() ({
      %run_scoped3A = tpu.sem_alloc : memref<!tpu.dma_semaphore, #tpu.memory_space<semaphore_mem>>
      %dma_start3A_161 = arith.constant 0 : i32
      %dma_start3A_162 = arith.constant 0 : i32
      %dma_start3A_163 = tpu.memref_slice %arg4[%add3A, %dma_start3A_161, %dma_start3A_162] : memref<32x84x128xi32, #tpu.memory_space<hbm>> -> memref<1x84x128xi32, #tpu.memory_space<hbm>>
      %dma_start3A_164 = tpu.memref_squeeze %dma_start3A_163 : memref<1x84x128xi32, #tpu.memory_space<hbm>> -> memref<84x128xi32, #tpu.memory_space<hbm>>
      %dma_start3A_165 = arith.constant 0 : i32
      %dma_start3A_166 = arith.constant 0 : i32
      %dma_start3A_167 = tpu.memref_slice %arg4[%add3A, %dma_start3A_165, %dma_start3A_166] : memref<32x84x128xi32, #tpu.memory_space<hbm>> -> memref<1x84x128xi32, #tpu.memory_space<hbm>>
      %dma_start3A_168 = tpu.memref_squeeze %dma_start3A_167 : memref<1x84x128xi32, #tpu.memory_space<hbm>> -> memref<84x128xi32, #tpu.memory_space<hbm>>
      tpu.enqueue_dma source(%dma_start3A_168 : memref<84x128xi32, #tpu.memory_space<hbm>>) target(%arg7 : memref<84x128xi32, #tpu.memory_space<vmem>>) target_semaphore(%run_scoped3A : memref<!tpu.dma_semaphore, #tpu.memory_space<semaphore_mem>>)
      %dma_wait3A_169 = arith.constant 0 : i32
      %dma_wait3A_170 = arith.constant 0 : i32
      %dma_wait3A_171 = tpu.memref_slice %arg4[%add3A, %dma_wait3A_169, %dma_wait3A_170] : memref<32x84x128xi32, #tpu.memory_space<hbm>> -> memref<1x84x128xi32, #tpu.memory_space<hbm>>
      %dma_wait3A_172 = tpu.memref_squeeze %dma_wait3A_171 : memref<1x84x128xi32, #tpu.memory_space<hbm>> -> memref<84x128xi32, #tpu.memory_space<hbm>>
      %dma_wait3A_173 = arith.constant 0 : i32
      %dma_wait3A_174 = arith.constant 0 : i32
      %dma_wait3A_175 = tpu.memref_slice %arg4[%add3A, %dma_wait3A_173, %dma_wait3A_174] : memref<32x84x128xi32, #tpu.memory_space<hbm>> -> memref<1x84x128xi32, #tpu.memory_space<hbm>>
      %dma_wait3A_176 = tpu.memref_squeeze %dma_wait3A_175 : memref<1x84x128xi32, #tpu.memory_space<hbm>> -> memref<84x128xi32, #tpu.memory_space<hbm>>
      tpu.wait_dma2 semaphore(%run_scoped3A : memref<!tpu.dma_semaphore, #tpu.memory_space<semaphore_mem>>) src(%dma_wait3A_176 : memref<84x128xi32, #tpu.memory_space<hbm>>) dst(%arg7 : memref<84x128xi32, #tpu.memory_space<vmem>>)
      tpu.yield
    }) : () -> ()
    %barrier3A = arith.constant 0 : index
    tpu.barrier barrier_id(%barrier3A)
    %dma_start3A = arith.constant 0 : i32
    %dma_start3A_5 = arith.constant 0 : i32
    %dma_start3A_6 = arith.constant 0 : i32
    %dma_start3A_7 = tpu.memref_slice %arg8[%dma_start3A_5, %dma_start3A_6] : memref<4x128xi32, #tpu.memory_space<vmem>> -> memref<1x128xi32, #tpu.memory_space<vmem>>
    %dma_start3A_8 = tpu.memref_squeeze %dma_start3A_7 : memref<1x128xi32, #tpu.memory_space<vmem>> -> memref<128xi32, #tpu.memory_space<vmem>>
    %dma_start3A_9 = arith.constant 0 : i32
    %dma_start3A_10 = arith.constant 0 : i32
    %dma_start3A_11 = tpu.memref_slice %arg3[%add3A, %dma_start3A_9, %dma_start3A_10] : memref<32x84x128xi32, #tpu.memory_space<hbm>> -> memref<1x84x128xi32, #tpu.memory_space<hbm>>
    %dma_start3A_12 = tpu.memref_squeeze %dma_start3A_11 : memref<1x84x128xi32, #tpu.memory_space<hbm>> -> memref<84x128xi32, #tpu.memory_space<hbm>>
    %dma_start3A_13 = arith.constant 0 : i32
    %dma_start3A_14 = tpu.memref_slice %dma_start3A_12[%dma_start3A, %dma_start3A_13] : memref<84x128xi32, #tpu.memory_space<hbm>> -> memref<1x128xi32, #tpu.memory_space<hbm>>
    %dma_start3A_15 = tpu.memref_squeeze %dma_start3A_14 : memref<1x128xi32, #tpu.memory_space<hbm>> -> memref<128xi32, #tpu.memory_space<hbm>>
    %dma_start3A_16 = arith.constant 0 : i32
    %dma_start3A_17 = tpu.memref_slice %arg8[%dma_start3A_5, %dma_start3A_16] : memref<4x128xi32, #tpu.memory_space<vmem>> -> memref<1x128xi32, #tpu.memory_space<vmem>>
    %dma_start3A_18 = tpu.memref_squeeze %dma_start3A_17 : memref<1x128xi32, #tpu.memory_space<vmem>> -> memref<128xi32, #tpu.memory_space<vmem>>
    %dma_start3A_19 = arith.constant 0 : i32
    %dma_start3A_20 = arith.constant 0 : i32
    %dma_start3A_21 = tpu.memref_slice %arg3[%add3A, %dma_start3A_19, %dma_start3A_20] : memref<32x84x128xi32, #tpu.memory_space<hbm>> -> memref<1x84x128xi32, #tpu.memory_space<hbm>>
    %dma_start3A_22 = tpu.memref_squeeze %dma_start3A_21 : memref<1x84x128xi32, #tpu.memory_space<hbm>> -> memref<84x128xi32, #tpu.memory_space<hbm>>
    %dma_start3A_23 = arith.constant 0 : i32
    %dma_start3A_24 = tpu.memref_slice %dma_start3A_22[%dma_start3A, %dma_start3A_23] : memref<84x128xi32, #tpu.memory_space<hbm>> -> memref<1x128xi32, #tpu.memory_space<hbm>>
    %dma_start3A_25 = tpu.memref_squeeze %dma_start3A_24 : memref<1x128xi32, #tpu.memory_space<hbm>> -> memref<128xi32, #tpu.memory_space<hbm>>
    tpu.enqueue_dma source(%dma_start3A_25 : memref<128xi32, #tpu.memory_space<hbm>>) target(%dma_start3A_18 : memref<128xi32, #tpu.memory_space<vmem>>) target_semaphore(%arg14 : memref<!tpu.dma_semaphore, #tpu.memory_space<semaphore_mem>>)
    %dma_start3A_26 = arith.constant 1 : i32
    %dma_start3A_27 = arith.constant 1 : i32
    %dma_start3A_28 = arith.constant 0 : i32
    %dma_start3A_29 = tpu.memref_slice %arg8[%dma_start3A_27, %dma_start3A_28] : memref<4x128xi32, #tpu.memory_space<vmem>> -> memref<1x128xi32, #tpu.memory_space<vmem>>
    %dma_start3A_30 = tpu.memref_squeeze %dma_start3A_29 : memref<1x128xi32, #tpu.memory_space<vmem>> -> memref<128xi32, #tpu.memory_space<vmem>>
    %dma_start3A_31 = arith.constant 0 : i32
    %dma_start3A_32 = arith.constant 0 : i32
    %dma_start3A_33 = tpu.memref_slice %arg3[%add3A, %dma_start3A_31, %dma_start3A_32] : memref<32x84x128xi32, #tpu.memory_space<hbm>> -> memref<1x84x128xi32, #tpu.memory_space<hbm>>
    %dma_start3A_34 = tpu.memref_squeeze %dma_start3A_33 : memref<1x84x128xi32, #tpu.memory_space<hbm>> -> memref<84x128xi32, #tpu.memory_space<hbm>>
    %dma_start3A_35 = arith.constant 0 : i32
    %dma_start3A_36 = tpu.memref_slice %dma_start3A_34[%dma_start3A_26, %dma_start3A_35] : memref<84x128xi32, #tpu.memory_space<hbm>> -> memref<1x128xi32, #tpu.memory_space<hbm>>
    %dma_start3A_37 = tpu.memref_squeeze %dma_start3A_36 : memref<1x128xi32, #tpu.memory_space<hbm>> -> memref<128xi32, #tpu.memory_space<hbm>>
    %dma_start3A_38 = arith.constant 0 : i32
    %dma_start3A_39 = tpu.memref_slice %arg8[%dma_start3A_27, %dma_start3A_38] : memref<4x128xi32, #tpu.memory_space<vmem>> -> memref<1x128xi32, #tpu.memory_space<vmem>>
    %dma_start3A_40 = tpu.memref_squeeze %dma_start3A_39 : memref<1x128xi32, #tpu.memory_space<vmem>> -> memref<128xi32, #tpu.memory_space<vmem>>
    %dma_start3A_41 = arith.constant 0 : i32
    %dma_start3A_42 = arith.constant 0 : i32
    %dma_start3A_43 = tpu.memref_slice %arg3[%add3A, %dma_start3A_41, %dma_start3A_42] : memref<32x84x128xi32, #tpu.memory_space<hbm>> -> memref<1x84x128xi32, #tpu.memory_space<hbm>>
    %dma_start3A_44 = tpu.memref_squeeze %dma_start3A_43 : memref<1x84x128xi32, #tpu.memory_space<hbm>> -> memref<84x128xi32, #tpu.memory_space<hbm>>
    %dma_start3A_45 = arith.constant 0 : i32
    %dma_start3A_46 = tpu.memref_slice %dma_start3A_44[%dma_start3A_26, %dma_start3A_45] : memref<84x128xi32, #tpu.memory_space<hbm>> -> memref<1x128xi32, #tpu.memory_space<hbm>>
    %dma_start3A_47 = tpu.memref_squeeze %dma_start3A_46 : memref<1x128xi32, #tpu.memory_space<hbm>> -> memref<128xi32, #tpu.memory_space<hbm>>
    tpu.enqueue_dma source(%dma_start3A_47 : memref<128xi32, #tpu.memory_space<hbm>>) target(%dma_start3A_40 : memref<128xi32, #tpu.memory_space<vmem>>) target_semaphore(%arg15 : memref<!tpu.dma_semaphore, #tpu.memory_space<semaphore_mem>>)
    %dma_start3A_48 = arith.constant 2 : i32
    %dma_start3A_49 = arith.constant 2 : i32
    %dma_start3A_50 = arith.constant 0 : i32
    %dma_start3A_51 = tpu.memref_slice %arg8[%dma_start3A_49, %dma_start3A_50] : memref<4x128xi32, #tpu.memory_space<vmem>> -> memref<1x128xi32, #tpu.memory_space<vmem>>
    %dma_start3A_52 = tpu.memref_squeeze %dma_start3A_51 : memref<1x128xi32, #tpu.memory_space<vmem>> -> memref<128xi32, #tpu.memory_space<vmem>>
    %dma_start3A_53 = arith.constant 0 : i32
    %dma_start3A_54 = arith.constant 0 : i32
    %dma_start3A_55 = tpu.memref_slice %arg3[%add3A, %dma_start3A_53, %dma_start3A_54] : memref<32x84x128xi32, #tpu.memory_space<hbm>> -> memref<1x84x128xi32, #tpu.memory_space<hbm>>
    %dma_start3A_56 = tpu.memref_squeeze %dma_start3A_55 : memref<1x84x128xi32, #tpu.memory_space<hbm>> -> memref<84x128xi32, #tpu.memory_space<hbm>>
    %dma_start3A_57 = arith.constant 0 : i32
    %dma_start3A_58 = tpu.memref_slice %dma_start3A_56[%dma_start3A_48, %dma_start3A_57] : memref<84x128xi32, #tpu.memory_space<hbm>> -> memref<1x128xi32, #tpu.memory_space<hbm>>
    %dma_start3A_59 = tpu.memref_squeeze %dma_start3A_58 : memref<1x128xi32, #tpu.memory_space<hbm>> -> memref<128xi32, #tpu.memory_space<hbm>>
    %dma_start3A_60 = arith.constant 0 : i32
    %dma_start3A_61 = tpu.memref_slice %arg8[%dma_start3A_49, %dma_start3A_60] : memref<4x128xi32, #tpu.memory_space<vmem>> -> memref<1x128xi32, #tpu.memory_space<vmem>>
    %dma_start3A_62 = tpu.memref_squeeze %dma_start3A_61 : memref<1x128xi32, #tpu.memory_space<vmem>> -> memref<128xi32, #tpu.memory_space<vmem>>
    %dma_start3A_63 = arith.constant 0 : i32
    %dma_start3A_64 = arith.constant 0 : i32
    %dma_start3A_65 = tpu.memref_slice %arg3[%add3A, %dma_start3A_63, %dma_start3A_64] : memref<32x84x128xi32, #tpu.memory_space<hbm>> -> memref<1x84x128xi32, #tpu.memory_space<hbm>>
    %dma_start3A_66 = tpu.memref_squeeze %dma_start3A_65 : memref<1x84x128xi32, #tpu.memory_space<hbm>> -> memref<84x128xi32, #tpu.memory_space<hbm>>
    %dma_start3A_67 = arith.constant 0 : i32
    %dma_start3A_68 = tpu.memref_slice %dma_start3A_66[%dma_start3A_48, %dma_start3A_67] : memref<84x128xi32, #tpu.memory_space<hbm>> -> memref<1x128xi32, #tpu.memory_space<hbm>>
    %dma_start3A_69 = tpu.memref_squeeze %dma_start3A_68 : memref<1x128xi32, #tpu.memory_space<hbm>> -> memref<128xi32, #tpu.memory_space<hbm>>
    tpu.enqueue_dma source(%dma_start3A_69 : memref<128xi32, #tpu.memory_space<hbm>>) target(%dma_start3A_62 : memref<128xi32, #tpu.memory_space<vmem>>) target_semaphore(%arg16 : memref<!tpu.dma_semaphore, #tpu.memory_space<semaphore_mem>>)
    %dma_start3A_70 = arith.constant 3 : i32
    %dma_start3A_71 = arith.constant 3 : i32
    %dma_start3A_72 = arith.constant 0 : i32
    %dma_start3A_73 = tpu.memref_slice %arg8[%dma_start3A_71, %dma_start3A_72] : memref<4x128xi32, #tpu.memory_space<vmem>> -> memref<1x128xi32, #tpu.memory_space<vmem>>
    %dma_start3A_74 = tpu.memref_squeeze %dma_start3A_73 : memref<1x128xi32, #tpu.memory_space<vmem>> -> memref<128xi32, #tpu.memory_space<vmem>>
    %dma_start3A_75 = arith.constant 0 : i32
    %dma_start3A_76 = arith.constant 0 : i32
    %dma_start3A_77 = tpu.memref_slice %arg3[%add3A, %dma_start3A_75, %dma_start3A_76] : memref<32x84x128xi32, #tpu.memory_space<hbm>> -> memref<1x84x128xi32, #tpu.memory_space<hbm>>
    %dma_start3A_78 = tpu.memref_squeeze %dma_start3A_77 : memref<1x84x128xi32, #tpu.memory_space<hbm>> -> memref<84x128xi32, #tpu.memory_space<hbm>>
    %dma_start3A_79 = arith.constant 0 : i32
    %dma_start3A_80 = tpu.memref_slice %dma_start3A_78[%dma_start3A_70, %dma_start3A_79] : memref<84x128xi32, #tpu.memory_space<hbm>> -> memref<1x128xi32, #tpu.memory_space<hbm>>
    %dma_start3A_81 = tpu.memref_squeeze %dma_start3A_80 : memref<1x128xi32, #tpu.memory_space<hbm>> -> memref<128xi32, #tpu.memory_space<hbm>>
    %dma_start3A_82 = arith.constant 0 : i32
    %dma_start3A_83 = tpu.memref_slice %arg8[%dma_start3A_71, %dma_start3A_82] : memref<4x128xi32, #tpu.memory_space<vmem>> -> memref<1x128xi32, #tpu.memory_space<vmem>>
    %dma_start3A_84 = tpu.memref_squeeze %dma_start3A_83 : memref<1x128xi32, #tpu.memory_space<vmem>> -> memref<128xi32, #tpu.memory_space<vmem>>
    %dma_start3A_85 = arith.constant 0 : i32
    %dma_start3A_86 = arith.constant 0 : i32
    %dma_start3A_87 = tpu.memref_slice %arg3[%add3A, %dma_start3A_85, %dma_start3A_86] : memref<32x84x128xi32, #tpu.memory_space<hbm>> -> memref<1x84x128xi32, #tpu.memory_space<hbm>>
    %dma_start3A_88 = tpu.memref_squeeze %dma_start3A_87 : memref<1x84x128xi32, #tpu.memory_space<hbm>> -> memref<84x128xi32, #tpu.memory_space<hbm>>
    %dma_start3A_89 = arith.constant 0 : i32
    %dma_start3A_90 = tpu.memref_slice %dma_start3A_88[%dma_start3A_70, %dma_start3A_89] : memref<84x128xi32, #tpu.memory_space<hbm>> -> memref<1x128xi32, #tpu.memory_space<hbm>>
    %dma_start3A_91 = tpu.memref_squeeze %dma_start3A_90 : memref<1x128xi32, #tpu.memory_space<hbm>> -> memref<128xi32, #tpu.memory_space<hbm>>
    tpu.enqueue_dma source(%dma_start3A_91 : memref<128xi32, #tpu.memory_space<hbm>>) target(%dma_start3A_84 : memref<128xi32, #tpu.memory_space<vmem>>) target_semaphore(%arg17 : memref<!tpu.dma_semaphore, #tpu.memory_space<semaphore_mem>>)
    %dma_wait3A = arith.constant 0 : i32
    %dma_wait3A_92 = arith.constant 0 : i32
    %dma_wait3A_93 = arith.constant 0 : i32
    %dma_wait3A_94 = arith.constant 0 : i32
    %dma_wait3A_95 = tpu.memref_slice %arg8[%dma_wait3A_93, %dma_wait3A_94] : memref<4x128xi32, #tpu.memory_space<vmem>> -> memref<1x128xi32, #tpu.memory_space<vmem>>
    %dma_wait3A_96 = tpu.memref_squeeze %dma_wait3A_95 : memref<1x128xi32, #tpu.memory_space<vmem>> -> memref<128xi32, #tpu.memory_space<vmem>>
    %dma_wait3A_97 = arith.constant 0 : i32
    %dma_wait3A_98 = arith.constant 0 : i32
    %dma_wait3A_99 = tpu.memref_slice %arg3[%dma_wait3A, %dma_wait3A_97, %dma_wait3A_98] : memref<32x84x128xi32, #tpu.memory_space<hbm>> -> memref<1x84x128xi32, #tpu.memory_space<hbm>>
    %dma_wait3A_100 = tpu.memref_squeeze %dma_wait3A_99 : memref<1x84x128xi32, #tpu.memory_space<hbm>> -> memref<84x128xi32, #tpu.memory_space<hbm>>
    %dma_wait3A_101 = arith.constant 0 : i32
    %dma_wait3A_102 = tpu.memref_slice %dma_wait3A_100[%dma_wait3A_92, %dma_wait3A_101] : memref<84x128xi32, #tpu.memory_space<hbm>> -> memref<1x128xi32, #tpu.memory_space<hbm>>
    %dma_wait3A_103 = tpu.memref_squeeze %dma_wait3A_102 : memref<1x128xi32, #tpu.memory_space<hbm>> -> memref<128xi32, #tpu.memory_space<hbm>>
    %dma_wait3A_104 = arith.constant 0 : i32
    %dma_wait3A_105 = tpu.memref_slice %arg8[%dma_wait3A_93, %dma_wait3A_104] : memref<4x128xi32, #tpu.memory_space<vmem>> -> memref<1x128xi32, #tpu.memory_space<vmem>>
    %dma_wait3A_106 = tpu.memref_squeeze %dma_wait3A_105 : memref<1x128xi32, #tpu.memory_space<vmem>> -> memref<128xi32, #tpu.memory_space<vmem>>
    %dma_wait3A_107 = arith.constant 0 : i32
    %dma_wait3A_108 = arith.constant 0 : i32
    %dma_wait3A_109 = tpu.memref_slice %arg3[%dma_wait3A, %dma_wait3A_107, %dma_wait3A_108] : memref<32x84x128xi32, #tpu.memory_space<hbm>> -> memref<1x84x128xi32, #tpu.memory_space<hbm>>
    %dma_wait3A_110 = tpu.memref_squeeze %dma_wait3A_109 : memref<1x84x128xi32, #tpu.memory_space<hbm>> -> memref<84x128xi32, #tpu.memory_space<hbm>>
    %dma_wait3A_111 = arith.constant 0 : i32
    %dma_wait3A_112 = tpu.memref_slice %dma_wait3A_110[%dma_wait3A_92, %dma_wait3A_111] : memref<84x128xi32, #tpu.memory_space<hbm>> -> memref<1x128xi32, #tpu.memory_space<hbm>>
    %dma_wait3A_113 = tpu.memref_squeeze %dma_wait3A_112 : memref<1x128xi32, #tpu.memory_space<hbm>> -> memref<128xi32, #tpu.memory_space<hbm>>
    tpu.wait_dma2 semaphore(%arg14 : memref<!tpu.dma_semaphore, #tpu.memory_space<semaphore_mem>>) src(%dma_wait3A_113 : memref<128xi32, #tpu.memory_space<hbm>>) dst(%dma_wait3A_106 : memref<128xi32, #tpu.memory_space<vmem>>)
    %dma_start3A_114 = arith.constant 0 : i32
    %dma_start3A_115 = arith.constant 0 : i32
    %dma_start3A_116 = tpu.memref_slice %arg8[%dma_start3A_114, %dma_start3A_115] : memref<4x128xi32, #tpu.memory_space<vmem>> -> memref<1x128xi32, #tpu.memory_space<vmem>>
    %dma_start3A_117 = tpu.memref_squeeze %dma_start3A_116 : memref<1x128xi32, #tpu.memory_space<vmem>> -> memref<128xi32, #tpu.memory_space<vmem>>
    %dma_start3A_118 = arith.constant 0 : i32
    %dma_start3A_119 = arith.constant 0 : i32
    %dma_start3A_120 = tpu.memref_slice %arg2[%dma_start3A_118, %dma_start3A_119] : memref<10112x128xf32, #tpu.memory_space<hbm>> -> memref<10112x128xf32, #tpu.memory_space<hbm>>
    tpu.enqueue_indirect_dma source(%dma_start3A_120 : memref<10112x128xf32, #tpu.memory_space<hbm>>) target(%arg9 : memref<128x128xf32, #tpu.memory_space<vmem>>) offsets(%dma_start3A_117 : memref<128xi32, #tpu.memory_space<vmem>>) semaphore(%arg12 : memref<!tpu.dma_semaphore, #tpu.memory_space<semaphore_mem>>)
    %dma_wait3A_121 = arith.constant 0 : i32
    %dma_wait3A_122 = arith.constant 0 : i32
    %dma_wait3A_123 = arith.constant 1 : i32
    %dma_wait3A_124 = arith.constant 0 : i32
    %dma_wait3A_125 = tpu.memref_slice %arg8[%dma_wait3A_123, %dma_wait3A_124] : memref<4x128xi32, #tpu.memory_space<vmem>> -> memref<1x128xi32, #tpu.memory_space<vmem>>
    %dma_wait3A_126 = tpu.memref_squeeze %dma_wait3A_125 : memref<1x128xi32, #tpu.memory_space<vmem>> -> memref<128xi32, #tpu.memory_space<vmem>>
    %dma_wait3A_127 = arith.constant 0 : i32
    %dma_wait3A_128 = arith.constant 0 : i32
    %dma_wait3A_129 = tpu.memref_slice %arg3[%dma_wait3A_121, %dma_wait3A_127, %dma_wait3A_128] : memref<32x84x128xi32, #tpu.memory_space<hbm>> -> memref<1x84x128xi32, #tpu.memory_space<hbm>>
    %dma_wait3A_130 = tpu.memref_squeeze %dma_wait3A_129 : memref<1x84x128xi32, #tpu.memory_space<hbm>> -> memref<84x128xi32, #tpu.memory_space<hbm>>
    %dma_wait3A_131 = arith.constant 0 : i32
    %dma_wait3A_132 = tpu.memref_slice %dma_wait3A_130[%dma_wait3A_122, %dma_wait3A_131] : memref<84x128xi32, #tpu.memory_space<hbm>> -> memref<1x128xi32, #tpu.memory_space<hbm>>
    %dma_wait3A_133 = tpu.memref_squeeze %dma_wait3A_132 : memref<1x128xi32, #tpu.memory_space<hbm>> -> memref<128xi32, #tpu.memory_space<hbm>>
    %dma_wait3A_134 = arith.constant 0 : i32
    %dma_wait3A_135 = tpu.memref_slice %arg8[%dma_wait3A_123, %dma_wait3A_134] : memref<4x128xi32, #tpu.memory_space<vmem>> -> memref<1x128xi32, #tpu.memory_space<vmem>>
    %dma_wait3A_136 = tpu.memref_squeeze %dma_wait3A_135 : memref<1x128xi32, #tpu.memory_space<vmem>> -> memref<128xi32, #tpu.memory_space<vmem>>
    %dma_wait3A_137 = arith.constant 0 : i32
    %dma_wait3A_138 = arith.constant 0 : i32
    %dma_wait3A_139 = tpu.memref_slice %arg3[%dma_wait3A_121, %dma_wait3A_137, %dma_wait3A_138] : memref<32x84x128xi32, #tpu.memory_space<hbm>> -> memref<1x84x128xi32, #tpu.memory_space<hbm>>
    %dma_wait3A_140 = tpu.memref_squeeze %dma_wait3A_139 : memref<1x84x128xi32, #tpu.memory_space<hbm>> -> memref<84x128xi32, #tpu.memory_space<hbm>>
    %dma_wait3A_141 = arith.constant 0 : i32
    %dma_wait3A_142 = tpu.memref_slice %dma_wait3A_140[%dma_wait3A_122, %dma_wait3A_141] : memref<84x128xi32, #tpu.memory_space<hbm>> -> memref<1x128xi32, #tpu.memory_space<hbm>>
    %dma_wait3A_143 = tpu.memref_squeeze %dma_wait3A_142 : memref<1x128xi32, #tpu.memory_space<hbm>> -> memref<128xi32, #tpu.memory_space<hbm>>
    tpu.wait_dma2 semaphore(%arg15 : memref<!tpu.dma_semaphore, #tpu.memory_space<semaphore_mem>>) src(%dma_wait3A_143 : memref<128xi32, #tpu.memory_space<hbm>>) dst(%dma_wait3A_136 : memref<128xi32, #tpu.memory_space<vmem>>)
    %dma_start3A_144 = arith.constant 1 : i32
    %dma_start3A_145 = arith.constant 0 : i32
    %dma_start3A_146 = tpu.memref_slice %arg8[%dma_start3A_144, %dma_start3A_145] : memref<4x128xi32, #tpu.memory_space<vmem>> -> memref<1x128xi32, #tpu.memory_space<vmem>>
    %dma_start3A_147 = tpu.memref_squeeze %dma_start3A_146 : memref<1x128xi32, #tpu.memory_space<vmem>> -> memref<128xi32, #tpu.memory_space<vmem>>
    %dma_start3A_148 = arith.constant 0 : i32
    %dma_start3A_149 = arith.constant 0 : i32
    %dma_start3A_150 = tpu.memref_slice %arg2[%dma_start3A_148, %dma_start3A_149] : memref<10112x128xf32, #tpu.memory_space<hbm>> -> memref<10112x128xf32, #tpu.memory_space<hbm>>
    tpu.enqueue_indirect_dma source(%dma_start3A_150 : memref<10112x128xf32, #tpu.memory_space<hbm>>) target(%arg10 : memref<128x128xf32, #tpu.memory_space<vmem>>) offsets(%dma_start3A_147 : memref<128xi32, #tpu.memory_space<vmem>>) semaphore(%arg13 : memref<!tpu.dma_semaphore, #tpu.memory_space<semaphore_mem>>)
    %scan3A = arith.constant 0 : i32
    %scan3A_151 = arith.constant 0 : i32
    %scan3A_152 = arith.constant 21 : i32
    %scan3A_153 = arith.addi %scan3A_151, %scan3A_152 : i32
    %scan3A_154 = arith.constant 1 : i32
    scf.for %scan3A_161 = %scan3A_151 to %scan3A_153 step %scan3A_154  : i32 {
      %mul3A_162 = arith.constant 4 : i32
      %mul3A_163 = arith.muli %scan3A_161, %mul3A_162 : i32
      %add3A_164 = arith.constant 0 : i32
      %add3A_165 = arith.addi %mul3A_163, %add3A_164 : i32
      %dma_wait3A_166 = arith.constant 0 : i32
      %dma_wait3A_167 = arith.constant 0 : i32
      %dma_wait3A_168 = tpu.memref_slice %arg5[%dma_wait3A_166, %dma_wait3A_167] : memref<10112x128xf32, #tpu.memory_space<hbm>> -> memref<128x128xf32, #tpu.memory_space<hbm>>
      %dma_wait3A_169 = arith.constant 0 : i32
      %dma_wait3A_170 = arith.constant 0 : i32
      %dma_wait3A_171 = tpu.memref_slice %arg5[%dma_wait3A_169, %dma_wait3A_170] : memref<10112x128xf32, #tpu.memory_space<hbm>> -> memref<128x128xf32, #tpu.memory_space<hbm>>
      tpu.wait_dma2 semaphore(%arg12 : memref<!tpu.dma_semaphore, #tpu.memory_space<semaphore_mem>>) src(%dma_wait3A_171 : memref<128x128xf32, #tpu.memory_space<hbm>>) dst(%arg9 : memref<128x128xf32, #tpu.memory_space<vmem>>)
      "tpu.region"() ({
        %run_scoped3A = tpu.sem_alloc : memref<!tpu.dma_semaphore, #tpu.memory_space<semaphore_mem>>
        %dma_start3A_255 = arith.constant 0 : i32
        %dma_start3A_256 = tpu.memref_slice %arg7[%add3A_165, %dma_start3A_255] : memref<84x128xi32, #tpu.memory_space<vmem>> -> memref<1x128xi32, #tpu.memory_space<vmem>>
        %dma_start3A_257 = tpu.memref_squeeze %dma_start3A_256 : memref<1x128xi32, #tpu.memory_space<vmem>> -> memref<128xi32, #tpu.memory_space<vmem>>
        %dma_start3A_258 = arith.constant 0 : i32
        %dma_start3A_259 = arith.constant 0 : i32
        %dma_start3A_260 = tpu.memref_slice %arg11[%dma_start3A_258, %dma_start3A_259] : memref<10112x128xf32, #tpu.memory_space<vmem_shared>> -> memref<10112x128xf32, #tpu.memory_space<vmem_shared>>
        tpu.enqueue_indirect_dma source(%arg9 : memref<128x128xf32, #tpu.memory_space<vmem>>) target(%dma_start3A_260 : memref<10112x128xf32, #tpu.memory_space<vmem_shared>>) offsets(%dma_start3A_257 : memref<128xi32, #tpu.memory_space<vmem>>) semaphore(%run_scoped3A : memref<!tpu.dma_semaphore, #tpu.memory_space<semaphore_mem>>) {add = true}
        %dma_wait3A_261 = arith.constant 0 : i32
        %dma_wait3A_262 = tpu.memref_slice %arg7[%add3A_165, %dma_wait3A_261] : memref<84x128xi32, #tpu.memory_space<vmem>> -> memref<1x128xi32, #tpu.memory_space<vmem>>
        %dma_wait3A_263 = tpu.memref_squeeze %dma_wait3A_262 : memref<1x128xi32, #tpu.memory_space<vmem>> -> memref<128xi32, #tpu.memory_space<vmem>>
        %dma_wait3A_264 = arith.constant 0 : i32
        %dma_wait3A_265 = arith.constant 0 : i32
        %dma_wait3A_266 = tpu.memref_slice %arg11[%dma_wait3A_264, %dma_wait3A_265] : memref<10112x128xf32, #tpu.memory_space<vmem_shared>> -> memref<10112x128xf32, #tpu.memory_space<vmem_shared>>
        tpu.wait_indirect_dma semaphore(%run_scoped3A : memref<!tpu.dma_semaphore, #tpu.memory_space<semaphore_mem>>) src(%arg9 : memref<128x128xf32, #tpu.memory_space<vmem>>) dst(%dma_wait3A_266 : memref<10112x128xf32, #tpu.memory_space<vmem_shared>>)
        tpu.yield
      }) : () -> ()
      %add3A_172 = arith.constant 2 : i32
      %add3A_173 = arith.addi %add3A_165, %add3A_172 : i32
      %lt3A = arith.constant 84 : i32
      %lt3A_174 = arith.cmpi slt, %add3A_173, %lt3A : i32
      %convert_element_type3A = arith.extui %lt3A_174 : i1 to i32
      %cond3A = arith.constant 0 : i32
      %cond3A_175 = arith.cmpi ne, %convert_element_type3A, %cond3A : i32
      scf.if %cond3A_175 {
        %dma_wait3A_255 = arith.constant 0 : i32
        %dma_wait3A_256 = arith.constant 0 : i32
        %dma_wait3A_257 = arith.constant 2 : i32
        %dma_wait3A_258 = arith.constant 0 : i32
        %dma_wait3A_259 = tpu.memref_slice %arg8[%dma_wait3A_257, %dma_wait3A_258] : memref<4x128xi32, #tpu.memory_space<vmem>> -> memref<1x128xi32, #tpu.memory_space<vmem>>
        %dma_wait3A_260 = tpu.memref_squeeze %dma_wait3A_259 : memref<1x128xi32, #tpu.memory_space<vmem>> -> memref<128xi32, #tpu.memory_space<vmem>>
        %dma_wait3A_261 = arith.constant 0 : i32
        %dma_wait3A_262 = arith.constant 0 : i32
        %dma_wait3A_263 = tpu.memref_slice %arg3[%dma_wait3A_255, %dma_wait3A_261, %dma_wait3A_262] : memref<32x84x128xi32, #tpu.memory_space<hbm>> -> memref<1x84x128xi32, #tpu.memory_space<hbm>>
        %dma_wait3A_264 = tpu.memref_squeeze %dma_wait3A_263 : memref<1x84x128xi32, #tpu.memory_space<hbm>> -> memref<84x128xi32, #tpu.memory_space<hbm>>
        %dma_wait3A_265 = arith.constant 0 : i32
        %dma_wait3A_266 = tpu.memref_slice %dma_wait3A_264[%dma_wait3A_256, %dma_wait3A_265] : memref<84x128xi32, #tpu.memory_space<hbm>> -> memref<1x128xi32, #tpu.memory_space<hbm>>
        %dma_wait3A_267 = tpu.memref_squeeze %dma_wait3A_266 : memref<1x128xi32, #tpu.memory_space<hbm>> -> memref<128xi32, #tpu.memory_space<hbm>>
        %dma_wait3A_268 = arith.constant 0 : i32
        %dma_wait3A_269 = tpu.memref_slice %arg8[%dma_wait3A_257, %dma_wait3A_268] : memref<4x128xi32, #tpu.memory_space<vmem>> -> memref<1x128xi32, #tpu.memory_space<vmem>>
        %dma_wait3A_270 = tpu.memref_squeeze %dma_wait3A_269 : memref<1x128xi32, #tpu.memory_space<vmem>> -> memref<128xi32, #tpu.memory_space<vmem>>
        %dma_wait3A_271 = arith.constant 0 : i32
        %dma_wait3A_272 = arith.constant 0 : i32
        %dma_wait3A_273 = tpu.memref_slice %arg3[%dma_wait3A_255, %dma_wait3A_271, %dma_wait3A_272] : memref<32x84x128xi32, #tpu.memory_space<hbm>> -> memref<1x84x128xi32, #tpu.memory_space<hbm>>
        %dma_wait3A_274 = tpu.memref_squeeze %dma_wait3A_273 : memref<1x84x128xi32, #tpu.memory_space<hbm>> -> memref<84x128xi32, #tpu.memory_space<hbm>>
        %dma_wait3A_275 = arith.constant 0 : i32
        %dma_wait3A_276 = tpu.memref_slice %dma_wait3A_274[%dma_wait3A_256, %dma_wait3A_275] : memref<84x128xi32, #tpu.memory_space<hbm>> -> memref<1x128xi32, #tpu.memory_space<hbm>>
        %dma_wait3A_277 = tpu.memref_squeeze %dma_wait3A_276 : memref<1x128xi32, #tpu.memory_space<hbm>> -> memref<128xi32, #tpu.memory_space<hbm>>
        tpu.wait_dma2 semaphore(%arg16 : memref<!tpu.dma_semaphore, #tpu.memory_space<semaphore_mem>>) src(%dma_wait3A_277 : memref<128xi32, #tpu.memory_space<hbm>>) dst(%dma_wait3A_270 : memref<128xi32, #tpu.memory_space<vmem>>)
        %dma_start3A_278 = arith.constant 2 : i32
        %dma_start3A_279 = arith.constant 0 : i32
        %dma_start3A_280 = tpu.memref_slice %arg8[%dma_start3A_278, %dma_start3A_279] : memref<4x128xi32, #tpu.memory_space<vmem>> -> memref<1x128xi32, #tpu.memory_space<vmem>>
        %dma_start3A_281 = tpu.memref_squeeze %dma_start3A_280 : memref<1x128xi32, #tpu.memory_space<vmem>> -> memref<128xi32, #tpu.memory_space<vmem>>
        %dma_start3A_282 = arith.constant 0 : i32
        %dma_start3A_283 = arith.constant 0 : i32
        %dma_start3A_284 = tpu.memref_slice %arg2[%dma_start3A_282, %dma_start3A_283] : memref<10112x128xf32, #tpu.memory_space<hbm>> -> memref<10112x128xf32, #tpu.memory_space<hbm>>
        tpu.enqueue_indirect_dma source(%dma_start3A_284 : memref<10112x128xf32, #tpu.memory_space<hbm>>) target(%arg9 : memref<128x128xf32, #tpu.memory_space<vmem>>) offsets(%dma_start3A_281 : memref<128xi32, #tpu.memory_space<vmem>>) semaphore(%arg12 : memref<!tpu.dma_semaphore, #tpu.memory_space<semaphore_mem>>)
      } else {
      }
      %add3A_176 = arith.constant 4 : i32
      %add3A_177 = arith.addi %add3A_165, %add3A_176 : i32
      %lt3A_178 = arith.constant 84 : i32
      %lt3A_179 = arith.cmpi slt, %add3A_177, %lt3A_178 : i32
      %convert_element_type3A_180 = arith.extui %lt3A_179 : i1 to i32
      %cond3A_181 = arith.constant 0 : i32
      %cond3A_182 = arith.cmpi ne, %convert_element_type3A_180, %cond3A_181 : i32
      scf.if %cond3A_182 {
        %dma_start3A_255 = arith.constant 0 : i32
        %dma_start3A_256 = arith.constant 0 : i32
        %dma_start3A_257 = tpu.memref_slice %arg8[%dma_start3A_255, %dma_start3A_256] : memref<4x128xi32, #tpu.memory_space<vmem>> -> memref<1x128xi32, #tpu.memory_space<vmem>>
        %dma_start3A_258 = tpu.memref_squeeze %dma_start3A_257 : memref<1x128xi32, #tpu.memory_space<vmem>> -> memref<128xi32, #tpu.memory_space<vmem>>
        %dma_start3A_259 = arith.constant 0 : i32
        %dma_start3A_260 = arith.constant 0 : i32
        %dma_start3A_261 = tpu.memref_slice %arg3[%add3A, %dma_start3A_259, %dma_start3A_260] : memref<32x84x128xi32, #tpu.memory_space<hbm>> -> memref<1x84x128xi32, #tpu.memory_space<hbm>>
        %dma_start3A_262 = tpu.memref_squeeze %dma_start3A_261 : memref<1x84x128xi32, #tpu.memory_space<hbm>> -> memref<84x128xi32, #tpu.memory_space<hbm>>
        %dma_start3A_263 = arith.constant 0 : i32
        %dma_start3A_264 = tpu.memref_slice %dma_start3A_262[%add3A_177, %dma_start3A_263] : memref<84x128xi32, #tpu.memory_space<hbm>> -> memref<1x128xi32, #tpu.memory_space<hbm>>
        %dma_start3A_265 = tpu.memref_squeeze %dma_start3A_264 : memref<1x128xi32, #tpu.memory_space<hbm>> -> memref<128xi32, #tpu.memory_space<hbm>>
        %dma_start3A_266 = arith.constant 0 : i32
        %dma_start3A_267 = tpu.memref_slice %arg8[%dma_start3A_255, %dma_start3A_266] : memref<4x128xi32, #tpu.memory_space<vmem>> -> memref<1x128xi32, #tpu.memory_space<vmem>>
        %dma_start3A_268 = tpu.memref_squeeze %dma_start3A_267 : memref<1x128xi32, #tpu.memory_space<vmem>> -> memref<128xi32, #tpu.memory_space<vmem>>
        %dma_start3A_269 = arith.constant 0 : i32
        %dma_start3A_270 = arith.constant 0 : i32
        %dma_start3A_271 = tpu.memref_slice %arg3[%add3A, %dma_start3A_269, %dma_start3A_270] : memref<32x84x128xi32, #tpu.memory_space<hbm>> -> memref<1x84x128xi32, #tpu.memory_space<hbm>>
        %dma_start3A_272 = tpu.memref_squeeze %dma_start3A_271 : memref<1x84x128xi32, #tpu.memory_space<hbm>> -> memref<84x128xi32, #tpu.memory_space<hbm>>
        %dma_start3A_273 = arith.constant 0 : i32
        %dma_start3A_274 = tpu.memref_slice %dma_start3A_272[%add3A_177, %dma_start3A_273] : memref<84x128xi32, #tpu.memory_space<hbm>> -> memref<1x128xi32, #tpu.memory_space<hbm>>
        %dma_start3A_275 = tpu.memref_squeeze %dma_start3A_274 : memref<1x128xi32, #tpu.memory_space<hbm>> -> memref<128xi32, #tpu.memory_space<hbm>>
        tpu.enqueue_dma source(%dma_start3A_275 : memref<128xi32, #tpu.memory_space<hbm>>) target(%dma_start3A_268 : memref<128xi32, #tpu.memory_space<vmem>>) target_semaphore(%arg14 : memref<!tpu.dma_semaphore, #tpu.memory_space<semaphore_mem>>)
      } else {
      }
      %mul3A_183 = arith.constant 4 : i32
      %mul3A_184 = arith.muli %scan3A_161, %mul3A_183 : i32
      %add3A_185 = arith.constant 1 : i32
      %add3A_186 = arith.addi %mul3A_184, %add3A_185 : i32
      %dma_wait3A_187 = arith.constant 0 : i32
      %dma_wait3A_188 = arith.constant 0 : i32
      %dma_wait3A_189 = tpu.memref_slice %arg5[%dma_wait3A_187, %dma_wait3A_188] : memref<10112x128xf32, #tpu.memory_space<hbm>> -> memref<128x128xf32, #tpu.memory_space<hbm>>
      %dma_wait3A_190 = arith.constant 0 : i32
      %dma_wait3A_191 = arith.constant 0 : i32
      %dma_wait3A_192 = tpu.memref_slice %arg5[%dma_wait3A_190, %dma_wait3A_191] : memref<10112x128xf32, #tpu.memory_space<hbm>> -> memref<128x128xf32, #tpu.memory_space<hbm>>
      tpu.wait_dma2 semaphore(%arg13 : memref<!tpu.dma_semaphore, #tpu.memory_space<semaphore_mem>>) src(%dma_wait3A_192 : memref<128x128xf32, #tpu.memory_space<hbm>>) dst(%arg10 : memref<128x128xf32, #tpu.memory_space<vmem>>)
      "tpu.region"() ({
        %run_scoped3A = tpu.sem_alloc : memref<!tpu.dma_semaphore, #tpu.memory_space<semaphore_mem>>
        %dma_start3A_255 = arith.constant 0 : i32
        %dma_start3A_256 = tpu.memref_slice %arg7[%add3A_186, %dma_start3A_255] : memref<84x128xi32, #tpu.memory_space<vmem>> -> memref<1x128xi32, #tpu.memory_space<vmem>>
        %dma_start3A_257 = tpu.memref_squeeze %dma_start3A_256 : memref<1x128xi32, #tpu.memory_space<vmem>> -> memref<128xi32, #tpu.memory_space<vmem>>
        %dma_start3A_258 = arith.constant 0 : i32
        %dma_start3A_259 = arith.constant 0 : i32
        %dma_start3A_260 = tpu.memref_slice %arg11[%dma_start3A_258, %dma_start3A_259] : memref<10112x128xf32, #tpu.memory_space<vmem_shared>> -> memref<10112x128xf32, #tpu.memory_space<vmem_shared>>
        tpu.enqueue_indirect_dma source(%arg10 : memref<128x128xf32, #tpu.memory_space<vmem>>) target(%dma_start3A_260 : memref<10112x128xf32, #tpu.memory_space<vmem_shared>>) offsets(%dma_start3A_257 : memref<128xi32, #tpu.memory_space<vmem>>) semaphore(%run_scoped3A : memref<!tpu.dma_semaphore, #tpu.memory_space<semaphore_mem>>) {add = true}
        %dma_wait3A_261 = arith.constant 0 : i32
        %dma_wait3A_262 = tpu.memref_slice %arg7[%add3A_186, %dma_wait3A_261] : memref<84x128xi32, #tpu.memory_space<vmem>> -> memref<1x128xi32, #tpu.memory_space<vmem>>
        %dma_wait3A_263 = tpu.memref_squeeze %dma_wait3A_262 : memref<1x128xi32, #tpu.memory_space<vmem>> -> memref<128xi32, #tpu.memory_space<vmem>>
        %dma_wait3A_264 = arith.constant 0 : i32
        %dma_wait3A_265 = arith.constant 0 : i32
        %dma_wait3A_266 = tpu.memref_slice %arg11[%dma_wait3A_264, %dma_wait3A_265] : memref<10112x128xf32, #tpu.memory_space<vmem_shared>> -> memref<10112x128xf32, #tpu.memory_space<vmem_shared>>
        tpu.wait_indirect_dma semaphore(%run_scoped3A : memref<!tpu.dma_semaphore, #tpu.memory_space<semaphore_mem>>) src(%arg10 : memref<128x128xf32, #tpu.memory_space<vmem>>) dst(%dma_wait3A_266 : memref<10112x128xf32, #tpu.memory_space<vmem_shared>>)
        tpu.yield
      }) : () -> ()
      %add3A_193 = arith.constant 2 : i32
      %add3A_194 = arith.addi %add3A_186, %add3A_193 : i32
      %lt3A_195 = arith.constant 84 : i32
      %lt3A_196 = arith.cmpi slt, %add3A_194, %lt3A_195 : i32
      %convert_element_type3A_197 = arith.extui %lt3A_196 : i1 to i32
      %cond3A_198 = arith.constant 0 : i32
      %cond3A_199 = arith.cmpi ne, %convert_element_type3A_197, %cond3A_198 : i32
      scf.if %cond3A_199 {
        %dma_wait3A_255 = arith.constant 0 : i32
        %dma_wait3A_256 = arith.constant 0 : i32
        %dma_wait3A_257 = arith.constant 3 : i32
        %dma_wait3A_258 = arith.constant 0 : i32
        %dma_wait3A_259 = tpu.memref_slice %arg8[%dma_wait3A_257, %dma_wait3A_258] : memref<4x128xi32, #tpu.memory_space<vmem>> -> memref<1x128xi32, #tpu.memory_space<vmem>>
        %dma_wait3A_260 = tpu.memref_squeeze %dma_wait3A_259 : memref<1x128xi32, #tpu.memory_space<vmem>> -> memref<128xi32, #tpu.memory_space<vmem>>
        %dma_wait3A_261 = arith.constant 0 : i32
        %dma_wait3A_262 = arith.constant 0 : i32
        %dma_wait3A_263 = tpu.memref_slice %arg3[%dma_wait3A_255, %dma_wait3A_261, %dma_wait3A_262] : memref<32x84x128xi32, #tpu.memory_space<hbm>> -> memref<1x84x128xi32, #tpu.memory_space<hbm>>
        %dma_wait3A_264 = tpu.memref_squeeze %dma_wait3A_263 : memref<1x84x128xi32, #tpu.memory_space<hbm>> -> memref<84x128xi32, #tpu.memory_space<hbm>>
        %dma_wait3A_265 = arith.constant 0 : i32
        %dma_wait3A_266 = tpu.memref_slice %dma_wait3A_264[%dma_wait3A_256, %dma_wait3A_265] : memref<84x128xi32, #tpu.memory_space<hbm>> -> memref<1x128xi32, #tpu.memory_space<hbm>>
        %dma_wait3A_267 = tpu.memref_squeeze %dma_wait3A_266 : memref<1x128xi32, #tpu.memory_space<hbm>> -> memref<128xi32, #tpu.memory_space<hbm>>
        %dma_wait3A_268 = arith.constant 0 : i32
        %dma_wait3A_269 = tpu.memref_slice %arg8[%dma_wait3A_257, %dma_wait3A_268] : memref<4x128xi32, #tpu.memory_space<vmem>> -> memref<1x128xi32, #tpu.memory_space<vmem>>
        %dma_wait3A_270 = tpu.memref_squeeze %dma_wait3A_269 : memref<1x128xi32, #tpu.memory_space<vmem>> -> memref<128xi32, #tpu.memory_space<vmem>>
        %dma_wait3A_271 = arith.constant 0 : i32
        %dma_wait3A_272 = arith.constant 0 : i32
        %dma_wait3A_273 = tpu.memref_slice %arg3[%dma_wait3A_255, %dma_wait3A_271, %dma_wait3A_272] : memref<32x84x128xi32, #tpu.memory_space<hbm>> -> memref<1x84x128xi32, #tpu.memory_space<hbm>>
        %dma_wait3A_274 = tpu.memref_squeeze %dma_wait3A_273 : memref<1x84x128xi32, #tpu.memory_space<hbm>> -> memref<84x128xi32, #tpu.memory_space<hbm>>
        %dma_wait3A_275 = arith.constant 0 : i32
        %dma_wait3A_276 = tpu.memref_slice %dma_wait3A_274[%dma_wait3A_256, %dma_wait3A_275] : memref<84x128xi32, #tpu.memory_space<hbm>> -> memref<1x128xi32, #tpu.memory_space<hbm>>
        %dma_wait3A_277 = tpu.memref_squeeze %dma_wait3A_276 : memref<1x128xi32, #tpu.memory_space<hbm>> -> memref<128xi32, #tpu.memory_space<hbm>>
        tpu.wait_dma2 semaphore(%arg17 : memref<!tpu.dma_semaphore, #tpu.memory_space<semaphore_mem>>) src(%dma_wait3A_277 : memref<128xi32, #tpu.memory_space<hbm>>) dst(%dma_wait3A_270 : memref<128xi32, #tpu.memory_space<vmem>>)
        %dma_start3A_278 = arith.constant 3 : i32
        %dma_start3A_279 = arith.constant 0 : i32
        %dma_start3A_280 = tpu.memref_slice %arg8[%dma_start3A_278, %dma_start3A_279] : memref<4x128xi32, #tpu.memory_space<vmem>> -> memref<1x128xi32, #tpu.memory_space<vmem>>
        %dma_start3A_281 = tpu.memref_squeeze %dma_start3A_280 : memref<1x128xi32, #tpu.memory_space<vmem>> -> memref<128xi32, #tpu.memory_space<vmem>>
        %dma_start3A_282 = arith.constant 0 : i32
        %dma_start3A_283 = arith.constant 0 : i32
        %dma_start3A_284 = tpu.memref_slice %arg2[%dma_start3A_282, %dma_start3A_283] : memref<10112x128xf32, #tpu.memory_space<hbm>> -> memref<10112x128xf32, #tpu.memory_space<hbm>>
        tpu.enqueue_indirect_dma source(%dma_start3A_284 : memref<10112x128xf32, #tpu.memory_space<hbm>>) target(%arg10 : memref<128x128xf32, #tpu.memory_space<vmem>>) offsets(%dma_start3A_281 : memref<128xi32, #tpu.memory_space<vmem>>) semaphore(%arg13 : memref<!tpu.dma_semaphore, #tpu.memory_space<semaphore_mem>>)
      } else {
      }
      %add3A_200 = arith.constant 4 : i32
      %add3A_201 = arith.addi %add3A_186, %add3A_200 : i32
      %lt3A_202 = arith.constant 84 : i32
      %lt3A_203 = arith.cmpi slt, %add3A_201, %lt3A_202 : i32
      %convert_element_type3A_204 = arith.extui %lt3A_203 : i1 to i32
      %cond3A_205 = arith.constant 0 : i32
      %cond3A_206 = arith.cmpi ne, %convert_element_type3A_204, %cond3A_205 : i32
      scf.if %cond3A_206 {
        %dma_start3A_255 = arith.constant 1 : i32
        %dma_start3A_256 = arith.constant 0 : i32
        %dma_start3A_257 = tpu.memref_slice %arg8[%dma_start3A_255, %dma_start3A_256] : memref<4x128xi32, #tpu.memory_space<vmem>> -> memref<1x128xi32, #tpu.memory_space<vmem>>
        %dma_start3A_258 = tpu.memref_squeeze %dma_start3A_257 : memref<1x128xi32, #tpu.memory_space<vmem>> -> memref<128xi32, #tpu.memory_space<vmem>>
        %dma_start3A_259 = arith.constant 0 : i32
        %dma_start3A_260 = arith.constant 0 : i32
        %dma_start3A_261 = tpu.memref_slice %arg3[%add3A, %dma_start3A_259, %dma_start3A_260] : memref<32x84x128xi32, #tpu.memory_space<hbm>> -> memref<1x84x128xi32, #tpu.memory_space<hbm>>
        %dma_start3A_262 = tpu.memref_squeeze %dma_start3A_261 : memref<1x84x128xi32, #tpu.memory_space<hbm>> -> memref<84x128xi32, #tpu.memory_space<hbm>>
        %dma_start3A_263 = arith.constant 0 : i32
        %dma_start3A_264 = tpu.memref_slice %dma_start3A_262[%add3A_201, %dma_start3A_263] : memref<84x128xi32, #tpu.memory_space<hbm>> -> memref<1x128xi32, #tpu.memory_space<hbm>>
        %dma_start3A_265 = tpu.memref_squeeze %dma_start3A_264 : memref<1x128xi32, #tpu.memory_space<hbm>> -> memref<128xi32, #tpu.memory_space<hbm>>
        %dma_start3A_266 = arith.constant 0 : i32
        %dma_start3A_267 = tpu.memref_slice %arg8[%dma_start3A_255, %dma_start3A_266] : memref<4x128xi32, #tpu.memory_space<vmem>> -> memref<1x128xi32, #tpu.memory_space<vmem>>
        %dma_start3A_268 = tpu.memref_squeeze %dma_start3A_267 : memref<1x128xi32, #tpu.memory_space<vmem>> -> memref<128xi32, #tpu.memory_space<vmem>>
        %dma_start3A_269 = arith.constant 0 : i32
        %dma_start3A_270 = arith.constant 0 : i32
        %dma_start3A_271 = tpu.memref_slice %arg3[%add3A, %dma_start3A_269, %dma_start3A_270] : memref<32x84x128xi32, #tpu.memory_space<hbm>> -> memref<1x84x128xi32, #tpu.memory_space<hbm>>
        %dma_start3A_272 = tpu.memref_squeeze %dma_start3A_271 : memref<1x84x128xi32, #tpu.memory_space<hbm>> -> memref<84x128xi32, #tpu.memory_space<hbm>>
        %dma_start3A_273 = arith.constant 0 : i32
        %dma_start3A_274 = tpu.memref_slice %dma_start3A_272[%add3A_201, %dma_start3A_273] : memref<84x128xi32, #tpu.memory_space<hbm>> -> memref<1x128xi32, #tpu.memory_space<hbm>>
        %dma_start3A_275 = tpu.memref_squeeze %dma_start3A_274 : memref<1x128xi32, #tpu.memory_space<hbm>> -> memref<128xi32, #tpu.memory_space<hbm>>
        tpu.enqueue_dma source(%dma_start3A_275 : memref<128xi32, #tpu.memory_space<hbm>>) target(%dma_start3A_268 : memref<128xi32, #tpu.memory_space<vmem>>) target_semaphore(%arg15 : memref<!tpu.dma_semaphore, #tpu.memory_space<semaphore_mem>>)
      } else {
      }
      %mul3A_207 = arith.constant 4 : i32
      %mul3A_208 = arith.muli %scan3A_161, %mul3A_207 : i32
      %add3A_209 = arith.constant 2 : i32
      %add3A_210 = arith.addi %mul3A_208, %add3A_209 : i32
      %dma_wait3A_211 = arith.constant 0 : i32
      %dma_wait3A_212 = arith.constant 0 : i32
      %dma_wait3A_213 = tpu.memref_slice %arg5[%dma_wait3A_211, %dma_wait3A_212] : memref<10112x128xf32, #tpu.memory_space<hbm>> -> memref<128x128xf32, #tpu.memory_space<hbm>>
      %dma_wait3A_214 = arith.constant 0 : i32
      %dma_wait3A_215 = arith.constant 0 : i32
      %dma_wait3A_216 = tpu.memref_slice %arg5[%dma_wait3A_214, %dma_wait3A_215] : memref<10112x128xf32, #tpu.memory_space<hbm>> -> memref<128x128xf32, #tpu.memory_space<hbm>>
      tpu.wait_dma2 semaphore(%arg12 : memref<!tpu.dma_semaphore, #tpu.memory_space<semaphore_mem>>) src(%dma_wait3A_216 : memref<128x128xf32, #tpu.memory_space<hbm>>) dst(%arg9 : memref<128x128xf32, #tpu.memory_space<vmem>>)
      "tpu.region"() ({
        %run_scoped3A = tpu.sem_alloc : memref<!tpu.dma_semaphore, #tpu.memory_space<semaphore_mem>>
        %dma_start3A_255 = arith.constant 0 : i32
        %dma_start3A_256 = tpu.memref_slice %arg7[%add3A_210, %dma_start3A_255] : memref<84x128xi32, #tpu.memory_space<vmem>> -> memref<1x128xi32, #tpu.memory_space<vmem>>
        %dma_start3A_257 = tpu.memref_squeeze %dma_start3A_256 : memref<1x128xi32, #tpu.memory_space<vmem>> -> memref<128xi32, #tpu.memory_space<vmem>>
        %dma_start3A_258 = arith.constant 0 : i32
        %dma_start3A_259 = arith.constant 0 : i32
        %dma_start3A_260 = tpu.memref_slice %arg11[%dma_start3A_258, %dma_start3A_259] : memref<10112x128xf32, #tpu.memory_space<vmem_shared>> -> memref<10112x128xf32, #tpu.memory_space<vmem_shared>>
        tpu.enqueue_indirect_dma source(%arg9 : memref<128x128xf32, #tpu.memory_space<vmem>>) target(%dma_start3A_260 : memref<10112x128xf32, #tpu.memory_space<vmem_shared>>) offsets(%dma_start3A_257 : memref<128xi32, #tpu.memory_space<vmem>>) semaphore(%run_scoped3A : memref<!tpu.dma_semaphore, #tpu.memory_space<semaphore_mem>>) {add = true}
        %dma_wait3A_261 = arith.constant 0 : i32
        %dma_wait3A_262 = tpu.memref_slice %arg7[%add3A_210, %dma_wait3A_261] : memref<84x128xi32, #tpu.memory_space<vmem>> -> memref<1x128xi32, #tpu.memory_space<vmem>>
        %dma_wait3A_263 = tpu.memref_squeeze %dma_wait3A_262 : memref<1x128xi32, #tpu.memory_space<vmem>> -> memref<128xi32, #tpu.memory_space<vmem>>
        %dma_wait3A_264 = arith.constant 0 : i32
        %dma_wait3A_265 = arith.constant 0 : i32
        %dma_wait3A_266 = tpu.memref_slice %arg11[%dma_wait3A_264, %dma_wait3A_265] : memref<10112x128xf32, #tpu.memory_space<vmem_shared>> -> memref<10112x128xf32, #tpu.memory_space<vmem_shared>>
        tpu.wait_indirect_dma semaphore(%run_scoped3A : memref<!tpu.dma_semaphore, #tpu.memory_space<semaphore_mem>>) src(%arg9 : memref<128x128xf32, #tpu.memory_space<vmem>>) dst(%dma_wait3A_266 : memref<10112x128xf32, #tpu.memory_space<vmem_shared>>)
        tpu.yield
      }) : () -> ()
      %add3A_217 = arith.constant 2 : i32
      %add3A_218 = arith.addi %add3A_210, %add3A_217 : i32
      %lt3A_219 = arith.constant 84 : i32
      %lt3A_220 = arith.cmpi slt, %add3A_218, %lt3A_219 : i32
      %convert_element_type3A_221 = arith.extui %lt3A_220 : i1 to i32
      %cond3A_222 = arith.constant 0 : i32
      %cond3A_223 = arith.cmpi ne, %convert_element_type3A_221, %cond3A_222 : i32
      scf.if %cond3A_223 {
        %dma_wait3A_255 = arith.constant 0 : i32
        %dma_wait3A_256 = arith.constant 0 : i32
        %dma_wait3A_257 = arith.constant 0 : i32
        %dma_wait3A_258 = arith.constant 0 : i32
        %dma_wait3A_259 = tpu.memref_slice %arg8[%dma_wait3A_257, %dma_wait3A_258] : memref<4x128xi32, #tpu.memory_space<vmem>> -> memref<1x128xi32, #tpu.memory_space<vmem>>
        %dma_wait3A_260 = tpu.memref_squeeze %dma_wait3A_259 : memref<1x128xi32, #tpu.memory_space<vmem>> -> memref<128xi32, #tpu.memory_space<vmem>>
        %dma_wait3A_261 = arith.constant 0 : i32
        %dma_wait3A_262 = arith.constant 0 : i32
        %dma_wait3A_263 = tpu.memref_slice %arg3[%dma_wait3A_255, %dma_wait3A_261, %dma_wait3A_262] : memref<32x84x128xi32, #tpu.memory_space<hbm>> -> memref<1x84x128xi32, #tpu.memory_space<hbm>>
        %dma_wait3A_264 = tpu.memref_squeeze %dma_wait3A_263 : memref<1x84x128xi32, #tpu.memory_space<hbm>> -> memref<84x128xi32, #tpu.memory_space<hbm>>
        %dma_wait3A_265 = arith.constant 0 : i32
        %dma_wait3A_266 = tpu.memref_slice %dma_wait3A_264[%dma_wait3A_256, %dma_wait3A_265] : memref<84x128xi32, #tpu.memory_space<hbm>> -> memref<1x128xi32, #tpu.memory_space<hbm>>
        %dma_wait3A_267 = tpu.memref_squeeze %dma_wait3A_266 : memref<1x128xi32, #tpu.memory_space<hbm>> -> memref<128xi32, #tpu.memory_space<hbm>>
        %dma_wait3A_268 = arith.constant 0 : i32
        %dma_wait3A_269 = tpu.memref_slice %arg8[%dma_wait3A_257, %dma_wait3A_268] : memref<4x128xi32, #tpu.memory_space<vmem>> -> memref<1x128xi32, #tpu.memory_space<vmem>>
        %dma_wait3A_270 = tpu.memref_squeeze %dma_wait3A_269 : memref<1x128xi32, #tpu.memory_space<vmem>> -> memref<128xi32, #tpu.memory_space<vmem>>
        %dma_wait3A_271 = arith.constant 0 : i32
        %dma_wait3A_272 = arith.constant 0 : i32
        %dma_wait3A_273 = tpu.memref_slice %arg3[%dma_wait3A_255, %dma_wait3A_271, %dma_wait3A_272] : memref<32x84x128xi32, #tpu.memory_space<hbm>> -> memref<1x84x128xi32, #tpu.memory_space<hbm>>
        %dma_wait3A_274 = tpu.memref_squeeze %dma_wait3A_273 : memref<1x84x128xi32, #tpu.memory_space<hbm>> -> memref<84x128xi32, #tpu.memory_space<hbm>>
        %dma_wait3A_275 = arith.constant 0 : i32
        %dma_wait3A_276 = tpu.memref_slice %dma_wait3A_274[%dma_wait3A_256, %dma_wait3A_275] : memref<84x128xi32, #tpu.memory_space<hbm>> -> memref<1x128xi32, #tpu.memory_space<hbm>>
        %dma_wait3A_277 = tpu.memref_squeeze %dma_wait3A_276 : memref<1x128xi32, #tpu.memory_space<hbm>> -> memref<128xi32, #tpu.memory_space<hbm>>
        tpu.wait_dma2 semaphore(%arg14 : memref<!tpu.dma_semaphore, #tpu.memory_space<semaphore_mem>>) src(%dma_wait3A_277 : memref<128xi32, #tpu.memory_space<hbm>>) dst(%dma_wait3A_270 : memref<128xi32, #tpu.memory_space<vmem>>)
        %dma_start3A_278 = arith.constant 0 : i32
        %dma_start3A_279 = arith.constant 0 : i32
        %dma_start3A_280 = tpu.memref_slice %arg8[%dma_start3A_278, %dma_start3A_279] : memref<4x128xi32, #tpu.memory_space<vmem>> -> memref<1x128xi32, #tpu.memory_space<vmem>>
        %dma_start3A_281 = tpu.memref_squeeze %dma_start3A_280 : memref<1x128xi32, #tpu.memory_space<vmem>> -> memref<128xi32, #tpu.memory_space<vmem>>
        %dma_start3A_282 = arith.constant 0 : i32
        %dma_start3A_283 = arith.constant 0 : i32
        %dma_start3A_284 = tpu.memref_slice %arg2[%dma_start3A_282, %dma_start3A_283] : memref<10112x128xf32, #tpu.memory_space<hbm>> -> memref<10112x128xf32, #tpu.memory_space<hbm>>
        tpu.enqueue_indirect_dma source(%dma_start3A_284 : memref<10112x128xf32, #tpu.memory_space<hbm>>) target(%arg9 : memref<128x128xf32, #tpu.memory_space<vmem>>) offsets(%dma_start3A_281 : memref<128xi32, #tpu.memory_space<vmem>>) semaphore(%arg12 : memref<!tpu.dma_semaphore, #tpu.memory_space<semaphore_mem>>)
      } else {
      }
      %add3A_224 = arith.constant 4 : i32
      %add3A_225 = arith.addi %add3A_210, %add3A_224 : i32
      %lt3A_226 = arith.constant 84 : i32
      %lt3A_227 = arith.cmpi slt, %add3A_225, %lt3A_226 : i32
      %convert_element_type3A_228 = arith.extui %lt3A_227 : i1 to i32
      %cond3A_229 = arith.constant 0 : i32
      %cond3A_230 = arith.cmpi ne, %convert_element_type3A_228, %cond3A_229 : i32
      scf.if %cond3A_230 {
        %dma_start3A_255 = arith.constant 2 : i32
        %dma_start3A_256 = arith.constant 0 : i32
        %dma_start3A_257 = tpu.memref_slice %arg8[%dma_start3A_255, %dma_start3A_256] : memref<4x128xi32, #tpu.memory_space<vmem>> -> memref<1x128xi32, #tpu.memory_space<vmem>>
        %dma_start3A_258 = tpu.memref_squeeze %dma_start3A_257 : memref<1x128xi32, #tpu.memory_space<vmem>> -> memref<128xi32, #tpu.memory_space<vmem>>
        %dma_start3A_259 = arith.constant 0 : i32
        %dma_start3A_260 = arith.constant 0 : i32
        %dma_start3A_261 = tpu.memref_slice %arg3[%add3A, %dma_start3A_259, %dma_start3A_260] : memref<32x84x128xi32, #tpu.memory_space<hbm>> -> memref<1x84x128xi32, #tpu.memory_space<hbm>>
        %dma_start3A_262 = tpu.memref_squeeze %dma_start3A_261 : memref<1x84x128xi32, #tpu.memory_space<hbm>> -> memref<84x128xi32, #tpu.memory_space<hbm>>
        %dma_start3A_263 = arith.constant 0 : i32
        %dma_start3A_264 = tpu.memref_slice %dma_start3A_262[%add3A_225, %dma_start3A_263] : memref<84x128xi32, #tpu.memory_space<hbm>> -> memref<1x128xi32, #tpu.memory_space<hbm>>
        %dma_start3A_265 = tpu.memref_squeeze %dma_start3A_264 : memref<1x128xi32, #tpu.memory_space<hbm>> -> memref<128xi32, #tpu.memory_space<hbm>>
        %dma_start3A_266 = arith.constant 0 : i32
        %dma_start3A_267 = tpu.memref_slice %arg8[%dma_start3A_255, %dma_start3A_266] : memref<4x128xi32, #tpu.memory_space<vmem>> -> memref<1x128xi32, #tpu.memory_space<vmem>>
        %dma_start3A_268 = tpu.memref_squeeze %dma_start3A_267 : memref<1x128xi32, #tpu.memory_space<vmem>> -> memref<128xi32, #tpu.memory_space<vmem>>
        %dma_start3A_269 = arith.constant 0 : i32
        %dma_start3A_270 = arith.constant 0 : i32
        %dma_start3A_271 = tpu.memref_slice %arg3[%add3A, %dma_start3A_269, %dma_start3A_270] : memref<32x84x128xi32, #tpu.memory_space<hbm>> -> memref<1x84x128xi32, #tpu.memory_space<hbm>>
        %dma_start3A_272 = tpu.memref_squeeze %dma_start3A_271 : memref<1x84x128xi32, #tpu.memory_space<hbm>> -> memref<84x128xi32, #tpu.memory_space<hbm>>
        %dma_start3A_273 = arith.constant 0 : i32
        %dma_start3A_274 = tpu.memref_slice %dma_start3A_272[%add3A_225, %dma_start3A_273] : memref<84x128xi32, #tpu.memory_space<hbm>> -> memref<1x128xi32, #tpu.memory_space<hbm>>
        %dma_start3A_275 = tpu.memref_squeeze %dma_start3A_274 : memref<1x128xi32, #tpu.memory_space<hbm>> -> memref<128xi32, #tpu.memory_space<hbm>>
        tpu.enqueue_dma source(%dma_start3A_275 : memref<128xi32, #tpu.memory_space<hbm>>) target(%dma_start3A_268 : memref<128xi32, #tpu.memory_space<vmem>>) target_semaphore(%arg16 : memref<!tpu.dma_semaphore, #tpu.memory_space<semaphore_mem>>)
      } else {
      }
      %mul3A_231 = arith.constant 4 : i32
      %mul3A_232 = arith.muli %scan3A_161, %mul3A_231 : i32
      %add3A_233 = arith.constant 3 : i32
      %add3A_234 = arith.addi %mul3A_232, %add3A_233 : i32
      %dma_wait3A_235 = arith.constant 0 : i32
      %dma_wait3A_236 = arith.constant 0 : i32
      %dma_wait3A_237 = tpu.memref_slice %arg5[%dma_wait3A_235, %dma_wait3A_236] : memref<10112x128xf32, #tpu.memory_space<hbm>> -> memref<128x128xf32, #tpu.memory_space<hbm>>
      %dma_wait3A_238 = arith.constant 0 : i32
      %dma_wait3A_239 = arith.constant 0 : i32
      %dma_wait3A_240 = tpu.memref_slice %arg5[%dma_wait3A_238, %dma_wait3A_239] : memref<10112x128xf32, #tpu.memory_space<hbm>> -> memref<128x128xf32, #tpu.memory_space<hbm>>
      tpu.wait_dma2 semaphore(%arg13 : memref<!tpu.dma_semaphore, #tpu.memory_space<semaphore_mem>>) src(%dma_wait3A_240 : memref<128x128xf32, #tpu.memory_space<hbm>>) dst(%arg10 : memref<128x128xf32, #tpu.memory_space<vmem>>)
      "tpu.region"() ({
        %run_scoped3A = tpu.sem_alloc : memref<!tpu.dma_semaphore, #tpu.memory_space<semaphore_mem>>
        %dma_start3A_255 = arith.constant 0 : i32
        %dma_start3A_256 = tpu.memref_slice %arg7[%add3A_234, %dma_start3A_255] : memref<84x128xi32, #tpu.memory_space<vmem>> -> memref<1x128xi32, #tpu.memory_space<vmem>>
        %dma_start3A_257 = tpu.memref_squeeze %dma_start3A_256 : memref<1x128xi32, #tpu.memory_space<vmem>> -> memref<128xi32, #tpu.memory_space<vmem>>
        %dma_start3A_258 = arith.constant 0 : i32
        %dma_start3A_259 = arith.constant 0 : i32
        %dma_start3A_260 = tpu.memref_slice %arg11[%dma_start3A_258, %dma_start3A_259] : memref<10112x128xf32, #tpu.memory_space<vmem_shared>> -> memref<10112x128xf32, #tpu.memory_space<vmem_shared>>
        tpu.enqueue_indirect_dma source(%arg10 : memref<128x128xf32, #tpu.memory_space<vmem>>) target(%dma_start3A_260 : memref<10112x128xf32, #tpu.memory_space<vmem_shared>>) offsets(%dma_start3A_257 : memref<128xi32, #tpu.memory_space<vmem>>) semaphore(%run_scoped3A : memref<!tpu.dma_semaphore, #tpu.memory_space<semaphore_mem>>) {add = true}
        %dma_wait3A_261 = arith.constant 0 : i32
        %dma_wait3A_262 = tpu.memref_slice %arg7[%add3A_234, %dma_wait3A_261] : memref<84x128xi32, #tpu.memory_space<vmem>> -> memref<1x128xi32, #tpu.memory_space<vmem>>
        %dma_wait3A_263 = tpu.memref_squeeze %dma_wait3A_262 : memref<1x128xi32, #tpu.memory_space<vmem>> -> memref<128xi32, #tpu.memory_space<vmem>>
        %dma_wait3A_264 = arith.constant 0 : i32
        %dma_wait3A_265 = arith.constant 0 : i32
        %dma_wait3A_266 = tpu.memref_slice %arg11[%dma_wait3A_264, %dma_wait3A_265] : memref<10112x128xf32, #tpu.memory_space<vmem_shared>> -> memref<10112x128xf32, #tpu.memory_space<vmem_shared>>
        tpu.wait_indirect_dma semaphore(%run_scoped3A : memref<!tpu.dma_semaphore, #tpu.memory_space<semaphore_mem>>) src(%arg10 : memref<128x128xf32, #tpu.memory_space<vmem>>) dst(%dma_wait3A_266 : memref<10112x128xf32, #tpu.memory_space<vmem_shared>>)
        tpu.yield
      }) : () -> ()
      %add3A_241 = arith.constant 2 : i32
      %add3A_242 = arith.addi %add3A_234, %add3A_241 : i32
      %lt3A_243 = arith.constant 84 : i32
      %lt3A_244 = arith.cmpi slt, %add3A_242, %lt3A_243 : i32
      %convert_element_type3A_245 = arith.extui %lt3A_244 : i1 to i32
      %cond3A_246 = arith.constant 0 : i32
      %cond3A_247 = arith.cmpi ne, %convert_element_type3A_245, %cond3A_246 : i32
      scf.if %cond3A_247 {
        %dma_wait3A_255 = arith.constant 0 : i32
        %dma_wait3A_256 = arith.constant 0 : i32
        %dma_wait3A_257 = arith.constant 1 : i32
        %dma_wait3A_258 = arith.constant 0 : i32
        %dma_wait3A_259 = tpu.memref_slice %arg8[%dma_wait3A_257, %dma_wait3A_258] : memref<4x128xi32, #tpu.memory_space<vmem>> -> memref<1x128xi32, #tpu.memory_space<vmem>>
        %dma_wait3A_260 = tpu.memref_squeeze %dma_wait3A_259 : memref<1x128xi32, #tpu.memory_space<vmem>> -> memref<128xi32, #tpu.memory_space<vmem>>
        %dma_wait3A_261 = arith.constant 0 : i32
        %dma_wait3A_262 = arith.constant 0 : i32
        %dma_wait3A_263 = tpu.memref_slice %arg3[%dma_wait3A_255, %dma_wait3A_261, %dma_wait3A_262] : memref<32x84x128xi32, #tpu.memory_space<hbm>> -> memref<1x84x128xi32, #tpu.memory_space<hbm>>
        %dma_wait3A_264 = tpu.memref_squeeze %dma_wait3A_263 : memref<1x84x128xi32, #tpu.memory_space<hbm>> -> memref<84x128xi32, #tpu.memory_space<hbm>>
        %dma_wait3A_265 = arith.constant 0 : i32
        %dma_wait3A_266 = tpu.memref_slice %dma_wait3A_264[%dma_wait3A_256, %dma_wait3A_265] : memref<84x128xi32, #tpu.memory_space<hbm>> -> memref<1x128xi32, #tpu.memory_space<hbm>>
        %dma_wait3A_267 = tpu.memref_squeeze %dma_wait3A_266 : memref<1x128xi32, #tpu.memory_space<hbm>> -> memref<128xi32, #tpu.memory_space<hbm>>
        %dma_wait3A_268 = arith.constant 0 : i32
        %dma_wait3A_269 = tpu.memref_slice %arg8[%dma_wait3A_257, %dma_wait3A_268] : memref<4x128xi32, #tpu.memory_space<vmem>> -> memref<1x128xi32, #tpu.memory_space<vmem>>
        %dma_wait3A_270 = tpu.memref_squeeze %dma_wait3A_269 : memref<1x128xi32, #tpu.memory_space<vmem>> -> memref<128xi32, #tpu.memory_space<vmem>>
        %dma_wait3A_271 = arith.constant 0 : i32
        %dma_wait3A_272 = arith.constant 0 : i32
        %dma_wait3A_273 = tpu.memref_slice %arg3[%dma_wait3A_255, %dma_wait3A_271, %dma_wait3A_272] : memref<32x84x128xi32, #tpu.memory_space<hbm>> -> memref<1x84x128xi32, #tpu.memory_space<hbm>>
        %dma_wait3A_274 = tpu.memref_squeeze %dma_wait3A_273 : memref<1x84x128xi32, #tpu.memory_space<hbm>> -> memref<84x128xi32, #tpu.memory_space<hbm>>
        %dma_wait3A_275 = arith.constant 0 : i32
        %dma_wait3A_276 = tpu.memref_slice %dma_wait3A_274[%dma_wait3A_256, %dma_wait3A_275] : memref<84x128xi32, #tpu.memory_space<hbm>> -> memref<1x128xi32, #tpu.memory_space<hbm>>
        %dma_wait3A_277 = tpu.memref_squeeze %dma_wait3A_276 : memref<1x128xi32, #tpu.memory_space<hbm>> -> memref<128xi32, #tpu.memory_space<hbm>>
        tpu.wait_dma2 semaphore(%arg15 : memref<!tpu.dma_semaphore, #tpu.memory_space<semaphore_mem>>) src(%dma_wait3A_277 : memref<128xi32, #tpu.memory_space<hbm>>) dst(%dma_wait3A_270 : memref<128xi32, #tpu.memory_space<vmem>>)
        %dma_start3A_278 = arith.constant 1 : i32
        %dma_start3A_279 = arith.constant 0 : i32
        %dma_start3A_280 = tpu.memref_slice %arg8[%dma_start3A_278, %dma_start3A_279] : memref<4x128xi32, #tpu.memory_space<vmem>> -> memref<1x128xi32, #tpu.memory_space<vmem>>
        %dma_start3A_281 = tpu.memref_squeeze %dma_start3A_280 : memref<1x128xi32, #tpu.memory_space<vmem>> -> memref<128xi32, #tpu.memory_space<vmem>>
        %dma_start3A_282 = arith.constant 0 : i32
        %dma_start3A_283 = arith.constant 0 : i32
        %dma_start3A_284 = tpu.memref_slice %arg2[%dma_start3A_282, %dma_start3A_283] : memref<10112x128xf32, #tpu.memory_space<hbm>> -> memref<10112x128xf32, #tpu.memory_space<hbm>>
        tpu.enqueue_indirect_dma source(%dma_start3A_284 : memref<10112x128xf32, #tpu.memory_space<hbm>>) target(%arg10 : memref<128x128xf32, #tpu.memory_space<vmem>>) offsets(%dma_start3A_281 : memref<128xi32, #tpu.memory_space<vmem>>) semaphore(%arg13 : memref<!tpu.dma_semaphore, #tpu.memory_space<semaphore_mem>>)
      } else {
      }
      %add3A_248 = arith.constant 4 : i32
      %add3A_249 = arith.addi %add3A_234, %add3A_248 : i32
      %lt3A_250 = arith.constant 84 : i32
      %lt3A_251 = arith.cmpi slt, %add3A_249, %lt3A_250 : i32
      %convert_element_type3A_252 = arith.extui %lt3A_251 : i1 to i32
      %cond3A_253 = arith.constant 0 : i32
      %cond3A_254 = arith.cmpi ne, %convert_element_type3A_252, %cond3A_253 : i32
      scf.if %cond3A_254 {
        %dma_start3A_255 = arith.constant 3 : i32
        %dma_start3A_256 = arith.constant 0 : i32
        %dma_start3A_257 = tpu.memref_slice %arg8[%dma_start3A_255, %dma_start3A_256] : memref<4x128xi32, #tpu.memory_space<vmem>> -> memref<1x128xi32, #tpu.memory_space<vmem>>
        %dma_start3A_258 = tpu.memref_squeeze %dma_start3A_257 : memref<1x128xi32, #tpu.memory_space<vmem>> -> memref<128xi32, #tpu.memory_space<vmem>>
        %dma_start3A_259 = arith.constant 0 : i32
        %dma_start3A_260 = arith.constant 0 : i32
        %dma_start3A_261 = tpu.memref_slice %arg3[%add3A, %dma_start3A_259, %dma_start3A_260] : memref<32x84x128xi32, #tpu.memory_space<hbm>> -> memref<1x84x128xi32, #tpu.memory_space<hbm>>
        %dma_start3A_262 = tpu.memref_squeeze %dma_start3A_261 : memref<1x84x128xi32, #tpu.memory_space<hbm>> -> memref<84x128xi32, #tpu.memory_space<hbm>>
        %dma_start3A_263 = arith.constant 0 : i32
        %dma_start3A_264 = tpu.memref_slice %dma_start3A_262[%add3A_249, %dma_start3A_263] : memref<84x128xi32, #tpu.memory_space<hbm>> -> memref<1x128xi32, #tpu.memory_space<hbm>>
        %dma_start3A_265 = tpu.memref_squeeze %dma_start3A_264 : memref<1x128xi32, #tpu.memory_space<hbm>> -> memref<128xi32, #tpu.memory_space<hbm>>
        %dma_start3A_266 = arith.constant 0 : i32
        %dma_start3A_267 = tpu.memref_slice %arg8[%dma_start3A_255, %dma_start3A_266] : memref<4x128xi32, #tpu.memory_space<vmem>> -> memref<1x128xi32, #tpu.memory_space<vmem>>
        %dma_start3A_268 = tpu.memref_squeeze %dma_start3A_267 : memref<1x128xi32, #tpu.memory_space<vmem>> -> memref<128xi32, #tpu.memory_space<vmem>>
        %dma_start3A_269 = arith.constant 0 : i32
        %dma_start3A_270 = arith.constant 0 : i32
        %dma_start3A_271 = tpu.memref_slice %arg3[%add3A, %dma_start3A_269, %dma_start3A_270] : memref<32x84x128xi32, #tpu.memory_space<hbm>> -> memref<1x84x128xi32, #tpu.memory_space<hbm>>
        %dma_start3A_272 = tpu.memref_squeeze %dma_start3A_271 : memref<1x84x128xi32, #tpu.memory_space<hbm>> -> memref<84x128xi32, #tpu.memory_space<hbm>>
        %dma_start3A_273 = arith.constant 0 : i32
        %dma_start3A_274 = tpu.memref_slice %dma_start3A_272[%add3A_249, %dma_start3A_273] : memref<84x128xi32, #tpu.memory_space<hbm>> -> memref<1x128xi32, #tpu.memory_space<hbm>>
        %dma_start3A_275 = tpu.memref_squeeze %dma_start3A_274 : memref<1x128xi32, #tpu.memory_space<hbm>> -> memref<128xi32, #tpu.memory_space<hbm>>
        tpu.enqueue_dma source(%dma_start3A_275 : memref<128xi32, #tpu.memory_space<hbm>>) target(%dma_start3A_268 : memref<128xi32, #tpu.memory_space<vmem>>) target_semaphore(%arg17 : memref<!tpu.dma_semaphore, #tpu.memory_space<semaphore_mem>>)
      } else {
      }
    }
    %scan3A_155 = arith.constant 21 : i32
    %barrier3A_156 = arith.constant 0 : index
    tpu.barrier barrier_id(%barrier3A_156)
    %mul3A_157 = arith.constant 632 : i32
    %mul3A_158 = arith.muli %arg1, %mul3A_157 : i32
    %mul3A_159 = arith.constant 632 : i32
    %mul3A_160 = arith.muli %arg1, %mul3A_159 : i32
    "tpu.region"() ({
      %run_scoped3A = tpu.sem_alloc : memref<!tpu.dma_semaphore, #tpu.memory_space<semaphore_mem>>
      %dma_start3A_161 = arith.constant 0 : i32
      %dma_start3A_162 = arith.constant 0 : i32
      %dma_start3A_163 = tpu.memref_slice %arg6[%arg0, %dma_start3A_161, %dma_start3A_162] : memref<2x10112x128xf32, #tpu.memory_space<hbm>> -> memref<1x10112x128xf32, #tpu.memory_space<hbm>>
      %dma_start3A_164 = tpu.memref_squeeze %dma_start3A_163 : memref<1x10112x128xf32, #tpu.memory_space<hbm>> -> memref<10112x128xf32, #tpu.memory_space<hbm>>
      %dma_start3A_165 = arith.constant 0 : i32
      %dma_start3A_166 = tpu.memref_slice %dma_start3A_164[%mul3A_160, %dma_start3A_165] : memref<10112x128xf32, #tpu.memory_space<hbm>> -> memref<632x128xf32, #tpu.memory_space<hbm>>
      %dma_start3A_167 = arith.constant 0 : i32
      %dma_start3A_168 = tpu.memref_slice %arg11[%mul3A_158, %dma_start3A_167] : memref<10112x128xf32, #tpu.memory_space<vmem_shared>> -> memref<632x128xf32, #tpu.memory_space<vmem_shared>>
      tpu.enqueue_dma source(%dma_start3A_168 : memref<632x128xf32, #tpu.memory_space<vmem_shared>>) target(%dma_start3A_166 : memref<632x128xf32, #tpu.memory_space<hbm>>) target_semaphore(%run_scoped3A : memref<!tpu.dma_semaphore, #tpu.memory_space<semaphore_mem>>)
      %dma_wait3A_169 = arith.constant 0 : i32
      %dma_wait3A_170 = arith.constant 0 : i32
      %dma_wait3A_171 = tpu.memref_slice %arg6[%arg0, %dma_wait3A_169, %dma_wait3A_170] : memref<2x10112x128xf32, #tpu.memory_space<hbm>> -> memref<1x10112x128xf32, #tpu.memory_space<hbm>>
      %dma_wait3A_172 = tpu.memref_squeeze %dma_wait3A_171 : memref<1x10112x128xf32, #tpu.memory_space<hbm>> -> memref<10112x128xf32, #tpu.memory_space<hbm>>
      %dma_wait3A_173 = arith.constant 0 : i32
      %dma_wait3A_174 = tpu.memref_slice %dma_wait3A_172[%mul3A_160, %dma_wait3A_173] : memref<10112x128xf32, #tpu.memory_space<hbm>> -> memref<632x128xf32, #tpu.memory_space<hbm>>
      %dma_wait3A_175 = arith.constant 0 : i32
      %dma_wait3A_176 = tpu.memref_slice %arg11[%mul3A_158, %dma_wait3A_175] : memref<10112x128xf32, #tpu.memory_space<vmem_shared>> -> memref<632x128xf32, #tpu.memory_space<vmem_shared>>
      tpu.wait_dma2 semaphore(%run_scoped3A : memref<!tpu.dma_semaphore, #tpu.memory_space<semaphore_mem>>) src(%dma_wait3A_176 : memref<632x128xf32, #tpu.memory_space<vmem_shared>>) dst(%dma_wait3A_174 : memref<632x128xf32, #tpu.memory_space<hbm>>)
      tpu.yield
    }) : () -> ()
    return
  }
}

#map = affine_map<(d0, d1) -> (0, 0)>
#map1 = affine_map<(d0, d1) -> (0, 0, 0)>
module attributes {stable_mosaic.version = 14 : i64} {
  func.func @_reduce(%arg0: i32, %arg1: i32, %arg2: memref<344064x128xf32, #tpu.memory_space<hbm>>, %arg3: memref<32x84x128xi32, #tpu.memory_space<hbm>>, %arg4: memref<10112x128xf32, #tpu.memory_space<hbm>>, %arg5: memref<2x10112x128xf32, #tpu.memory_space<hbm>>, %arg6: memref<84x128xi32, #tpu.memory_space<vmem>>, %arg7: memref<128x128xf32, #tpu.memory_space<vmem>>, %arg8: memref<128x128xf32, #tpu.memory_space<vmem>>, %arg9: memref<10112x128xf32, #tpu.memory_space<vmem_shared>>, %arg10: memref<!tpu.dma_semaphore, #tpu.memory_space<semaphore_mem>>, %arg11: memref<!tpu.dma_semaphore, #tpu.memory_space<semaphore_mem>>) attributes {dimension_semantics = [#tpu.dimension_semantics<core_parallel>, #tpu.dimension_semantics<subcore_parallel>], iteration_bounds = array<i64: 2, 16>, scalar_prefetch = 0 : i64, scratch_operands = 6 : i64, tpu.core_type = #tpu.core_type<sc_vector_subcore>, window_params = [{transform_indices = #map}, {transform_indices = #map1}, {transform_indices = #map}, {transform_indices = #map1}]} {
    %mul3A = arith.constant 16 : i32
    %mul3A_0 = arith.muli %arg0, %mul3A : i32
    %add3A = arith.addi %mul3A_0, %arg1 : i32
    %mul3A_1 = arith.constant 632 : i32
    %mul3A_2 = arith.muli %arg1, %mul3A_1 : i32
    %mul3A_3 = arith.constant 632 : i32
    %mul3A_4 = arith.muli %arg1, %mul3A_3 : i32
    "tpu.region"() ({
      %run_scoped3A = tpu.sem_alloc : memref<!tpu.dma_semaphore, #tpu.memory_space<semaphore_mem>>
      %dma_start3A_34 = arith.constant 0 : i32
      %dma_start3A_35 = tpu.memref_slice %arg9[%mul3A_4, %dma_start3A_34] : memref<10112x128xf32, #tpu.memory_space<vmem_shared>> -> memref<632x128xf32, #tpu.memory_space<vmem_shared>>
      %dma_start3A_36 = arith.constant 0 : i32
      %dma_start3A_37 = tpu.memref_slice %arg4[%mul3A_2, %dma_start3A_36] : memref<10112x128xf32, #tpu.memory_space<hbm>> -> memref<632x128xf32, #tpu.memory_space<hbm>>
      tpu.enqueue_dma source(%dma_start3A_37 : memref<632x128xf32, #tpu.memory_space<hbm>>) target(%dma_start3A_35 : memref<632x128xf32, #tpu.memory_space<vmem_shared>>) target_semaphore(%run_scoped3A : memref<!tpu.dma_semaphore, #tpu.memory_space<semaphore_mem>>)
      %dma_wait3A = arith.constant 0 : i32
      %dma_wait3A_38 = tpu.memref_slice %arg9[%mul3A_4, %dma_wait3A] : memref<10112x128xf32, #tpu.memory_space<vmem_shared>> -> memref<632x128xf32, #tpu.memory_space<vmem_shared>>
      %dma_wait3A_39 = arith.constant 0 : i32
      %dma_wait3A_40 = tpu.memref_slice %arg4[%mul3A_2, %dma_wait3A_39] : memref<10112x128xf32, #tpu.memory_space<hbm>> -> memref<632x128xf32, #tpu.memory_space<hbm>>
      tpu.wait_dma2 semaphore(%run_scoped3A : memref<!tpu.dma_semaphore, #tpu.memory_space<semaphore_mem>>) src(%dma_wait3A_40 : memref<632x128xf32, #tpu.memory_space<hbm>>) dst(%dma_wait3A_38 : memref<632x128xf32, #tpu.memory_space<vmem_shared>>)
      tpu.yield
    }) : () -> ()
    "tpu.region"() ({
      %run_scoped3A = tpu.sem_alloc : memref<!tpu.dma_semaphore, #tpu.memory_space<semaphore_mem>>
      %dma_start3A_34 = arith.constant 0 : i32
      %dma_start3A_35 = arith.constant 0 : i32
      %dma_start3A_36 = tpu.memref_slice %arg3[%add3A, %dma_start3A_34, %dma_start3A_35] : memref<32x84x128xi32, #tpu.memory_space<hbm>> -> memref<1x84x128xi32, #tpu.memory_space<hbm>>
      %dma_start3A_37 = tpu.memref_squeeze %dma_start3A_36 : memref<1x84x128xi32, #tpu.memory_space<hbm>> -> memref<84x128xi32, #tpu.memory_space<hbm>>
      %dma_start3A_38 = arith.constant 0 : i32
      %dma_start3A_39 = arith.constant 0 : i32
      %dma_start3A_40 = tpu.memref_slice %arg3[%add3A, %dma_start3A_38, %dma_start3A_39] : memref<32x84x128xi32, #tpu.memory_space<hbm>> -> memref<1x84x128xi32, #tpu.memory_space<hbm>>
      %dma_start3A_41 = tpu.memref_squeeze %dma_start3A_40 : memref<1x84x128xi32, #tpu.memory_space<hbm>> -> memref<84x128xi32, #tpu.memory_space<hbm>>
      tpu.enqueue_dma source(%dma_start3A_41 : memref<84x128xi32, #tpu.memory_space<hbm>>) target(%arg6 : memref<84x128xi32, #tpu.memory_space<vmem>>) target_semaphore(%run_scoped3A : memref<!tpu.dma_semaphore, #tpu.memory_space<semaphore_mem>>)
      %dma_wait3A = arith.constant 0 : i32
      %dma_wait3A_42 = arith.constant 0 : i32
      %dma_wait3A_43 = tpu.memref_slice %arg3[%add3A, %dma_wait3A, %dma_wait3A_42] : memref<32x84x128xi32, #tpu.memory_space<hbm>> -> memref<1x84x128xi32, #tpu.memory_space<hbm>>
      %dma_wait3A_44 = tpu.memref_squeeze %dma_wait3A_43 : memref<1x84x128xi32, #tpu.memory_space<hbm>> -> memref<84x128xi32, #tpu.memory_space<hbm>>
      %dma_wait3A_45 = arith.constant 0 : i32
      %dma_wait3A_46 = arith.constant 0 : i32
      %dma_wait3A_47 = tpu.memref_slice %arg3[%add3A, %dma_wait3A_45, %dma_wait3A_46] : memref<32x84x128xi32, #tpu.memory_space<hbm>> -> memref<1x84x128xi32, #tpu.memory_space<hbm>>
      %dma_wait3A_48 = tpu.memref_squeeze %dma_wait3A_47 : memref<1x84x128xi32, #tpu.memory_space<hbm>> -> memref<84x128xi32, #tpu.memory_space<hbm>>
      tpu.wait_dma2 semaphore(%run_scoped3A : memref<!tpu.dma_semaphore, #tpu.memory_space<semaphore_mem>>) src(%dma_wait3A_48 : memref<84x128xi32, #tpu.memory_space<hbm>>) dst(%arg6 : memref<84x128xi32, #tpu.memory_space<vmem>>)
      tpu.yield
    }) : () -> ()
    %barrier3A = arith.constant 0 : index
    tpu.barrier barrier_id(%barrier3A)
    %mul3A_5 = arith.constant 84 : i32
    %mul3A_6 = arith.muli %add3A, %mul3A_5 : i32
    %add3A_7 = arith.constant 0 : i32
    %add3A_8 = arith.addi %mul3A_6, %add3A_7 : i32
    %mul3A_9 = arith.constant 128 : i32
    %mul3A_10 = arith.muli %add3A_8, %mul3A_9 : i32
    %dma_start3A = arith.constant 0 : i32
    %dma_start3A_11 = tpu.memref_slice %arg2[%mul3A_10, %dma_start3A] : memref<344064x128xf32, #tpu.memory_space<hbm>> -> memref<128x128xf32, #tpu.memory_space<hbm>>
    %dma_start3A_12 = arith.constant 0 : i32
    %dma_start3A_13 = tpu.memref_slice %arg2[%mul3A_10, %dma_start3A_12] : memref<344064x128xf32, #tpu.memory_space<hbm>> -> memref<128x128xf32, #tpu.memory_space<hbm>>
    tpu.enqueue_dma source(%dma_start3A_13 : memref<128x128xf32, #tpu.memory_space<hbm>>) target(%arg7 : memref<128x128xf32, #tpu.memory_space<vmem>>) target_semaphore(%arg10 : memref<!tpu.dma_semaphore, #tpu.memory_space<semaphore_mem>>)
    %mul3A_14 = arith.constant 84 : i32
    %mul3A_15 = arith.muli %add3A, %mul3A_14 : i32
    %add3A_16 = arith.constant 1 : i32
    %add3A_17 = arith.addi %mul3A_15, %add3A_16 : i32
    %mul3A_18 = arith.constant 128 : i32
    %mul3A_19 = arith.muli %add3A_17, %mul3A_18 : i32
    %dma_start3A_20 = arith.constant 0 : i32
    %dma_start3A_21 = tpu.memref_slice %arg2[%mul3A_19, %dma_start3A_20] : memref<344064x128xf32, #tpu.memory_space<hbm>> -> memref<128x128xf32, #tpu.memory_space<hbm>>
    %dma_start3A_22 = arith.constant 0 : i32
    %dma_start3A_23 = tpu.memref_slice %arg2[%mul3A_19, %dma_start3A_22] : memref<344064x128xf32, #tpu.memory_space<hbm>> -> memref<128x128xf32, #tpu.memory_space<hbm>>
    tpu.enqueue_dma source(%dma_start3A_23 : memref<128x128xf32, #tpu.memory_space<hbm>>) target(%arg8 : memref<128x128xf32, #tpu.memory_space<vmem>>) target_semaphore(%arg11 : memref<!tpu.dma_semaphore, #tpu.memory_space<semaphore_mem>>)
    %scan3A = arith.constant 0 : i32
    %scan3A_24 = arith.constant 0 : i32
    %scan3A_25 = arith.constant 42 : i32
    %scan3A_26 = arith.addi %scan3A_24, %scan3A_25 : i32
    %scan3A_27 = arith.constant 1 : i32
    scf.for %scan3A_34 = %scan3A_24 to %scan3A_26 step %scan3A_27  : i32 {
      %mul3A_35 = arith.constant 2 : i32
      %mul3A_36 = arith.muli %scan3A_34, %mul3A_35 : i32
      %add3A_37 = arith.constant 0 : i32
      %add3A_38 = arith.addi %mul3A_36, %add3A_37 : i32
      %dma_wait3A = arith.constant 0 : i32
      %dma_wait3A_39 = arith.constant 0 : i32
      %dma_wait3A_40 = tpu.memref_slice %arg2[%dma_wait3A, %dma_wait3A_39] : memref<344064x128xf32, #tpu.memory_space<hbm>> -> memref<128x128xf32, #tpu.memory_space<hbm>>
      %dma_wait3A_41 = arith.constant 0 : i32
      %dma_wait3A_42 = arith.constant 0 : i32
      %dma_wait3A_43 = tpu.memref_slice %arg2[%dma_wait3A_41, %dma_wait3A_42] : memref<344064x128xf32, #tpu.memory_space<hbm>> -> memref<128x128xf32, #tpu.memory_space<hbm>>
      tpu.wait_dma2 semaphore(%arg10 : memref<!tpu.dma_semaphore, #tpu.memory_space<semaphore_mem>>) src(%dma_wait3A_43 : memref<128x128xf32, #tpu.memory_space<hbm>>) dst(%arg7 : memref<128x128xf32, #tpu.memory_space<vmem>>)
      "tpu.region"() ({
        %run_scoped3A = tpu.sem_alloc : memref<!tpu.dma_semaphore, #tpu.memory_space<semaphore_mem>>
        %dma_start3A_65 = arith.constant 0 : i32
        %dma_start3A_66 = tpu.memref_slice %arg6[%add3A_38, %dma_start3A_65] : memref<84x128xi32, #tpu.memory_space<vmem>> -> memref<1x128xi32, #tpu.memory_space<vmem>>
        %dma_start3A_67 = tpu.memref_squeeze %dma_start3A_66 : memref<1x128xi32, #tpu.memory_space<vmem>> -> memref<128xi32, #tpu.memory_space<vmem>>
        %dma_start3A_68 = arith.constant 0 : i32
        %dma_start3A_69 = arith.constant 0 : i32
        %dma_start3A_70 = tpu.memref_slice %arg9[%dma_start3A_68, %dma_start3A_69] : memref<10112x128xf32, #tpu.memory_space<vmem_shared>> -> memref<10112x128xf32, #tpu.memory_space<vmem_shared>>
        tpu.enqueue_indirect_dma source(%arg7 : memref<128x128xf32, #tpu.memory_space<vmem>>) target(%dma_start3A_70 : memref<10112x128xf32, #tpu.memory_space<vmem_shared>>) offsets(%dma_start3A_67 : memref<128xi32, #tpu.memory_space<vmem>>) semaphore(%run_scoped3A : memref<!tpu.dma_semaphore, #tpu.memory_space<semaphore_mem>>) {add = true}
        %dma_wait3A_71 = arith.constant 0 : i32
        %dma_wait3A_72 = tpu.memref_slice %arg6[%add3A_38, %dma_wait3A_71] : memref<84x128xi32, #tpu.memory_space<vmem>> -> memref<1x128xi32, #tpu.memory_space<vmem>>
        %dma_wait3A_73 = tpu.memref_squeeze %dma_wait3A_72 : memref<1x128xi32, #tpu.memory_space<vmem>> -> memref<128xi32, #tpu.memory_space<vmem>>
        %dma_wait3A_74 = arith.constant 0 : i32
        %dma_wait3A_75 = arith.constant 0 : i32
        %dma_wait3A_76 = tpu.memref_slice %arg9[%dma_wait3A_74, %dma_wait3A_75] : memref<10112x128xf32, #tpu.memory_space<vmem_shared>> -> memref<10112x128xf32, #tpu.memory_space<vmem_shared>>
        tpu.wait_indirect_dma semaphore(%run_scoped3A : memref<!tpu.dma_semaphore, #tpu.memory_space<semaphore_mem>>) src(%arg7 : memref<128x128xf32, #tpu.memory_space<vmem>>) dst(%dma_wait3A_76 : memref<10112x128xf32, #tpu.memory_space<vmem_shared>>)
        tpu.yield
      }) : () -> ()
      %add3A_44 = arith.constant 2 : i32
      %add3A_45 = arith.addi %add3A_38, %add3A_44 : i32
      %lt3A = arith.constant 84 : i32
      %lt3A_46 = arith.cmpi slt, %add3A_45, %lt3A : i32
      %convert_element_type3A = arith.extui %lt3A_46 : i1 to i32
      %cond3A = arith.constant 0 : i32
      %cond3A_47 = arith.cmpi ne, %convert_element_type3A, %cond3A : i32
      scf.if %cond3A_47 {
        %mul3A_65 = arith.constant 84 : i32
        %mul3A_66 = arith.muli %add3A, %mul3A_65 : i32
        %add3A_67 = arith.addi %mul3A_66, %add3A_45 : i32
        %mul3A_68 = arith.constant 128 : i32
        %mul3A_69 = arith.muli %add3A_67, %mul3A_68 : i32
        %dma_start3A_70 = arith.constant 0 : i32
        %dma_start3A_71 = tpu.memref_slice %arg2[%mul3A_69, %dma_start3A_70] : memref<344064x128xf32, #tpu.memory_space<hbm>> -> memref<128x128xf32, #tpu.memory_space<hbm>>
        %dma_start3A_72 = arith.constant 0 : i32
        %dma_start3A_73 = tpu.memref_slice %arg2[%mul3A_69, %dma_start3A_72] : memref<344064x128xf32, #tpu.memory_space<hbm>> -> memref<128x128xf32, #tpu.memory_space<hbm>>
        tpu.enqueue_dma source(%dma_start3A_73 : memref<128x128xf32, #tpu.memory_space<hbm>>) target(%arg7 : memref<128x128xf32, #tpu.memory_space<vmem>>) target_semaphore(%arg10 : memref<!tpu.dma_semaphore, #tpu.memory_space<semaphore_mem>>)
      } else {
      }
      %mul3A_48 = arith.constant 2 : i32
      %mul3A_49 = arith.muli %scan3A_34, %mul3A_48 : i32
      %add3A_50 = arith.constant 1 : i32
      %add3A_51 = arith.addi %mul3A_49, %add3A_50 : i32
      %dma_wait3A_52 = arith.constant 0 : i32
      %dma_wait3A_53 = arith.constant 0 : i32
      %dma_wait3A_54 = tpu.memref_slice %arg2[%dma_wait3A_52, %dma_wait3A_53] : memref<344064x128xf32, #tpu.memory_space<hbm>> -> memref<128x128xf32, #tpu.memory_space<hbm>>
      %dma_wait3A_55 = arith.constant 0 : i32
      %dma_wait3A_56 = arith.constant 0 : i32
      %dma_wait3A_57 = tpu.memref_slice %arg2[%dma_wait3A_55, %dma_wait3A_56] : memref<344064x128xf32, #tpu.memory_space<hbm>> -> memref<128x128xf32, #tpu.memory_space<hbm>>
      tpu.wait_dma2 semaphore(%arg11 : memref<!tpu.dma_semaphore, #tpu.memory_space<semaphore_mem>>) src(%dma_wait3A_57 : memref<128x128xf32, #tpu.memory_space<hbm>>) dst(%arg8 : memref<128x128xf32, #tpu.memory_space<vmem>>)
      "tpu.region"() ({
        %run_scoped3A = tpu.sem_alloc : memref<!tpu.dma_semaphore, #tpu.memory_space<semaphore_mem>>
        %dma_start3A_65 = arith.constant 0 : i32
        %dma_start3A_66 = tpu.memref_slice %arg6[%add3A_51, %dma_start3A_65] : memref<84x128xi32, #tpu.memory_space<vmem>> -> memref<1x128xi32, #tpu.memory_space<vmem>>
        %dma_start3A_67 = tpu.memref_squeeze %dma_start3A_66 : memref<1x128xi32, #tpu.memory_space<vmem>> -> memref<128xi32, #tpu.memory_space<vmem>>
        %dma_start3A_68 = arith.constant 0 : i32
        %dma_start3A_69 = arith.constant 0 : i32
        %dma_start3A_70 = tpu.memref_slice %arg9[%dma_start3A_68, %dma_start3A_69] : memref<10112x128xf32, #tpu.memory_space<vmem_shared>> -> memref<10112x128xf32, #tpu.memory_space<vmem_shared>>
        tpu.enqueue_indirect_dma source(%arg8 : memref<128x128xf32, #tpu.memory_space<vmem>>) target(%dma_start3A_70 : memref<10112x128xf32, #tpu.memory_space<vmem_shared>>) offsets(%dma_start3A_67 : memref<128xi32, #tpu.memory_space<vmem>>) semaphore(%run_scoped3A : memref<!tpu.dma_semaphore, #tpu.memory_space<semaphore_mem>>) {add = true}
        %dma_wait3A_71 = arith.constant 0 : i32
        %dma_wait3A_72 = tpu.memref_slice %arg6[%add3A_51, %dma_wait3A_71] : memref<84x128xi32, #tpu.memory_space<vmem>> -> memref<1x128xi32, #tpu.memory_space<vmem>>
        %dma_wait3A_73 = tpu.memref_squeeze %dma_wait3A_72 : memref<1x128xi32, #tpu.memory_space<vmem>> -> memref<128xi32, #tpu.memory_space<vmem>>
        %dma_wait3A_74 = arith.constant 0 : i32
        %dma_wait3A_75 = arith.constant 0 : i32
        %dma_wait3A_76 = tpu.memref_slice %arg9[%dma_wait3A_74, %dma_wait3A_75] : memref<10112x128xf32, #tpu.memory_space<vmem_shared>> -> memref<10112x128xf32, #tpu.memory_space<vmem_shared>>
        tpu.wait_indirect_dma semaphore(%run_scoped3A : memref<!tpu.dma_semaphore, #tpu.memory_space<semaphore_mem>>) src(%arg8 : memref<128x128xf32, #tpu.memory_space<vmem>>) dst(%dma_wait3A_76 : memref<10112x128xf32, #tpu.memory_space<vmem_shared>>)
        tpu.yield
      }) : () -> ()
      %add3A_58 = arith.constant 2 : i32
      %add3A_59 = arith.addi %add3A_51, %add3A_58 : i32
      %lt3A_60 = arith.constant 84 : i32
      %lt3A_61 = arith.cmpi slt, %add3A_59, %lt3A_60 : i32
      %convert_element_type3A_62 = arith.extui %lt3A_61 : i1 to i32
      %cond3A_63 = arith.constant 0 : i32
      %cond3A_64 = arith.cmpi ne, %convert_element_type3A_62, %cond3A_63 : i32
      scf.if %cond3A_64 {
        %mul3A_65 = arith.constant 84 : i32
        %mul3A_66 = arith.muli %add3A, %mul3A_65 : i32
        %add3A_67 = arith.addi %mul3A_66, %add3A_59 : i32
        %mul3A_68 = arith.constant 128 : i32
        %mul3A_69 = arith.muli %add3A_67, %mul3A_68 : i32
        %dma_start3A_70 = arith.constant 0 : i32
        %dma_start3A_71 = tpu.memref_slice %arg2[%mul3A_69, %dma_start3A_70] : memref<344064x128xf32, #tpu.memory_space<hbm>> -> memref<128x128xf32, #tpu.memory_space<hbm>>
        %dma_start3A_72 = arith.constant 0 : i32
        %dma_start3A_73 = tpu.memref_slice %arg2[%mul3A_69, %dma_start3A_72] : memref<344064x128xf32, #tpu.memory_space<hbm>> -> memref<128x128xf32, #tpu.memory_space<hbm>>
        tpu.enqueue_dma source(%dma_start3A_73 : memref<128x128xf32, #tpu.memory_space<hbm>>) target(%arg8 : memref<128x128xf32, #tpu.memory_space<vmem>>) target_semaphore(%arg11 : memref<!tpu.dma_semaphore, #tpu.memory_space<semaphore_mem>>)
      } else {
      }
    }
    %scan3A_28 = arith.constant 42 : i32
    %barrier3A_29 = arith.constant 0 : index
    tpu.barrier barrier_id(%barrier3A_29)
    %mul3A_30 = arith.constant 632 : i32
    %mul3A_31 = arith.muli %arg1, %mul3A_30 : i32
    %mul3A_32 = arith.constant 632 : i32
    %mul3A_33 = arith.muli %arg1, %mul3A_32 : i32
    "tpu.region"() ({
      %run_scoped3A = tpu.sem_alloc : memref<!tpu.dma_semaphore, #tpu.memory_space<semaphore_mem>>
      %dma_start3A_34 = arith.constant 0 : i32
      %dma_start3A_35 = arith.constant 0 : i32
      %dma_start3A_36 = tpu.memref_slice %arg5[%arg0, %dma_start3A_34, %dma_start3A_35] : memref<2x10112x128xf32, #tpu.memory_space<hbm>> -> memref<1x10112x128xf32, #tpu.memory_space<hbm>>
      %dma_start3A_37 = tpu.memref_squeeze %dma_start3A_36 : memref<1x10112x128xf32, #tpu.memory_space<hbm>> -> memref<10112x128xf32, #tpu.memory_space<hbm>>
      %dma_start3A_38 = arith.constant 0 : i32
      %dma_start3A_39 = tpu.memref_slice %dma_start3A_37[%mul3A_33, %dma_start3A_38] : memref<10112x128xf32, #tpu.memory_space<hbm>> -> memref<632x128xf32, #tpu.memory_space<hbm>>
      %dma_start3A_40 = arith.constant 0 : i32
      %dma_start3A_41 = tpu.memref_slice %arg9[%mul3A_31, %dma_start3A_40] : memref<10112x128xf32, #tpu.memory_space<vmem_shared>> -> memref<632x128xf32, #tpu.memory_space<vmem_shared>>
      tpu.enqueue_dma source(%dma_start3A_41 : memref<632x128xf32, #tpu.memory_space<vmem_shared>>) target(%dma_start3A_39 : memref<632x128xf32, #tpu.memory_space<hbm>>) target_semaphore(%run_scoped3A : memref<!tpu.dma_semaphore, #tpu.memory_space<semaphore_mem>>)
      %dma_wait3A = arith.constant 0 : i32
      %dma_wait3A_42 = arith.constant 0 : i32
      %dma_wait3A_43 = tpu.memref_slice %arg5[%arg0, %dma_wait3A, %dma_wait3A_42] : memref<2x10112x128xf32, #tpu.memory_space<hbm>> -> memref<1x10112x128xf32, #tpu.memory_space<hbm>>
      %dma_wait3A_44 = tpu.memref_squeeze %dma_wait3A_43 : memref<1x10112x128xf32, #tpu.memory_space<hbm>> -> memref<10112x128xf32, #tpu.memory_space<hbm>>
      %dma_wait3A_45 = arith.constant 0 : i32
      %dma_wait3A_46 = tpu.memref_slice %dma_wait3A_44[%mul3A_33, %dma_wait3A_45] : memref<10112x128xf32, #tpu.memory_space<hbm>> -> memref<632x128xf32, #tpu.memory_space<hbm>>
      %dma_wait3A_47 = arith.constant 0 : i32
      %dma_wait3A_48 = tpu.memref_slice %arg9[%mul3A_31, %dma_wait3A_47] : memref<10112x128xf32, #tpu.memory_space<vmem_shared>> -> memref<632x128xf32, #tpu.memory_space<vmem_shared>>
      tpu.wait_dma2 semaphore(%run_scoped3A : memref<!tpu.dma_semaphore, #tpu.memory_space<semaphore_mem>>) src(%dma_wait3A_48 : memref<632x128xf32, #tpu.memory_space<vmem_shared>>) dst(%dma_wait3A_46 : memref<632x128xf32, #tpu.memory_space<hbm>>)
      tpu.yield
    }) : () -> ()
    return
  }
}

#map = affine_map<(d0, d1) -> (0, 0)>
#map1 = affine_map<(d0, d1) -> (0, 0, 0)>
module attributes {stable_mosaic.version = 14 : i64} {
  func.func @_agg(%arg0: i32, %arg1: i32, %arg2: memref<10112x128xf32, #tpu.memory_space<hbm>>, %arg3: memref<32x84x128xi32, #tpu.memory_space<hbm>>, %arg4: memref<32x84x128xi32, #tpu.memory_space<hbm>>, %arg5: memref<10112x128xf32, #tpu.memory_space<hbm>>, %arg6: memref<2x10112x128xf32, #tpu.memory_space<hbm>>, %arg7: memref<84x128xi32, #tpu.memory_space<vmem>>, %arg8: memref<4x128xi32, #tpu.memory_space<vmem>>, %arg9: memref<128x128xf32, #tpu.memory_space<vmem>>, %arg10: memref<128x128xf32, #tpu.memory_space<vmem>>, %arg11: memref<10112x128xf32, #tpu.memory_space<vmem_shared>>, %arg12: memref<!tpu.dma_semaphore, #tpu.memory_space<semaphore_mem>>, %arg13: memref<!tpu.dma_semaphore, #tpu.memory_space<semaphore_mem>>, %arg14: memref<!tpu.dma_semaphore, #tpu.memory_space<semaphore_mem>>, %arg15: memref<!tpu.dma_semaphore, #tpu.memory_space<semaphore_mem>>, %arg16: memref<!tpu.dma_semaphore, #tpu.memory_space<semaphore_mem>>, %arg17: memref<!tpu.dma_semaphore, #tpu.memory_space<semaphore_mem>>) attributes {dimension_semantics = [#tpu.dimension_semantics<core_parallel>, #tpu.dimension_semantics<subcore_parallel>], iteration_bounds = array<i64: 2, 16>, scalar_prefetch = 0 : i64, scratch_operands = 11 : i64, tpu.core_type = #tpu.core_type<sc_vector_subcore>, window_params = [{transform_indices = #map}, {transform_indices = #map1}, {transform_indices = #map1}, {transform_indices = #map}, {transform_indices = #map1}]} {
    %mul3A = arith.constant 16 : i32
    %mul3A_0 = arith.muli %arg0, %mul3A : i32
    %add3A = arith.addi %mul3A_0, %arg1 : i32
    %mul3A_1 = arith.constant 632 : i32
    %mul3A_2 = arith.muli %arg1, %mul3A_1 : i32
    %mul3A_3 = arith.constant 632 : i32
    %mul3A_4 = arith.muli %arg1, %mul3A_3 : i32
    "tpu.region"() ({
      %run_scoped3A = tpu.sem_alloc : memref<!tpu.dma_semaphore, #tpu.memory_space<semaphore_mem>>
      %dma_start3A_161 = arith.constant 0 : i32
      %dma_start3A_162 = tpu.memref_slice %arg11[%mul3A_4, %dma_start3A_161] : memref<10112x128xf32, #tpu.memory_space<vmem_shared>> -> memref<632x128xf32, #tpu.memory_space<vmem_shared>>
      %dma_start3A_163 = arith.constant 0 : i32
      %dma_start3A_164 = tpu.memref_slice %arg5[%mul3A_2, %dma_start3A_163] : memref<10112x128xf32, #tpu.memory_space<hbm>> -> memref<632x128xf32, #tpu.memory_space<hbm>>
      tpu.enqueue_dma source(%dma_start3A_164 : memref<632x128xf32, #tpu.memory_space<hbm>>) target(%dma_start3A_162 : memref<632x128xf32, #tpu.memory_space<vmem_shared>>) target_semaphore(%run_scoped3A : memref<!tpu.dma_semaphore, #tpu.memory_space<semaphore_mem>>)
      %dma_wait3A_165 = arith.constant 0 : i32
      %dma_wait3A_166 = tpu.memref_slice %arg11[%mul3A_4, %dma_wait3A_165] : memref<10112x128xf32, #tpu.memory_space<vmem_shared>> -> memref<632x128xf32, #tpu.memory_space<vmem_shared>>
      %dma_wait3A_167 = arith.constant 0 : i32
      %dma_wait3A_168 = tpu.memref_slice %arg5[%mul3A_2, %dma_wait3A_167] : memref<10112x128xf32, #tpu.memory_space<hbm>> -> memref<632x128xf32, #tpu.memory_space<hbm>>
      tpu.wait_dma2 semaphore(%run_scoped3A : memref<!tpu.dma_semaphore, #tpu.memory_space<semaphore_mem>>) src(%dma_wait3A_168 : memref<632x128xf32, #tpu.memory_space<hbm>>) dst(%dma_wait3A_166 : memref<632x128xf32, #tpu.memory_space<vmem_shared>>)
      tpu.yield
    }) : () -> ()
    "tpu.region"() ({
      %run_scoped3A = tpu.sem_alloc : memref<!tpu.dma_semaphore, #tpu.memory_space<semaphore_mem>>
      %dma_start3A_161 = arith.constant 0 : i32
      %dma_start3A_162 = arith.constant 0 : i32
      %dma_start3A_163 = tpu.memref_slice %arg4[%add3A, %dma_start3A_161, %dma_start3A_162] : memref<32x84x128xi32, #tpu.memory_space<hbm>> -> memref<1x84x128xi32, #tpu.memory_space<hbm>>
      %dma_start3A_164 = tpu.memref_squeeze %dma_start3A_163 : memref<1x84x128xi32, #tpu.memory_space<hbm>> -> memref<84x128xi32, #tpu.memory_space<hbm>>
      %dma_start3A_165 = arith.constant 0 : i32
      %dma_start3A_166 = arith.constant 0 : i32
      %dma_start3A_167 = tpu.memref_slice %arg4[%add3A, %dma_start3A_165, %dma_start3A_166] : memref<32x84x128xi32, #tpu.memory_space<hbm>> -> memref<1x84x128xi32, #tpu.memory_space<hbm>>
      %dma_start3A_168 = tpu.memref_squeeze %dma_start3A_167 : memref<1x84x128xi32, #tpu.memory_space<hbm>> -> memref<84x128xi32, #tpu.memory_space<hbm>>
      tpu.enqueue_dma source(%dma_start3A_168 : memref<84x128xi32, #tpu.memory_space<hbm>>) target(%arg7 : memref<84x128xi32, #tpu.memory_space<vmem>>) target_semaphore(%run_scoped3A : memref<!tpu.dma_semaphore, #tpu.memory_space<semaphore_mem>>)
      %dma_wait3A_169 = arith.constant 0 : i32
      %dma_wait3A_170 = arith.constant 0 : i32
      %dma_wait3A_171 = tpu.memref_slice %arg4[%add3A, %dma_wait3A_169, %dma_wait3A_170] : memref<32x84x128xi32, #tpu.memory_space<hbm>> -> memref<1x84x128xi32, #tpu.memory_space<hbm>>
      %dma_wait3A_172 = tpu.memref_squeeze %dma_wait3A_171 : memref<1x84x128xi32, #tpu.memory_space<hbm>> -> memref<84x128xi32, #tpu.memory_space<hbm>>
      %dma_wait3A_173 = arith.constant 0 : i32
      %dma_wait3A_174 = arith.constant 0 : i32
      %dma_wait3A_175 = tpu.memref_slice %arg4[%add3A, %dma_wait3A_173, %dma_wait3A_174] : memref<32x84x128xi32, #tpu.memory_space<hbm>> -> memref<1x84x128xi32, #tpu.memory_space<hbm>>
      %dma_wait3A_176 = tpu.memref_squeeze %dma_wait3A_175 : memref<1x84x128xi32, #tpu.memory_space<hbm>> -> memref<84x128xi32, #tpu.memory_space<hbm>>
      tpu.wait_dma2 semaphore(%run_scoped3A : memref<!tpu.dma_semaphore, #tpu.memory_space<semaphore_mem>>) src(%dma_wait3A_176 : memref<84x128xi32, #tpu.memory_space<hbm>>) dst(%arg7 : memref<84x128xi32, #tpu.memory_space<vmem>>)
      tpu.yield
    }) : () -> ()
    %barrier3A = arith.constant 0 : index
    tpu.barrier barrier_id(%barrier3A)
    %dma_start3A = arith.constant 0 : i32
    %dma_start3A_5 = arith.constant 0 : i32
    %dma_start3A_6 = arith.constant 0 : i32
    %dma_start3A_7 = tpu.memref_slice %arg8[%dma_start3A_5, %dma_start3A_6] : memref<4x128xi32, #tpu.memory_space<vmem>> -> memref<1x128xi32, #tpu.memory_space<vmem>>
    %dma_start3A_8 = tpu.memref_squeeze %dma_start3A_7 : memref<1x128xi32, #tpu.memory_space<vmem>> -> memref<128xi32, #tpu.memory_space<vmem>>
    %dma_start3A_9 = arith.constant 0 : i32
    %dma_start3A_10 = arith.constant 0 : i32
    %dma_start3A_11 = tpu.memref_slice %arg3[%add3A, %dma_start3A_9, %dma_start3A_10] : memref<32x84x128xi32, #tpu.memory_space<hbm>> -> memref<1x84x128xi32, #tpu.memory_space<hbm>>
    %dma_start3A_12 = tpu.memref_squeeze %dma_start3A_11 : memref<1x84x128xi32, #tpu.memory_space<hbm>> -> memref<84x128xi32, #tpu.memory_space<hbm>>
    %dma_start3A_13 = arith.constant 0 : i32
    %dma_start3A_14 = tpu.memref_slice %dma_start3A_12[%dma_start3A, %dma_start3A_13] : memref<84x128xi32, #tpu.memory_space<hbm>> -> memref<1x128xi32, #tpu.memory_space<hbm>>
    %dma_start3A_15 = tpu.memref_squeeze %dma_start3A_14 : memref<1x128xi32, #tpu.memory_space<hbm>> -> memref<128xi32, #tpu.memory_space<hbm>>
    %dma_start3A_16 = arith.constant 0 : i32
    %dma_start3A_17 = tpu.memref_slice %arg8[%dma_start3A_5, %dma_start3A_16] : memref<4x128xi32, #tpu.memory_space<vmem>> -> memref<1x128xi32, #tpu.memory_space<vmem>>
    %dma_start3A_18 = tpu.memref_squeeze %dma_start3A_17 : memref<1x128xi32, #tpu.memory_space<vmem>> -> memref<128xi32, #tpu.memory_space<vmem>>
    %dma_start3A_19 = arith.constant 0 : i32
    %dma_start3A_20 = arith.constant 0 : i32
    %dma_start3A_21 = tpu.memref_slice %arg3[%add3A, %dma_start3A_19, %dma_start3A_20] : memref<32x84x128xi32, #tpu.memory_space<hbm>> -> memref<1x84x128xi32, #tpu.memory_space<hbm>>
    %dma_start3A_22 = tpu.memref_squeeze %dma_start3A_21 : memref<1x84x128xi32, #tpu.memory_space<hbm>> -> memref<84x128xi32, #tpu.memory_space<hbm>>
    %dma_start3A_23 = arith.constant 0 : i32
    %dma_start3A_24 = tpu.memref_slice %dma_start3A_22[%dma_start3A, %dma_start3A_23] : memref<84x128xi32, #tpu.memory_space<hbm>> -> memref<1x128xi32, #tpu.memory_space<hbm>>
    %dma_start3A_25 = tpu.memref_squeeze %dma_start3A_24 : memref<1x128xi32, #tpu.memory_space<hbm>> -> memref<128xi32, #tpu.memory_space<hbm>>
    tpu.enqueue_dma source(%dma_start3A_25 : memref<128xi32, #tpu.memory_space<hbm>>) target(%dma_start3A_18 : memref<128xi32, #tpu.memory_space<vmem>>) target_semaphore(%arg14 : memref<!tpu.dma_semaphore, #tpu.memory_space<semaphore_mem>>)
    %dma_start3A_26 = arith.constant 1 : i32
    %dma_start3A_27 = arith.constant 1 : i32
    %dma_start3A_28 = arith.constant 0 : i32
    %dma_start3A_29 = tpu.memref_slice %arg8[%dma_start3A_27, %dma_start3A_28] : memref<4x128xi32, #tpu.memory_space<vmem>> -> memref<1x128xi32, #tpu.memory_space<vmem>>
    %dma_start3A_30 = tpu.memref_squeeze %dma_start3A_29 : memref<1x128xi32, #tpu.memory_space<vmem>> -> memref<128xi32, #tpu.memory_space<vmem>>
    %dma_start3A_31 = arith.constant 0 : i32
    %dma_start3A_32 = arith.constant 0 : i32
    %dma_start3A_33 = tpu.memref_slice %arg3[%add3A, %dma_start3A_31, %dma_start3A_32] : memref<32x84x128xi32, #tpu.memory_space<hbm>> -> memref<1x84x128xi32, #tpu.memory_space<hbm>>
    %dma_start3A_34 = tpu.memref_squeeze %dma_start3A_33 : memref<1x84x128xi32, #tpu.memory_space<hbm>> -> memref<84x128xi32, #tpu.memory_space<hbm>>
    %dma_start3A_35 = arith.constant 0 : i32
    %dma_start3A_36 = tpu.memref_slice %dma_start3A_34[%dma_start3A_26, %dma_start3A_35] : memref<84x128xi32, #tpu.memory_space<hbm>> -> memref<1x128xi32, #tpu.memory_space<hbm>>
    %dma_start3A_37 = tpu.memref_squeeze %dma_start3A_36 : memref<1x128xi32, #tpu.memory_space<hbm>> -> memref<128xi32, #tpu.memory_space<hbm>>
    %dma_start3A_38 = arith.constant 0 : i32
    %dma_start3A_39 = tpu.memref_slice %arg8[%dma_start3A_27, %dma_start3A_38] : memref<4x128xi32, #tpu.memory_space<vmem>> -> memref<1x128xi32, #tpu.memory_space<vmem>>
    %dma_start3A_40 = tpu.memref_squeeze %dma_start3A_39 : memref<1x128xi32, #tpu.memory_space<vmem>> -> memref<128xi32, #tpu.memory_space<vmem>>
    %dma_start3A_41 = arith.constant 0 : i32
    %dma_start3A_42 = arith.constant 0 : i32
    %dma_start3A_43 = tpu.memref_slice %arg3[%add3A, %dma_start3A_41, %dma_start3A_42] : memref<32x84x128xi32, #tpu.memory_space<hbm>> -> memref<1x84x128xi32, #tpu.memory_space<hbm>>
    %dma_start3A_44 = tpu.memref_squeeze %dma_start3A_43 : memref<1x84x128xi32, #tpu.memory_space<hbm>> -> memref<84x128xi32, #tpu.memory_space<hbm>>
    %dma_start3A_45 = arith.constant 0 : i32
    %dma_start3A_46 = tpu.memref_slice %dma_start3A_44[%dma_start3A_26, %dma_start3A_45] : memref<84x128xi32, #tpu.memory_space<hbm>> -> memref<1x128xi32, #tpu.memory_space<hbm>>
    %dma_start3A_47 = tpu.memref_squeeze %dma_start3A_46 : memref<1x128xi32, #tpu.memory_space<hbm>> -> memref<128xi32, #tpu.memory_space<hbm>>
    tpu.enqueue_dma source(%dma_start3A_47 : memref<128xi32, #tpu.memory_space<hbm>>) target(%dma_start3A_40 : memref<128xi32, #tpu.memory_space<vmem>>) target_semaphore(%arg15 : memref<!tpu.dma_semaphore, #tpu.memory_space<semaphore_mem>>)
    %dma_start3A_48 = arith.constant 2 : i32
    %dma_start3A_49 = arith.constant 2 : i32
    %dma_start3A_50 = arith.constant 0 : i32
    %dma_start3A_51 = tpu.memref_slice %arg8[%dma_start3A_49, %dma_start3A_50] : memref<4x128xi32, #tpu.memory_space<vmem>> -> memref<1x128xi32, #tpu.memory_space<vmem>>
    %dma_start3A_52 = tpu.memref_squeeze %dma_start3A_51 : memref<1x128xi32, #tpu.memory_space<vmem>> -> memref<128xi32, #tpu.memory_space<vmem>>
    %dma_start3A_53 = arith.constant 0 : i32
    %dma_start3A_54 = arith.constant 0 : i32
    %dma_start3A_55 = tpu.memref_slice %arg3[%add3A, %dma_start3A_53, %dma_start3A_54] : memref<32x84x128xi32, #tpu.memory_space<hbm>> -> memref<1x84x128xi32, #tpu.memory_space<hbm>>
    %dma_start3A_56 = tpu.memref_squeeze %dma_start3A_55 : memref<1x84x128xi32, #tpu.memory_space<hbm>> -> memref<84x128xi32, #tpu.memory_space<hbm>>
    %dma_start3A_57 = arith.constant 0 : i32
    %dma_start3A_58 = tpu.memref_slice %dma_start3A_56[%dma_start3A_48, %dma_start3A_57] : memref<84x128xi32, #tpu.memory_space<hbm>> -> memref<1x128xi32, #tpu.memory_space<hbm>>
    %dma_start3A_59 = tpu.memref_squeeze %dma_start3A_58 : memref<1x128xi32, #tpu.memory_space<hbm>> -> memref<128xi32, #tpu.memory_space<hbm>>
    %dma_start3A_60 = arith.constant 0 : i32
    %dma_start3A_61 = tpu.memref_slice %arg8[%dma_start3A_49, %dma_start3A_60] : memref<4x128xi32, #tpu.memory_space<vmem>> -> memref<1x128xi32, #tpu.memory_space<vmem>>
    %dma_start3A_62 = tpu.memref_squeeze %dma_start3A_61 : memref<1x128xi32, #tpu.memory_space<vmem>> -> memref<128xi32, #tpu.memory_space<vmem>>
    %dma_start3A_63 = arith.constant 0 : i32
    %dma_start3A_64 = arith.constant 0 : i32
    %dma_start3A_65 = tpu.memref_slice %arg3[%add3A, %dma_start3A_63, %dma_start3A_64] : memref<32x84x128xi32, #tpu.memory_space<hbm>> -> memref<1x84x128xi32, #tpu.memory_space<hbm>>
    %dma_start3A_66 = tpu.memref_squeeze %dma_start3A_65 : memref<1x84x128xi32, #tpu.memory_space<hbm>> -> memref<84x128xi32, #tpu.memory_space<hbm>>
    %dma_start3A_67 = arith.constant 0 : i32
    %dma_start3A_68 = tpu.memref_slice %dma_start3A_66[%dma_start3A_48, %dma_start3A_67] : memref<84x128xi32, #tpu.memory_space<hbm>> -> memref<1x128xi32, #tpu.memory_space<hbm>>
    %dma_start3A_69 = tpu.memref_squeeze %dma_start3A_68 : memref<1x128xi32, #tpu.memory_space<hbm>> -> memref<128xi32, #tpu.memory_space<hbm>>
    tpu.enqueue_dma source(%dma_start3A_69 : memref<128xi32, #tpu.memory_space<hbm>>) target(%dma_start3A_62 : memref<128xi32, #tpu.memory_space<vmem>>) target_semaphore(%arg16 : memref<!tpu.dma_semaphore, #tpu.memory_space<semaphore_mem>>)
    %dma_start3A_70 = arith.constant 3 : i32
    %dma_start3A_71 = arith.constant 3 : i32
    %dma_start3A_72 = arith.constant 0 : i32
    %dma_start3A_73 = tpu.memref_slice %arg8[%dma_start3A_71, %dma_start3A_72] : memref<4x128xi32, #tpu.memory_space<vmem>> -> memref<1x128xi32, #tpu.memory_space<vmem>>
    %dma_start3A_74 = tpu.memref_squeeze %dma_start3A_73 : memref<1x128xi32, #tpu.memory_space<vmem>> -> memref<128xi32, #tpu.memory_space<vmem>>
    %dma_start3A_75 = arith.constant 0 : i32
    %dma_start3A_76 = arith.constant 0 : i32
    %dma_start3A_77 = tpu.memref_slice %arg3[%add3A, %dma_start3A_75, %dma_start3A_76] : memref<32x84x128xi32, #tpu.memory_space<hbm>> -> memref<1x84x128xi32, #tpu.memory_space<hbm>>
    %dma_start3A_78 = tpu.memref_squeeze %dma_start3A_77 : memref<1x84x128xi32, #tpu.memory_space<hbm>> -> memref<84x128xi32, #tpu.memory_space<hbm>>
    %dma_start3A_79 = arith.constant 0 : i32
    %dma_start3A_80 = tpu.memref_slice %dma_start3A_78[%dma_start3A_70, %dma_start3A_79] : memref<84x128xi32, #tpu.memory_space<hbm>> -> memref<1x128xi32, #tpu.memory_space<hbm>>
    %dma_start3A_81 = tpu.memref_squeeze %dma_start3A_80 : memref<1x128xi32, #tpu.memory_space<hbm>> -> memref<128xi32, #tpu.memory_space<hbm>>
    %dma_start3A_82 = arith.constant 0 : i32
    %dma_start3A_83 = tpu.memref_slice %arg8[%dma_start3A_71, %dma_start3A_82] : memref<4x128xi32, #tpu.memory_space<vmem>> -> memref<1x128xi32, #tpu.memory_space<vmem>>
    %dma_start3A_84 = tpu.memref_squeeze %dma_start3A_83 : memref<1x128xi32, #tpu.memory_space<vmem>> -> memref<128xi32, #tpu.memory_space<vmem>>
    %dma_start3A_85 = arith.constant 0 : i32
    %dma_start3A_86 = arith.constant 0 : i32
    %dma_start3A_87 = tpu.memref_slice %arg3[%add3A, %dma_start3A_85, %dma_start3A_86] : memref<32x84x128xi32, #tpu.memory_space<hbm>> -> memref<1x84x128xi32, #tpu.memory_space<hbm>>
    %dma_start3A_88 = tpu.memref_squeeze %dma_start3A_87 : memref<1x84x128xi32, #tpu.memory_space<hbm>> -> memref<84x128xi32, #tpu.memory_space<hbm>>
    %dma_start3A_89 = arith.constant 0 : i32
    %dma_start3A_90 = tpu.memref_slice %dma_start3A_88[%dma_start3A_70, %dma_start3A_89] : memref<84x128xi32, #tpu.memory_space<hbm>> -> memref<1x128xi32, #tpu.memory_space<hbm>>
    %dma_start3A_91 = tpu.memref_squeeze %dma_start3A_90 : memref<1x128xi32, #tpu.memory_space<hbm>> -> memref<128xi32, #tpu.memory_space<hbm>>
    tpu.enqueue_dma source(%dma_start3A_91 : memref<128xi32, #tpu.memory_space<hbm>>) target(%dma_start3A_84 : memref<128xi32, #tpu.memory_space<vmem>>) target_semaphore(%arg17 : memref<!tpu.dma_semaphore, #tpu.memory_space<semaphore_mem>>)
    %dma_wait3A = arith.constant 0 : i32
    %dma_wait3A_92 = arith.constant 0 : i32
    %dma_wait3A_93 = arith.constant 0 : i32
    %dma_wait3A_94 = arith.constant 0 : i32
    %dma_wait3A_95 = tpu.memref_slice %arg8[%dma_wait3A_93, %dma_wait3A_94] : memref<4x128xi32, #tpu.memory_space<vmem>> -> memref<1x128xi32, #tpu.memory_space<vmem>>
    %dma_wait3A_96 = tpu.memref_squeeze %dma_wait3A_95 : memref<1x128xi32, #tpu.memory_space<vmem>> -> memref<128xi32, #tpu.memory_space<vmem>>
    %dma_wait3A_97 = arith.constant 0 : i32
    %dma_wait3A_98 = arith.constant 0 : i32
    %dma_wait3A_99 = tpu.memref_slice %arg3[%dma_wait3A, %dma_wait3A_97, %dma_wait3A_98] : memref<32x84x128xi32, #tpu.memory_space<hbm>> -> memref<1x84x128xi32, #tpu.memory_space<hbm>>
    %dma_wait3A_100 = tpu.memref_squeeze %dma_wait3A_99 : memref<1x84x128xi32, #tpu.memory_space<hbm>> -> memref<84x128xi32, #tpu.memory_space<hbm>>
    %dma_wait3A_101 = arith.constant 0 : i32
    %dma_wait3A_102 = tpu.memref_slice %dma_wait3A_100[%dma_wait3A_92, %dma_wait3A_101] : memref<84x128xi32, #tpu.memory_space<hbm>> -> memref<1x128xi32, #tpu.memory_space<hbm>>
    %dma_wait3A_103 = tpu.memref_squeeze %dma_wait3A_102 : memref<1x128xi32, #tpu.memory_space<hbm>> -> memref<128xi32, #tpu.memory_space<hbm>>
    %dma_wait3A_104 = arith.constant 0 : i32
    %dma_wait3A_105 = tpu.memref_slice %arg8[%dma_wait3A_93, %dma_wait3A_104] : memref<4x128xi32, #tpu.memory_space<vmem>> -> memref<1x128xi32, #tpu.memory_space<vmem>>
    %dma_wait3A_106 = tpu.memref_squeeze %dma_wait3A_105 : memref<1x128xi32, #tpu.memory_space<vmem>> -> memref<128xi32, #tpu.memory_space<vmem>>
    %dma_wait3A_107 = arith.constant 0 : i32
    %dma_wait3A_108 = arith.constant 0 : i32
    %dma_wait3A_109 = tpu.memref_slice %arg3[%dma_wait3A, %dma_wait3A_107, %dma_wait3A_108] : memref<32x84x128xi32, #tpu.memory_space<hbm>> -> memref<1x84x128xi32, #tpu.memory_space<hbm>>
    %dma_wait3A_110 = tpu.memref_squeeze %dma_wait3A_109 : memref<1x84x128xi32, #tpu.memory_space<hbm>> -> memref<84x128xi32, #tpu.memory_space<hbm>>
    %dma_wait3A_111 = arith.constant 0 : i32
    %dma_wait3A_112 = tpu.memref_slice %dma_wait3A_110[%dma_wait3A_92, %dma_wait3A_111] : memref<84x128xi32, #tpu.memory_space<hbm>> -> memref<1x128xi32, #tpu.memory_space<hbm>>
    %dma_wait3A_113 = tpu.memref_squeeze %dma_wait3A_112 : memref<1x128xi32, #tpu.memory_space<hbm>> -> memref<128xi32, #tpu.memory_space<hbm>>
    tpu.wait_dma2 semaphore(%arg14 : memref<!tpu.dma_semaphore, #tpu.memory_space<semaphore_mem>>) src(%dma_wait3A_113 : memref<128xi32, #tpu.memory_space<hbm>>) dst(%dma_wait3A_106 : memref<128xi32, #tpu.memory_space<vmem>>)
    %dma_start3A_114 = arith.constant 0 : i32
    %dma_start3A_115 = arith.constant 0 : i32
    %dma_start3A_116 = tpu.memref_slice %arg8[%dma_start3A_114, %dma_start3A_115] : memref<4x128xi32, #tpu.memory_space<vmem>> -> memref<1x128xi32, #tpu.memory_space<vmem>>
    %dma_start3A_117 = tpu.memref_squeeze %dma_start3A_116 : memref<1x128xi32, #tpu.memory_space<vmem>> -> memref<128xi32, #tpu.memory_space<vmem>>
    %dma_start3A_118 = arith.constant 0 : i32
    %dma_start3A_119 = arith.constant 0 : i32
    %dma_start3A_120 = tpu.memref_slice %arg2[%dma_start3A_118, %dma_start3A_119] : memref<10112x128xf32, #tpu.memory_space<hbm>> -> memref<10112x128xf32, #tpu.memory_space<hbm>>
    tpu.enqueue_indirect_dma source(%dma_start3A_120 : memref<10112x128xf32, #tpu.memory_space<hbm>>) target(%arg9 : memref<128x128xf32, #tpu.memory_space<vmem>>) offsets(%dma_start3A_117 : memref<128xi32, #tpu.memory_space<vmem>>) semaphore(%arg12 : memref<!tpu.dma_semaphore, #tpu.memory_space<semaphore_mem>>)
    %dma_wait3A_121 = arith.constant 0 : i32
    %dma_wait3A_122 = arith.constant 0 : i32
    %dma_wait3A_123 = arith.constant 1 : i32
    %dma_wait3A_124 = arith.constant 0 : i32
    %dma_wait3A_125 = tpu.memref_slice %arg8[%dma_wait3A_123, %dma_wait3A_124] : memref<4x128xi32, #tpu.memory_space<vmem>> -> memref<1x128xi32, #tpu.memory_space<vmem>>
    %dma_wait3A_126 = tpu.memref_squeeze %dma_wait3A_125 : memref<1x128xi32, #tpu.memory_space<vmem>> -> memref<128xi32, #tpu.memory_space<vmem>>
    %dma_wait3A_127 = arith.constant 0 : i32
    %dma_wait3A_128 = arith.constant 0 : i32
    %dma_wait3A_129 = tpu.memref_slice %arg3[%dma_wait3A_121, %dma_wait3A_127, %dma_wait3A_128] : memref<32x84x128xi32, #tpu.memory_space<hbm>> -> memref<1x84x128xi32, #tpu.memory_space<hbm>>
    %dma_wait3A_130 = tpu.memref_squeeze %dma_wait3A_129 : memref<1x84x128xi32, #tpu.memory_space<hbm>> -> memref<84x128xi32, #tpu.memory_space<hbm>>
    %dma_wait3A_131 = arith.constant 0 : i32
    %dma_wait3A_132 = tpu.memref_slice %dma_wait3A_130[%dma_wait3A_122, %dma_wait3A_131] : memref<84x128xi32, #tpu.memory_space<hbm>> -> memref<1x128xi32, #tpu.memory_space<hbm>>
    %dma_wait3A_133 = tpu.memref_squeeze %dma_wait3A_132 : memref<1x128xi32, #tpu.memory_space<hbm>> -> memref<128xi32, #tpu.memory_space<hbm>>
    %dma_wait3A_134 = arith.constant 0 : i32
    %dma_wait3A_135 = tpu.memref_slice %arg8[%dma_wait3A_123, %dma_wait3A_134] : memref<4x128xi32, #tpu.memory_space<vmem>> -> memref<1x128xi32, #tpu.memory_space<vmem>>
    %dma_wait3A_136 = tpu.memref_squeeze %dma_wait3A_135 : memref<1x128xi32, #tpu.memory_space<vmem>> -> memref<128xi32, #tpu.memory_space<vmem>>
    %dma_wait3A_137 = arith.constant 0 : i32
    %dma_wait3A_138 = arith.constant 0 : i32
    %dma_wait3A_139 = tpu.memref_slice %arg3[%dma_wait3A_121, %dma_wait3A_137, %dma_wait3A_138] : memref<32x84x128xi32, #tpu.memory_space<hbm>> -> memref<1x84x128xi32, #tpu.memory_space<hbm>>
    %dma_wait3A_140 = tpu.memref_squeeze %dma_wait3A_139 : memref<1x84x128xi32, #tpu.memory_space<hbm>> -> memref<84x128xi32, #tpu.memory_space<hbm>>
    %dma_wait3A_141 = arith.constant 0 : i32
    %dma_wait3A_142 = tpu.memref_slice %dma_wait3A_140[%dma_wait3A_122, %dma_wait3A_141] : memref<84x128xi32, #tpu.memory_space<hbm>> -> memref<1x128xi32, #tpu.memory_space<hbm>>
    %dma_wait3A_143 = tpu.memref_squeeze %dma_wait3A_142 : memref<1x128xi32, #tpu.memory_space<hbm>> -> memref<128xi32, #tpu.memory_space<hbm>>
    tpu.wait_dma2 semaphore(%arg15 : memref<!tpu.dma_semaphore, #tpu.memory_space<semaphore_mem>>) src(%dma_wait3A_143 : memref<128xi32, #tpu.memory_space<hbm>>) dst(%dma_wait3A_136 : memref<128xi32, #tpu.memory_space<vmem>>)
    %dma_start3A_144 = arith.constant 1 : i32
    %dma_start3A_145 = arith.constant 0 : i32
    %dma_start3A_146 = tpu.memref_slice %arg8[%dma_start3A_144, %dma_start3A_145] : memref<4x128xi32, #tpu.memory_space<vmem>> -> memref<1x128xi32, #tpu.memory_space<vmem>>
    %dma_start3A_147 = tpu.memref_squeeze %dma_start3A_146 : memref<1x128xi32, #tpu.memory_space<vmem>> -> memref<128xi32, #tpu.memory_space<vmem>>
    %dma_start3A_148 = arith.constant 0 : i32
    %dma_start3A_149 = arith.constant 0 : i32
    %dma_start3A_150 = tpu.memref_slice %arg2[%dma_start3A_148, %dma_start3A_149] : memref<10112x128xf32, #tpu.memory_space<hbm>> -> memref<10112x128xf32, #tpu.memory_space<hbm>>
    tpu.enqueue_indirect_dma source(%dma_start3A_150 : memref<10112x128xf32, #tpu.memory_space<hbm>>) target(%arg10 : memref<128x128xf32, #tpu.memory_space<vmem>>) offsets(%dma_start3A_147 : memref<128xi32, #tpu.memory_space<vmem>>) semaphore(%arg13 : memref<!tpu.dma_semaphore, #tpu.memory_space<semaphore_mem>>)
    %scan3A = arith.constant 0 : i32
    %scan3A_151 = arith.constant 0 : i32
    %scan3A_152 = arith.constant 21 : i32
    %scan3A_153 = arith.addi %scan3A_151, %scan3A_152 : i32
    %scan3A_154 = arith.constant 1 : i32
    scf.for %scan3A_161 = %scan3A_151 to %scan3A_153 step %scan3A_154  : i32 {
      %mul3A_162 = arith.constant 4 : i32
      %mul3A_163 = arith.muli %scan3A_161, %mul3A_162 : i32
      %add3A_164 = arith.constant 0 : i32
      %add3A_165 = arith.addi %mul3A_163, %add3A_164 : i32
      %dma_wait3A_166 = arith.constant 0 : i32
      %dma_wait3A_167 = arith.constant 0 : i32
      %dma_wait3A_168 = tpu.memref_slice %arg5[%dma_wait3A_166, %dma_wait3A_167] : memref<10112x128xf32, #tpu.memory_space<hbm>> -> memref<128x128xf32, #tpu.memory_space<hbm>>
      %dma_wait3A_169 = arith.constant 0 : i32
      %dma_wait3A_170 = arith.constant 0 : i32
      %dma_wait3A_171 = tpu.memref_slice %arg5[%dma_wait3A_169, %dma_wait3A_170] : memref<10112x128xf32, #tpu.memory_space<hbm>> -> memref<128x128xf32, #tpu.memory_space<hbm>>
      tpu.wait_dma2 semaphore(%arg12 : memref<!tpu.dma_semaphore, #tpu.memory_space<semaphore_mem>>) src(%dma_wait3A_171 : memref<128x128xf32, #tpu.memory_space<hbm>>) dst(%arg9 : memref<128x128xf32, #tpu.memory_space<vmem>>)
      "tpu.region"() ({
        %run_scoped3A = tpu.sem_alloc : memref<!tpu.dma_semaphore, #tpu.memory_space<semaphore_mem>>
        %dma_start3A_255 = arith.constant 0 : i32
        %dma_start3A_256 = tpu.memref_slice %arg7[%add3A_165, %dma_start3A_255] : memref<84x128xi32, #tpu.memory_space<vmem>> -> memref<1x128xi32, #tpu.memory_space<vmem>>
        %dma_start3A_257 = tpu.memref_squeeze %dma_start3A_256 : memref<1x128xi32, #tpu.memory_space<vmem>> -> memref<128xi32, #tpu.memory_space<vmem>>
        %dma_start3A_258 = arith.constant 0 : i32
        %dma_start3A_259 = arith.constant 0 : i32
        %dma_start3A_260 = tpu.memref_slice %arg11[%dma_start3A_258, %dma_start3A_259] : memref<10112x128xf32, #tpu.memory_space<vmem_shared>> -> memref<10112x128xf32, #tpu.memory_space<vmem_shared>>
        tpu.enqueue_indirect_dma source(%arg9 : memref<128x128xf32, #tpu.memory_space<vmem>>) target(%dma_start3A_260 : memref<10112x128xf32, #tpu.memory_space<vmem_shared>>) offsets(%dma_start3A_257 : memref<128xi32, #tpu.memory_space<vmem>>) semaphore(%run_scoped3A : memref<!tpu.dma_semaphore, #tpu.memory_space<semaphore_mem>>) {add = true}
        %dma_wait3A_261 = arith.constant 0 : i32
        %dma_wait3A_262 = tpu.memref_slice %arg7[%add3A_165, %dma_wait3A_261] : memref<84x128xi32, #tpu.memory_space<vmem>> -> memref<1x128xi32, #tpu.memory_space<vmem>>
        %dma_wait3A_263 = tpu.memref_squeeze %dma_wait3A_262 : memref<1x128xi32, #tpu.memory_space<vmem>> -> memref<128xi32, #tpu.memory_space<vmem>>
        %dma_wait3A_264 = arith.constant 0 : i32
        %dma_wait3A_265 = arith.constant 0 : i32
        %dma_wait3A_266 = tpu.memref_slice %arg11[%dma_wait3A_264, %dma_wait3A_265] : memref<10112x128xf32, #tpu.memory_space<vmem_shared>> -> memref<10112x128xf32, #tpu.memory_space<vmem_shared>>
        tpu.wait_indirect_dma semaphore(%run_scoped3A : memref<!tpu.dma_semaphore, #tpu.memory_space<semaphore_mem>>) src(%arg9 : memref<128x128xf32, #tpu.memory_space<vmem>>) dst(%dma_wait3A_266 : memref<10112x128xf32, #tpu.memory_space<vmem_shared>>)
        tpu.yield
      }) : () -> ()
      %add3A_172 = arith.constant 2 : i32
      %add3A_173 = arith.addi %add3A_165, %add3A_172 : i32
      %lt3A = arith.constant 84 : i32
      %lt3A_174 = arith.cmpi slt, %add3A_173, %lt3A : i32
      %convert_element_type3A = arith.extui %lt3A_174 : i1 to i32
      %cond3A = arith.constant 0 : i32
      %cond3A_175 = arith.cmpi ne, %convert_element_type3A, %cond3A : i32
      scf.if %cond3A_175 {
        %dma_wait3A_255 = arith.constant 0 : i32
        %dma_wait3A_256 = arith.constant 0 : i32
        %dma_wait3A_257 = arith.constant 2 : i32
        %dma_wait3A_258 = arith.constant 0 : i32
        %dma_wait3A_259 = tpu.memref_slice %arg8[%dma_wait3A_257, %dma_wait3A_258] : memref<4x128xi32, #tpu.memory_space<vmem>> -> memref<1x128xi32, #tpu.memory_space<vmem>>
        %dma_wait3A_260 = tpu.memref_squeeze %dma_wait3A_259 : memref<1x128xi32, #tpu.memory_space<vmem>> -> memref<128xi32, #tpu.memory_space<vmem>>
        %dma_wait3A_261 = arith.constant 0 : i32
        %dma_wait3A_262 = arith.constant 0 : i32
        %dma_wait3A_263 = tpu.memref_slice %arg3[%dma_wait3A_255, %dma_wait3A_261, %dma_wait3A_262] : memref<32x84x128xi32, #tpu.memory_space<hbm>> -> memref<1x84x128xi32, #tpu.memory_space<hbm>>
        %dma_wait3A_264 = tpu.memref_squeeze %dma_wait3A_263 : memref<1x84x128xi32, #tpu.memory_space<hbm>> -> memref<84x128xi32, #tpu.memory_space<hbm>>
        %dma_wait3A_265 = arith.constant 0 : i32
        %dma_wait3A_266 = tpu.memref_slice %dma_wait3A_264[%dma_wait3A_256, %dma_wait3A_265] : memref<84x128xi32, #tpu.memory_space<hbm>> -> memref<1x128xi32, #tpu.memory_space<hbm>>
        %dma_wait3A_267 = tpu.memref_squeeze %dma_wait3A_266 : memref<1x128xi32, #tpu.memory_space<hbm>> -> memref<128xi32, #tpu.memory_space<hbm>>
        %dma_wait3A_268 = arith.constant 0 : i32
        %dma_wait3A_269 = tpu.memref_slice %arg8[%dma_wait3A_257, %dma_wait3A_268] : memref<4x128xi32, #tpu.memory_space<vmem>> -> memref<1x128xi32, #tpu.memory_space<vmem>>
        %dma_wait3A_270 = tpu.memref_squeeze %dma_wait3A_269 : memref<1x128xi32, #tpu.memory_space<vmem>> -> memref<128xi32, #tpu.memory_space<vmem>>
        %dma_wait3A_271 = arith.constant 0 : i32
        %dma_wait3A_272 = arith.constant 0 : i32
        %dma_wait3A_273 = tpu.memref_slice %arg3[%dma_wait3A_255, %dma_wait3A_271, %dma_wait3A_272] : memref<32x84x128xi32, #tpu.memory_space<hbm>> -> memref<1x84x128xi32, #tpu.memory_space<hbm>>
        %dma_wait3A_274 = tpu.memref_squeeze %dma_wait3A_273 : memref<1x84x128xi32, #tpu.memory_space<hbm>> -> memref<84x128xi32, #tpu.memory_space<hbm>>
        %dma_wait3A_275 = arith.constant 0 : i32
        %dma_wait3A_276 = tpu.memref_slice %dma_wait3A_274[%dma_wait3A_256, %dma_wait3A_275] : memref<84x128xi32, #tpu.memory_space<hbm>> -> memref<1x128xi32, #tpu.memory_space<hbm>>
        %dma_wait3A_277 = tpu.memref_squeeze %dma_wait3A_276 : memref<1x128xi32, #tpu.memory_space<hbm>> -> memref<128xi32, #tpu.memory_space<hbm>>
        tpu.wait_dma2 semaphore(%arg16 : memref<!tpu.dma_semaphore, #tpu.memory_space<semaphore_mem>>) src(%dma_wait3A_277 : memref<128xi32, #tpu.memory_space<hbm>>) dst(%dma_wait3A_270 : memref<128xi32, #tpu.memory_space<vmem>>)
        %dma_start3A_278 = arith.constant 2 : i32
        %dma_start3A_279 = arith.constant 0 : i32
        %dma_start3A_280 = tpu.memref_slice %arg8[%dma_start3A_278, %dma_start3A_279] : memref<4x128xi32, #tpu.memory_space<vmem>> -> memref<1x128xi32, #tpu.memory_space<vmem>>
        %dma_start3A_281 = tpu.memref_squeeze %dma_start3A_280 : memref<1x128xi32, #tpu.memory_space<vmem>> -> memref<128xi32, #tpu.memory_space<vmem>>
        %dma_start3A_282 = arith.constant 0 : i32
        %dma_start3A_283 = arith.constant 0 : i32
        %dma_start3A_284 = tpu.memref_slice %arg2[%dma_start3A_282, %dma_start3A_283] : memref<10112x128xf32, #tpu.memory_space<hbm>> -> memref<10112x128xf32, #tpu.memory_space<hbm>>
        tpu.enqueue_indirect_dma source(%dma_start3A_284 : memref<10112x128xf32, #tpu.memory_space<hbm>>) target(%arg9 : memref<128x128xf32, #tpu.memory_space<vmem>>) offsets(%dma_start3A_281 : memref<128xi32, #tpu.memory_space<vmem>>) semaphore(%arg12 : memref<!tpu.dma_semaphore, #tpu.memory_space<semaphore_mem>>)
      } else {
      }
      %add3A_176 = arith.constant 4 : i32
      %add3A_177 = arith.addi %add3A_165, %add3A_176 : i32
      %lt3A_178 = arith.constant 84 : i32
      %lt3A_179 = arith.cmpi slt, %add3A_177, %lt3A_178 : i32
      %convert_element_type3A_180 = arith.extui %lt3A_179 : i1 to i32
      %cond3A_181 = arith.constant 0 : i32
      %cond3A_182 = arith.cmpi ne, %convert_element_type3A_180, %cond3A_181 : i32
      scf.if %cond3A_182 {
        %dma_start3A_255 = arith.constant 0 : i32
        %dma_start3A_256 = arith.constant 0 : i32
        %dma_start3A_257 = tpu.memref_slice %arg8[%dma_start3A_255, %dma_start3A_256] : memref<4x128xi32, #tpu.memory_space<vmem>> -> memref<1x128xi32, #tpu.memory_space<vmem>>
        %dma_start3A_258 = tpu.memref_squeeze %dma_start3A_257 : memref<1x128xi32, #tpu.memory_space<vmem>> -> memref<128xi32, #tpu.memory_space<vmem>>
        %dma_start3A_259 = arith.constant 0 : i32
        %dma_start3A_260 = arith.constant 0 : i32
        %dma_start3A_261 = tpu.memref_slice %arg3[%add3A, %dma_start3A_259, %dma_start3A_260] : memref<32x84x128xi32, #tpu.memory_space<hbm>> -> memref<1x84x128xi32, #tpu.memory_space<hbm>>
        %dma_start3A_262 = tpu.memref_squeeze %dma_start3A_261 : memref<1x84x128xi32, #tpu.memory_space<hbm>> -> memref<84x128xi32, #tpu.memory_space<hbm>>
        %dma_start3A_263 = arith.constant 0 : i32
        %dma_start3A_264 = tpu.memref_slice %dma_start3A_262[%add3A_177, %dma_start3A_263] : memref<84x128xi32, #tpu.memory_space<hbm>> -> memref<1x128xi32, #tpu.memory_space<hbm>>
        %dma_start3A_265 = tpu.memref_squeeze %dma_start3A_264 : memref<1x128xi32, #tpu.memory_space<hbm>> -> memref<128xi32, #tpu.memory_space<hbm>>
        %dma_start3A_266 = arith.constant 0 : i32
        %dma_start3A_267 = tpu.memref_slice %arg8[%dma_start3A_255, %dma_start3A_266] : memref<4x128xi32, #tpu.memory_space<vmem>> -> memref<1x128xi32, #tpu.memory_space<vmem>>
        %dma_start3A_268 = tpu.memref_squeeze %dma_start3A_267 : memref<1x128xi32, #tpu.memory_space<vmem>> -> memref<128xi32, #tpu.memory_space<vmem>>
        %dma_start3A_269 = arith.constant 0 : i32
        %dma_start3A_270 = arith.constant 0 : i32
        %dma_start3A_271 = tpu.memref_slice %arg3[%add3A, %dma_start3A_269, %dma_start3A_270] : memref<32x84x128xi32, #tpu.memory_space<hbm>> -> memref<1x84x128xi32, #tpu.memory_space<hbm>>
        %dma_start3A_272 = tpu.memref_squeeze %dma_start3A_271 : memref<1x84x128xi32, #tpu.memory_space<hbm>> -> memref<84x128xi32, #tpu.memory_space<hbm>>
        %dma_start3A_273 = arith.constant 0 : i32
        %dma_start3A_274 = tpu.memref_slice %dma_start3A_272[%add3A_177, %dma_start3A_273] : memref<84x128xi32, #tpu.memory_space<hbm>> -> memref<1x128xi32, #tpu.memory_space<hbm>>
        %dma_start3A_275 = tpu.memref_squeeze %dma_start3A_274 : memref<1x128xi32, #tpu.memory_space<hbm>> -> memref<128xi32, #tpu.memory_space<hbm>>
        tpu.enqueue_dma source(%dma_start3A_275 : memref<128xi32, #tpu.memory_space<hbm>>) target(%dma_start3A_268 : memref<128xi32, #tpu.memory_space<vmem>>) target_semaphore(%arg14 : memref<!tpu.dma_semaphore, #tpu.memory_space<semaphore_mem>>)
      } else {
      }
      %mul3A_183 = arith.constant 4 : i32
      %mul3A_184 = arith.muli %scan3A_161, %mul3A_183 : i32
      %add3A_185 = arith.constant 1 : i32
      %add3A_186 = arith.addi %mul3A_184, %add3A_185 : i32
      %dma_wait3A_187 = arith.constant 0 : i32
      %dma_wait3A_188 = arith.constant 0 : i32
      %dma_wait3A_189 = tpu.memref_slice %arg5[%dma_wait3A_187, %dma_wait3A_188] : memref<10112x128xf32, #tpu.memory_space<hbm>> -> memref<128x128xf32, #tpu.memory_space<hbm>>
      %dma_wait3A_190 = arith.constant 0 : i32
      %dma_wait3A_191 = arith.constant 0 : i32
      %dma_wait3A_192 = tpu.memref_slice %arg5[%dma_wait3A_190, %dma_wait3A_191] : memref<10112x128xf32, #tpu.memory_space<hbm>> -> memref<128x128xf32, #tpu.memory_space<hbm>>
      tpu.wait_dma2 semaphore(%arg13 : memref<!tpu.dma_semaphore, #tpu.memory_space<semaphore_mem>>) src(%dma_wait3A_192 : memref<128x128xf32, #tpu.memory_space<hbm>>) dst(%arg10 : memref<128x128xf32, #tpu.memory_space<vmem>>)
      "tpu.region"() ({
        %run_scoped3A = tpu.sem_alloc : memref<!tpu.dma_semaphore, #tpu.memory_space<semaphore_mem>>
        %dma_start3A_255 = arith.constant 0 : i32
        %dma_start3A_256 = tpu.memref_slice %arg7[%add3A_186, %dma_start3A_255] : memref<84x128xi32, #tpu.memory_space<vmem>> -> memref<1x128xi32, #tpu.memory_space<vmem>>
        %dma_start3A_257 = tpu.memref_squeeze %dma_start3A_256 : memref<1x128xi32, #tpu.memory_space<vmem>> -> memref<128xi32, #tpu.memory_space<vmem>>
        %dma_start3A_258 = arith.constant 0 : i32
        %dma_start3A_259 = arith.constant 0 : i32
        %dma_start3A_260 = tpu.memref_slice %arg11[%dma_start3A_258, %dma_start3A_259] : memref<10112x128xf32, #tpu.memory_space<vmem_shared>> -> memref<10112x128xf32, #tpu.memory_space<vmem_shared>>
        tpu.enqueue_indirect_dma source(%arg10 : memref<128x128xf32, #tpu.memory_space<vmem>>) target(%dma_start3A_260 : memref<10112x128xf32, #tpu.memory_space<vmem_shared>>) offsets(%dma_start3A_257 : memref<128xi32, #tpu.memory_space<vmem>>) semaphore(%run_scoped3A : memref<!tpu.dma_semaphore, #tpu.memory_space<semaphore_mem>>) {add = true}
        %dma_wait3A_261 = arith.constant 0 : i32
        %dma_wait3A_262 = tpu.memref_slice %arg7[%add3A_186, %dma_wait3A_261] : memref<84x128xi32, #tpu.memory_space<vmem>> -> memref<1x128xi32, #tpu.memory_space<vmem>>
        %dma_wait3A_263 = tpu.memref_squeeze %dma_wait3A_262 : memref<1x128xi32, #tpu.memory_space<vmem>> -> memref<128xi32, #tpu.memory_space<vmem>>
        %dma_wait3A_264 = arith.constant 0 : i32
        %dma_wait3A_265 = arith.constant 0 : i32
        %dma_wait3A_266 = tpu.memref_slice %arg11[%dma_wait3A_264, %dma_wait3A_265] : memref<10112x128xf32, #tpu.memory_space<vmem_shared>> -> memref<10112x128xf32, #tpu.memory_space<vmem_shared>>
        tpu.wait_indirect_dma semaphore(%run_scoped3A : memref<!tpu.dma_semaphore, #tpu.memory_space<semaphore_mem>>) src(%arg10 : memref<128x128xf32, #tpu.memory_space<vmem>>) dst(%dma_wait3A_266 : memref<10112x128xf32, #tpu.memory_space<vmem_shared>>)
        tpu.yield
      }) : () -> ()
      %add3A_193 = arith.constant 2 : i32
      %add3A_194 = arith.addi %add3A_186, %add3A_193 : i32
      %lt3A_195 = arith.constant 84 : i32
      %lt3A_196 = arith.cmpi slt, %add3A_194, %lt3A_195 : i32
      %convert_element_type3A_197 = arith.extui %lt3A_196 : i1 to i32
      %cond3A_198 = arith.constant 0 : i32
      %cond3A_199 = arith.cmpi ne, %convert_element_type3A_197, %cond3A_198 : i32
      scf.if %cond3A_199 {
        %dma_wait3A_255 = arith.constant 0 : i32
        %dma_wait3A_256 = arith.constant 0 : i32
        %dma_wait3A_257 = arith.constant 3 : i32
        %dma_wait3A_258 = arith.constant 0 : i32
        %dma_wait3A_259 = tpu.memref_slice %arg8[%dma_wait3A_257, %dma_wait3A_258] : memref<4x128xi32, #tpu.memory_space<vmem>> -> memref<1x128xi32, #tpu.memory_space<vmem>>
        %dma_wait3A_260 = tpu.memref_squeeze %dma_wait3A_259 : memref<1x128xi32, #tpu.memory_space<vmem>> -> memref<128xi32, #tpu.memory_space<vmem>>
        %dma_wait3A_261 = arith.constant 0 : i32
        %dma_wait3A_262 = arith.constant 0 : i32
        %dma_wait3A_263 = tpu.memref_slice %arg3[%dma_wait3A_255, %dma_wait3A_261, %dma_wait3A_262] : memref<32x84x128xi32, #tpu.memory_space<hbm>> -> memref<1x84x128xi32, #tpu.memory_space<hbm>>
        %dma_wait3A_264 = tpu.memref_squeeze %dma_wait3A_263 : memref<1x84x128xi32, #tpu.memory_space<hbm>> -> memref<84x128xi32, #tpu.memory_space<hbm>>
        %dma_wait3A_265 = arith.constant 0 : i32
        %dma_wait3A_266 = tpu.memref_slice %dma_wait3A_264[%dma_wait3A_256, %dma_wait3A_265] : memref<84x128xi32, #tpu.memory_space<hbm>> -> memref<1x128xi32, #tpu.memory_space<hbm>>
        %dma_wait3A_267 = tpu.memref_squeeze %dma_wait3A_266 : memref<1x128xi32, #tpu.memory_space<hbm>> -> memref<128xi32, #tpu.memory_space<hbm>>
        %dma_wait3A_268 = arith.constant 0 : i32
        %dma_wait3A_269 = tpu.memref_slice %arg8[%dma_wait3A_257, %dma_wait3A_268] : memref<4x128xi32, #tpu.memory_space<vmem>> -> memref<1x128xi32, #tpu.memory_space<vmem>>
        %dma_wait3A_270 = tpu.memref_squeeze %dma_wait3A_269 : memref<1x128xi32, #tpu.memory_space<vmem>> -> memref<128xi32, #tpu.memory_space<vmem>>
        %dma_wait3A_271 = arith.constant 0 : i32
        %dma_wait3A_272 = arith.constant 0 : i32
        %dma_wait3A_273 = tpu.memref_slice %arg3[%dma_wait3A_255, %dma_wait3A_271, %dma_wait3A_272] : memref<32x84x128xi32, #tpu.memory_space<hbm>> -> memref<1x84x128xi32, #tpu.memory_space<hbm>>
        %dma_wait3A_274 = tpu.memref_squeeze %dma_wait3A_273 : memref<1x84x128xi32, #tpu.memory_space<hbm>> -> memref<84x128xi32, #tpu.memory_space<hbm>>
        %dma_wait3A_275 = arith.constant 0 : i32
        %dma_wait3A_276 = tpu.memref_slice %dma_wait3A_274[%dma_wait3A_256, %dma_wait3A_275] : memref<84x128xi32, #tpu.memory_space<hbm>> -> memref<1x128xi32, #tpu.memory_space<hbm>>
        %dma_wait3A_277 = tpu.memref_squeeze %dma_wait3A_276 : memref<1x128xi32, #tpu.memory_space<hbm>> -> memref<128xi32, #tpu.memory_space<hbm>>
        tpu.wait_dma2 semaphore(%arg17 : memref<!tpu.dma_semaphore, #tpu.memory_space<semaphore_mem>>) src(%dma_wait3A_277 : memref<128xi32, #tpu.memory_space<hbm>>) dst(%dma_wait3A_270 : memref<128xi32, #tpu.memory_space<vmem>>)
        %dma_start3A_278 = arith.constant 3 : i32
        %dma_start3A_279 = arith.constant 0 : i32
        %dma_start3A_280 = tpu.memref_slice %arg8[%dma_start3A_278, %dma_start3A_279] : memref<4x128xi32, #tpu.memory_space<vmem>> -> memref<1x128xi32, #tpu.memory_space<vmem>>
        %dma_start3A_281 = tpu.memref_squeeze %dma_start3A_280 : memref<1x128xi32, #tpu.memory_space<vmem>> -> memref<128xi32, #tpu.memory_space<vmem>>
        %dma_start3A_282 = arith.constant 0 : i32
        %dma_start3A_283 = arith.constant 0 : i32
        %dma_start3A_284 = tpu.memref_slice %arg2[%dma_start3A_282, %dma_start3A_283] : memref<10112x128xf32, #tpu.memory_space<hbm>> -> memref<10112x128xf32, #tpu.memory_space<hbm>>
        tpu.enqueue_indirect_dma source(%dma_start3A_284 : memref<10112x128xf32, #tpu.memory_space<hbm>>) target(%arg10 : memref<128x128xf32, #tpu.memory_space<vmem>>) offsets(%dma_start3A_281 : memref<128xi32, #tpu.memory_space<vmem>>) semaphore(%arg13 : memref<!tpu.dma_semaphore, #tpu.memory_space<semaphore_mem>>)
      } else {
      }
      %add3A_200 = arith.constant 4 : i32
      %add3A_201 = arith.addi %add3A_186, %add3A_200 : i32
      %lt3A_202 = arith.constant 84 : i32
      %lt3A_203 = arith.cmpi slt, %add3A_201, %lt3A_202 : i32
      %convert_element_type3A_204 = arith.extui %lt3A_203 : i1 to i32
      %cond3A_205 = arith.constant 0 : i32
      %cond3A_206 = arith.cmpi ne, %convert_element_type3A_204, %cond3A_205 : i32
      scf.if %cond3A_206 {
        %dma_start3A_255 = arith.constant 1 : i32
        %dma_start3A_256 = arith.constant 0 : i32
        %dma_start3A_257 = tpu.memref_slice %arg8[%dma_start3A_255, %dma_start3A_256] : memref<4x128xi32, #tpu.memory_space<vmem>> -> memref<1x128xi32, #tpu.memory_space<vmem>>
        %dma_start3A_258 = tpu.memref_squeeze %dma_start3A_257 : memref<1x128xi32, #tpu.memory_space<vmem>> -> memref<128xi32, #tpu.memory_space<vmem>>
        %dma_start3A_259 = arith.constant 0 : i32
        %dma_start3A_260 = arith.constant 0 : i32
        %dma_start3A_261 = tpu.memref_slice %arg3[%add3A, %dma_start3A_259, %dma_start3A_260] : memref<32x84x128xi32, #tpu.memory_space<hbm>> -> memref<1x84x128xi32, #tpu.memory_space<hbm>>
        %dma_start3A_262 = tpu.memref_squeeze %dma_start3A_261 : memref<1x84x128xi32, #tpu.memory_space<hbm>> -> memref<84x128xi32, #tpu.memory_space<hbm>>
        %dma_start3A_263 = arith.constant 0 : i32
        %dma_start3A_264 = tpu.memref_slice %dma_start3A_262[%add3A_201, %dma_start3A_263] : memref<84x128xi32, #tpu.memory_space<hbm>> -> memref<1x128xi32, #tpu.memory_space<hbm>>
        %dma_start3A_265 = tpu.memref_squeeze %dma_start3A_264 : memref<1x128xi32, #tpu.memory_space<hbm>> -> memref<128xi32, #tpu.memory_space<hbm>>
        %dma_start3A_266 = arith.constant 0 : i32
        %dma_start3A_267 = tpu.memref_slice %arg8[%dma_start3A_255, %dma_start3A_266] : memref<4x128xi32, #tpu.memory_space<vmem>> -> memref<1x128xi32, #tpu.memory_space<vmem>>
        %dma_start3A_268 = tpu.memref_squeeze %dma_start3A_267 : memref<1x128xi32, #tpu.memory_space<vmem>> -> memref<128xi32, #tpu.memory_space<vmem>>
        %dma_start3A_269 = arith.constant 0 : i32
        %dma_start3A_270 = arith.constant 0 : i32
        %dma_start3A_271 = tpu.memref_slice %arg3[%add3A, %dma_start3A_269, %dma_start3A_270] : memref<32x84x128xi32, #tpu.memory_space<hbm>> -> memref<1x84x128xi32, #tpu.memory_space<hbm>>
        %dma_start3A_272 = tpu.memref_squeeze %dma_start3A_271 : memref<1x84x128xi32, #tpu.memory_space<hbm>> -> memref<84x128xi32, #tpu.memory_space<hbm>>
        %dma_start3A_273 = arith.constant 0 : i32
        %dma_start3A_274 = tpu.memref_slice %dma_start3A_272[%add3A_201, %dma_start3A_273] : memref<84x128xi32, #tpu.memory_space<hbm>> -> memref<1x128xi32, #tpu.memory_space<hbm>>
        %dma_start3A_275 = tpu.memref_squeeze %dma_start3A_274 : memref<1x128xi32, #tpu.memory_space<hbm>> -> memref<128xi32, #tpu.memory_space<hbm>>
        tpu.enqueue_dma source(%dma_start3A_275 : memref<128xi32, #tpu.memory_space<hbm>>) target(%dma_start3A_268 : memref<128xi32, #tpu.memory_space<vmem>>) target_semaphore(%arg15 : memref<!tpu.dma_semaphore, #tpu.memory_space<semaphore_mem>>)
      } else {
      }
      %mul3A_207 = arith.constant 4 : i32
      %mul3A_208 = arith.muli %scan3A_161, %mul3A_207 : i32
      %add3A_209 = arith.constant 2 : i32
      %add3A_210 = arith.addi %mul3A_208, %add3A_209 : i32
      %dma_wait3A_211 = arith.constant 0 : i32
      %dma_wait3A_212 = arith.constant 0 : i32
      %dma_wait3A_213 = tpu.memref_slice %arg5[%dma_wait3A_211, %dma_wait3A_212] : memref<10112x128xf32, #tpu.memory_space<hbm>> -> memref<128x128xf32, #tpu.memory_space<hbm>>
      %dma_wait3A_214 = arith.constant 0 : i32
      %dma_wait3A_215 = arith.constant 0 : i32
      %dma_wait3A_216 = tpu.memref_slice %arg5[%dma_wait3A_214, %dma_wait3A_215] : memref<10112x128xf32, #tpu.memory_space<hbm>> -> memref<128x128xf32, #tpu.memory_space<hbm>>
      tpu.wait_dma2 semaphore(%arg12 : memref<!tpu.dma_semaphore, #tpu.memory_space<semaphore_mem>>) src(%dma_wait3A_216 : memref<128x128xf32, #tpu.memory_space<hbm>>) dst(%arg9 : memref<128x128xf32, #tpu.memory_space<vmem>>)
      "tpu.region"() ({
        %run_scoped3A = tpu.sem_alloc : memref<!tpu.dma_semaphore, #tpu.memory_space<semaphore_mem>>
        %dma_start3A_255 = arith.constant 0 : i32
        %dma_start3A_256 = tpu.memref_slice %arg7[%add3A_210, %dma_start3A_255] : memref<84x128xi32, #tpu.memory_space<vmem>> -> memref<1x128xi32, #tpu.memory_space<vmem>>
        %dma_start3A_257 = tpu.memref_squeeze %dma_start3A_256 : memref<1x128xi32, #tpu.memory_space<vmem>> -> memref<128xi32, #tpu.memory_space<vmem>>
        %dma_start3A_258 = arith.constant 0 : i32
        %dma_start3A_259 = arith.constant 0 : i32
        %dma_start3A_260 = tpu.memref_slice %arg11[%dma_start3A_258, %dma_start3A_259] : memref<10112x128xf32, #tpu.memory_space<vmem_shared>> -> memref<10112x128xf32, #tpu.memory_space<vmem_shared>>
        tpu.enqueue_indirect_dma source(%arg9 : memref<128x128xf32, #tpu.memory_space<vmem>>) target(%dma_start3A_260 : memref<10112x128xf32, #tpu.memory_space<vmem_shared>>) offsets(%dma_start3A_257 : memref<128xi32, #tpu.memory_space<vmem>>) semaphore(%run_scoped3A : memref<!tpu.dma_semaphore, #tpu.memory_space<semaphore_mem>>) {add = true}
        %dma_wait3A_261 = arith.constant 0 : i32
        %dma_wait3A_262 = tpu.memref_slice %arg7[%add3A_210, %dma_wait3A_261] : memref<84x128xi32, #tpu.memory_space<vmem>> -> memref<1x128xi32, #tpu.memory_space<vmem>>
        %dma_wait3A_263 = tpu.memref_squeeze %dma_wait3A_262 : memref<1x128xi32, #tpu.memory_space<vmem>> -> memref<128xi32, #tpu.memory_space<vmem>>
        %dma_wait3A_264 = arith.constant 0 : i32
        %dma_wait3A_265 = arith.constant 0 : i32
        %dma_wait3A_266 = tpu.memref_slice %arg11[%dma_wait3A_264, %dma_wait3A_265] : memref<10112x128xf32, #tpu.memory_space<vmem_shared>> -> memref<10112x128xf32, #tpu.memory_space<vmem_shared>>
        tpu.wait_indirect_dma semaphore(%run_scoped3A : memref<!tpu.dma_semaphore, #tpu.memory_space<semaphore_mem>>) src(%arg9 : memref<128x128xf32, #tpu.memory_space<vmem>>) dst(%dma_wait3A_266 : memref<10112x128xf32, #tpu.memory_space<vmem_shared>>)
        tpu.yield
      }) : () -> ()
      %add3A_217 = arith.constant 2 : i32
      %add3A_218 = arith.addi %add3A_210, %add3A_217 : i32
      %lt3A_219 = arith.constant 84 : i32
      %lt3A_220 = arith.cmpi slt, %add3A_218, %lt3A_219 : i32
      %convert_element_type3A_221 = arith.extui %lt3A_220 : i1 to i32
      %cond3A_222 = arith.constant 0 : i32
      %cond3A_223 = arith.cmpi ne, %convert_element_type3A_221, %cond3A_222 : i32
      scf.if %cond3A_223 {
        %dma_wait3A_255 = arith.constant 0 : i32
        %dma_wait3A_256 = arith.constant 0 : i32
        %dma_wait3A_257 = arith.constant 0 : i32
        %dma_wait3A_258 = arith.constant 0 : i32
        %dma_wait3A_259 = tpu.memref_slice %arg8[%dma_wait3A_257, %dma_wait3A_258] : memref<4x128xi32, #tpu.memory_space<vmem>> -> memref<1x128xi32, #tpu.memory_space<vmem>>
        %dma_wait3A_260 = tpu.memref_squeeze %dma_wait3A_259 : memref<1x128xi32, #tpu.memory_space<vmem>> -> memref<128xi32, #tpu.memory_space<vmem>>
        %dma_wait3A_261 = arith.constant 0 : i32
        %dma_wait3A_262 = arith.constant 0 : i32
        %dma_wait3A_263 = tpu.memref_slice %arg3[%dma_wait3A_255, %dma_wait3A_261, %dma_wait3A_262] : memref<32x84x128xi32, #tpu.memory_space<hbm>> -> memref<1x84x128xi32, #tpu.memory_space<hbm>>
        %dma_wait3A_264 = tpu.memref_squeeze %dma_wait3A_263 : memref<1x84x128xi32, #tpu.memory_space<hbm>> -> memref<84x128xi32, #tpu.memory_space<hbm>>
        %dma_wait3A_265 = arith.constant 0 : i32
        %dma_wait3A_266 = tpu.memref_slice %dma_wait3A_264[%dma_wait3A_256, %dma_wait3A_265] : memref<84x128xi32, #tpu.memory_space<hbm>> -> memref<1x128xi32, #tpu.memory_space<hbm>>
        %dma_wait3A_267 = tpu.memref_squeeze %dma_wait3A_266 : memref<1x128xi32, #tpu.memory_space<hbm>> -> memref<128xi32, #tpu.memory_space<hbm>>
        %dma_wait3A_268 = arith.constant 0 : i32
        %dma_wait3A_269 = tpu.memref_slice %arg8[%dma_wait3A_257, %dma_wait3A_268] : memref<4x128xi32, #tpu.memory_space<vmem>> -> memref<1x128xi32, #tpu.memory_space<vmem>>
        %dma_wait3A_270 = tpu.memref_squeeze %dma_wait3A_269 : memref<1x128xi32, #tpu.memory_space<vmem>> -> memref<128xi32, #tpu.memory_space<vmem>>
        %dma_wait3A_271 = arith.constant 0 : i32
        %dma_wait3A_272 = arith.constant 0 : i32
        %dma_wait3A_273 = tpu.memref_slice %arg3[%dma_wait3A_255, %dma_wait3A_271, %dma_wait3A_272] : memref<32x84x128xi32, #tpu.memory_space<hbm>> -> memref<1x84x128xi32, #tpu.memory_space<hbm>>
        %dma_wait3A_274 = tpu.memref_squeeze %dma_wait3A_273 : memref<1x84x128xi32, #tpu.memory_space<hbm>> -> memref<84x128xi32, #tpu.memory_space<hbm>>
        %dma_wait3A_275 = arith.constant 0 : i32
        %dma_wait3A_276 = tpu.memref_slice %dma_wait3A_274[%dma_wait3A_256, %dma_wait3A_275] : memref<84x128xi32, #tpu.memory_space<hbm>> -> memref<1x128xi32, #tpu.memory_space<hbm>>
        %dma_wait3A_277 = tpu.memref_squeeze %dma_wait3A_276 : memref<1x128xi32, #tpu.memory_space<hbm>> -> memref<128xi32, #tpu.memory_space<hbm>>
        tpu.wait_dma2 semaphore(%arg14 : memref<!tpu.dma_semaphore, #tpu.memory_space<semaphore_mem>>) src(%dma_wait3A_277 : memref<128xi32, #tpu.memory_space<hbm>>) dst(%dma_wait3A_270 : memref<128xi32, #tpu.memory_space<vmem>>)
        %dma_start3A_278 = arith.constant 0 : i32
        %dma_start3A_279 = arith.constant 0 : i32
        %dma_start3A_280 = tpu.memref_slice %arg8[%dma_start3A_278, %dma_start3A_279] : memref<4x128xi32, #tpu.memory_space<vmem>> -> memref<1x128xi32, #tpu.memory_space<vmem>>
        %dma_start3A_281 = tpu.memref_squeeze %dma_start3A_280 : memref<1x128xi32, #tpu.memory_space<vmem>> -> memref<128xi32, #tpu.memory_space<vmem>>
        %dma_start3A_282 = arith.constant 0 : i32
        %dma_start3A_283 = arith.constant 0 : i32
        %dma_start3A_284 = tpu.memref_slice %arg2[%dma_start3A_282, %dma_start3A_283] : memref<10112x128xf32, #tpu.memory_space<hbm>> -> memref<10112x128xf32, #tpu.memory_space<hbm>>
        tpu.enqueue_indirect_dma source(%dma_start3A_284 : memref<10112x128xf32, #tpu.memory_space<hbm>>) target(%arg9 : memref<128x128xf32, #tpu.memory_space<vmem>>) offsets(%dma_start3A_281 : memref<128xi32, #tpu.memory_space<vmem>>) semaphore(%arg12 : memref<!tpu.dma_semaphore, #tpu.memory_space<semaphore_mem>>)
      } else {
      }
      %add3A_224 = arith.constant 4 : i32
      %add3A_225 = arith.addi %add3A_210, %add3A_224 : i32
      %lt3A_226 = arith.constant 84 : i32
      %lt3A_227 = arith.cmpi slt, %add3A_225, %lt3A_226 : i32
      %convert_element_type3A_228 = arith.extui %lt3A_227 : i1 to i32
      %cond3A_229 = arith.constant 0 : i32
      %cond3A_230 = arith.cmpi ne, %convert_element_type3A_228, %cond3A_229 : i32
      scf.if %cond3A_230 {
        %dma_start3A_255 = arith.constant 2 : i32
        %dma_start3A_256 = arith.constant 0 : i32
        %dma_start3A_257 = tpu.memref_slice %arg8[%dma_start3A_255, %dma_start3A_256] : memref<4x128xi32, #tpu.memory_space<vmem>> -> memref<1x128xi32, #tpu.memory_space<vmem>>
        %dma_start3A_258 = tpu.memref_squeeze %dma_start3A_257 : memref<1x128xi32, #tpu.memory_space<vmem>> -> memref<128xi32, #tpu.memory_space<vmem>>
        %dma_start3A_259 = arith.constant 0 : i32
        %dma_start3A_260 = arith.constant 0 : i32
        %dma_start3A_261 = tpu.memref_slice %arg3[%add3A, %dma_start3A_259, %dma_start3A_260] : memref<32x84x128xi32, #tpu.memory_space<hbm>> -> memref<1x84x128xi32, #tpu.memory_space<hbm>>
        %dma_start3A_262 = tpu.memref_squeeze %dma_start3A_261 : memref<1x84x128xi32, #tpu.memory_space<hbm>> -> memref<84x128xi32, #tpu.memory_space<hbm>>
        %dma_start3A_263 = arith.constant 0 : i32
        %dma_start3A_264 = tpu.memref_slice %dma_start3A_262[%add3A_225, %dma_start3A_263] : memref<84x128xi32, #tpu.memory_space<hbm>> -> memref<1x128xi32, #tpu.memory_space<hbm>>
        %dma_start3A_265 = tpu.memref_squeeze %dma_start3A_264 : memref<1x128xi32, #tpu.memory_space<hbm>> -> memref<128xi32, #tpu.memory_space<hbm>>
        %dma_start3A_266 = arith.constant 0 : i32
        %dma_start3A_267 = tpu.memref_slice %arg8[%dma_start3A_255, %dma_start3A_266] : memref<4x128xi32, #tpu.memory_space<vmem>> -> memref<1x128xi32, #tpu.memory_space<vmem>>
        %dma_start3A_268 = tpu.memref_squeeze %dma_start3A_267 : memref<1x128xi32, #tpu.memory_space<vmem>> -> memref<128xi32, #tpu.memory_space<vmem>>
        %dma_start3A_269 = arith.constant 0 : i32
        %dma_start3A_270 = arith.constant 0 : i32
        %dma_start3A_271 = tpu.memref_slice %arg3[%add3A, %dma_start3A_269, %dma_start3A_270] : memref<32x84x128xi32, #tpu.memory_space<hbm>> -> memref<1x84x128xi32, #tpu.memory_space<hbm>>
        %dma_start3A_272 = tpu.memref_squeeze %dma_start3A_271 : memref<1x84x128xi32, #tpu.memory_space<hbm>> -> memref<84x128xi32, #tpu.memory_space<hbm>>
        %dma_start3A_273 = arith.constant 0 : i32
        %dma_start3A_274 = tpu.memref_slice %dma_start3A_272[%add3A_225, %dma_start3A_273] : memref<84x128xi32, #tpu.memory_space<hbm>> -> memref<1x128xi32, #tpu.memory_space<hbm>>
        %dma_start3A_275 = tpu.memref_squeeze %dma_start3A_274 : memref<1x128xi32, #tpu.memory_space<hbm>> -> memref<128xi32, #tpu.memory_space<hbm>>
        tpu.enqueue_dma source(%dma_start3A_275 : memref<128xi32, #tpu.memory_space<hbm>>) target(%dma_start3A_268 : memref<128xi32, #tpu.memory_space<vmem>>) target_semaphore(%arg16 : memref<!tpu.dma_semaphore, #tpu.memory_space<semaphore_mem>>)
      } else {
      }
      %mul3A_231 = arith.constant 4 : i32
      %mul3A_232 = arith.muli %scan3A_161, %mul3A_231 : i32
      %add3A_233 = arith.constant 3 : i32
      %add3A_234 = arith.addi %mul3A_232, %add3A_233 : i32
      %dma_wait3A_235 = arith.constant 0 : i32
      %dma_wait3A_236 = arith.constant 0 : i32
      %dma_wait3A_237 = tpu.memref_slice %arg5[%dma_wait3A_235, %dma_wait3A_236] : memref<10112x128xf32, #tpu.memory_space<hbm>> -> memref<128x128xf32, #tpu.memory_space<hbm>>
      %dma_wait3A_238 = arith.constant 0 : i32
      %dma_wait3A_239 = arith.constant 0 : i32
      %dma_wait3A_240 = tpu.memref_slice %arg5[%dma_wait3A_238, %dma_wait3A_239] : memref<10112x128xf32, #tpu.memory_space<hbm>> -> memref<128x128xf32, #tpu.memory_space<hbm>>
      tpu.wait_dma2 semaphore(%arg13 : memref<!tpu.dma_semaphore, #tpu.memory_space<semaphore_mem>>) src(%dma_wait3A_240 : memref<128x128xf32, #tpu.memory_space<hbm>>) dst(%arg10 : memref<128x128xf32, #tpu.memory_space<vmem>>)
      "tpu.region"() ({
        %run_scoped3A = tpu.sem_alloc : memref<!tpu.dma_semaphore, #tpu.memory_space<semaphore_mem>>
        %dma_start3A_255 = arith.constant 0 : i32
        %dma_start3A_256 = tpu.memref_slice %arg7[%add3A_234, %dma_start3A_255] : memref<84x128xi32, #tpu.memory_space<vmem>> -> memref<1x128xi32, #tpu.memory_space<vmem>>
        %dma_start3A_257 = tpu.memref_squeeze %dma_start3A_256 : memref<1x128xi32, #tpu.memory_space<vmem>> -> memref<128xi32, #tpu.memory_space<vmem>>
        %dma_start3A_258 = arith.constant 0 : i32
        %dma_start3A_259 = arith.constant 0 : i32
        %dma_start3A_260 = tpu.memref_slice %arg11[%dma_start3A_258, %dma_start3A_259] : memref<10112x128xf32, #tpu.memory_space<vmem_shared>> -> memref<10112x128xf32, #tpu.memory_space<vmem_shared>>
        tpu.enqueue_indirect_dma source(%arg10 : memref<128x128xf32, #tpu.memory_space<vmem>>) target(%dma_start3A_260 : memref<10112x128xf32, #tpu.memory_space<vmem_shared>>) offsets(%dma_start3A_257 : memref<128xi32, #tpu.memory_space<vmem>>) semaphore(%run_scoped3A : memref<!tpu.dma_semaphore, #tpu.memory_space<semaphore_mem>>) {add = true}
        %dma_wait3A_261 = arith.constant 0 : i32
        %dma_wait3A_262 = tpu.memref_slice %arg7[%add3A_234, %dma_wait3A_261] : memref<84x128xi32, #tpu.memory_space<vmem>> -> memref<1x128xi32, #tpu.memory_space<vmem>>
        %dma_wait3A_263 = tpu.memref_squeeze %dma_wait3A_262 : memref<1x128xi32, #tpu.memory_space<vmem>> -> memref<128xi32, #tpu.memory_space<vmem>>
        %dma_wait3A_264 = arith.constant 0 : i32
        %dma_wait3A_265 = arith.constant 0 : i32
        %dma_wait3A_266 = tpu.memref_slice %arg11[%dma_wait3A_264, %dma_wait3A_265] : memref<10112x128xf32, #tpu.memory_space<vmem_shared>> -> memref<10112x128xf32, #tpu.memory_space<vmem_shared>>
        tpu.wait_indirect_dma semaphore(%run_scoped3A : memref<!tpu.dma_semaphore, #tpu.memory_space<semaphore_mem>>) src(%arg10 : memref<128x128xf32, #tpu.memory_space<vmem>>) dst(%dma_wait3A_266 : memref<10112x128xf32, #tpu.memory_space<vmem_shared>>)
        tpu.yield
      }) : () -> ()
      %add3A_241 = arith.constant 2 : i32
      %add3A_242 = arith.addi %add3A_234, %add3A_241 : i32
      %lt3A_243 = arith.constant 84 : i32
      %lt3A_244 = arith.cmpi slt, %add3A_242, %lt3A_243 : i32
      %convert_element_type3A_245 = arith.extui %lt3A_244 : i1 to i32
      %cond3A_246 = arith.constant 0 : i32
      %cond3A_247 = arith.cmpi ne, %convert_element_type3A_245, %cond3A_246 : i32
      scf.if %cond3A_247 {
        %dma_wait3A_255 = arith.constant 0 : i32
        %dma_wait3A_256 = arith.constant 0 : i32
        %dma_wait3A_257 = arith.constant 1 : i32
        %dma_wait3A_258 = arith.constant 0 : i32
        %dma_wait3A_259 = tpu.memref_slice %arg8[%dma_wait3A_257, %dma_wait3A_258] : memref<4x128xi32, #tpu.memory_space<vmem>> -> memref<1x128xi32, #tpu.memory_space<vmem>>
        %dma_wait3A_260 = tpu.memref_squeeze %dma_wait3A_259 : memref<1x128xi32, #tpu.memory_space<vmem>> -> memref<128xi32, #tpu.memory_space<vmem>>
        %dma_wait3A_261 = arith.constant 0 : i32
        %dma_wait3A_262 = arith.constant 0 : i32
        %dma_wait3A_263 = tpu.memref_slice %arg3[%dma_wait3A_255, %dma_wait3A_261, %dma_wait3A_262] : memref<32x84x128xi32, #tpu.memory_space<hbm>> -> memref<1x84x128xi32, #tpu.memory_space<hbm>>
        %dma_wait3A_264 = tpu.memref_squeeze %dma_wait3A_263 : memref<1x84x128xi32, #tpu.memory_space<hbm>> -> memref<84x128xi32, #tpu.memory_space<hbm>>
        %dma_wait3A_265 = arith.constant 0 : i32
        %dma_wait3A_266 = tpu.memref_slice %dma_wait3A_264[%dma_wait3A_256, %dma_wait3A_265] : memref<84x128xi32, #tpu.memory_space<hbm>> -> memref<1x128xi32, #tpu.memory_space<hbm>>
        %dma_wait3A_267 = tpu.memref_squeeze %dma_wait3A_266 : memref<1x128xi32, #tpu.memory_space<hbm>> -> memref<128xi32, #tpu.memory_space<hbm>>
        %dma_wait3A_268 = arith.constant 0 : i32
        %dma_wait3A_269 = tpu.memref_slice %arg8[%dma_wait3A_257, %dma_wait3A_268] : memref<4x128xi32, #tpu.memory_space<vmem>> -> memref<1x128xi32, #tpu.memory_space<vmem>>
        %dma_wait3A_270 = tpu.memref_squeeze %dma_wait3A_269 : memref<1x128xi32, #tpu.memory_space<vmem>> -> memref<128xi32, #tpu.memory_space<vmem>>
        %dma_wait3A_271 = arith.constant 0 : i32
        %dma_wait3A_272 = arith.constant 0 : i32
        %dma_wait3A_273 = tpu.memref_slice %arg3[%dma_wait3A_255, %dma_wait3A_271, %dma_wait3A_272] : memref<32x84x128xi32, #tpu.memory_space<hbm>> -> memref<1x84x128xi32, #tpu.memory_space<hbm>>
        %dma_wait3A_274 = tpu.memref_squeeze %dma_wait3A_273 : memref<1x84x128xi32, #tpu.memory_space<hbm>> -> memref<84x128xi32, #tpu.memory_space<hbm>>
        %dma_wait3A_275 = arith.constant 0 : i32
        %dma_wait3A_276 = tpu.memref_slice %dma_wait3A_274[%dma_wait3A_256, %dma_wait3A_275] : memref<84x128xi32, #tpu.memory_space<hbm>> -> memref<1x128xi32, #tpu.memory_space<hbm>>
        %dma_wait3A_277 = tpu.memref_squeeze %dma_wait3A_276 : memref<1x128xi32, #tpu.memory_space<hbm>> -> memref<128xi32, #tpu.memory_space<hbm>>
        tpu.wait_dma2 semaphore(%arg15 : memref<!tpu.dma_semaphore, #tpu.memory_space<semaphore_mem>>) src(%dma_wait3A_277 : memref<128xi32, #tpu.memory_space<hbm>>) dst(%dma_wait3A_270 : memref<128xi32, #tpu.memory_space<vmem>>)
        %dma_start3A_278 = arith.constant 1 : i32
        %dma_start3A_279 = arith.constant 0 : i32
        %dma_start3A_280 = tpu.memref_slice %arg8[%dma_start3A_278, %dma_start3A_279] : memref<4x128xi32, #tpu.memory_space<vmem>> -> memref<1x128xi32, #tpu.memory_space<vmem>>
        %dma_start3A_281 = tpu.memref_squeeze %dma_start3A_280 : memref<1x128xi32, #tpu.memory_space<vmem>> -> memref<128xi32, #tpu.memory_space<vmem>>
        %dma_start3A_282 = arith.constant 0 : i32
        %dma_start3A_283 = arith.constant 0 : i32
        %dma_start3A_284 = tpu.memref_slice %arg2[%dma_start3A_282, %dma_start3A_283] : memref<10112x128xf32, #tpu.memory_space<hbm>> -> memref<10112x128xf32, #tpu.memory_space<hbm>>
        tpu.enqueue_indirect_dma source(%dma_start3A_284 : memref<10112x128xf32, #tpu.memory_space<hbm>>) target(%arg10 : memref<128x128xf32, #tpu.memory_space<vmem>>) offsets(%dma_start3A_281 : memref<128xi32, #tpu.memory_space<vmem>>) semaphore(%arg13 : memref<!tpu.dma_semaphore, #tpu.memory_space<semaphore_mem>>)
      } else {
      }
      %add3A_248 = arith.constant 4 : i32
      %add3A_249 = arith.addi %add3A_234, %add3A_248 : i32
      %lt3A_250 = arith.constant 84 : i32
      %lt3A_251 = arith.cmpi slt, %add3A_249, %lt3A_250 : i32
      %convert_element_type3A_252 = arith.extui %lt3A_251 : i1 to i32
      %cond3A_253 = arith.constant 0 : i32
      %cond3A_254 = arith.cmpi ne, %convert_element_type3A_252, %cond3A_253 : i32
      scf.if %cond3A_254 {
        %dma_start3A_255 = arith.constant 3 : i32
        %dma_start3A_256 = arith.constant 0 : i32
        %dma_start3A_257 = tpu.memref_slice %arg8[%dma_start3A_255, %dma_start3A_256] : memref<4x128xi32, #tpu.memory_space<vmem>> -> memref<1x128xi32, #tpu.memory_space<vmem>>
        %dma_start3A_258 = tpu.memref_squeeze %dma_start3A_257 : memref<1x128xi32, #tpu.memory_space<vmem>> -> memref<128xi32, #tpu.memory_space<vmem>>
        %dma_start3A_259 = arith.constant 0 : i32
        %dma_start3A_260 = arith.constant 0 : i32
        %dma_start3A_261 = tpu.memref_slice %arg3[%add3A, %dma_start3A_259, %dma_start3A_260] : memref<32x84x128xi32, #tpu.memory_space<hbm>> -> memref<1x84x128xi32, #tpu.memory_space<hbm>>
        %dma_start3A_262 = tpu.memref_squeeze %dma_start3A_261 : memref<1x84x128xi32, #tpu.memory_space<hbm>> -> memref<84x128xi32, #tpu.memory_space<hbm>>
        %dma_start3A_263 = arith.constant 0 : i32
        %dma_start3A_264 = tpu.memref_slice %dma_start3A_262[%add3A_249, %dma_start3A_263] : memref<84x128xi32, #tpu.memory_space<hbm>> -> memref<1x128xi32, #tpu.memory_space<hbm>>
        %dma_start3A_265 = tpu.memref_squeeze %dma_start3A_264 : memref<1x128xi32, #tpu.memory_space<hbm>> -> memref<128xi32, #tpu.memory_space<hbm>>
        %dma_start3A_266 = arith.constant 0 : i32
        %dma_start3A_267 = tpu.memref_slice %arg8[%dma_start3A_255, %dma_start3A_266] : memref<4x128xi32, #tpu.memory_space<vmem>> -> memref<1x128xi32, #tpu.memory_space<vmem>>
        %dma_start3A_268 = tpu.memref_squeeze %dma_start3A_267 : memref<1x128xi32, #tpu.memory_space<vmem>> -> memref<128xi32, #tpu.memory_space<vmem>>
        %dma_start3A_269 = arith.constant 0 : i32
        %dma_start3A_270 = arith.constant 0 : i32
        %dma_start3A_271 = tpu.memref_slice %arg3[%add3A, %dma_start3A_269, %dma_start3A_270] : memref<32x84x128xi32, #tpu.memory_space<hbm>> -> memref<1x84x128xi32, #tpu.memory_space<hbm>>
        %dma_start3A_272 = tpu.memref_squeeze %dma_start3A_271 : memref<1x84x128xi32, #tpu.memory_space<hbm>> -> memref<84x128xi32, #tpu.memory_space<hbm>>
        %dma_start3A_273 = arith.constant 0 : i32
        %dma_start3A_274 = tpu.memref_slice %dma_start3A_272[%add3A_249, %dma_start3A_273] : memref<84x128xi32, #tpu.memory_space<hbm>> -> memref<1x128xi32, #tpu.memory_space<hbm>>
        %dma_start3A_275 = tpu.memref_squeeze %dma_start3A_274 : memref<1x128xi32, #tpu.memory_space<hbm>> -> memref<128xi32, #tpu.memory_space<hbm>>
        tpu.enqueue_dma source(%dma_start3A_275 : memref<128xi32, #tpu.memory_space<hbm>>) target(%dma_start3A_268 : memref<128xi32, #tpu.memory_space<vmem>>) target_semaphore(%arg17 : memref<!tpu.dma_semaphore, #tpu.memory_space<semaphore_mem>>)
      } else {
      }
    }
    %scan3A_155 = arith.constant 21 : i32
    %barrier3A_156 = arith.constant 0 : index
    tpu.barrier barrier_id(%barrier3A_156)
    %mul3A_157 = arith.constant 632 : i32
    %mul3A_158 = arith.muli %arg1, %mul3A_157 : i32
    %mul3A_159 = arith.constant 632 : i32
    %mul3A_160 = arith.muli %arg1, %mul3A_159 : i32
    "tpu.region"() ({
      %run_scoped3A = tpu.sem_alloc : memref<!tpu.dma_semaphore, #tpu.memory_space<semaphore_mem>>
      %dma_start3A_161 = arith.constant 0 : i32
      %dma_start3A_162 = arith.constant 0 : i32
      %dma_start3A_163 = tpu.memref_slice %arg6[%arg0, %dma_start3A_161, %dma_start3A_162] : memref<2x10112x128xf32, #tpu.memory_space<hbm>> -> memref<1x10112x128xf32, #tpu.memory_space<hbm>>
      %dma_start3A_164 = tpu.memref_squeeze %dma_start3A_163 : memref<1x10112x128xf32, #tpu.memory_space<hbm>> -> memref<10112x128xf32, #tpu.memory_space<hbm>>
      %dma_start3A_165 = arith.constant 0 : i32
      %dma_start3A_166 = tpu.memref_slice %dma_start3A_164[%mul3A_160, %dma_start3A_165] : memref<10112x128xf32, #tpu.memory_space<hbm>> -> memref<632x128xf32, #tpu.memory_space<hbm>>
      %dma_start3A_167 = arith.constant 0 : i32
      %dma_start3A_168 = tpu.memref_slice %arg11[%mul3A_158, %dma_start3A_167] : memref<10112x128xf32, #tpu.memory_space<vmem_shared>> -> memref<632x128xf32, #tpu.memory_space<vmem_shared>>
      tpu.enqueue_dma source(%dma_start3A_168 : memref<632x128xf32, #tpu.memory_space<vmem_shared>>) target(%dma_start3A_166 : memref<632x128xf32, #tpu.memory_space<hbm>>) target_semaphore(%run_scoped3A : memref<!tpu.dma_semaphore, #tpu.memory_space<semaphore_mem>>)
      %dma_wait3A_169 = arith.constant 0 : i32
      %dma_wait3A_170 = arith.constant 0 : i32
      %dma_wait3A_171 = tpu.memref_slice %arg6[%arg0, %dma_wait3A_169, %dma_wait3A_170] : memref<2x10112x128xf32, #tpu.memory_space<hbm>> -> memref<1x10112x128xf32, #tpu.memory_space<hbm>>
      %dma_wait3A_172 = tpu.memref_squeeze %dma_wait3A_171 : memref<1x10112x128xf32, #tpu.memory_space<hbm>> -> memref<10112x128xf32, #tpu.memory_space<hbm>>
      %dma_wait3A_173 = arith.constant 0 : i32
      %dma_wait3A_174 = tpu.memref_slice %dma_wait3A_172[%mul3A_160, %dma_wait3A_173] : memref<10112x128xf32, #tpu.memory_space<hbm>> -> memref<632x128xf32, #tpu.memory_space<hbm>>
      %dma_wait3A_175 = arith.constant 0 : i32
      %dma_wait3A_176 = tpu.memref_slice %arg11[%mul3A_158, %dma_wait3A_175] : memref<10112x128xf32, #tpu.memory_space<vmem_shared>> -> memref<632x128xf32, #tpu.memory_space<vmem_shared>>
      tpu.wait_dma2 semaphore(%run_scoped3A : memref<!tpu.dma_semaphore, #tpu.memory_space<semaphore_mem>>) src(%dma_wait3A_176 : memref<632x128xf32, #tpu.memory_space<vmem_shared>>) dst(%dma_wait3A_174 : memref<632x128xf32, #tpu.memory_space<hbm>>)
      tpu.yield
    }) : () -> ()
    return
  }
}

#map = affine_map<(d0, d1) -> (0, 0)>
#map1 = affine_map<(d0, d1) -> (0, 0, 0)>
module attributes {stable_mosaic.version = 14 : i64} {
  func.func @_pool(%arg0: i32, %arg1: i32, %arg2: memref<10112x128xf32, #tpu.memory_space<hbm>>, %arg3: memref<32x3x128xi32, #tpu.memory_space<hbm>>, %arg4: memref<10112x128xf32, #tpu.memory_space<hbm>>, %arg5: memref<2x128x128xf32, #tpu.memory_space<hbm>>, %arg6: memref<3x128xi32, #tpu.memory_space<vmem>>, %arg7: memref<128x128xf32, #tpu.memory_space<vmem>>, %arg8: memref<128x128xf32, #tpu.memory_space<vmem_shared>>) attributes {dimension_semantics = [#tpu.dimension_semantics<core_parallel>, #tpu.dimension_semantics<subcore_parallel>], iteration_bounds = array<i64: 2, 16>, scalar_prefetch = 0 : i64, scratch_operands = 3 : i64, tpu.core_type = #tpu.core_type<sc_vector_subcore>, window_params = [{transform_indices = #map}, {transform_indices = #map1}, {transform_indices = #map}, {transform_indices = #map1}]} {
    %mul3A = arith.constant 16 : i32
    %mul3A_0 = arith.muli %arg0, %mul3A : i32
    %add3A = arith.addi %mul3A_0, %arg1 : i32
    %eq3A = arith.constant 0 : i32
    %eq3A_1 = arith.cmpi eq, %arg1, %eq3A : i32
    %convert_element_type3A = arith.extui %eq3A_1 : i1 to i32
    %cond3A = arith.constant 0 : i32
    %cond3A_2 = arith.cmpi ne, %convert_element_type3A, %cond3A : i32
    scf.if %cond3A_2 {
      "tpu.region"() ({
        %run_scoped3A = tpu.sem_alloc : memref<!tpu.dma_semaphore, #tpu.memory_space<semaphore_mem>>
        %dma_start3A = arith.constant 0 : i32
        %dma_start3A_35 = arith.constant 0 : i32
        %dma_start3A_36 = tpu.memref_slice %arg4[%dma_start3A, %dma_start3A_35] : memref<10112x128xf32, #tpu.memory_space<hbm>> -> memref<128x128xf32, #tpu.memory_space<hbm>>
        tpu.enqueue_dma source(%dma_start3A_36 : memref<128x128xf32, #tpu.memory_space<hbm>>) target(%arg8 : memref<128x128xf32, #tpu.memory_space<vmem_shared>>) target_semaphore(%run_scoped3A : memref<!tpu.dma_semaphore, #tpu.memory_space<semaphore_mem>>)
        %dma_wait3A = arith.constant 0 : i32
        %dma_wait3A_37 = arith.constant 0 : i32
        %dma_wait3A_38 = tpu.memref_slice %arg4[%dma_wait3A, %dma_wait3A_37] : memref<10112x128xf32, #tpu.memory_space<hbm>> -> memref<128x128xf32, #tpu.memory_space<hbm>>
        tpu.wait_dma2 semaphore(%run_scoped3A : memref<!tpu.dma_semaphore, #tpu.memory_space<semaphore_mem>>) src(%dma_wait3A_38 : memref<128x128xf32, #tpu.memory_space<hbm>>) dst(%arg8 : memref<128x128xf32, #tpu.memory_space<vmem_shared>>)
        tpu.yield
      }) : () -> ()
    } else {
    }
    "tpu.region"() ({
      %run_scoped3A = tpu.sem_alloc : memref<!tpu.dma_semaphore, #tpu.memory_space<semaphore_mem>>
      %dma_start3A = arith.constant 0 : i32
      %dma_start3A_35 = arith.constant 0 : i32
      %dma_start3A_36 = tpu.memref_slice %arg3[%add3A, %dma_start3A, %dma_start3A_35] : memref<32x3x128xi32, #tpu.memory_space<hbm>> -> memref<1x3x128xi32, #tpu.memory_space<hbm>>
      %dma_start3A_37 = tpu.memref_squeeze %dma_start3A_36 : memref<1x3x128xi32, #tpu.memory_space<hbm>> -> memref<3x128xi32, #tpu.memory_space<hbm>>
      %dma_start3A_38 = arith.constant 0 : i32
      %dma_start3A_39 = arith.constant 0 : i32
      %dma_start3A_40 = tpu.memref_slice %arg3[%add3A, %dma_start3A_38, %dma_start3A_39] : memref<32x3x128xi32, #tpu.memory_space<hbm>> -> memref<1x3x128xi32, #tpu.memory_space<hbm>>
      %dma_start3A_41 = tpu.memref_squeeze %dma_start3A_40 : memref<1x3x128xi32, #tpu.memory_space<hbm>> -> memref<3x128xi32, #tpu.memory_space<hbm>>
      tpu.enqueue_dma source(%dma_start3A_41 : memref<3x128xi32, #tpu.memory_space<hbm>>) target(%arg6 : memref<3x128xi32, #tpu.memory_space<vmem>>) target_semaphore(%run_scoped3A : memref<!tpu.dma_semaphore, #tpu.memory_space<semaphore_mem>>)
      %dma_wait3A = arith.constant 0 : i32
      %dma_wait3A_42 = arith.constant 0 : i32
      %dma_wait3A_43 = tpu.memref_slice %arg3[%add3A, %dma_wait3A, %dma_wait3A_42] : memref<32x3x128xi32, #tpu.memory_space<hbm>> -> memref<1x3x128xi32, #tpu.memory_space<hbm>>
      %dma_wait3A_44 = tpu.memref_squeeze %dma_wait3A_43 : memref<1x3x128xi32, #tpu.memory_space<hbm>> -> memref<3x128xi32, #tpu.memory_space<hbm>>
      %dma_wait3A_45 = arith.constant 0 : i32
      %dma_wait3A_46 = arith.constant 0 : i32
      %dma_wait3A_47 = tpu.memref_slice %arg3[%add3A, %dma_wait3A_45, %dma_wait3A_46] : memref<32x3x128xi32, #tpu.memory_space<hbm>> -> memref<1x3x128xi32, #tpu.memory_space<hbm>>
      %dma_wait3A_48 = tpu.memref_squeeze %dma_wait3A_47 : memref<1x3x128xi32, #tpu.memory_space<hbm>> -> memref<3x128xi32, #tpu.memory_space<hbm>>
      tpu.wait_dma2 semaphore(%run_scoped3A : memref<!tpu.dma_semaphore, #tpu.memory_space<semaphore_mem>>) src(%dma_wait3A_48 : memref<3x128xi32, #tpu.memory_space<hbm>>) dst(%arg6 : memref<3x128xi32, #tpu.memory_space<vmem>>)
      tpu.yield
    }) : () -> ()
    %barrier3A = arith.constant 0 : index
    tpu.barrier barrier_id(%barrier3A)
    %mul3A_3 = arith.constant 3 : i32
    %mul3A_4 = arith.muli %add3A, %mul3A_3 : i32
    %add3A_5 = arith.constant 0 : i32
    %add3A_6 = arith.addi %mul3A_4, %add3A_5 : i32
    %lt3A = arith.constant 79 : i32
    %lt3A_7 = arith.cmpi slt, %add3A_6, %lt3A : i32
    %convert_element_type3A_8 = arith.extui %lt3A_7 : i1 to i32
    %cond3A_9 = arith.constant 0 : i32
    %cond3A_10 = arith.cmpi ne, %convert_element_type3A_8, %cond3A_9 : i32
    scf.if %cond3A_10 {
      %min3A = arith.constant 78 : i32
      %min3A_35 = arith.minsi %add3A_6, %min3A : i32
      %mul3A_36 = arith.constant 128 : i32
      %mul3A_37 = arith.muli %min3A_35, %mul3A_36 : i32
      "tpu.region"() ({
        %run_scoped3A_38 = tpu.sem_alloc : memref<!tpu.dma_semaphore, #tpu.memory_space<semaphore_mem>>
        %dma_start3A = arith.constant 0 : i32
        %dma_start3A_39 = tpu.memref_slice %arg2[%mul3A_37, %dma_start3A] : memref<10112x128xf32, #tpu.memory_space<hbm>> -> memref<128x128xf32, #tpu.memory_space<hbm>>
        %dma_start3A_40 = arith.constant 0 : i32
        %dma_start3A_41 = tpu.memref_slice %arg2[%mul3A_37, %dma_start3A_40] : memref<10112x128xf32, #tpu.memory_space<hbm>> -> memref<128x128xf32, #tpu.memory_space<hbm>>
        tpu.enqueue_dma source(%dma_start3A_41 : memref<128x128xf32, #tpu.memory_space<hbm>>) target(%arg7 : memref<128x128xf32, #tpu.memory_space<vmem>>) target_semaphore(%run_scoped3A_38 : memref<!tpu.dma_semaphore, #tpu.memory_space<semaphore_mem>>)
        %dma_wait3A = arith.constant 0 : i32
        %dma_wait3A_42 = tpu.memref_slice %arg2[%mul3A_37, %dma_wait3A] : memref<10112x128xf32, #tpu.memory_space<hbm>> -> memref<128x128xf32, #tpu.memory_space<hbm>>
        %dma_wait3A_43 = arith.constant 0 : i32
        %dma_wait3A_44 = tpu.memref_slice %arg2[%mul3A_37, %dma_wait3A_43] : memref<10112x128xf32, #tpu.memory_space<hbm>> -> memref<128x128xf32, #tpu.memory_space<hbm>>
        tpu.wait_dma2 semaphore(%run_scoped3A_38 : memref<!tpu.dma_semaphore, #tpu.memory_space<semaphore_mem>>) src(%dma_wait3A_44 : memref<128x128xf32, #tpu.memory_space<hbm>>) dst(%arg7 : memref<128x128xf32, #tpu.memory_space<vmem>>)
        tpu.yield
      }) : () -> ()
      %run_scoped3A = arith.constant 0 : i32
      "tpu.region"() ({
        %run_scoped3A_38 = tpu.sem_alloc : memref<!tpu.dma_semaphore, #tpu.memory_space<semaphore_mem>>
        %dma_start3A = arith.constant 0 : i32
        %dma_start3A_39 = tpu.memref_slice %arg6[%run_scoped3A, %dma_start3A] : memref<3x128xi32, #tpu.memory_space<vmem>> -> memref<1x128xi32, #tpu.memory_space<vmem>>
        %dma_start3A_40 = tpu.memref_squeeze %dma_start3A_39 : memref<1x128xi32, #tpu.memory_space<vmem>> -> memref<128xi32, #tpu.memory_space<vmem>>
        %dma_start3A_41 = arith.constant 0 : i32
        %dma_start3A_42 = arith.constant 0 : i32
        %dma_start3A_43 = tpu.memref_slice %arg8[%dma_start3A_41, %dma_start3A_42] : memref<128x128xf32, #tpu.memory_space<vmem_shared>> -> memref<128x128xf32, #tpu.memory_space<vmem_shared>>
        tpu.enqueue_indirect_dma source(%arg7 : memref<128x128xf32, #tpu.memory_space<vmem>>) target(%dma_start3A_43 : memref<128x128xf32, #tpu.memory_space<vmem_shared>>) offsets(%dma_start3A_40 : memref<128xi32, #tpu.memory_space<vmem>>) semaphore(%run_scoped3A_38 : memref<!tpu.dma_semaphore, #tpu.memory_space<semaphore_mem>>) {add = true}
        %dma_wait3A = arith.constant 0 : i32
        %dma_wait3A_44 = tpu.memref_slice %arg6[%run_scoped3A, %dma_wait3A] : memref<3x128xi32, #tpu.memory_space<vmem>> -> memref<1x128xi32, #tpu.memory_space<vmem>>
        %dma_wait3A_45 = tpu.memref_squeeze %dma_wait3A_44 : memref<1x128xi32, #tpu.memory_space<vmem>> -> memref<128xi32, #tpu.memory_space<vmem>>
        %dma_wait3A_46 = arith.constant 0 : i32
        %dma_wait3A_47 = arith.constant 0 : i32
        %dma_wait3A_48 = tpu.memref_slice %arg8[%dma_wait3A_46, %dma_wait3A_47] : memref<128x128xf32, #tpu.memory_space<vmem_shared>> -> memref<128x128xf32, #tpu.memory_space<vmem_shared>>
        tpu.wait_indirect_dma semaphore(%run_scoped3A_38 : memref<!tpu.dma_semaphore, #tpu.memory_space<semaphore_mem>>) src(%arg7 : memref<128x128xf32, #tpu.memory_space<vmem>>) dst(%dma_wait3A_48 : memref<128x128xf32, #tpu.memory_space<vmem_shared>>)
        tpu.yield
      }) : () -> ()
    } else {
    }
    %mul3A_11 = arith.constant 3 : i32
    %mul3A_12 = arith.muli %add3A, %mul3A_11 : i32
    %add3A_13 = arith.constant 1 : i32
    %add3A_14 = arith.addi %mul3A_12, %add3A_13 : i32
    %lt3A_15 = arith.constant 79 : i32
    %lt3A_16 = arith.cmpi slt, %add3A_14, %lt3A_15 : i32
    %convert_element_type3A_17 = arith.extui %lt3A_16 : i1 to i32
    %cond3A_18 = arith.constant 0 : i32
    %cond3A_19 = arith.cmpi ne, %convert_element_type3A_17, %cond3A_18 : i32
    scf.if %cond3A_19 {
      %min3A = arith.constant 78 : i32
      %min3A_35 = arith.minsi %add3A_14, %min3A : i32
      %mul3A_36 = arith.constant 128 : i32
      %mul3A_37 = arith.muli %min3A_35, %mul3A_36 : i32
      "tpu.region"() ({
        %run_scoped3A_38 = tpu.sem_alloc : memref<!tpu.dma_semaphore, #tpu.memory_space<semaphore_mem>>
        %dma_start3A = arith.constant 0 : i32
        %dma_start3A_39 = tpu.memref_slice %arg2[%mul3A_37, %dma_start3A] : memref<10112x128xf32, #tpu.memory_space<hbm>> -> memref<128x128xf32, #tpu.memory_space<hbm>>
        %dma_start3A_40 = arith.constant 0 : i32
        %dma_start3A_41 = tpu.memref_slice %arg2[%mul3A_37, %dma_start3A_40] : memref<10112x128xf32, #tpu.memory_space<hbm>> -> memref<128x128xf32, #tpu.memory_space<hbm>>
        tpu.enqueue_dma source(%dma_start3A_41 : memref<128x128xf32, #tpu.memory_space<hbm>>) target(%arg7 : memref<128x128xf32, #tpu.memory_space<vmem>>) target_semaphore(%run_scoped3A_38 : memref<!tpu.dma_semaphore, #tpu.memory_space<semaphore_mem>>)
        %dma_wait3A = arith.constant 0 : i32
        %dma_wait3A_42 = tpu.memref_slice %arg2[%mul3A_37, %dma_wait3A] : memref<10112x128xf32, #tpu.memory_space<hbm>> -> memref<128x128xf32, #tpu.memory_space<hbm>>
        %dma_wait3A_43 = arith.constant 0 : i32
        %dma_wait3A_44 = tpu.memref_slice %arg2[%mul3A_37, %dma_wait3A_43] : memref<10112x128xf32, #tpu.memory_space<hbm>> -> memref<128x128xf32, #tpu.memory_space<hbm>>
        tpu.wait_dma2 semaphore(%run_scoped3A_38 : memref<!tpu.dma_semaphore, #tpu.memory_space<semaphore_mem>>) src(%dma_wait3A_44 : memref<128x128xf32, #tpu.memory_space<hbm>>) dst(%arg7 : memref<128x128xf32, #tpu.memory_space<vmem>>)
        tpu.yield
      }) : () -> ()
      %run_scoped3A = arith.constant 1 : i32
      "tpu.region"() ({
        %run_scoped3A_38 = tpu.sem_alloc : memref<!tpu.dma_semaphore, #tpu.memory_space<semaphore_mem>>
        %dma_start3A = arith.constant 0 : i32
        %dma_start3A_39 = tpu.memref_slice %arg6[%run_scoped3A, %dma_start3A] : memref<3x128xi32, #tpu.memory_space<vmem>> -> memref<1x128xi32, #tpu.memory_space<vmem>>
        %dma_start3A_40 = tpu.memref_squeeze %dma_start3A_39 : memref<1x128xi32, #tpu.memory_space<vmem>> -> memref<128xi32, #tpu.memory_space<vmem>>
        %dma_start3A_41 = arith.constant 0 : i32
        %dma_start3A_42 = arith.constant 0 : i32
        %dma_start3A_43 = tpu.memref_slice %arg8[%dma_start3A_41, %dma_start3A_42] : memref<128x128xf32, #tpu.memory_space<vmem_shared>> -> memref<128x128xf32, #tpu.memory_space<vmem_shared>>
        tpu.enqueue_indirect_dma source(%arg7 : memref<128x128xf32, #tpu.memory_space<vmem>>) target(%dma_start3A_43 : memref<128x128xf32, #tpu.memory_space<vmem_shared>>) offsets(%dma_start3A_40 : memref<128xi32, #tpu.memory_space<vmem>>) semaphore(%run_scoped3A_38 : memref<!tpu.dma_semaphore, #tpu.memory_space<semaphore_mem>>) {add = true}
        %dma_wait3A = arith.constant 0 : i32
        %dma_wait3A_44 = tpu.memref_slice %arg6[%run_scoped3A, %dma_wait3A] : memref<3x128xi32, #tpu.memory_space<vmem>> -> memref<1x128xi32, #tpu.memory_space<vmem>>
        %dma_wait3A_45 = tpu.memref_squeeze %dma_wait3A_44 : memref<1x128xi32, #tpu.memory_space<vmem>> -> memref<128xi32, #tpu.memory_space<vmem>>
        %dma_wait3A_46 = arith.constant 0 : i32
        %dma_wait3A_47 = arith.constant 0 : i32
        %dma_wait3A_48 = tpu.memref_slice %arg8[%dma_wait3A_46, %dma_wait3A_47] : memref<128x128xf32, #tpu.memory_space<vmem_shared>> -> memref<128x128xf32, #tpu.memory_space<vmem_shared>>
        tpu.wait_indirect_dma semaphore(%run_scoped3A_38 : memref<!tpu.dma_semaphore, #tpu.memory_space<semaphore_mem>>) src(%arg7 : memref<128x128xf32, #tpu.memory_space<vmem>>) dst(%dma_wait3A_48 : memref<128x128xf32, #tpu.memory_space<vmem_shared>>)
        tpu.yield
      }) : () -> ()
    } else {
    }
    %mul3A_20 = arith.constant 3 : i32
    %mul3A_21 = arith.muli %add3A, %mul3A_20 : i32
    %add3A_22 = arith.constant 2 : i32
    %add3A_23 = arith.addi %mul3A_21, %add3A_22 : i32
    %lt3A_24 = arith.constant 79 : i32
    %lt3A_25 = arith.cmpi slt, %add3A_23, %lt3A_24 : i32
    %convert_element_type3A_26 = arith.extui %lt3A_25 : i1 to i32
    %cond3A_27 = arith.constant 0 : i32
    %cond3A_28 = arith.cmpi ne, %convert_element_type3A_26, %cond3A_27 : i32
    scf.if %cond3A_28 {
      %min3A = arith.constant 78 : i32
      %min3A_35 = arith.minsi %add3A_23, %min3A : i32
      %mul3A_36 = arith.constant 128 : i32
      %mul3A_37 = arith.muli %min3A_35, %mul3A_36 : i32
      "tpu.region"() ({
        %run_scoped3A_38 = tpu.sem_alloc : memref<!tpu.dma_semaphore, #tpu.memory_space<semaphore_mem>>
        %dma_start3A = arith.constant 0 : i32
        %dma_start3A_39 = tpu.memref_slice %arg2[%mul3A_37, %dma_start3A] : memref<10112x128xf32, #tpu.memory_space<hbm>> -> memref<128x128xf32, #tpu.memory_space<hbm>>
        %dma_start3A_40 = arith.constant 0 : i32
        %dma_start3A_41 = tpu.memref_slice %arg2[%mul3A_37, %dma_start3A_40] : memref<10112x128xf32, #tpu.memory_space<hbm>> -> memref<128x128xf32, #tpu.memory_space<hbm>>
        tpu.enqueue_dma source(%dma_start3A_41 : memref<128x128xf32, #tpu.memory_space<hbm>>) target(%arg7 : memref<128x128xf32, #tpu.memory_space<vmem>>) target_semaphore(%run_scoped3A_38 : memref<!tpu.dma_semaphore, #tpu.memory_space<semaphore_mem>>)
        %dma_wait3A = arith.constant 0 : i32
        %dma_wait3A_42 = tpu.memref_slice %arg2[%mul3A_37, %dma_wait3A] : memref<10112x128xf32, #tpu.memory_space<hbm>> -> memref<128x128xf32, #tpu.memory_space<hbm>>
        %dma_wait3A_43 = arith.constant 0 : i32
        %dma_wait3A_44 = tpu.memref_slice %arg2[%mul3A_37, %dma_wait3A_43] : memref<10112x128xf32, #tpu.memory_space<hbm>> -> memref<128x128xf32, #tpu.memory_space<hbm>>
        tpu.wait_dma2 semaphore(%run_scoped3A_38 : memref<!tpu.dma_semaphore, #tpu.memory_space<semaphore_mem>>) src(%dma_wait3A_44 : memref<128x128xf32, #tpu.memory_space<hbm>>) dst(%arg7 : memref<128x128xf32, #tpu.memory_space<vmem>>)
        tpu.yield
      }) : () -> ()
      %run_scoped3A = arith.constant 2 : i32
      "tpu.region"() ({
        %run_scoped3A_38 = tpu.sem_alloc : memref<!tpu.dma_semaphore, #tpu.memory_space<semaphore_mem>>
        %dma_start3A = arith.constant 0 : i32
        %dma_start3A_39 = tpu.memref_slice %arg6[%run_scoped3A, %dma_start3A] : memref<3x128xi32, #tpu.memory_space<vmem>> -> memref<1x128xi32, #tpu.memory_space<vmem>>
        %dma_start3A_40 = tpu.memref_squeeze %dma_start3A_39 : memref<1x128xi32, #tpu.memory_space<vmem>> -> memref<128xi32, #tpu.memory_space<vmem>>
        %dma_start3A_41 = arith.constant 0 : i32
        %dma_start3A_42 = arith.constant 0 : i32
        %dma_start3A_43 = tpu.memref_slice %arg8[%dma_start3A_41, %dma_start3A_42] : memref<128x128xf32, #tpu.memory_space<vmem_shared>> -> memref<128x128xf32, #tpu.memory_space<vmem_shared>>
        tpu.enqueue_indirect_dma source(%arg7 : memref<128x128xf32, #tpu.memory_space<vmem>>) target(%dma_start3A_43 : memref<128x128xf32, #tpu.memory_space<vmem_shared>>) offsets(%dma_start3A_40 : memref<128xi32, #tpu.memory_space<vmem>>) semaphore(%run_scoped3A_38 : memref<!tpu.dma_semaphore, #tpu.memory_space<semaphore_mem>>) {add = true}
        %dma_wait3A = arith.constant 0 : i32
        %dma_wait3A_44 = tpu.memref_slice %arg6[%run_scoped3A, %dma_wait3A] : memref<3x128xi32, #tpu.memory_space<vmem>> -> memref<1x128xi32, #tpu.memory_space<vmem>>
        %dma_wait3A_45 = tpu.memref_squeeze %dma_wait3A_44 : memref<1x128xi32, #tpu.memory_space<vmem>> -> memref<128xi32, #tpu.memory_space<vmem>>
        %dma_wait3A_46 = arith.constant 0 : i32
        %dma_wait3A_47 = arith.constant 0 : i32
        %dma_wait3A_48 = tpu.memref_slice %arg8[%dma_wait3A_46, %dma_wait3A_47] : memref<128x128xf32, #tpu.memory_space<vmem_shared>> -> memref<128x128xf32, #tpu.memory_space<vmem_shared>>
        tpu.wait_indirect_dma semaphore(%run_scoped3A_38 : memref<!tpu.dma_semaphore, #tpu.memory_space<semaphore_mem>>) src(%arg7 : memref<128x128xf32, #tpu.memory_space<vmem>>) dst(%dma_wait3A_48 : memref<128x128xf32, #tpu.memory_space<vmem_shared>>)
        tpu.yield
      }) : () -> ()
    } else {
    }
    %barrier3A_29 = arith.constant 0 : index
    tpu.barrier barrier_id(%barrier3A_29)
    %eq3A_30 = arith.constant 0 : i32
    %eq3A_31 = arith.cmpi eq, %arg1, %eq3A_30 : i32
    %convert_element_type3A_32 = arith.extui %eq3A_31 : i1 to i32
    %cond3A_33 = arith.constant 0 : i32
    %cond3A_34 = arith.cmpi ne, %convert_element_type3A_32, %cond3A_33 : i32
    scf.if %cond3A_34 {
      "tpu.region"() ({
        %run_scoped3A = tpu.sem_alloc : memref<!tpu.dma_semaphore, #tpu.memory_space<semaphore_mem>>
        %dma_start3A = arith.constant 0 : i32
        %dma_start3A_35 = arith.constant 0 : i32
        %dma_start3A_36 = tpu.memref_slice %arg5[%arg0, %dma_start3A, %dma_start3A_35] : memref<2x128x128xf32, #tpu.memory_space<hbm>> -> memref<1x128x128xf32, #tpu.memory_space<hbm>>
        %dma_start3A_37 = tpu.memref_squeeze %dma_start3A_36 : memref<1x128x128xf32, #tpu.memory_space<hbm>> -> memref<128x128xf32, #tpu.memory_space<hbm>>
        tpu.enqueue_dma source(%arg8 : memref<128x128xf32, #tpu.memory_space<vmem_shared>>) target(%dma_start3A_37 : memref<128x128xf32, #tpu.memory_space<hbm>>) target_semaphore(%run_scoped3A : memref<!tpu.dma_semaphore, #tpu.memory_space<semaphore_mem>>)
        %dma_wait3A = arith.constant 0 : i32
        %dma_wait3A_38 = arith.constant 0 : i32
        %dma_wait3A_39 = tpu.memref_slice %arg5[%arg0, %dma_wait3A, %dma_wait3A_38] : memref<2x128x128xf32, #tpu.memory_space<hbm>> -> memref<1x128x128xf32, #tpu.memory_space<hbm>>
        %dma_wait3A_40 = tpu.memref_squeeze %dma_wait3A_39 : memref<1x128x128xf32, #tpu.memory_space<hbm>> -> memref<128x128xf32, #tpu.memory_space<hbm>>
        tpu.wait_dma2 semaphore(%run_scoped3A : memref<!tpu.dma_semaphore, #tpu.memory_space<semaphore_mem>>) src(%arg8 : memref<128x128xf32, #tpu.memory_space<vmem_shared>>) dst(%dma_wait3A_40 : memref<128x128xf32, #tpu.memory_space<hbm>>)
        tpu.yield
      }) : () -> ()
    } else {
    }
    return
  }
}

module attributes {stable_mosaic.version = 14 : i64} {
  func.func @_mm1_body(%arg0: i32, %arg1: memref<632x128xf32, #tpu.memory_space<vmem>>, %arg2: memref<128x128xf32, #tpu.memory_space<vmem>>, %arg3: memref<2x632x128xf32, #tpu.memory_space<vmem>>, %arg4: memref<632x128xf32, #tpu.memory_space<vmem>>) attributes {dimension_semantics = [#tpu.dimension_semantics<arbitrary>], iteration_bounds = array<i64: 16>, scalar_prefetch = 0 : i64, scratch_operands = 0 : i64, tpu.core_type = #tpu.core_type<tc>, window_params = [{transform_indices = @transform_0, window_bounds = array<i64: 632, 128>}, {pipeline_mode = #tpu.pipeline_mode<synchronous>, transform_indices = @transform_1, window_bounds = array<i64: 128, 128>}, {transform_indices = @transform_2, window_bounds = array<i64: 2, 632, 128>}, {transform_indices = @transform_3, window_bounds = array<i64: 632, 128>}]} {
    %get3A = arith.constant 0 : index
    %get3A_0 = arith.constant 0 : index
    %get3A_1 = arith.constant 0 : index
    %get3A_2 = vector.load %arg3[%get3A, %get3A_0, %get3A_1] : memref<2x632x128xf32, #tpu.memory_space<vmem>>, vector<1x632x128xf32>
    %get3A_3 = vector.shape_cast %get3A_2 : vector<1x632x128xf32> to vector<632x128xf32>
    %slice3A = vector.extract_strided_slice %get3A_3 {offsets = [0, 0], sizes = [632, 1], strides = [1, 1]} : vector<632x128xf32> to vector<632x1xf32>
    %get3A_4 = arith.constant 1 : index
    %get3A_5 = arith.constant 0 : index
    %get3A_6 = arith.constant 0 : index
    %get3A_7 = vector.load %arg3[%get3A_4, %get3A_5, %get3A_6] : memref<2x632x128xf32, #tpu.memory_space<vmem>>, vector<1x632x128xf32>
    %get3A_8 = vector.shape_cast %get3A_7 : vector<1x632x128xf32> to vector<632x128xf32>
    %slice3A_9 = vector.extract_strided_slice %get3A_8 {offsets = [0, 0], sizes = [632, 1], strides = [1, 1]} : vector<632x128xf32> to vector<632x1xf32>
    %add3A = arith.addf %slice3A, %slice3A_9 : vector<632x1xf32>
    %add3A_10 = arith.constant 1.000000e+00 : f32
    %add3A_11 = vector.broadcast %add3A_10 : f32 to vector<632x1xf32>
    %add3A_12 = arith.addf %add3A, %add3A_11 : vector<632x1xf32>
    %rsqrt3A = math.rsqrt %add3A_12 : vector<632x1xf32>
    %get3A_13 = arith.constant 0 : index
    %get3A_14 = arith.constant 0 : index
    %get3A_15 = vector.load %arg1[%get3A_13, %get3A_14] : memref<632x128xf32, #tpu.memory_space<vmem>>, vector<632x128xf32>
    %get3A_16 = arith.constant 0 : index
    %get3A_17 = arith.constant 0 : index
    %get3A_18 = vector.load %arg2[%get3A_16, %get3A_17] : memref<128x128xf32, #tpu.memory_space<vmem>>, vector<128x128xf32>
    %dot_general3A = arith.constant dense<0.000000e+00> : vector<632x128xf32>
    %dot_general3A_19 = tpu.matmul %get3A_15, %get3A_18, %dot_general3A {dimension_numbers = #tpu.dot_dimension_numbers<[1], [0], [0], [1], [0, 0, 1, 1], [], []>, transpose_lhs_hint = false} : vector<632x128xf32>, vector<128x128xf32>, vector<632x128xf32> -> vector<632x128xf32>
    %mul3A = vector.broadcast %rsqrt3A : vector<632x1xf32> to vector<632x128xf32>
    %mul3A_20 = arith.mulf %dot_general3A_19, %mul3A : vector<632x128xf32>
    %swap3A = arith.constant 0 : index
    %swap3A_21 = arith.constant 0 : index
    %swap3A_22 = vector.load %arg4[%swap3A, %swap3A_21] : memref<632x128xf32, #tpu.memory_space<vmem>>, vector<632x128xf32>
    tpu.vector_store %arg4[%swap3A, %swap3A_21], %mul3A_20 {strides = array<i32>} : memref<632x128xf32, #tpu.memory_space<vmem>>, vector<632x128xf32>,
    return
  }
  func.func @transform_0(%arg0: i32) -> (i32, i32) {
    %c0_i32 = arith.constant 0 : i32
    %c0_i32_0 = arith.constant 0 : i32
    return %arg0, %c0_i32 : i32, i32
  }
  func.func @transform_1(%arg0: i32) -> (i32, i32) {
    %c0_i32 = arith.constant 0 : i32
    %c0_i32_0 = arith.constant 0 : i32
    %c0_i32_1 = arith.constant 0 : i32
    return %c0_i32, %c0_i32_0 : i32, i32
  }
  func.func @transform_2(%arg0: i32) -> (i32, i32, i32) {
    %c0_i32 = arith.constant 0 : i32
    %c0_i32_0 = arith.constant 0 : i32
    %c0_i32_1 = arith.constant 0 : i32
    return %c0_i32, %arg0, %c0_i32_0 : i32, i32, i32
  }
  func.func @transform_3(%arg0: i32) -> (i32, i32) {
    %c0_i32 = arith.constant 0 : i32
    %c0_i32_0 = arith.constant 0 : i32
    return %arg0, %c0_i32 : i32, i32
  }
}

module attributes {stable_mosaic.version = 14 : i64} {
  func.func @_mid_body(%arg0: i32, %arg1: memref<2x632x128xf32, #tpu.memory_space<vmem>>, %arg2: memref<632x128xf32, #tpu.memory_space<vmem>>, %arg3: memref<2x632x128xf32, #tpu.memory_space<vmem>>, %arg4: memref<1x128xf32, #tpu.memory_space<vmem>>, %arg5: memref<128x128xf32, #tpu.memory_space<vmem>>, %arg6: memref<632x128xf32, #tpu.memory_space<vmem>>) attributes {dimension_semantics = [#tpu.dimension_semantics<arbitrary>], iteration_bounds = array<i64: 16>, scalar_prefetch = 0 : i64, scratch_operands = 0 : i64, tpu.core_type = #tpu.core_type<tc>, window_params = [{transform_indices = @transform_0, window_bounds = array<i64: 2, 632, 128>}, {transform_indices = @transform_1, window_bounds = array<i64: 632, 128>}, {transform_indices = @transform_2, window_bounds = array<i64: 2, 632, 128>}, {pipeline_mode = #tpu.pipeline_mode<synchronous>, transform_indices = @transform_3, window_bounds = array<i64: 1, 128>}, {pipeline_mode = #tpu.pipeline_mode<synchronous>, transform_indices = @transform_4, window_bounds = array<i64: 128, 128>}, {transform_indices = @transform_5, window_bounds = array<i64: 632, 128>}]} {
    %get3A = arith.constant 0 : index
    %get3A_0 = arith.constant 0 : index
    %get3A_1 = arith.constant 0 : index
    %get3A_2 = vector.load %arg3[%get3A, %get3A_0, %get3A_1] : memref<2x632x128xf32, #tpu.memory_space<vmem>>, vector<1x632x128xf32>
    %get3A_3 = vector.shape_cast %get3A_2 : vector<1x632x128xf32> to vector<632x128xf32>
    %slice3A = vector.extract_strided_slice %get3A_3 {offsets = [0, 0], sizes = [632, 1], strides = [1, 1]} : vector<632x128xf32> to vector<632x1xf32>
    %get3A_4 = arith.constant 1 : index
    %get3A_5 = arith.constant 0 : index
    %get3A_6 = arith.constant 0 : index
    %get3A_7 = vector.load %arg3[%get3A_4, %get3A_5, %get3A_6] : memref<2x632x128xf32, #tpu.memory_space<vmem>>, vector<1x632x128xf32>
    %get3A_8 = vector.shape_cast %get3A_7 : vector<1x632x128xf32> to vector<632x128xf32>
    %slice3A_9 = vector.extract_strided_slice %get3A_8 {offsets = [0, 0], sizes = [632, 1], strides = [1, 1]} : vector<632x128xf32> to vector<632x1xf32>
    %add3A = arith.addf %slice3A, %slice3A_9 : vector<632x1xf32>
    %add3A_10 = arith.constant 1.000000e+00 : f32
    %add3A_11 = vector.broadcast %add3A_10 : f32 to vector<632x1xf32>
    %add3A_12 = arith.addf %add3A, %add3A_11 : vector<632x1xf32>
    %rsqrt3A = math.rsqrt %add3A_12 : vector<632x1xf32>
    %get3A_13 = arith.constant 0 : index
    %get3A_14 = arith.constant 0 : index
    %get3A_15 = arith.constant 0 : index
    %get3A_16 = vector.load %arg1[%get3A_13, %get3A_14, %get3A_15] : memref<2x632x128xf32, #tpu.memory_space<vmem>>, vector<1x632x128xf32>
    %get3A_17 = vector.shape_cast %get3A_16 : vector<1x632x128xf32> to vector<632x128xf32>
    %get3A_18 = arith.constant 1 : index
    %get3A_19 = arith.constant 0 : index
    %get3A_20 = arith.constant 0 : index
    %get3A_21 = vector.load %arg1[%get3A_18, %get3A_19, %get3A_20] : memref<2x632x128xf32, #tpu.memory_space<vmem>>, vector<1x632x128xf32>
    %get3A_22 = vector.shape_cast %get3A_21 : vector<1x632x128xf32> to vector<632x128xf32>
    %add3A_23 = arith.addf %get3A_17, %get3A_22 : vector<632x128xf32>
    %get3A_24 = arith.constant 0 : index
    %get3A_25 = arith.constant 0 : index
    %get3A_26 = vector.load %arg2[%get3A_24, %get3A_25] : memref<632x128xf32, #tpu.memory_space<vmem>>, vector<632x128xf32>
    %add3A_27 = arith.addf %add3A_23, %get3A_26 : vector<632x128xf32>
    %mul3A = vector.broadcast %rsqrt3A : vector<632x1xf32> to vector<632x128xf32>
    %mul3A_28 = arith.mulf %add3A_27, %mul3A : vector<632x128xf32>
    %get3A_29 = arith.constant 0 : index
    %get3A_30 = arith.constant 0 : index
    %get3A_31 = vector.load %arg4[%get3A_29, %get3A_30] : memref<1x128xf32, #tpu.memory_space<vmem>>, vector<1x128xf32>
    %add3A_32 = vector.broadcast %get3A_31 : vector<1x128xf32> to vector<632x128xf32>
    %add3A_33 = arith.addf %mul3A_28, %add3A_32 : vector<632x128xf32>
    %max3A = arith.constant 0.000000e+00 : f32
    %max3A_34 = vector.broadcast %max3A : f32 to vector<632x128xf32>
    %max3A_35 = arith.maximumf %add3A_33, %max3A_34 : vector<632x128xf32>
    %get3A_36 = arith.constant 0 : index
    %get3A_37 = arith.constant 0 : index
    %get3A_38 = vector.load %arg5[%get3A_36, %get3A_37] : memref<128x128xf32, #tpu.memory_space<vmem>>, vector<128x128xf32>
    %dot_general3A = arith.constant dense<0.000000e+00> : vector<632x128xf32>
    %dot_general3A_39 = tpu.matmul %max3A_35, %get3A_38, %dot_general3A {dimension_numbers = #tpu.dot_dimension_numbers<[1], [0], [0], [1], [0, 0, 1, 1], [], []>, transpose_lhs_hint = false} : vector<632x128xf32>, vector<128x128xf32>, vector<632x128xf32> -> vector<632x128xf32>
    %mul3A_40 = vector.broadcast %rsqrt3A : vector<632x1xf32> to vector<632x128xf32>
    %mul3A_41 = arith.mulf %dot_general3A_39, %mul3A_40 : vector<632x128xf32>
    %swap3A = arith.constant 0 : index
    %swap3A_42 = arith.constant 0 : index
    %swap3A_43 = vector.load %arg6[%swap3A, %swap3A_42] : memref<632x128xf32, #tpu.memory_space<vmem>>, vector<632x128xf32>
    tpu.vector_store %arg6[%swap3A, %swap3A_42], %mul3A_41 {strides = array<i32>} : memref<632x128xf32, #tpu.memory_space<vmem>>, vector<632x128xf32>,
    return
  }
  func.func @transform_0(%arg0: i32) -> (i32, i32, i32) {
    %c0_i32 = arith.constant 0 : i32
    %c0_i32_0 = arith.constant 0 : i32
    %c0_i32_1 = arith.constant 0 : i32
    return %c0_i32, %arg0, %c0_i32_0 : i32, i32, i32
  }
  func.func @transform_1(%arg0: i32) -> (i32, i32) {
    %c0_i32 = arith.constant 0 : i32
    %c0_i32_0 = arith.constant 0 : i32
    return %arg0, %c0_i32 : i32, i32
  }
  func.func @transform_2(%arg0: i32) -> (i32, i32, i32) {
    %c0_i32 = arith.constant 0 : i32
    %c0_i32_0 = arith.constant 0 : i32
    %c0_i32_1 = arith.constant 0 : i32
    return %c0_i32, %arg0, %c0_i32_0 : i32, i32, i32
  }
  func.func @transform_3(%arg0: i32) -> (i32, i32) {
    %c0_i32 = arith.constant 0 : i32
    %c0_i32_0 = arith.constant 0 : i32
    %c0_i32_1 = arith.constant 0 : i32
    return %c0_i32, %c0_i32_0 : i32, i32
  }
  func.func @transform_4(%arg0: i32) -> (i32, i32) {
    %c0_i32 = arith.constant 0 : i32
    %c0_i32_0 = arith.constant 0 : i32
    %c0_i32_1 = arith.constant 0 : i32
    return %c0_i32, %c0_i32_0 : i32, i32
  }
  func.func @transform_5(%arg0: i32) -> (i32, i32) {
    %c0_i32 = arith.constant 0 : i32
    %c0_i32_0 = arith.constant 0 : i32
    return %arg0, %c0_i32 : i32, i32
  }
}

module attributes {stable_mosaic.version = 14 : i64} {
  func.func @_fin_body(%arg0: i32, %arg1: memref<2x632x128xf32, #tpu.memory_space<vmem>>, %arg2: memref<632x128xf32, #tpu.memory_space<vmem>>, %arg3: memref<2x632x128xf32, #tpu.memory_space<vmem>>, %arg4: memref<1x128xf32, #tpu.memory_space<vmem>>, %arg5: memref<632x128xf32, #tpu.memory_space<vmem>>) attributes {dimension_semantics = [#tpu.dimension_semantics<arbitrary>], iteration_bounds = array<i64: 16>, scalar_prefetch = 0 : i64, scratch_operands = 0 : i64, tpu.core_type = #tpu.core_type<tc>, window_params = [{transform_indices = @transform_0, window_bounds = array<i64: 2, 632, 128>}, {transform_indices = @transform_1, window_bounds = array<i64: 632, 128>}, {transform_indices = @transform_2, window_bounds = array<i64: 2, 632, 128>}, {pipeline_mode = #tpu.pipeline_mode<synchronous>, transform_indices = @transform_3, window_bounds = array<i64: 1, 128>}, {transform_indices = @transform_4, window_bounds = array<i64: 632, 128>}]} {
    %get3A = arith.constant 0 : index
    %get3A_0 = arith.constant 0 : index
    %get3A_1 = arith.constant 0 : index
    %get3A_2 = vector.load %arg3[%get3A, %get3A_0, %get3A_1] : memref<2x632x128xf32, #tpu.memory_space<vmem>>, vector<1x632x128xf32>
    %get3A_3 = vector.shape_cast %get3A_2 : vector<1x632x128xf32> to vector<632x128xf32>
    %slice3A = vector.extract_strided_slice %get3A_3 {offsets = [0, 0], sizes = [632, 1], strides = [1, 1]} : vector<632x128xf32> to vector<632x1xf32>
    %get3A_4 = arith.constant 1 : index
    %get3A_5 = arith.constant 0 : index
    %get3A_6 = arith.constant 0 : index
    %get3A_7 = vector.load %arg3[%get3A_4, %get3A_5, %get3A_6] : memref<2x632x128xf32, #tpu.memory_space<vmem>>, vector<1x632x128xf32>
    %get3A_8 = vector.shape_cast %get3A_7 : vector<1x632x128xf32> to vector<632x128xf32>
    %slice3A_9 = vector.extract_strided_slice %get3A_8 {offsets = [0, 0], sizes = [632, 1], strides = [1, 1]} : vector<632x128xf32> to vector<632x1xf32>
    %add3A = arith.addf %slice3A, %slice3A_9 : vector<632x1xf32>
    %add3A_10 = arith.constant 1.000000e+00 : f32
    %add3A_11 = vector.broadcast %add3A_10 : f32 to vector<632x1xf32>
    %add3A_12 = arith.addf %add3A, %add3A_11 : vector<632x1xf32>
    %rsqrt3A = math.rsqrt %add3A_12 : vector<632x1xf32>
    %get3A_13 = arith.constant 0 : index
    %get3A_14 = arith.constant 0 : index
    %get3A_15 = arith.constant 0 : index
    %get3A_16 = vector.load %arg1[%get3A_13, %get3A_14, %get3A_15] : memref<2x632x128xf32, #tpu.memory_space<vmem>>, vector<1x632x128xf32>
    %get3A_17 = vector.shape_cast %get3A_16 : vector<1x632x128xf32> to vector<632x128xf32>
    %get3A_18 = arith.constant 1 : index
    %get3A_19 = arith.constant 0 : index
    %get3A_20 = arith.constant 0 : index
    %get3A_21 = vector.load %arg1[%get3A_18, %get3A_19, %get3A_20] : memref<2x632x128xf32, #tpu.memory_space<vmem>>, vector<1x632x128xf32>
    %get3A_22 = vector.shape_cast %get3A_21 : vector<1x632x128xf32> to vector<632x128xf32>
    %add3A_23 = arith.addf %get3A_17, %get3A_22 : vector<632x128xf32>
    %get3A_24 = arith.constant 0 : index
    %get3A_25 = arith.constant 0 : index
    %get3A_26 = vector.load %arg2[%get3A_24, %get3A_25] : memref<632x128xf32, #tpu.memory_space<vmem>>, vector<632x128xf32>
    %add3A_27 = arith.addf %add3A_23, %get3A_26 : vector<632x128xf32>
    %mul3A = vector.broadcast %rsqrt3A : vector<632x1xf32> to vector<632x128xf32>
    %mul3A_28 = arith.mulf %add3A_27, %mul3A : vector<632x128xf32>
    %get3A_29 = arith.constant 0 : index
    %get3A_30 = arith.constant 0 : index
    %get3A_31 = vector.load %arg4[%get3A_29, %get3A_30] : memref<1x128xf32, #tpu.memory_space<vmem>>, vector<1x128xf32>
    %add3A_32 = vector.broadcast %get3A_31 : vector<1x128xf32> to vector<632x128xf32>
    %add3A_33 = arith.addf %mul3A_28, %add3A_32 : vector<632x128xf32>
    %max3A = arith.constant 0.000000e+00 : f32
    %max3A_34 = vector.broadcast %max3A : f32 to vector<632x128xf32>
    %max3A_35 = arith.maximumf %add3A_33, %max3A_34 : vector<632x128xf32>
    %swap3A = arith.constant 0 : index
    %swap3A_36 = arith.constant 0 : index
    %swap3A_37 = vector.load %arg5[%swap3A, %swap3A_36] : memref<632x128xf32, #tpu.memory_space<vmem>>, vector<632x128xf32>
    tpu.vector_store %arg5[%swap3A, %swap3A_36], %max3A_35 {strides = array<i32>} : memref<632x128xf32, #tpu.memory_space<vmem>>, vector<632x128xf32>,
    return
  }
  func.func @transform_0(%arg0: i32) -> (i32, i32, i32) {
    %c0_i32 = arith.constant 0 : i32
    %c0_i32_0 = arith.constant 0 : i32
    %c0_i32_1 = arith.constant 0 : i32
    return %c0_i32, %arg0, %c0_i32_0 : i32, i32, i32
  }
  func.func @transform_1(%arg0: i32) -> (i32, i32) {
    %c0_i32 = arith.constant 0 : i32
    %c0_i32_0 = arith.constant 0 : i32
    return %arg0, %c0_i32 : i32, i32
  }
  func.func @transform_2(%arg0: i32) -> (i32, i32, i32) {
    %c0_i32 = arith.constant 0 : i32
    %c0_i32_0 = arith.constant 0 : i32
    %c0_i32_1 = arith.constant 0 : i32
    return %c0_i32, %arg0, %c0_i32_0 : i32, i32, i32
  }
  func.func @transform_3(%arg0: i32) -> (i32, i32) {
    %c0_i32 = arith.constant 0 : i32
    %c0_i32_0 = arith.constant 0 : i32
    %c0_i32_1 = arith.constant 0 : i32
    return %c0_i32, %c0_i32_0 : i32, i32
  }
  func.func @transform_4(%arg0: i32) -> (i32, i32) {
    %c0_i32 = arith.constant 0 : i32
    %c0_i32_0 = arith.constant 0 : i32
    return %arg0, %c0_i32 : i32, i32
  }
}

module attributes {stable_mosaic.version = 14 : i64} {
  func.func @_head_body(%arg0: memref<2x128x128xf32, #tpu.memory_space<vmem>>, %arg1: memref<2x128x128xf32, #tpu.memory_space<vmem>>, %arg2: memref<128x128xf32, #tpu.memory_space<vmem>>, %arg3: memref<1x128xf32, #tpu.memory_space<vmem>>, %arg4: memref<128x128xf32, #tpu.memory_space<vmem>>, %arg5: memref<1x128xf32, #tpu.memory_space<vmem>>, %arg6: memref<64x128xf32, #tpu.memory_space<vmem>>) attributes {dimension_semantics = [], scalar_prefetch = 0 : i64, scratch_operands = 0 : i64, tpu.core_type = #tpu.core_type<tc>} {
    %get3A = arith.constant 0 : index
    %get3A_0 = arith.constant 0 : index
    %get3A_1 = arith.constant 0 : index
    %get3A_2 = vector.load %arg0[%get3A, %get3A_0, %get3A_1] : memref<2x128x128xf32, #tpu.memory_space<vmem>>, vector<1x64x128xf32>
    %get3A_3 = vector.shape_cast %get3A_2 : vector<1x64x128xf32> to vector<64x128xf32>
    %get3A_4 = arith.constant 1 : index
    %get3A_5 = arith.constant 0 : index
    %get3A_6 = arith.constant 0 : index
    %get3A_7 = vector.load %arg0[%get3A_4, %get3A_5, %get3A_6] : memref<2x128x128xf32, #tpu.memory_space<vmem>>, vector<1x64x128xf32>
    %get3A_8 = vector.shape_cast %get3A_7 : vector<1x64x128xf32> to vector<64x128xf32>
    %add3A = arith.addf %get3A_3, %get3A_8 : vector<64x128xf32>
    %get3A_9 = arith.constant 0 : index
    %get3A_10 = arith.constant 0 : index
    %get3A_11 = arith.constant 0 : index
    %get3A_12 = vector.load %arg1[%get3A_9, %get3A_10, %get3A_11] : memref<2x128x128xf32, #tpu.memory_space<vmem>>, vector<1x64x1xf32>
    %get3A_13 = vector.shape_cast %get3A_12 : vector<1x64x1xf32> to vector<64x1xf32>
    %get3A_14 = arith.constant 1 : index
    %get3A_15 = arith.constant 0 : index
    %get3A_16 = arith.constant 0 : index
    %get3A_17 = vector.load %arg1[%get3A_14, %get3A_15, %get3A_16] : memref<2x128x128xf32, #tpu.memory_space<vmem>>, vector<1x64x1xf32>
    %get3A_18 = vector.shape_cast %get3A_17 : vector<1x64x1xf32> to vector<64x1xf32>
    %add3A_19 = arith.addf %get3A_13, %get3A_18 : vector<64x1xf32>
    %max3A = arith.constant 1.000000e+00 : f32
    %max3A_20 = vector.broadcast %max3A : f32 to vector<64x1xf32>
    %max3A_21 = arith.maximumf %add3A_19, %max3A_20 : vector<64x1xf32>
    %div3A = vector.broadcast %max3A_21 : vector<64x1xf32> to vector<64x128xf32>
    %div3A_22 = arith.divf %add3A, %div3A : vector<64x128xf32>
    %get3A_23 = arith.constant 0 : index
    %get3A_24 = arith.constant 0 : index
    %get3A_25 = vector.load %arg2[%get3A_23, %get3A_24] : memref<128x128xf32, #tpu.memory_space<vmem>>, vector<128x128xf32>
    %dot_general3A = arith.constant dense<0.000000e+00> : vector<64x128xf32>
    %dot_general3A_26 = tpu.matmul %div3A_22, %get3A_25, %dot_general3A {dimension_numbers = #tpu.dot_dimension_numbers<[1], [0], [0], [1], [0, 0, 1, 1], [], []>, transpose_lhs_hint = false} : vector<64x128xf32>, vector<128x128xf32>, vector<64x128xf32> -> vector<64x128xf32>
    %get3A_27 = arith.constant 0 : index
    %get3A_28 = arith.constant 0 : index
    %get3A_29 = vector.load %arg3[%get3A_27, %get3A_28] : memref<1x128xf32, #tpu.memory_space<vmem>>, vector<1x128xf32>
    %add3A_30 = vector.broadcast %get3A_29 : vector<1x128xf32> to vector<64x128xf32>
    %add3A_31 = arith.addf %dot_general3A_26, %add3A_30 : vector<64x128xf32>
    %max3A_32 = arith.constant 0.000000e+00 : f32
    %max3A_33 = vector.broadcast %max3A_32 : f32 to vector<64x128xf32>
    %max3A_34 = arith.maximumf %add3A_31, %max3A_33 : vector<64x128xf32>
    %get3A_35 = arith.constant 0 : index
    %get3A_36 = arith.constant 0 : index
    %get3A_37 = vector.load %arg4[%get3A_35, %get3A_36] : memref<128x128xf32, #tpu.memory_space<vmem>>, vector<128x128xf32>
    %dot_general3A_38 = arith.constant dense<0.000000e+00> : vector<64x128xf32>
    %dot_general3A_39 = tpu.matmul %max3A_34, %get3A_37, %dot_general3A_38 {dimension_numbers = #tpu.dot_dimension_numbers<[1], [0], [0], [1], [0, 0, 1, 1], [], []>, transpose_lhs_hint = false} : vector<64x128xf32>, vector<128x128xf32>, vector<64x128xf32> -> vector<64x128xf32>
    %get3A_40 = arith.constant 0 : index
    %get3A_41 = arith.constant 0 : index
    %get3A_42 = vector.load %arg5[%get3A_40, %get3A_41] : memref<1x128xf32, #tpu.memory_space<vmem>>, vector<1x128xf32>
    %add3A_43 = vector.broadcast %get3A_42 : vector<1x128xf32> to vector<64x128xf32>
    %add3A_44 = arith.addf %dot_general3A_39, %add3A_43 : vector<64x128xf32>
    %swap3A = arith.constant 0 : index
    %swap3A_45 = arith.constant 0 : index
    %swap3A_46 = vector.load %arg6[%swap3A, %swap3A_45] : memref<64x128xf32, #tpu.memory_space<vmem>>, vector<64x128xf32>
    tpu.vector_store %arg6[%swap3A, %swap3A_45], %add3A_44 {strides = array<i32>} : memref<64x128xf32, #tpu.memory_space<vmem>>, vector<64x128xf32>,
    return
  }
}

</mosaic_0001>

<sc_bundles>
// kernel: kernel.13.cloned.1.call-start
scs
__scs_entry_jumppad:
0x0: {  	(pc) =	sbr.rel $0x88, $3  }
0x1: {  	(tag) =	ssettag $0x0;
	lr =	simm.s32 $0x1  }
0x2: {  	[smem:$0x3F96] =	sst lr;
	_ =	strace $0xD0000000  }
0x3: {  	_ = 	snop  }
0x4: {  	_ = 	snop  }
0x5: {  	_ = 	snop  }
0x6: {  	_ = 	snop  }
0x7: {  	_ = 	snop  }
__scs_overlays_trampoline_lowered:
0x8: {  	[smem:$0x3FA5] =	sst s0  }
0x9: {  	[smem:$0x3FA6] =	sst s1  }
0xa: {  	[smem:$0x3FA7] =	sst s2  }
0xb: {  	[smem:$0x3FA8] =	sst s3  }
0xc: {  	[smem:$0x3FA9] =	sst s4  }
0xd: {  	[smem:$0x3FAA] =	sst s5  }
0xe: {  	[smem:$0x3FAB] =	sst s6  }
0xf: {  	[smem:$0x3FAC] =	sst s7  }
0x10: {  	[smem:$0x3FAD] =	sst s8  }
0x11: {  	[smem:$0x3FAE] =	sst s9;
	s0 =	simm.s32 @!p0 $0x0  }
0x12: {  	s1 =	sld [smem:$0x3F94];
	s0 =	simm.s32 @p0 $0x1  }
0x13: {  	[smem:$0x3FAF] =	sst s0;
	s0 =	simm.s32 @!p1 $0x0  }
0x14: {  	s2 =	sld [smem:$0x3F93];
	s0 =	simm.s32 @p1 $0x1  }
0x15: {  	[smem:$0x3FB0] =	sst s0;
	s0 =	simm.s32 @!p2 $0x0  }
0x16: {  	s3 =	sld [smem:$0x3FDB];
	s0 =	simm.s32 @p2 $0x1  }
0x17: {  	s4 =	simm.s32 $0x1BF5;
	[smem:$0x3FB2] =	sst s0  }
0x18: {  	s0 =	sld [smem:$0x3F95];
	_ =	swait.ge [sflag:s4], $0x0  }
0x19: {  	s7 =	sld [smem:$0x3F96]  }
0x1a: {  	s8 =	sadd.s32 $0xFFFFE003, lr  }
0x1b: {  	s9 =	sadd.s32 $0xFFFFFEF7, lr;
	s5 =	simm.s32 $0xFFFFFFFF;
	p2 =	slt.u32 s8, $0xFFFFF086  }
0x1c: {  	p1 =	slt.u32 s9, $0xF7A;
	s5 =	simm.s32 @!p2 $0x0  }
0x1d: {  	s5 =	simm.s32 @p1 $0x1;
	p0 =	seq.s32 s7, s2  }
0x1e: {  	s7 =	smul.u32 @!p0 $0xF7A, s2;
	p2 =	seq.s32 @!p0 s5, $0x0  }
0x1f: {  	s9 =	smul.u32 $0xF7A, s1;
	s8 =	simm.s32 @!p0 $0x1BF5;
	p2 =	por !p2, p0  }
0x20: {  	[sflag:s8] =	ssyncset.s32 @!p0 $0xFFFFF086;
	s6 =	sadd.s32 @!p0 s3, s7;
	s7 =	simm.s32 @!p0 $0x108  }
0x21: {  	s3 =	sadd.s32 s3, s9;
	s6 =	sadd.s32 @!p0 $0x88, s6;
	s7 =	simm.s32 @p2 $0x1082  }
0x22: {  	[simem:s7], [sflag:s8] =	dma.local @!p0 [hbm:s6], $0xF7A  }
0x23: {  	s9 =	sor.u32 $0xD0000000, s2;
	s6 =	simm.s32 $0x108;
	_ =	swait.ge @!p0 [sflag:s8], $0x0  }
0x24: {  	s3 =	sadd.s32 $0x88, s3;
	s6 =	simm.s32 @!p1 $0x1082;
	[sflag:s4] =	ssyncset.s32 $0xFFFFF086  }
0x25: {  	[simem:s6], [sflag:s4] =	dma.local [hbm:s3], $0xF7A  }
0x26: {  	[smem:$0x3F96] =	sst s1;
	(tag) =	ssettag s2;
	_ =	strace s9  }
0x27: {  	s1 =	sld [smem:$0x3FA6]  }
0x28: {  	s2 =	sld [smem:$0x3FA7]  }
0x29: {  	s4 =	sld [smem:$0x3FA9]  }
0x2a: {  	p0 =	seq.s32 s5, $0x0;
	s5 =	sld [smem:$0x3FAA]  }
0x2b: {  	s6 =	sld [smem:$0x3FAB]  }
0x2c: {  	s7 =	sld [smem:$0x3FAC]  }
0x2d: {  	s3 =	simm.s32 $0x108;
	s8 =	sld [smem:$0x3FAD]  }
0x2e: {  	s3 =	simm.s32 @!p0 $0x1082;
	s9 =	sld [smem:$0x3FAE]  }
0x2f: {  	lr =	sadd.s32 s0, s3;
	s0 =	sld [smem:$0x3FA5]  }
0x30: {  	s3 =	sld [smem:$0x3FA8]  }
0x31: {  	[smem:$0x3FB1] =	sst s10  }
0x32: {  	s10 =	sld [smem:$0x3FAF];
	_ =	sdelay $0x3  }
0x33: {  	p0 =	seq.s32 s10, $0x1;
	s10 =	sld [smem:$0x3FB1];
	_ =	sdelay $0x3  }
0x34: {  	[smem:$0x3FB1] =	sst s10  }
0x35: {  	s10 =	sld [smem:$0x3FB0];
	_ =	sdelay $0x3  }
0x36: {  	p1 =	seq.s32 s10, $0x1;
	s10 =	sld [smem:$0x3FB1];
	_ =	sdelay $0x3  }
0x37: {  	[smem:$0x3FB1] =	sst s10  }
0x38: {  	s10 =	sld [smem:$0x3FB2]  }
0x39: {  	_ = 	snop;
	(pc) =	sbr.ind lr, $3  }
0x3a: {  	_ = 	snop  }
0x3b: {  	_ = 	snop  }
0x3c: {  	p2 =	seq.s32 s10, $0x1;
	s10 =	sld [smem:$0x3FB1]  }
0x3d: {  	_ =	shalt  }
0x3e: {  	_ =	shalt  }
0x3f: {  	_ =	shalt  }
0x40: {  	_ =	shalt  }
0x41: {  	_ =	shalt  }
0x42: {  	_ =	shalt  }
0x43: {  	_ =	shalt  }
0x44: {  	_ =	shalt  }
0x45: {  	_ =	shalt  }
0x46: {  	_ =	shalt  }
0x47: {  	_ =	shalt  }
0x48: {  	_ =	shalt  }
0x49: {  	_ =	shalt  }
0x4a: {  	_ =	shalt  }
0x4b: {  	_ =	shalt  }
0x4c: {  	_ =	shalt  }
0x4d: {  	_ =	shalt  }
0x4e: {  	_ =	shalt  }
0x4f: {  	_ =	shalt  }
0x50: {  	_ =	shalt  }
0x51: {  	_ =	shalt  }
0x52: {  	_ =	shalt  }
0x53: {  	_ =	shalt  }
0x54: {  	_ =	shalt  }
0x55: {  	_ =	shalt  }
0x56: {  	_ =	shalt  }
0x57: {  	_ =	shalt  }
0x58: {  	_ =	shalt  }
0x59: {  	_ =	shalt  }
0x5a: {  	_ =	shalt  }
0x5b: {  	_ =	shalt  }
0x5c: {  	_ =	shalt  }
0x5d: {  	_ =	shalt  }
0x5e: {  	_ =	shalt  }
0x5f: {  	_ =	shalt  }
0x60: {  	_ =	shalt  }
0x61: {  	_ =	shalt  }
0x62: {  	_ =	shalt  }
0x63: {  	_ =	shalt  }
0x64: {  	_ =	shalt  }
0x65: {  	_ =	shalt  }
0x66: {  	_ =	shalt  }
0x67: {  	_ =	shalt  }
0x68: {  	_ =	shalt  }
0x69: {  	_ =	shalt  }
0x6a: {  	_ =	shalt  }
0x6b: {  	_ =	shalt  }
0x6c: {  	_ =	shalt  }
0x6d: {  	_ =	shalt  }
0x6e: {  	_ =	shalt  }
0x6f: {  	_ =	shalt  }
0x70: {  	_ =	shalt  }
0x71: {  	_ =	shalt  }
0x72: {  	_ =	shalt  }
0x73: {  	_ =	shalt  }
0x74: {  	_ =	shalt  }
0x75: {  	_ =	shalt  }
0x76: {  	_ =	shalt  }
0x77: {  	_ =	shalt  }
0x78: {  	_ =	shalt  }
0x79: {  	_ =	shalt  }
0x7a: {  	_ =	shalt  }
0x7b: {  	_ =	shalt  }
0x7c: {  	_ =	shalt  }
0x7d: {  	_ =	shalt  }
0x7e: {  	_ =	shalt  }
0x7f: {  	_ =	shalt  }
0x80: {  	_ =	shalt  }
0x81: {  	_ =	shalt  }
0x82: {  	_ =	shalt  }
0x83: {  	_ =	shalt  }
0x84: {  	_ =	shalt  }
0x85: {  	_ =	shalt  }
0x86: {  	_ =	shalt  }
0x87: {  	_ =	shalt  }
.Lfunc_end0:
.L_simem_size_0:
called_computation_lowered:
.L_overlay_start_0:
0x88: {  	s2 =	sld [smem:$0x3FD9]  }
0x89: {  	s3 =	sld [smem:$0x3FFE];
	_ =	sdelay $0x1  }
0x8a: {  	s1 =	srdreg.scid  }
0x8b: {  	s0 =	sand.u32 $0x1, s1  }
0x8c: {  	s16 =	sshll.u32 s0, $0xA;
	s2 =	sadd.s32 s3, s2  }
0x8d: {  	s2 =	sadd.s32 s2, s16  }
0x8e: {  	[smem:$0x3FBD] =	sst s2  }
0x8f: {  	_ = 	snop  }
0x90: {  	(tm) =	ssettm $0x1  }
0x91: {  	s17 =	sld [smem:$0x3FFB];
	_ =	sdelay $0x3  }
0x92: {  	_ =	strace s17  }
0x93: {  	s2 =	sld [smem:$0x3FFC];
	_ =	sdelay $0x3  }
0x94: {  	_ =	strace s2  }
0x95: {  	s2 =	sld [smem:$0x3FFD];
	_ =	sdelay $0x3  }
0x96: {  	_ =	strace s2  }
0x97: {  	_ =	strace $0x8FFFFFFF  }
0x98: {  	s18 =	sld [smem:$0x3FDB];
	_ =	sdelay $0x1  }
0x99: {  	s19 =	simm.s32 $_scs_section_size  }
0x9a: {  	s4 =	simm.s32 $_size__tile_overlayer_lowered;
	s5 =	simm.s32 $_tile_overlayer_lowered  }
0x9b: {  	s22 =	simm.s32 $0x1BFF;
	s21 =	sshll.u32 s5, $0x1;
	s2 =	sadd.s32 s19, s18  }
0x9c: {  	s6 =	simm.s32 $0x0;
	s20 =	sshll.u32 s4, $0x1;
	s4 =	sadd.s32 s21, s2  }
0x9d: {  	[timem:s6], [sflag:s22] =	dma.local [hbm:s4], s20  }
0x9e: {  	_ =	swait.ge [sflag:s22], s20  }
0x9f: {  	s3 =	ssub.s32 $0x0, s20;
	[sflag:s22] =	ssyncset.done $0x0  }
0xa0: {  	[sflag:s22] =	ssyncadd.s32 s3;
	_ =	sdelay $0x1  }
0xa1: {  	s23 =	simm.s32 $0x1B8B  }
0xa2: {  	_ =	swait.ge [sflag:s23], $0x1  }
0xa3: {  	[sflag:s23] =	ssyncset.done $0x0  }
0xa4: {  	s25 =	simm.s32 $0x1B8E;
	s24 =	sld [smem:$0x3FFE];
	[sflag:s23] =	ssyncadd.s32 $0xFFFFFFFF  }
0xa5: {  	s26 =	simm.s32 $execute0_lowered;
	[smem:$0x3FD2] =	sst s25  }
0xa6: {  	s4 =	sshll.u32 s26, $0x1;
	_ =	strace $0x80000046;
	[dreg:$0x1] =	wrdreg $0xFFFFFFFF  }
0xa7: {  	s28 =	simm.s32 $_size_execute0_lowered;
	s2 =	sadd.s32 s2, s4;
	[dreg:$0x0] =	wrdreg $0x0  }
0xa8: {  	s4 =	sshll.u32 s28, $0x1;
	[dreg:$0x2] =	wrdreg s2  }
0xa9: {  	[dreg:$0x3] =	wrdreg s4  }
0xaa: {  	[dreg:$0x4] =	wrdreg $0xC0  }
0xab: {  	_ =	task [dreg:s6], $0x5FFFF  }
0xac: {  	[dreg:$0x1] =	wrdreg $0xFFFFFFFF  }
0xad: {  	[dreg:$0x0] =	wrdreg $0x60  }
0xae: {  	[dreg:$0x2] =	wrdreg s24  }
0xaf: {  	[dreg:$0x3] =	wrdreg $0xAE000  }
0xb0: {  	[dreg:$0x4] =	wrdreg $0x9  }
0xb1: {  	_ =	task.clear_ibuf [dreg:s6], $0x5FFFF;
	_ =	strace $0x90000046  }
0xb2: {  	s29 =	simm.s32 $0x9;
	_ =	strace $0x80000048  }
0xb3: {  	_ =	swait.ge [sflag:s29], $0x1  }
0xb4: {  	[sflag:s29] =	ssyncadd.s32 $0xFFFFFFFF  }
0xb5: {  	_ =	strace $0x90000048  }
0xb6: {  	_ =	sfence  }
0xb7: {  	s30 =	sld [smem:$0x0];
	_ =	sdelay $0x2  }
0xb8: {  	s31 =	sshll.u32 s1, $0xD;
	s1 =	sshrl.u32 s1, $0x2  }
0xb9: {  	s3 =	sand.u32 $0x4000, s31;
	s1 =	sadd.s32 s1, s30  }
0xba: {  	s0 =	sor.u32 s3, s0;
	s1 =	sshll.u32 s1, $0x11  }
0xbb: {  	s0 =	sor.u32 s1, s0  }
0xbc: {  	s0 =	sadd.s32 $0x8F2B, s0  }
0xbd: {  	[sflag:s0] =	ssyncadd.remote.s32 $0x1  }
0xbe: {  	_ =	sfence.sel $0xFFFF  }
0xbf: {  	[dreg:$0x0] =	wrdreg $0xFFFFFFFF;
	(pc) =	sbr.abs _section_cstart, $3  }
0xc0: {  	[dreg:$0x1] =	wrdreg $0xFFFFFFFF  }
0xc1: {  	_ =	task.clear_ibuf [dreg:s6], $0x2FFFF;
	_ =	strace $0x9FFFFFFF  }
0xc2: {  	(tm) =	ssettm $0x7FFFFFFF  }
0xc3: {  	_ =	shalt  }
tec
execute0_lowered:
.L_overlay_start_1:
0x0: {  	(tag) =	ssettag $0x1  }
0x1: {  	s0 =	srdreg.scid  }
0x2: {  	s5 =	rddreg [dreg:$0x0];
	s18 =	stileid.u32  }
0x3: {  	s2 =	rddreg [dreg:$0x1];
	s14 =	simm.s32 $0x2C80;
	s16 =	simm.s32 $0x2D00  }
0x4: {  	s28 =	simm.s32 $0x2;
	s29 =	simm.s32 $0x6;
	s24 =	smul.u32 $0x2780, s18  }
0x5: {  	s30 =	simm.s32 $0x0;
	s1 =	sand.u32 $0x1, s0;
	s19 =	smul.u32 $0x4F000, s18  }
0x6: {  	s22 =	sshll.u32 s18, $0x6;
	s3 =	sshll.u32 s1, $0x4;
	s7 =	smul.u32 $0x27800, s1  }
0x7: {  	s1 =	ssub.s32 $0x2, s1;
	s4 =	sor.u32 s18, s3;
	s3 =	simm.s32 $0x0  }
0x8: {  	s9 =	sadd.s32 s24, s5;
	s20 =	sshrl.u32 s1, $0x1;
	s21 =	sshrl.u32 s19, $0x2  }
0x9: {  	s18 =	simm.s32 $0x2D80;
	s19 =	simm.s32 $0x3;
	s6 =	smul.u32 $0x580, s4  }
0xa: {  	[smem:$0x7FF] =	sst s3;
	s4 =	sadd.s32 $0x41000, s5;
	s10 =	sadd.s32 s7, s5  }
0xb: {  	s1 =	ssub.s32 s1, s20;
	s11 =	sadd.s32 s21, s2;
	s23 =	sadd.s32 $0x19800, s9  }
0xc: {  	s20 =	simm.s32 $0x80;
	s21 =	simm.s32 $0x2E00;
	_ =	strace $0x80000047  }
0xd: {  	[dreg:$0x3] =	wrdreg s23;
	s26 =	smax.u32 s1, $0x1;
	s23 =	simm.s32 $0x6E00  }
0xe: {  	s8 =	sadd.s32 s6, s5;
	s6 =	sor.u32 $0x1C07, s22;
	[dreg:$0x5] =	wrdreg s26  }
.Ltmp0:
0xf: {  	s22 =	simm.s32 $0x4;
	s25 =	sadd.s32 $0x3800, s8;
	(pc) =	sbr.rel .LBB2_1-.Ltmp0, $4  }
0x10: {  	s26 =	simm.s32 $0x5;
	s8 =	sadd.s32 $0xE800, s8;
	[dreg:$0x4] =	wrdreg s25  }
0x11: {  	s25 =	sadd.s32 $0x68800, s10;
	s10 =	sshrl.u32 s11, $0x3;
	s11 =	simm.s32 $0x7  }
0x12: {  	s31 =	sadd.s32 $0x10, s8;
	s15 =	sadd.s32 $0x20, s8;
	s17 =	sadd.s32 $0x30, s8  }
0x13: {  	[dreg:$0x6] =	wrdreg s31;
	s24 =	sadd.s32 s24, s25;
	s25 =	simm.s32 $0x1  }
.LBB2_4:
0x14: {  	[bflag:$0x0] =	sbarrier.arrive $0xFFFF  }
0x15: {  	[hbm:s24], [sflag:s6] =	dma.local [spmem:s10], $0x2780  }
0x16: {  	_ =	swait.ge [sflag:s11], $0x2780  }
0x17: {  	s30 =	sadd.s32 $0x1, s30;
	s0 =	rddreg [dreg:$0x5]  }
0x18: {  	p0 =	sne.s32 s30, s0  }
.Ltmp1:
0x19: {  	_ = 	snop;
	(pc) =	sbr.rel @!p0 .LBB2_5-.Ltmp1, $3  }
0x1a: {  	_ =	sdelay $0x1  }
0x1b: {  	[sflag:s11] =	ssyncset.done $0x0  }
0x1c: {  	[sflag:s11] =	ssyncadd.s32 $0xFFFFD880  }
.LBB2_1:
0x1d: {  	s0 =	rddreg [dreg:$0x3]  }
0x1e: {  	[spmem:s10], [sflag:s6] =	dma.local [hbm:s0], $0x2780  }
0x1f: {  	_ =	swait.ge [sflag:s11], $0x2780  }
0x20: {  	[sflag:s11] =	ssyncset.done $0x0  }
0x21: {  	s12 =	rddreg [dreg:$0x4];
	[sflag:s11] =	ssyncadd.s32 $0xFFFFD880  }
0x22: {  	[tilespmem:s3], [sflag:$0x7] =	stream.linear.gather [hbm4b:s12+s3], $0x2A00, $0x38;
	[tilespmem:$0x1EA00] =	vst v63  }
0x23: {  	_ =	swait.ge [sflag:s11], $0x2A00  }
0x24: {  	[sflag:s11] =	ssyncset.done $0x0  }
0x25: {  	[sflag:s11] =	ssyncadd.s32 $0xFFFFD600  }
0x26: {  	s13 =	simm.s32 $0x2C00;
	[bflag:$0x0] =	sbarrier.arrive $0xFFFF  }
0x27: {  	[tilespmem:s13], [sflag:$0x3] =	stream.linear.gather [hbm4b:s8+s3], $0x80, $0x38;
	[tilespmem:$0x1EA00] =	vst v63  }
0x28: {  	s1 =	rddreg [dreg:$0x6]  }
0x29: {  	[tilespmem:s14], [sflag:$0x4] =	stream.linear.gather [hbm4b:s1+s3], $0x80, $0x38;
	[tilespmem:$0x1EA00] =	vst v63  }
0x2a: {  	_ = 	snop  }
0x2b: {  	[tilespmem:s16], [sflag:$0x5] =	stream.linear.gather [hbm4b:s15+s3], $0x80, $0x38;
	[tilespmem:$0x1EA00] =	vst v63  }
0x2c: {  	_ = 	snop  }
0x2d: {  	[tilespmem:s18], [sflag:$0x6] =	stream.linear.gather [hbm4b:s17+s3], $0x80, $0x38;
	[tilespmem:$0x1EA00] =	vst v63  }
0x2e: {  	_ =	swait.ge [sflag:s19], $0x80  }
0x2f: {  	[sflag:s19] =	ssyncset.done $0x0  }
0x30: {  	[sflag:s19] =	ssyncadd.s32 $0xFFFFFF80  }
0x31: {  	[tilespmem:s21], [sflag:$0x1] =	stream.indirect.gather [hbm4b:s4+s20], $0x80, s13, s20, $0xb8;
	[tilespmem:$0x1EA00] =	vst v63  }
0x32: {  	_ =	swait.ge [sflag:s22], $0x80  }
0x33: {  	[sflag:s22] =	ssyncset.done $0x0  }
0x34: {  	s31 =	simm.s32 $0x100;
	s1 =	simm.s32 $0x0;
	[sflag:s22] =	ssyncadd.s32 $0xFFFFFF80  }
0x35: {  	[tilespmem:s23], [sflag:$0x2] =	stream.indirect.gather [hbm4b:s4+s20], $0x80, s14, s20, $0xb8;
	[tilespmem:$0x1EA00] =	vst v63  }
.LBB2_2:
0x36: {  	_ =	swait.ge [sflag:s25], $0x4000  }
0x37: {  	[sflag:s25] =	ssyncset.done $0x0  }
0x38: {  	s0 =	sadd.s32 $0xFFFFFF00, s31;
	[sflag:s25] =	ssyncadd.s32 $0xFFFFC000  }
0x39: {  	[spmem:s2] =	stream.indirect.scatter.add.f32 [tilespmem:s21], [sflag:$0x7], $0x80, s0, s20, $0xb8;
	[tilespmem:$0x1EA00] =	vst v63  }
0x3a: {  	_ =	swait.ge [sflag:s11], $0x4000  }
0x3b: {  	[sflag:s11] =	ssyncset.done $0x0  }
0x3c: {  	[sflag:s11] =	ssyncadd.s32 $0xFFFFC000  }
0x3d: {  	_ =	swait.ge [sflag:s26], $0x80  }
0x3e: {  	p0 =	seq.s32 s1, $0x500;
	[sflag:s26] =	ssyncset.done $0x0  }
0x3f: {  	s0 =	sadd.s32 @!p0 s1, s8;
	[sflag:s26] =	ssyncadd.s32 $0xFFFFFF80  }
0x40: {  	[tilespmem:s21], [sflag:$0x1] =	stream.indirect.gather [hbm4b:s4+s20], $0x80, s16, s20, $0xb8;
	[tilespmem:$0x1EA00] =	vst v63  }
0x41: {  	s7 =	simm.s32 @!p0 $0x0;
	s9 =	simm.s32 @!p0 $0x2C00;
	s5 =	sadd.s32 @!p0 $0x40, s0  }
0x42: {  	[tilespmem:s9], [sflag:$0x3] =	stream.linear.gather @!p0 [hbm4b:s5+s7], $0x80, $0x38;
	[tilespmem:$0x1EA00] =	vst v63  }
0x43: {  	_ =	swait.ge [sflag:s28], $0x4000  }
0x44: {  	[sflag:s28] =	ssyncset.done $0x0  }
0x45: {  	s12 =	sadd.s32 $0xFFFFFF80, s31;
	[sflag:s28] =	ssyncadd.s32 $0xFFFFC000  }
0x46: {  	[spmem:s2] =	stream.indirect.scatter.add.f32 [tilespmem:s23], [sflag:$0x7], $0x80, s12, s20, $0xb8;
	[tilespmem:$0x1EA00] =	vst v63  }
0x47: {  	_ =	swait.ge [sflag:s11], $0x4000  }
0x48: {  	[sflag:s11] =	ssyncset.done $0x0  }
0x49: {  	[sflag:s11] =	ssyncadd.s32 $0xFFFFC000  }
0x4a: {  	_ =	swait.ge [sflag:s29], $0x80  }
0x4b: {  	[sflag:s29] =	ssyncset.done $0x0  }
0x4c: {  	s5 =	simm.s32 @p0 $0x1;
	[sflag:s29] =	ssyncadd.s32 $0xFFFFFF80  }
0x4d: {  	[tilespmem:s23], [sflag:$0x2] =	stream.indirect.gather [hbm4b:s4+s20], $0x80, s18, s20, $0xb8;
	[tilespmem:$0x1EA00] =	vst v63  }
0x4e: {  	_ =	swait.ge @p0 [sflag:s5], $0x4000  }
0x4f: {  	[sflag:s5] =	ssyncset.done @p0 $0x0  }
0x50: {  	s12 =	simm.s32 @p0 $0x2E00;
	[sflag:s5] =	ssyncadd.s32 @p0 $0xFFFFC000;
	s5 =	simm.s32 @p0 $0x80  }
0x51: {  	[spmem:s2] =	stream.indirect.scatter.add.f32 @p0 [tilespmem:s12], [sflag:$0x7], $0x80, s31, s5, $0xb8;
	[tilespmem:$0x1EA00] =	vst v63  }
0x52: {  	s5 =	simm.s32 @p0 $0x7  }
0x53: {  	_ =	swait.ge @p0 [sflag:s5], $0x4000  }
0x54: {  	[sflag:s5] =	ssyncset.done @p0 $0x0  }
0x55: {  	s12 =	simm.s32 @!p0 $0x2C80;
	[sflag:s5] =	ssyncadd.s32 @p0 $0xFFFFC000;
	s5 =	sadd.s32 @!p0 $0x50, s0  }
0x56: {  	[tilespmem:s12], [sflag:$0x4] =	stream.linear.gather @!p0 [hbm4b:s5+s7], $0x80, $0x38;
	[tilespmem:$0x1EA00] =	vst v63  }
0x57: {  	s5 =	simm.s32 @!p0 $0x1  }
0x58: {  	_ =	swait.ge @!p0 [sflag:s5], $0x4000  }
0x59: {  	s13 =	simm.s32 @!p0 $0x7;
	[sflag:s5] =	ssyncset.done @!p0 $0x0  }
0x5a: {  	s12 =	simm.s32 @!p0 $0x2E00;
	[sflag:s5] =	ssyncadd.s32 @!p0 $0xFFFFC000;
	s5 =	simm.s32 @!p0 $0x80  }
0x5b: {  	[spmem:s2] =	stream.indirect.scatter.add.f32 @!p0 [tilespmem:s12], [sflag:$0x7], $0x80, s31, s5, $0xb8;
	[tilespmem:$0x1EA00] =	vst v63  }
0x5c: {  	_ =	swait.ge @!p0 [sflag:s13], $0x4000  }
0x5d: {  	[sflag:s13] =	ssyncset.done @!p0 $0x0  }
0x5e: {  	[sflag:s13] =	ssyncadd.s32 @!p0 $0xFFFFC000;
	s13 =	simm.s32 @!p0 $0x3  }
0x5f: {  	_ =	swait.ge @!p0 [sflag:s13], $0x80  }
0x60: {  	[sflag:s13] =	ssyncset.done @!p0 $0x0  }
0x61: {  	[sflag:s13] =	ssyncadd.s32 @!p0 $0xFFFFFF80  }
0x62: {  	[tilespmem:s12], [sflag:$0x1] =	stream.indirect.gather @!p0 [hbm4b:s4+s5], $0x80, s9, s5, $0xb8;
	[tilespmem:$0x1EA00] =	vst v63  }
0x63: {  	s0 =	sadd.s32 @!p0 $0x60, s0;
	s5 =	simm.s32 @!p0 $0x2D00  }
0x64: {  	[tilespmem:s5], [sflag:$0x5] =	stream.linear.gather @!p0 [hbm4b:s0+s7], $0x80, $0x38;
	[tilespmem:$0x1EA00] =	vst v63  }
0x65: {  	_ =	swait.ge [sflag:s28], $0x4000  }
0x66: {  	[sflag:s28] =	ssyncset.done $0x0  }
.Ltmp2:
0x67: {  	s13 =	sadd.s32 $0x80, s31;
	[sflag:s28] =	ssyncadd.s32 $0xFFFFC000;
	(pc) =	sbr.rel @p0 .LBB2_4-.Ltmp2, $4  }
0x68: {  	[spmem:s2] =	stream.indirect.scatter.add.f32 [tilespmem:s23], [sflag:$0x7], $0x80, s13, s20, $0xb8;
	[tilespmem:$0x1EA00] =	vst v63  }
0x69: {  	_ =	swait.ge [sflag:s11], $0x4000  }
0x6a: {  	[sflag:s11] =	ssyncset.done $0x0  }
0x6b: {  	[sflag:s11] =	ssyncadd.s32 $0xFFFFC000  }
0x6c: {  	_ =	swait.ge [sflag:s22], $0x80  }
.Ltmp3:
0x6d: {  	[sflag:s22] =	ssyncset.done $0x0;
	(pc) =	sbr.rel .LBB2_2-.Ltmp3, $4  }
0x6e: {  	s0 =	sadd.s32 s1, s8;
	[sflag:s22] =	ssyncadd.s32 $0xFFFFFF80  }
0x6f: {  	[tilespmem:s23], [sflag:$0x2] =	stream.indirect.gather [hbm4b:s4+s20], $0x80, s14, s20, $0xb8;
	[tilespmem:$0x1EA00] =	vst v63  }
0x70: {  	s1 =	sadd.s32 $0x40, s1;
	s31 =	sadd.s32 $0x200, s31;
	s0 =	sadd.s32 $0x70, s0  }
0x71: {  	[tilespmem:s18], [sflag:$0x6] =	stream.linear.gather [hbm4b:s0+s3], $0x80, $0x38;
	[tilespmem:$0x1EA00] =	vst v63  }
.LBB2_5:
0x72: {  	_ =	sfence.sel $0x180000  }
0x73: {  	[bflag:$0x0] =	sbarrier.arrive $0xFFFF  }
0x74: {  	_ =	strace $0x90000047  }
0x75: {  	s0 =	stileid.u32;
	[bflag:$0x2] =	sbarrier.arrive $0xFFFF  }
0x76: {  	p0 =	sne.s32 s0, $0x0;
	s0 =	rddreg [dreg:$0x2]  }
0x77: {  	s0 =	sadd.s32 @!p0 $0x100000, s0  }
0x78: {  	[sflag:s0] =	ssyncadd.tile.s32 @!p0 $0x1;
	_ =	shalt  }
.Lfunc_end2:
_tile_overlayer_lowered:
.L_overlay_start_2:
0x79: {  	(tag) =	ssettag $0x2  }
0x7a: {  	s0 =	rddreg [dreg:$0x0];
	s2 =	stileid.u32  }
0x7b: {  	s1 =	rddreg [dreg:$0x1];
	p0 =	sne.s32 s2, $0x0  }
0x7c: {  	s3 =	rddreg [dreg:$0x2];
	[bflag:$0x3] =	sbarrier.arrive $0xFFFF;
	s2 =	simm.s32 @!p0 $0x1C07  }
0x7d: {  	[timem:s3], [sflag:s2] =	dma.local @!p0 [hbm:s0], s1  }
0x7e: {  	s0 =	simm.s32 @!p0 $0x7  }
0x7f: {  	_ =	swait.ge @!p0 [sflag:s0], s1  }
0x80: {  	s1 =	ssub.s32 @!p0 $0x0, s1;
	[sflag:s0] =	ssyncset.done @!p0 $0x0  }
0x81: {  	[sflag:s0] =	ssyncadd.s32 @!p0 s1  }
0x82: {  	[bflag:$0x3] =	sbarrier.arrive $0xFFFF  }
0x83: {  	_ =	shalt  }

// kernel: kernel.16.cloned.1.call-start
scs
__scs_entry_jumppad:
0x0: {  	(pc) =	sbr.rel $0x88, $3  }
0x1: {  	(tag) =	ssettag $0x0;
	lr =	simm.s32 $0x1  }
0x2: {  	[smem:$0x3F96] =	sst lr;
	_ =	strace $0xD0000000  }
0x3: {  	_ = 	snop  }
0x4: {  	_ = 	snop  }
0x5: {  	_ = 	snop  }
0x6: {  	_ = 	snop  }
0x7: {  	_ = 	snop  }
__scs_overlays_trampoline_lowered:
0x8: {  	[smem:$0x3FA5] =	sst s0  }
0x9: {  	[smem:$0x3FA6] =	sst s1  }
0xa: {  	[smem:$0x3FA7] =	sst s2  }
0xb: {  	[smem:$0x3FA8] =	sst s3  }
0xc: {  	[smem:$0x3FA9] =	sst s4  }
0xd: {  	[smem:$0x3FAA] =	sst s5  }
0xe: {  	[smem:$0x3FAB] =	sst s6  }
0xf: {  	[smem:$0x3FAC] =	sst s7  }
0x10: {  	[smem:$0x3FAD] =	sst s8  }
0x11: {  	[smem:$0x3FAE] =	sst s9;
	s0 =	simm.s32 @!p0 $0x0  }
0x12: {  	s1 =	sld [smem:$0x3F94];
	s0 =	simm.s32 @p0 $0x1  }
0x13: {  	[smem:$0x3FAF] =	sst s0;
	s0 =	simm.s32 @!p1 $0x0  }
0x14: {  	s2 =	sld [smem:$0x3F93];
	s0 =	simm.s32 @p1 $0x1  }
0x15: {  	[smem:$0x3FB0] =	sst s0;
	s0 =	simm.s32 @!p2 $0x0  }
0x16: {  	s3 =	sld [smem:$0x3FDB];
	s0 =	simm.s32 @p2 $0x1  }
0x17: {  	s4 =	simm.s32 $0x1BF5;
	[smem:$0x3FB2] =	sst s0  }
0x18: {  	s0 =	sld [smem:$0x3F95];
	_ =	swait.ge [sflag:s4], $0x0  }
0x19: {  	s7 =	sld [smem:$0x3F96]  }
0x1a: {  	s8 =	sadd.s32 $0xFFFFE003, lr  }
0x1b: {  	s9 =	sadd.s32 $0xFFFFFEF7, lr;
	s5 =	simm.s32 $0xFFFFFFFF;
	p2 =	slt.u32 s8, $0xFFFFF086  }
0x1c: {  	p1 =	slt.u32 s9, $0xF7A;
	s5 =	simm.s32 @!p2 $0x0  }
0x1d: {  	s5 =	simm.s32 @p1 $0x1;
	p0 =	seq.s32 s7, s2  }
0x1e: {  	s7 =	smul.u32 @!p0 $0xF7A, s2;
	p2 =	seq.s32 @!p0 s5, $0x0  }
0x1f: {  	s9 =	smul.u32 $0xF7A, s1;
	s8 =	simm.s32 @!p0 $0x1BF5;
	p2 =	por !p2, p0  }
0x20: {  	[sflag:s8] =	ssyncset.s32 @!p0 $0xFFFFF086;
	s6 =	sadd.s32 @!p0 s3, s7;
	s7 =	simm.s32 @!p0 $0x108  }
0x21: {  	s3 =	sadd.s32 s3, s9;
	s6 =	sadd.s32 @!p0 $0x88, s6;
	s7 =	simm.s32 @p2 $0x1082  }
0x22: {  	[simem:s7], [sflag:s8] =	dma.local @!p0 [hbm:s6], $0xF7A  }
0x23: {  	s9 =	sor.u32 $0xD0000000, s2;
	s6 =	simm.s32 $0x108;
	_ =	swait.ge @!p0 [sflag:s8], $0x0  }
0x24: {  	s3 =	sadd.s32 $0x88, s3;
	s6 =	simm.s32 @!p1 $0x1082;
	[sflag:s4] =	ssyncset.s32 $0xFFFFF086  }
0x25: {  	[simem:s6], [sflag:s4] =	dma.local [hbm:s3], $0xF7A  }
0x26: {  	[smem:$0x3F96] =	sst s1;
	(tag) =	ssettag s2;
	_ =	strace s9  }
0x27: {  	s1 =	sld [smem:$0x3FA6]  }
0x28: {  	s2 =	sld [smem:$0x3FA7]  }
0x29: {  	s4 =	sld [smem:$0x3FA9]  }
0x2a: {  	p0 =	seq.s32 s5, $0x0;
	s5 =	sld [smem:$0x3FAA]  }
0x2b: {  	s6 =	sld [smem:$0x3FAB]  }
0x2c: {  	s7 =	sld [smem:$0x3FAC]  }
0x2d: {  	s3 =	simm.s32 $0x108;
	s8 =	sld [smem:$0x3FAD]  }
0x2e: {  	s3 =	simm.s32 @!p0 $0x1082;
	s9 =	sld [smem:$0x3FAE]  }
0x2f: {  	lr =	sadd.s32 s0, s3;
	s0 =	sld [smem:$0x3FA5]  }
0x30: {  	s3 =	sld [smem:$0x3FA8]  }
0x31: {  	[smem:$0x3FB1] =	sst s10  }
0x32: {  	s10 =	sld [smem:$0x3FAF];
	_ =	sdelay $0x3  }
0x33: {  	p0 =	seq.s32 s10, $0x1;
	s10 =	sld [smem:$0x3FB1];
	_ =	sdelay $0x3  }
0x34: {  	[smem:$0x3FB1] =	sst s10  }
0x35: {  	s10 =	sld [smem:$0x3FB0];
	_ =	sdelay $0x3  }
0x36: {  	p1 =	seq.s32 s10, $0x1;
	s10 =	sld [smem:$0x3FB1];
	_ =	sdelay $0x3  }
0x37: {  	[smem:$0x3FB1] =	sst s10  }
0x38: {  	s10 =	sld [smem:$0x3FB2]  }
0x39: {  	_ = 	snop;
	(pc) =	sbr.ind lr, $3  }
0x3a: {  	_ = 	snop  }
0x3b: {  	_ = 	snop  }
0x3c: {  	p2 =	seq.s32 s10, $0x1;
	s10 =	sld [smem:$0x3FB1]  }
0x3d: {  	_ =	shalt  }
0x3e: {  	_ =	shalt  }
0x3f: {  	_ =	shalt  }
0x40: {  	_ =	shalt  }
0x41: {  	_ =	shalt  }
0x42: {  	_ =	shalt  }
0x43: {  	_ =	shalt  }
0x44: {  	_ =	shalt  }
0x45: {  	_ =	shalt  }
0x46: {  	_ =	shalt  }
0x47: {  	_ =	shalt  }
0x48: {  	_ =	shalt  }
0x49: {  	_ =	shalt  }
0x4a: {  	_ =	shalt  }
0x4b: {  	_ =	shalt  }
0x4c: {  	_ =	shalt  }
0x4d: {  	_ =	shalt  }
0x4e: {  	_ =	shalt  }
0x4f: {  	_ =	shalt  }
0x50: {  	_ =	shalt  }
0x51: {  	_ =	shalt  }
0x52: {  	_ =	shalt  }
0x53: {  	_ =	shalt  }
0x54: {  	_ =	shalt  }
0x55: {  	_ =	shalt  }
0x56: {  	_ =	shalt  }
0x57: {  	_ =	shalt  }
0x58: {  	_ =	shalt  }
0x59: {  	_ =	shalt  }
0x5a: {  	_ =	shalt  }
0x5b: {  	_ =	shalt  }
0x5c: {  	_ =	shalt  }
0x5d: {  	_ =	shalt  }
0x5e: {  	_ =	shalt  }
0x5f: {  	_ =	shalt  }
0x60: {  	_ =	shalt  }
0x61: {  	_ =	shalt  }
0x62: {  	_ =	shalt  }
0x63: {  	_ =	shalt  }
0x64: {  	_ =	shalt  }
0x65: {  	_ =	shalt  }
0x66: {  	_ =	shalt  }
0x67: {  	_ =	shalt  }
0x68: {  	_ =	shalt  }
0x69: {  	_ =	shalt  }
0x6a: {  	_ =	shalt  }
0x6b: {  	_ =	shalt  }
0x6c: {  	_ =	shalt  }
0x6d: {  	_ =	shalt  }
0x6e: {  	_ =	shalt  }
0x6f: {  	_ =	shalt  }
0x70: {  	_ =	shalt  }
0x71: {  	_ =	shalt  }
0x72: {  	_ =	shalt  }
0x73: {  	_ =	shalt  }
0x74: {  	_ =	shalt  }
0x75: {  	_ =	shalt  }
0x76: {  	_ =	shalt  }
0x77: {  	_ =	shalt  }
0x78: {  	_ =	shalt  }
0x79: {  	_ =	shalt  }
0x7a: {  	_ =	shalt  }
0x7b: {  	_ =	shalt  }
0x7c: {  	_ =	shalt  }
0x7d: {  	_ =	shalt  }
0x7e: {  	_ =	shalt  }
0x7f: {  	_ =	shalt  }
0x80: {  	_ =	shalt  }
0x81: {  	_ =	shalt  }
0x82: {  	_ =	shalt  }
0x83: {  	_ =	shalt  }
0x84: {  	_ =	shalt  }
0x85: {  	_ =	shalt  }
0x86: {  	_ =	shalt  }
0x87: {  	_ =	shalt  }
.Lfunc_end0:
.L_simem_size_0:
called_computation.1_lowered:
.L_overlay_start_0:
0x88: {  	s2 =	sld [smem:$0x3FD9]  }
0x89: {  	s3 =	sld [smem:$0x3FFE];
	_ =	sdelay $0x1  }
0x8a: {  	s1 =	srdreg.scid  }
0x8b: {  	s0 =	sand.u32 $0x1, s1  }
0x8c: {  	s17 =	sshll.u32 s0, $0xA;
	s2 =	sadd.s32 s3, s2  }
0x8d: {  	s2 =	sadd.s32 s2, s17  }
0x8e: {  	[smem:$0x3FBD] =	sst s2  }
0x8f: {  	_ = 	snop  }
0x90: {  	(tm) =	ssettm $0x1  }
0x91: {  	s18 =	sld [smem:$0x3FFB];
	_ =	sdelay $0x3  }
0x92: {  	_ =	strace s18  }
0x93: {  	s2 =	sld [smem:$0x3FFC];
	_ =	sdelay $0x3  }
0x94: {  	_ =	strace s2  }
0x95: {  	s2 =	sld [smem:$0x3FFD];
	_ =	sdelay $0x3  }
0x96: {  	_ =	strace s2  }
0x97: {  	_ =	strace $0x8FFFFFFF  }
0x98: {  	s19 =	sld [smem:$0x3FDB];
	_ =	sdelay $0x1  }
0x99: {  	s20 =	simm.s32 $_scs_section_size  }
0x9a: {  	s4 =	simm.s32 $_size__tile_overlayer_lowered;
	s5 =	simm.s32 $_tile_overlayer_lowered  }
0x9b: {  	s6 =	simm.s32 $0x1BFF;
	s21 =	sshll.u32 s5, $0x1;
	s3 =	sadd.s32 s20, s19  }
0x9c: {  	s22 =	simm.s32 $0x0;
	s4 =	sshll.u32 s4, $0x1;
	s5 =	sadd.s32 s21, s3  }
0x9d: {  	[timem:s22], [sflag:s6] =	dma.local [hbm:s5], s4  }
0x9e: {  	_ =	swait.ge [sflag:s6], s4  }
0x9f: {  	s4 =	ssub.s32 $0x0, s4;
	[sflag:s6] =	ssyncset.done $0x0  }
0xa0: {  	[sflag:s6] =	ssyncadd.s32 s4;
	_ =	sdelay $0x1  }
0xa1: {  	s23 =	simm.s32 $0x1B8B  }
0xa2: {  	_ =	swait.ge [sflag:s23], $0x1  }
0xa3: {  	[sflag:s23] =	ssyncset.done $0x0  }
0xa4: {  	[sflag:s23] =	ssyncadd.s32 $0xFFFFFFFF  }
0xa5: {  	s4 =	sld [smem:$0x0]  }
0xa6: {  	s5 =	sand.u32 $0xFFFFFFFE, s1  }
0xa7: {  	p0 =	sne.s32 s1, s5  }
0xa8: {  	s5 =	sshll.u32 @p0 s5, $0xE  }
0xa9: {  	s5 =	sadd.s32 @p0 $0x11B8D, s5;
	s6 =	sshll.u32 @p0 s4, $0x11  }
0xaa: {  	s5 =	sor.u32 @p0 s6, s5  }
0xab: {  	[sflag:s5] =	ssyncadd.remote.s32 @p0 $0x1;
	_ =	sdelay $0x1  }
0xac: {  	s5 =	simm.s32 @p0 $0x1B8D  }
0xad: {  	_ =	swait.eq @p0 [sflag:s5], $0x1  }
0xae: {  	[sflag:s5] =	ssyncadd.s32 @p0 $0xFFFFFFFF  }
0xaf: {  	s6 =	sshll.u32 @!p0 s1, $0xE  }
0xb0: {  	s6 =	sor.u32 @!p0 $0x4000, s6;
	s5 =	simm.s32 @!p0 $0x1B8D  }
0xb1: {  	s4 =	sshll.u32 @!p0 s4, $0x11;
	s6 =	sadd.s32 @!p0 $0x11B8D, s6;
	_ =	swait.eq @!p0 [sflag:s5], $0x1  }
0xb2: {  	s4 =	sor.u32 @!p0 s4, s6;
	[sflag:s5] =	ssyncadd.s32 @!p0 $0xFFFFFFFF  }
0xb3: {  	s25 =	simm.s32 $0x1B8E;
	s24 =	sld [smem:$0x3FFE];
	[sflag:s4] =	ssyncadd.remote.s32 @!p0 $0x1  }
0xb4: {  	s26 =	simm.s32 $execute0_lowered;
	[smem:$0x3FD2] =	sst s25  }
0xb5: {  	s5 =	sshll.u32 s26, $0x1;
	_ =	strace $0x80000055;
	[dreg:$0x1] =	wrdreg $0xFFFFFFFF  }
0xb6: {  	s28 =	simm.s32 $_size_execute0_lowered;
	s3 =	sadd.s32 s3, s5;
	[dreg:$0x0] =	wrdreg $0x0  }
0xb7: {  	s5 =	sshll.u32 s28, $0x1;
	[dreg:$0x2] =	wrdreg s3  }
0xb8: {  	[dreg:$0x3] =	wrdreg s5  }
0xb9: {  	[dreg:$0x4] =	wrdreg $0xC0  }
0xba: {  	_ =	task [dreg:s22], $0x5FFFF  }
0xbb: {  	[dreg:$0x1] =	wrdreg $0xFFFFFFFF  }
0xbc: {  	[dreg:$0x0] =	wrdreg $0x60  }
0xbd: {  	[dreg:$0x2] =	wrdreg s24  }
0xbe: {  	[dreg:$0x3] =	wrdreg $0xAE000  }
0xbf: {  	[dreg:$0x4] =	wrdreg $0x9  }
0xc0: {  	_ =	task.clear_ibuf [dreg:s22], $0x5FFFF;
	_ =	strace $0x90000055  }
0xc1: {  	s29 =	simm.s32 $0x9;
	_ =	strace $0x80000057  }
0xc2: {  	_ =	swait.ge [sflag:s29], $0x1  }
0xc3: {  	[sflag:s29] =	ssyncadd.s32 $0xFFFFFFFF  }
0xc4: {  	_ =	strace $0x90000057  }
0xc5: {  	_ =	sfence  }
0xc6: {  	s30 =	sld [smem:$0x0];
	_ =	sdelay $0x2  }
0xc7: {  	s31 =	sshll.u32 s1, $0xD;
	s1 =	sshrl.u32 s1, $0x2  }
0xc8: {  	s4 =	sand.u32 $0x4000, s31;
	s1 =	sadd.s32 s1, s30  }
0xc9: {  	s0 =	sor.u32 s4, s0;
	s1 =	sshll.u32 s1, $0x11  }
0xca: {  	s0 =	sor.u32 s1, s0  }
0xcb: {  	s0 =	sadd.s32 $0x8F2B, s0  }
0xcc: {  	[sflag:s0] =	ssyncadd.remote.s32 $0x1  }
0xcd: {  	_ =	sfence.sel $0xFFFF  }
0xce: {  	[dreg:$0x0] =	wrdreg $0xFFFFFFFF;
	(pc) =	sbr.abs _section_cstart, $3  }
0xcf: {  	[dreg:$0x1] =	wrdreg $0xFFFFFFFF  }
0xd0: {  	_ =	task.clear_ibuf [dreg:s22], $0x2FFFF;
	_ =	strace $0x9FFFFFFF  }
0xd1: {  	(tm) =	ssettm $0x7FFFFFFF  }
tec
execute0_lowered:
.L_overlay_start_1:
0x0: {  	(tag) =	ssettag $0x1  }
0x1: {  	s0 =	srdreg.scid  }
0x2: {  	s5 =	rddreg [dreg:$0x0];
	s18 =	stileid.u32  }
0x3: {  	s2 =	rddreg [dreg:$0x1];
	s14 =	simm.s32 $0x2C80;
	s16 =	simm.s32 $0x2D00  }
0x4: {  	s28 =	simm.s32 $0x2;
	s29 =	simm.s32 $0x6;
	s24 =	smul.u32 $0x2780, s18  }
0x5: {  	s30 =	simm.s32 $0x0;
	s1 =	sand.u32 $0x1, s0;
	s19 =	smul.u32 $0x4F000, s18  }
0x6: {  	s22 =	sshll.u32 s18, $0x6;
	s3 =	sshll.u32 s1, $0x4;
	s7 =	smul.u32 $0x27800, s1  }
0x7: {  	s1 =	ssub.s32 $0x2, s1;
	s4 =	sor.u32 s18, s3;
	s3 =	simm.s32 $0x0  }
0x8: {  	s9 =	sadd.s32 s24, s5;
	s20 =	sshrl.u32 s1, $0x1;
	s21 =	sshrl.u32 s19, $0x2  }
0x9: {  	s18 =	simm.s32 $0x2D80;
	s19 =	simm.s32 $0x3;
	s6 =	smul.u32 $0x580, s4  }
0xa: {  	[smem:$0x7FF] =	sst s3;
	s4 =	sadd.s32 $0x41000, s5;
	s10 =	sadd.s32 s7, s5  }
0xb: {  	s1 =	ssub.s32 s1, s20;
	s11 =	sadd.s32 s21, s2;
	s23 =	sadd.s32 $0x19800, s9  }
0xc: {  	s20 =	simm.s32 $0x80;
	s21 =	simm.s32 $0x2E00;
	_ =	strace $0x80000056  }
0xd: {  	[dreg:$0x3] =	wrdreg s23;
	s26 =	smax.u32 s1, $0x1;
	s23 =	simm.s32 $0x6E00  }
0xe: {  	s8 =	sadd.s32 s6, s5;
	s6 =	sor.u32 $0x1C07, s22;
	[dreg:$0x5] =	wrdreg s26  }
.Ltmp0:
0xf: {  	s22 =	simm.s32 $0x4;
	s25 =	sadd.s32 $0xB7800, s8;
	(pc) =	sbr.rel .LBB2_1-.Ltmp0, $4  }
0x10: {  	s26 =	simm.s32 $0x5;
	s8 =	sadd.s32 $0xE800, s8;
	[dreg:$0x4] =	wrdreg s25  }
0x11: {  	s25 =	sadd.s32 $0x679000, s10;
	s10 =	sshrl.u32 s11, $0x3;
	s11 =	simm.s32 $0x7  }
0x12: {  	s31 =	sadd.s32 $0x10, s8;
	s15 =	sadd.s32 $0x20, s8;
	s17 =	sadd.s32 $0x30, s8  }
0x13: {  	[dreg:$0x6] =	wrdreg s31;
	s24 =	sadd.s32 s24, s25;
	s25 =	simm.s32 $0x1  }
.LBB2_4:
0x14: {  	[bflag:$0x0] =	sbarrier.arrive $0xFFFF  }
0x15: {  	[hbm:s24], [sflag:s6] =	dma.local [spmem:s10], $0x2780  }
0x16: {  	_ =	swait.ge [sflag:s11], $0x2780  }
0x17: {  	s30 =	sadd.s32 $0x1, s30;
	s0 =	rddreg [dreg:$0x5]  }
0x18: {  	p0 =	sne.s32 s30, s0  }
.Ltmp1:
0x19: {  	_ = 	snop;
	(pc) =	sbr.rel @!p0 .LBB2_5-.Ltmp1, $3  }
0x1a: {  	_ =	sdelay $0x1  }
0x1b: {  	[sflag:s11] =	ssyncset.done $0x0  }
0x1c: {  	[sflag:s11] =	ssyncadd.s32 $0xFFFFD880  }
.LBB2_1:
0x1d: {  	s0 =	rddreg [dreg:$0x3]  }
0x1e: {  	[spmem:s10], [sflag:s6] =	dma.local [hbm:s0], $0x2780  }
0x1f: {  	_ =	swait.ge [sflag:s11], $0x2780  }
0x20: {  	[sflag:s11] =	ssyncset.done $0x0  }
0x21: {  	s12 =	rddreg [dreg:$0x4];
	[sflag:s11] =	ssyncadd.s32 $0xFFFFD880  }
0x22: {  	[tilespmem:s3], [sflag:$0x7] =	stream.linear.gather [hbm4b:s12+s3], $0x2A00, $0x38;
	[tilespmem:$0x1EA00] =	vst v63  }
0x23: {  	_ =	swait.ge [sflag:s11], $0x2A00  }
0x24: {  	[sflag:s11] =	ssyncset.done $0x0  }
0x25: {  	[sflag:s11] =	ssyncadd.s32 $0xFFFFD600  }
0x26: {  	s13 =	simm.s32 $0x2C00;
	[bflag:$0x0] =	sbarrier.arrive $0xFFFF  }
0x27: {  	[tilespmem:s13], [sflag:$0x3] =	stream.linear.gather [hbm4b:s8+s3], $0x80, $0x38;
	[tilespmem:$0x1EA00] =	vst v63  }
0x28: {  	s1 =	rddreg [dreg:$0x6]  }
0x29: {  	[tilespmem:s14], [sflag:$0x4] =	stream.linear.gather [hbm4b:s1+s3], $0x80, $0x38;
	[tilespmem:$0x1EA00] =	vst v63  }
0x2a: {  	_ = 	snop  }
0x2b: {  	[tilespmem:s16], [sflag:$0x5] =	stream.linear.gather [hbm4b:s15+s3], $0x80, $0x38;
	[tilespmem:$0x1EA00] =	vst v63  }
0x2c: {  	_ = 	snop  }
0x2d: {  	[tilespmem:s18], [sflag:$0x6] =	stream.linear.gather [hbm4b:s17+s3], $0x80, $0x38;
	[tilespmem:$0x1EA00] =	vst v63  }
0x2e: {  	_ =	swait.ge [sflag:s19], $0x80  }
0x2f: {  	[sflag:s19] =	ssyncset.done $0x0  }
0x30: {  	[sflag:s19] =	ssyncadd.s32 $0xFFFFFF80  }
0x31: {  	[tilespmem:s21], [sflag:$0x1] =	stream.indirect.gather [hbm4b:s4+s20], $0x80, s13, s20, $0xb8;
	[tilespmem:$0x1EA00] =	vst v63  }
0x32: {  	_ =	swait.ge [sflag:s22], $0x80  }
0x33: {  	[sflag:s22] =	ssyncset.done $0x0  }
0x34: {  	s31 =	simm.s32 $0x100;
	s1 =	simm.s32 $0x0;
	[sflag:s22] =	ssyncadd.s32 $0xFFFFFF80  }
0x35: {  	[tilespmem:s23], [sflag:$0x2] =	stream.indirect.gather [hbm4b:s4+s20], $0x80, s14, s20, $0xb8;
	[tilespmem:$0x1EA00] =	vst v63  }
.LBB2_2:
0x36: {  	_ =	swait.ge [sflag:s25], $0x4000  }
0x37: {  	[sflag:s25] =	ssyncset.done $0x0  }
0x38: {  	s0 =	sadd.s32 $0xFFFFFF00, s31;
	[sflag:s25] =	ssyncadd.s32 $0xFFFFC000  }
0x39: {  	[spmem:s2] =	stream.indirect.scatter.add.f32 [tilespmem:s21], [sflag:$0x7], $0x80, s0, s20, $0xb8;
	[tilespmem:$0x1EA00] =	vst v63  }
0x3a: {  	_ =	swait.ge [sflag:s11], $0x4000  }
0x3b: {  	[sflag:s11] =	ssyncset.done $0x0  }
0x3c: {  	[sflag:s11] =	ssyncadd.s32 $0xFFFFC000  }
0x3d: {  	_ =	swait.ge [sflag:s26], $0x80  }
0x3e: {  	p0 =	seq.s32 s1, $0x500;
	[sflag:s26] =	ssyncset.done $0x0  }
0x3f: {  	s0 =	sadd.s32 @!p0 s1, s8;
	[sflag:s26] =	ssyncadd.s32 $0xFFFFFF80  }
0x40: {  	[tilespmem:s21], [sflag:$0x1] =	stream.indirect.gather [hbm4b:s4+s20], $0x80, s16, s20, $0xb8;
	[tilespmem:$0x1EA00] =	vst v63  }
0x41: {  	s7 =	simm.s32 @!p0 $0x0;
	s9 =	simm.s32 @!p0 $0x2C00;
	s5 =	sadd.s32 @!p0 $0x40, s0  }
0x42: {  	[tilespmem:s9], [sflag:$0x3] =	stream.linear.gather @!p0 [hbm4b:s5+s7], $0x80, $0x38;
	[tilespmem:$0x1EA00] =	vst v63  }
0x43: {  	_ =	swait.ge [sflag:s28], $0x4000  }
0x44: {  	[sflag:s28] =	ssyncset.done $0x0  }
0x45: {  	s12 =	sadd.s32 $0xFFFFFF80, s31;
	[sflag:s28] =	ssyncadd.s32 $0xFFFFC000  }
0x46: {  	[spmem:s2] =	stream.indirect.scatter.add.f32 [tilespmem:s23], [sflag:$0x7], $0x80, s12, s20, $0xb8;
	[tilespmem:$0x1EA00] =	vst v63  }
0x47: {  	_ =	swait.ge [sflag:s11], $0x4000  }
0x48: {  	[sflag:s11] =	ssyncset.done $0x0  }
0x49: {  	[sflag:s11] =	ssyncadd.s32 $0xFFFFC000  }
0x4a: {  	_ =	swait.ge [sflag:s29], $0x80  }
0x4b: {  	[sflag:s29] =	ssyncset.done $0x0  }
0x4c: {  	s5 =	simm.s32 @p0 $0x1;
	[sflag:s29] =	ssyncadd.s32 $0xFFFFFF80  }
0x4d: {  	[tilespmem:s23], [sflag:$0x2] =	stream.indirect.gather [hbm4b:s4+s20], $0x80, s18, s20, $0xb8;
	[tilespmem:$0x1EA00] =	vst v63  }
0x4e: {  	_ =	swait.ge @p0 [sflag:s5], $0x4000  }
0x4f: {  	[sflag:s5] =	ssyncset.done @p0 $0x0  }
0x50: {  	s12 =	simm.s32 @p0 $0x2E00;
	[sflag:s5] =	ssyncadd.s32 @p0 $0xFFFFC000;
	s5 =	simm.s32 @p0 $0x80  }
0x51: {  	[spmem:s2] =	stream.indirect.scatter.add.f32 @p0 [tilespmem:s12], [sflag:$0x7], $0x80, s31, s5, $0xb8;
	[tilespmem:$0x1EA00] =	vst v63  }
0x52: {  	s5 =	simm.s32 @p0 $0x7  }
0x53: {  	_ =	swait.ge @p0 [sflag:s5], $0x4000  }
0x54: {  	[sflag:s5] =	ssyncset.done @p0 $0x0  }
0x55: {  	s12 =	simm.s32 @!p0 $0x2C80;
	[sflag:s5] =	ssyncadd.s32 @p0 $0xFFFFC000;
	s5 =	sadd.s32 @!p0 $0x50, s0  }
0x56: {  	[tilespmem:s12], [sflag:$0x4] =	stream.linear.gather @!p0 [hbm4b:s5+s7], $0x80, $0x38;
	[tilespmem:$0x1EA00] =	vst v63  }
0x57: {  	s5 =	simm.s32 @!p0 $0x1  }
0x58: {  	_ =	swait.ge @!p0 [sflag:s5], $0x4000  }
0x59: {  	s13 =	simm.s32 @!p0 $0x7;
	[sflag:s5] =	ssyncset.done @!p0 $0x0  }
0x5a: {  	s12 =	simm.s32 @!p0 $0x2E00;
	[sflag:s5] =	ssyncadd.s32 @!p0 $0xFFFFC000;
	s5 =	simm.s32 @!p0 $0x80  }
0x5b: {  	[spmem:s2] =	stream.indirect.scatter.add.f32 @!p0 [tilespmem:s12], [sflag:$0x7], $0x80, s31, s5, $0xb8;
	[tilespmem:$0x1EA00] =	vst v63  }
0x5c: {  	_ =	swait.ge @!p0 [sflag:s13], $0x4000  }
0x5d: {  	[sflag:s13] =	ssyncset.done @!p0 $0x0  }
0x5e: {  	[sflag:s13] =	ssyncadd.s32 @!p0 $0xFFFFC000;
	s13 =	simm.s32 @!p0 $0x3  }
0x5f: {  	_ =	swait.ge @!p0 [sflag:s13], $0x80  }
0x60: {  	[sflag:s13] =	ssyncset.done @!p0 $0x0  }
0x61: {  	[sflag:s13] =	ssyncadd.s32 @!p0 $0xFFFFFF80  }
0x62: {  	[tilespmem:s12], [sflag:$0x1] =	stream.indirect.gather @!p0 [hbm4b:s4+s5], $0x80, s9, s5, $0xb8;
	[tilespmem:$0x1EA00] =	vst v63  }
0x63: {  	s0 =	sadd.s32 @!p0 $0x60, s0;
	s5 =	simm.s32 @!p0 $0x2D00  }
0x64: {  	[tilespmem:s5], [sflag:$0x5] =	stream.linear.gather @!p0 [hbm4b:s0+s7], $0x80, $0x38;
	[tilespmem:$0x1EA00] =	vst v63  }
0x65: {  	_ =	swait.ge [sflag:s28], $0x4000  }
0x66: {  	[sflag:s28] =	ssyncset.done $0x0  }
.Ltmp2:
0x67: {  	s13 =	sadd.s32 $0x80, s31;
	[sflag:s28] =	ssyncadd.s32 $0xFFFFC000;
	(pc) =	sbr.rel @p0 .LBB2_4-.Ltmp2, $4  }
0x68: {  	[spmem:s2] =	stream.indirect.scatter.add.f32 [tilespmem:s23], [sflag:$0x7], $0x80, s13, s20, $0xb8;
	[tilespmem:$0x1EA00] =	vst v63  }
0x69: {  	_ =	swait.ge [sflag:s11], $0x4000  }
0x6a: {  	[sflag:s11] =	ssyncset.done $0x0  }
0x6b: {  	[sflag:s11] =	ssyncadd.s32 $0xFFFFC000  }
0x6c: {  	_ =	swait.ge [sflag:s22], $0x80  }
.Ltmp3:
0x6d: {  	[sflag:s22] =	ssyncset.done $0x0;
	(pc) =	sbr.rel .LBB2_2-.Ltmp3, $4  }
0x6e: {  	s0 =	sadd.s32 s1, s8;
	[sflag:s22] =	ssyncadd.s32 $0xFFFFFF80  }
0x6f: {  	[tilespmem:s23], [sflag:$0x2] =	stream.indirect.gather [hbm4b:s4+s20], $0x80, s14, s20, $0xb8;
	[tilespmem:$0x1EA00] =	vst v63  }
0x70: {  	s1 =	sadd.s32 $0x40, s1;
	s31 =	sadd.s32 $0x200, s31;
	s0 =	sadd.s32 $0x70, s0  }
0x71: {  	[tilespmem:s18], [sflag:$0x6] =	stream.linear.gather [hbm4b:s0+s3], $0x80, $0x38;
	[tilespmem:$0x1EA00] =	vst v63  }
.LBB2_5:
0x72: {  	_ =	sfence.sel $0x180000  }
0x73: {  	[bflag:$0x0] =	sbarrier.arrive $0xFFFF  }
0x74: {  	_ =	strace $0x90000056  }
0x75: {  	s0 =	stileid.u32;
	[bflag:$0x2] =	sbarrier.arrive $0xFFFF  }
0x76: {  	p0 =	sne.s32 s0, $0x0;
	s0 =	rddreg [dreg:$0x2]  }
0x77: {  	s0 =	sadd.s32 @!p0 $0x100000, s0  }
0x78: {  	[sflag:s0] =	ssyncadd.tile.s32 @!p0 $0x1;
	_ =	shalt  }
.Lfunc_end2:
_tile_overlayer_lowered:
.L_overlay_start_2:
0x79: {  	(tag) =	ssettag $0x2  }
0x7a: {  	s0 =	rddreg [dreg:$0x0];
	s2 =	stileid.u32  }
0x7b: {  	s1 =	rddreg [dreg:$0x1];
	p0 =	sne.s32 s2, $0x0  }
0x7c: {  	s3 =	rddreg [dreg:$0x2];
	[bflag:$0x3] =	sbarrier.arrive $0xFFFF;
	s2 =	simm.s32 @!p0 $0x1C07  }
0x7d: {  	[timem:s3], [sflag:s2] =	dma.local @!p0 [hbm:s0], s1  }
0x7e: {  	s0 =	simm.s32 @!p0 $0x7  }
0x7f: {  	_ =	swait.ge @!p0 [sflag:s0], s1  }
0x80: {  	s1 =	ssub.s32 @!p0 $0x0, s1;
	[sflag:s0] =	ssyncset.done @!p0 $0x0  }
0x81: {  	[sflag:s0] =	ssyncadd.s32 @!p0 s1  }
0x82: {  	[bflag:$0x3] =	sbarrier.arrive $0xFFFF  }
0x83: {  	_ =	shalt  }

// kernel: kernel.19.cloned.1.call-start
scs
__scs_entry_jumppad:
0x0: {  	(pc) =	sbr.rel $0x88, $3  }
0x1: {  	(tag) =	ssettag $0x0;
	lr =	simm.s32 $0x1  }
0x2: {  	[smem:$0x3F96] =	sst lr;
	_ =	strace $0xD0000000  }
0x3: {  	_ = 	snop  }
0x4: {  	_ = 	snop  }
0x5: {  	_ = 	snop  }
0x6: {  	_ = 	snop  }
0x7: {  	_ = 	snop  }
__scs_overlays_trampoline_lowered:
0x8: {  	[smem:$0x3FA5] =	sst s0  }
0x9: {  	[smem:$0x3FA6] =	sst s1  }
0xa: {  	[smem:$0x3FA7] =	sst s2  }
0xb: {  	[smem:$0x3FA8] =	sst s3  }
0xc: {  	[smem:$0x3FA9] =	sst s4  }
0xd: {  	[smem:$0x3FAA] =	sst s5  }
0xe: {  	[smem:$0x3FAB] =	sst s6  }
0xf: {  	[smem:$0x3FAC] =	sst s7  }
0x10: {  	[smem:$0x3FAD] =	sst s8  }
0x11: {  	[smem:$0x3FAE] =	sst s9;
	s0 =	simm.s32 @!p0 $0x0  }
0x12: {  	s1 =	sld [smem:$0x3F94];
	s0 =	simm.s32 @p0 $0x1  }
0x13: {  	[smem:$0x3FAF] =	sst s0;
	s0 =	simm.s32 @!p1 $0x0  }
0x14: {  	s2 =	sld [smem:$0x3F93];
	s0 =	simm.s32 @p1 $0x1  }
0x15: {  	[smem:$0x3FB0] =	sst s0;
	s0 =	simm.s32 @!p2 $0x0  }
0x16: {  	s3 =	sld [smem:$0x3FDB];
	s0 =	simm.s32 @p2 $0x1  }
0x17: {  	s4 =	simm.s32 $0x1BF5;
	[smem:$0x3FB2] =	sst s0  }
0x18: {  	s0 =	sld [smem:$0x3F95];
	_ =	swait.ge [sflag:s4], $0x0  }
0x19: {  	s7 =	sld [smem:$0x3F96]  }
0x1a: {  	s8 =	sadd.s32 $0xFFFFE003, lr  }
0x1b: {  	s9 =	sadd.s32 $0xFFFFFEF7, lr;
	s5 =	simm.s32 $0xFFFFFFFF;
	p2 =	slt.u32 s8, $0xFFFFF086  }
0x1c: {  	p1 =	slt.u32 s9, $0xF7A;
	s5 =	simm.s32 @!p2 $0x0  }
0x1d: {  	s5 =	simm.s32 @p1 $0x1;
	p0 =	seq.s32 s7, s2  }
0x1e: {  	s7 =	smul.u32 @!p0 $0xF7A, s2;
	p2 =	seq.s32 @!p0 s5, $0x0  }
0x1f: {  	s9 =	smul.u32 $0xF7A, s1;
	s8 =	simm.s32 @!p0 $0x1BF5;
	p2 =	por !p2, p0  }
0x20: {  	[sflag:s8] =	ssyncset.s32 @!p0 $0xFFFFF086;
	s6 =	sadd.s32 @!p0 s3, s7;
	s7 =	simm.s32 @!p0 $0x108  }
0x21: {  	s3 =	sadd.s32 s3, s9;
	s6 =	sadd.s32 @!p0 $0x88, s6;
	s7 =	simm.s32 @p2 $0x1082  }
0x22: {  	[simem:s7], [sflag:s8] =	dma.local @!p0 [hbm:s6], $0xF7A  }
0x23: {  	s9 =	sor.u32 $0xD0000000, s2;
	s6 =	simm.s32 $0x108;
	_ =	swait.ge @!p0 [sflag:s8], $0x0  }
0x24: {  	s3 =	sadd.s32 $0x88, s3;
	s6 =	simm.s32 @!p1 $0x1082;
	[sflag:s4] =	ssyncset.s32 $0xFFFFF086  }
0x25: {  	[simem:s6], [sflag:s4] =	dma.local [hbm:s3], $0xF7A  }
0x26: {  	[smem:$0x3F96] =	sst s1;
	(tag) =	ssettag s2;
	_ =	strace s9  }
0x27: {  	s1 =	sld [smem:$0x3FA6]  }
0x28: {  	s2 =	sld [smem:$0x3FA7]  }
0x29: {  	s4 =	sld [smem:$0x3FA9]  }
0x2a: {  	p0 =	seq.s32 s5, $0x0;
	s5 =	sld [smem:$0x3FAA]  }
0x2b: {  	s6 =	sld [smem:$0x3FAB]  }
0x2c: {  	s7 =	sld [smem:$0x3FAC]  }
0x2d: {  	s3 =	simm.s32 $0x108;
	s8 =	sld [smem:$0x3FAD]  }
0x2e: {  	s3 =	simm.s32 @!p0 $0x1082;
	s9 =	sld [smem:$0x3FAE]  }
0x2f: {  	lr =	sadd.s32 s0, s3;
	s0 =	sld [smem:$0x3FA5]  }
0x30: {  	s3 =	sld [smem:$0x3FA8]  }
0x31: {  	[smem:$0x3FB1] =	sst s10  }
0x32: {  	s10 =	sld [smem:$0x3FAF];
	_ =	sdelay $0x3  }
0x33: {  	p0 =	seq.s32 s10, $0x1;
	s10 =	sld [smem:$0x3FB1];
	_ =	sdelay $0x3  }
0x34: {  	[smem:$0x3FB1] =	sst s10  }
0x35: {  	s10 =	sld [smem:$0x3FB0];
	_ =	sdelay $0x3  }
0x36: {  	p1 =	seq.s32 s10, $0x1;
	s10 =	sld [smem:$0x3FB1];
	_ =	sdelay $0x3  }
0x37: {  	[smem:$0x3FB1] =	sst s10  }
0x38: {  	s10 =	sld [smem:$0x3FB2]  }
0x39: {  	_ = 	snop;
	(pc) =	sbr.ind lr, $3  }
0x3a: {  	_ = 	snop  }
0x3b: {  	_ = 	snop  }
0x3c: {  	p2 =	seq.s32 s10, $0x1;
	s10 =	sld [smem:$0x3FB1]  }
0x3d: {  	_ =	shalt  }
0x3e: {  	_ =	shalt  }
0x3f: {  	_ =	shalt  }
0x40: {  	_ =	shalt  }
0x41: {  	_ =	shalt  }
0x42: {  	_ =	shalt  }
0x43: {  	_ =	shalt  }
0x44: {  	_ =	shalt  }
0x45: {  	_ =	shalt  }
0x46: {  	_ =	shalt  }
0x47: {  	_ =	shalt  }
0x48: {  	_ =	shalt  }
0x49: {  	_ =	shalt  }
0x4a: {  	_ =	shalt  }
0x4b: {  	_ =	shalt  }
0x4c: {  	_ =	shalt  }
0x4d: {  	_ =	shalt  }
0x4e: {  	_ =	shalt  }
0x4f: {  	_ =	shalt  }
0x50: {  	_ =	shalt  }
0x51: {  	_ =	shalt  }
0x52: {  	_ =	shalt  }
0x53: {  	_ =	shalt  }
0x54: {  	_ =	shalt  }
0x55: {  	_ =	shalt  }
0x56: {  	_ =	shalt  }
0x57: {  	_ =	shalt  }
0x58: {  	_ =	shalt  }
0x59: {  	_ =	shalt  }
0x5a: {  	_ =	shalt  }
0x5b: {  	_ =	shalt  }
0x5c: {  	_ =	shalt  }
0x5d: {  	_ =	shalt  }
0x5e: {  	_ =	shalt  }
0x5f: {  	_ =	shalt  }
0x60: {  	_ =	shalt  }
0x61: {  	_ =	shalt  }
0x62: {  	_ =	shalt  }
0x63: {  	_ =	shalt  }
0x64: {  	_ =	shalt  }
0x65: {  	_ =	shalt  }
0x66: {  	_ =	shalt  }
0x67: {  	_ =	shalt  }
0x68: {  	_ =	shalt  }
0x69: {  	_ =	shalt  }
0x6a: {  	_ =	shalt  }
0x6b: {  	_ =	shalt  }
0x6c: {  	_ =	shalt  }
0x6d: {  	_ =	shalt  }
0x6e: {  	_ =	shalt  }
0x6f: {  	_ =	shalt  }
0x70: {  	_ =	shalt  }
0x71: {  	_ =	shalt  }
0x72: {  	_ =	shalt  }
0x73: {  	_ =	shalt  }
0x74: {  	_ =	shalt  }
0x75: {  	_ =	shalt  }
0x76: {  	_ =	shalt  }
0x77: {  	_ =	shalt  }
0x78: {  	_ =	shalt  }
0x79: {  	_ =	shalt  }
0x7a: {  	_ =	shalt  }
0x7b: {  	_ =	shalt  }
0x7c: {  	_ =	shalt  }
0x7d: {  	_ =	shalt  }
0x7e: {  	_ =	shalt  }
0x7f: {  	_ =	shalt  }
0x80: {  	_ =	shalt  }
0x81: {  	_ =	shalt  }
0x82: {  	_ =	shalt  }
0x83: {  	_ =	shalt  }
0x84: {  	_ =	shalt  }
0x85: {  	_ =	shalt  }
0x86: {  	_ =	shalt  }
0x87: {  	_ =	shalt  }
.Lfunc_end0:
.L_simem_size_0:
called_computation.2_lowered:
.L_overlay_start_0:
0x88: {  	s2 =	sld [smem:$0x3FD9]  }
0x89: {  	s3 =	sld [smem:$0x3FFE];
	_ =	sdelay $0x1  }
0x8a: {  	s1 =	srdreg.scid  }
0x8b: {  	s0 =	sand.u32 $0x1, s1  }
0x8c: {  	s16 =	sshll.u32 s0, $0xA;
	s2 =	sadd.s32 s3, s2  }
0x8d: {  	s2 =	sadd.s32 s2, s16  }
0x8e: {  	[smem:$0x3FBD] =	sst s2  }
0x8f: {  	_ = 	snop  }
0x90: {  	(tm) =	ssettm $0x1  }
0x91: {  	s17 =	sld [smem:$0x3FFB];
	_ =	sdelay $0x3  }
0x92: {  	_ =	strace s17  }
0x93: {  	s2 =	sld [smem:$0x3FFC];
	_ =	sdelay $0x3  }
0x94: {  	_ =	strace s2  }
0x95: {  	s2 =	sld [smem:$0x3FFD];
	_ =	sdelay $0x3  }
0x96: {  	_ =	strace s2  }
0x97: {  	_ =	strace $0x8FFFFFFF  }
0x98: {  	s18 =	sld [smem:$0x3FDB];
	_ =	sdelay $0x1  }
0x99: {  	s19 =	simm.s32 $_scs_section_size  }
0x9a: {  	s4 =	simm.s32 $_size__tile_overlayer_lowered;
	s5 =	simm.s32 $_tile_overlayer_lowered  }
0x9b: {  	s22 =	simm.s32 $0x1BFF;
	s21 =	sshll.u32 s5, $0x1;
	s2 =	sadd.s32 s19, s18  }
0x9c: {  	s6 =	simm.s32 $0x0;
	s20 =	sshll.u32 s4, $0x1;
	s4 =	sadd.s32 s21, s2  }
0x9d: {  	[timem:s6], [sflag:s22] =	dma.local [hbm:s4], s20  }
0x9e: {  	_ =	swait.ge [sflag:s22], s20  }
0x9f: {  	s3 =	ssub.s32 $0x0, s20;
	[sflag:s22] =	ssyncset.done $0x0  }
0xa0: {  	[sflag:s22] =	ssyncadd.s32 s3;
	_ =	sdelay $0x1  }
0xa1: {  	s23 =	simm.s32 $0x1B8B  }
0xa2: {  	_ =	swait.ge [sflag:s23], $0x1  }
0xa3: {  	[sflag:s23] =	ssyncset.done $0x0  }
0xa4: {  	s25 =	simm.s32 $0x1B8E;
	s24 =	sld [smem:$0x3FFE];
	[sflag:s23] =	ssyncadd.s32 $0xFFFFFFFF  }
0xa5: {  	s26 =	simm.s32 $execute0_lowered;
	[smem:$0x3FD2] =	sst s25  }
0xa6: {  	s4 =	sshll.u32 s26, $0x1;
	_ =	strace $0x80000049;
	[dreg:$0x1] =	wrdreg $0xFFFFFFFF  }
0xa7: {  	s28 =	simm.s32 $_size_execute0_lowered;
	s2 =	sadd.s32 s2, s4;
	[dreg:$0x0] =	wrdreg $0x0  }
0xa8: {  	s4 =	sshll.u32 s28, $0x1;
	[dreg:$0x2] =	wrdreg s2  }
0xa9: {  	[dreg:$0x3] =	wrdreg s4  }
0xaa: {  	[dreg:$0x4] =	wrdreg $0xC0  }
0xab: {  	_ =	task [dreg:s6], $0x5FFFF  }
0xac: {  	[dreg:$0x1] =	wrdreg $0xFFFFFFFF  }
0xad: {  	[dreg:$0x0] =	wrdreg $0x60  }
0xae: {  	[dreg:$0x2] =	wrdreg s24  }
0xaf: {  	[dreg:$0x3] =	wrdreg $0x82000  }
0xb0: {  	[dreg:$0x4] =	wrdreg $0x9  }
0xb1: {  	_ =	task.clear_ibuf [dreg:s6], $0x5FFFF;
	_ =	strace $0x90000049  }
0xb2: {  	s29 =	simm.s32 $0x9;
	_ =	strace $0x8000004B  }
0xb3: {  	_ =	swait.ge [sflag:s29], $0x1  }
0xb4: {  	[sflag:s29] =	ssyncadd.s32 $0xFFFFFFFF  }
0xb5: {  	_ =	strace $0x9000004B  }
0xb6: {  	_ =	sfence  }
0xb7: {  	s30 =	sld [smem:$0x0];
	_ =	sdelay $0x2  }
0xb8: {  	s31 =	sshll.u32 s1, $0xD;
	s1 =	sshrl.u32 s1, $0x2  }
0xb9: {  	s3 =	sand.u32 $0x4000, s31;
	s1 =	sadd.s32 s1, s30  }
0xba: {  	s0 =	sor.u32 s3, s0;
	s1 =	sshll.u32 s1, $0x11  }
0xbb: {  	s0 =	sor.u32 s1, s0  }
0xbc: {  	s0 =	sadd.s32 $0x8F2B, s0  }
0xbd: {  	[sflag:s0] =	ssyncadd.remote.s32 $0x1  }
0xbe: {  	_ =	sfence.sel $0xFFFF  }
0xbf: {  	[dreg:$0x0] =	wrdreg $0xFFFFFFFF;
	(pc) =	sbr.abs _section_cstart, $3  }
0xc0: {  	[dreg:$0x1] =	wrdreg $0xFFFFFFFF  }
0xc1: {  	_ =	task.clear_ibuf [dreg:s6], $0x2FFFF;
	_ =	strace $0x9FFFFFFF  }
0xc2: {  	(tm) =	ssettm $0x7FFFFFFF  }
0xc3: {  	_ =	shalt  }
tec
execute0_lowered:
.L_overlay_start_1:
0x0: {  	(tag) =	ssettag $0x1  }
0x1: {  	s0 =	rddreg [dreg:$0x0];
	s1 =	srdreg.scid  }
0x2: {  	s2 =	rddreg [dreg:$0x1];
	s12 =	stileid.u32;
	s3 =	simm.s32 $0x0  }
0x3: {  	s14 =	simm.s32 $0x7;
	s16 =	simm.s32 $0x80;
	s5 =	smul.u32 $0x2780, s12  }
0x4: {  	s28 =	simm.s32 $0x6;
	s29 =	simm.s32 $0x4;
	s9 =	smul.u32 $0x4F000, s12  }
0x5: {  	s30 =	simm.s32 $0x0;
	s1 =	sand.u32 $0x1, s1;
	s20 =	smul.u32 $0x54, s12  }
0x6: {  	[smem:$0x7FF] =	sst s3;
	s21 =	sshll.u32 s12, $0x6;
	s24 =	smul.u32 $0x2A000, s12  }
0x7: {  	s4 =	sshll.u32 s1, $0x4;
	_ =	strace $0x8000004A;
	s10 =	smul.u32 $0x540, s1  }
0x8: {  	s7 =	ssub.s32 $0x2, s1;
	s1 =	smul.u32 $0x2A0000, s1;
	s6 =	sor.u32 s12, s4  }
0x9: {  	s5 =	sadd.s32 s5, s0;
	s18 =	sshrl.u32 s7, $0x1;
	s19 =	sshrl.u32 s9, $0x2  }
0xa: {  	s4 =	smul.u32 $0x580, s6;
	s11 =	sadd.s32 s19, s2;
	s5 =	sadd.s32 $0xC2800, s5  }
0xb: {  	s22 =	sadd.s32 s20, s10;
	s20 =	simm.s32 $0x180;
	[dreg:$0x3] =	wrdreg s5  }
0xc: {  	s5 =	sor.u32 $0x1C07, s21;
	s31 =	sshrl.u32 s11, $0x3;
	s21 =	simm.s32 $0x1  }
0xd: {  	s8 =	sadd.s32 s4, s0;
	s4 =	sadd.s32 $0xEA000, s0;
	s0 =	ssub.s32 s7, s18  }
0xe: {  	[dreg:$0x4] =	wrdreg s5;
	s7 =	smul.u32 $0x54, s6;
	s5 =	sshll.u32 s22, $0xB  }
0xf: {  	[dreg:$0x8] =	wrdreg s31;
	s18 =	simm.s32 $0x100;
	s22 =	simm.s32 $0x200  }
0x10: {  	s8 =	sadd.s32 $0xB7800, s8;
	s0 =	smax.u32 s0, $0x1;
	s23 =	sadd.s32 s5, s4  }
.Ltmp0:
0x11: {  	s26 =	sadd.s32 s1, s4;
	[dreg:$0x5] =	wrdreg s0;
	(pc) =	sbr.rel .LBB2_1-.Ltmp0, $4  }
0x12: {  	s25 =	sadd.s32 $0x1800, s23;
	s0 =	sadd.s32 $0x1000, s23;
	s12 =	sadd.s32 s24, s26  }
0x13: {  	s15 =	sadd.s32 $0x10, s8;
	s17 =	sadd.s32 $0x20, s8;
	s19 =	sadd.s32 $0x30, s8  }
0x14: {  	s23 =	simm.s32 $0x2;
	s24 =	simm.s32 $0x4200;
	[dreg:$0x6] =	wrdreg s25  }
0x15: {  	s26 =	simm.s32 $0x3;
	[dreg:$0x7] =	wrdreg s0;
	s25 =	simm.s32 $0x5  }
.LBB2_6:
0x16: {  	_ =	swait.ge [sflag:s25], $0x4000  }
0x17: {  	[sflag:s25] =	ssyncset.done $0x0  }
0x18: {  	[sflag:s25] =	ssyncadd.s32 $0xFFFFC000  }
0x19: {  	_ =	swait.ge [sflag:s28], $0x4000  }
0x1a: {  	s30 =	sadd.s32 $0x1, s30;
	s0 =	rddreg [dreg:$0x5]  }
0x1b: {  	p0 =	sne.s32 s30, s0  }
.Ltmp1:
0x1c: {  	_ = 	snop;
	(pc) =	sbr.rel @!p0 .LBB2_7-.Ltmp1, $3  }
0x1d: {  	_ =	sdelay $0x1  }
0x1e: {  	[sflag:s28] =	ssyncset.done $0x0  }
0x1f: {  	[sflag:s28] =	ssyncadd.s32 $0xFFFFC000  }
.LBB2_1:
0x20: {  	s0 =	rddreg [dreg:$0x3]  }
0x21: {  	s1 =	rddreg [dreg:$0x4]  }
0x22: {  	s5 =	rddreg [dreg:$0x8]  }
0x23: {  	[spmem:s5], [sflag:s1] =	dma.local [hbm:s0], $0x2780  }
0x24: {  	_ =	swait.ge [sflag:s14], $0x2780  }
0x25: {  	[sflag:s14] =	ssyncset.done $0x0  }
0x26: {  	[sflag:s14] =	ssyncadd.s32 $0xFFFFD880  }
0x27: {  	[bflag:$0x0] =	sbarrier.arrive $0xFFFF  }
0x28: {  	[tilespmem:s3], [sflag:$0x1] =	stream.linear.gather [hbm4b:s8+s3], $0x80, $0x38;
	[tilespmem:$0x1BE00] =	vst v63  }
0x29: {  	_ = 	snop  }
0x2a: {  	[tilespmem:s16], [sflag:$0x2] =	stream.linear.gather [hbm4b:s15+s3], $0x80, $0x38;
	[tilespmem:$0x1BE00] =	vst v63  }
0x2b: {  	s31 =	smov.u32 s12;
	s11 =	rddreg [dreg:$0x7]  }
0x2c: {  	[tilespmem:s18], [sflag:$0x3] =	stream.linear.gather [hbm4b:s17+s3], $0x80, $0x38;
	[tilespmem:$0x1BE00] =	vst v63  }
0x2d: {  	s6 =	simm.s32 $0x0;
	s1 =	simm.s32 $0x1;
	s10 =	rddreg [dreg:$0x6]  }
0x2e: {  	[tilespmem:s20], [sflag:$0x4] =	stream.linear.gather [hbm4b:s19+s3], $0x80, $0x38;
	[tilespmem:$0x1BE00] =	vst v63  }
.LBB2_2:
0x2f: {  	p0 =	seq.s32 s6, $0x0  }
0x30: {  	s0 =	simm.s32 @!p0 $0x5  }
0x31: {  	_ =	swait.ge @!p0 [sflag:s0], $0x4000  }
0x32: {  	[sflag:s0] =	ssyncset.done @!p0 $0x0  }
0x33: {  	[sflag:s0] =	ssyncadd.s32 @!p0 $0xFFFFC000  }
0x34: {  	_ =	swait.ge [sflag:s21], $0x80  }
0x35: {  	[sflag:s21] =	ssyncset.done $0x0  }
0x36: {  	p0 =	seq.s32 s6, $0x500;
	[sflag:s21] =	ssyncadd.s32 $0xFFFFFF80  }
0x37: {  	[tilespmem:s22], [sflag:$0x7] =	stream.indirect.gather [spmem:s2], $0x80, s3, s16, $0xb8;
	[tilespmem:$0x1BE00] =	vst v63  }
0x38: {  	p1 =	seq.s32 @!p0 s6, $0x0;
	_ =	swait.ge [sflag:s14], $0x4000  }
0x39: {  	p1 =	por p0, !p1;
	[sflag:s14] =	ssyncset.done $0x0  }
.Ltmp2:
0x3a: {  	s9 =	sadd.s32 @!p0 s6, s8;
	[sflag:s14] =	ssyncadd.s32 $0xFFFFC000;
	(pc) =	sbr.rel @!p1 .LBB2_4-.Ltmp2, $4  }
0x3b: {  	[hbm4b:s31+s3] =	stream.linear.scatter [tilespmem:s22], [sflag:$0x5], $0x4000, $0x38;
	[tilespmem:$0x1BE00] =	vst v63  }
0x3c: {  	s5 =	simm.s32 @!p0 $0x0;
	s0 =	sadd.s32 @!p0 $0x40, s9  }
0x3d: {  	[tilespmem:s5], [sflag:$0x1] =	stream.linear.gather @!p0 [hbm4b:s0+s5], $0x80, $0x38;
	[tilespmem:$0x1BE00] =	vst v63  }
0x3e: {  	s0 =	smov.u32 s1  }
0x3f: {  	_ =	swait.ge [sflag:s28], $0x4000  }
0x40: {  	s0 =	smov.u32 s1;
	[sflag:s28] =	ssyncset.done $0x0  }
0x41: {  	s0 =	simm.s32 @p0 $0x51;
	[sflag:s28] =	ssyncadd.s32 $0xFFFFC000  }
.LBB2_4:
0x42: {  	_ =	swait.ge [sflag:s23], $0x80  }
0x43: {  	[sflag:s23] =	ssyncset.done $0x0  }
0x44: {  	s0 =	sadd.s32 s7, s0;
	[sflag:s23] =	ssyncadd.s32 $0xFFFFFF80  }
0x45: {  	[tilespmem:s24], [sflag:$0x7] =	stream.indirect.gather [spmem:s2], $0x80, s16, s16, $0xb8;
	[tilespmem:$0x1BE00] =	vst v63  }
0x46: {  	s0 =	sshll.u32 s0, $0xB;
	_ =	swait.ge [sflag:s14], $0x4000  }
0x47: {  	s0 =	sand.u32 $0x1FFFE800, s0;
	[sflag:s14] =	ssyncset.done $0x0  }
0x48: {  	s0 =	sadd.s32 s4, s0;
	[sflag:s14] =	ssyncadd.s32 $0xFFFFC000  }
0x49: {  	[hbm4b:s0+s3] =	stream.linear.scatter [tilespmem:s24], [sflag:$0x6], $0x4000, $0x38;
	[tilespmem:$0x1BE00] =	vst v63  }
0x4a: {  	s13 =	simm.s32 @!p0 $0x80;
	s0 =	sadd.s32 @!p0 $0x50, s9  }
0x4b: {  	[tilespmem:s13], [sflag:$0x2] =	stream.linear.gather @!p0 [hbm4b:s0+s5], $0x80, $0x38;
	[tilespmem:$0x1BE00] =	vst v63  }
0x4c: {  	_ =	swait.ge [sflag:s25], $0x4000  }
0x4d: {  	[sflag:s25] =	ssyncset.done $0x0  }
0x4e: {  	[sflag:s25] =	ssyncadd.s32 $0xFFFFC000  }
0x4f: {  	_ =	swait.ge [sflag:s26], $0x80  }
0x50: {  	[sflag:s26] =	ssyncset.done $0x0  }
0x51: {  	[sflag:s26] =	ssyncadd.s32 $0xFFFFFF80  }
0x52: {  	[tilespmem:s22], [sflag:$0x7] =	stream.indirect.gather [spmem:s2], $0x80, s18, s16, $0xb8;
	[tilespmem:$0x1BE00] =	vst v63  }
0x53: {  	_ =	swait.ge [sflag:s14], $0x4000  }
0x54: {  	[sflag:s14] =	ssyncset.done $0x0  }
0x55: {  	[sflag:s14] =	ssyncadd.s32 $0xFFFFC000  }
0x56: {  	[hbm4b:s11+s3] =	stream.linear.scatter [tilespmem:s22], [sflag:$0x5], $0x4000, $0x38;
	[tilespmem:$0x1BE00] =	vst v63  }
0x57: {  	s0 =	sadd.s32 @!p0 $0x60, s9;
	s9 =	simm.s32 @!p0 $0x100  }
0x58: {  	[tilespmem:s9], [sflag:$0x3] =	stream.linear.gather @!p0 [hbm4b:s0+s5], $0x80, $0x38;
	[tilespmem:$0x1BE00] =	vst v63  }
0x59: {  	_ =	swait.ge [sflag:s28], $0x4000  }
0x5a: {  	[sflag:s28] =	ssyncset.done $0x0  }
0x5b: {  	[sflag:s28] =	ssyncadd.s32 $0xFFFFC000  }
0x5c: {  	_ =	swait.ge [sflag:s29], $0x80  }
0x5d: {  	[sflag:s29] =	ssyncset.done $0x0  }
0x5e: {  	[sflag:s29] =	ssyncadd.s32 $0xFFFFFF80  }
0x5f: {  	[tilespmem:s24], [sflag:$0x7] =	stream.indirect.gather [spmem:s2], $0x80, s20, s16, $0xb8;
	[tilespmem:$0x1BE00] =	vst v63  }
.Ltmp3:
0x60: {  	_ = 	snop;
	(pc) =	sbr.rel @p0 .LBB2_6-.Ltmp3, $4  }
0x61: {  	_ =	swait.ge [sflag:s14], $0x4000  }
0x62: {  	[sflag:s14] =	ssyncset.done $0x0  }
0x63: {  	[sflag:s14] =	ssyncadd.s32 $0xFFFFC000  }
0x64: {  	[hbm4b:s10+s3] =	stream.linear.scatter [tilespmem:s24], [sflag:$0x6], $0x4000, $0x38;
	[tilespmem:$0x1BE00] =	vst v63  }
.Ltmp4:
0x65: {  	(pc) =	sbr.rel .LBB2_2-.Ltmp4, $4  }
0x66: {  	s0 =	sadd.s32 s6, s8  }
0x67: {  	s6 =	sadd.s32 $0x40, s6;
	s10 =	sadd.s32 $0x2000, s10;
	s11 =	sadd.s32 $0x2000, s11  }
0x68: {  	s1 =	sadd.s32 $0x4, s1;
	s31 =	sadd.s32 $0x2000, s31;
	s0 =	sadd.s32 $0x70, s0  }
0x69: {  	[tilespmem:s20], [sflag:$0x4] =	stream.linear.gather [hbm4b:s0+s3], $0x80, $0x38;
	[tilespmem:$0x1BE00] =	vst v63  }
.LBB2_7:
0x6a: {  	_ =	sfence.sel $0x180000  }
0x6b: {  	[bflag:$0x0] =	sbarrier.arrive $0xFFFF  }
0x6c: {  	_ =	strace $0x9000004A  }
0x6d: {  	s0 =	stileid.u32;
	[bflag:$0x2] =	sbarrier.arrive $0xFFFF  }
0x6e: {  	p0 =	sne.s32 s0, $0x0;
	s0 =	rddreg [dreg:$0x2]  }
0x6f: {  	s0 =	sadd.s32 @!p0 $0x100000, s0  }
0x70: {  	[sflag:s0] =	ssyncadd.tile.s32 @!p0 $0x1;
	_ =	shalt  }
.Lfunc_end2:
_tile_overlayer_lowered:
.L_overlay_start_2:
0x71: {  	(tag) =	ssettag $0x2  }
0x72: {  	s0 =	rddreg [dreg:$0x0];
	s2 =	stileid.u32  }
0x73: {  	s1 =	rddreg [dreg:$0x1];
	p0 =	sne.s32 s2, $0x0  }
0x74: {  	s3 =	rddreg [dreg:$0x2];
	[bflag:$0x3] =	sbarrier.arrive $0xFFFF;
	s2 =	simm.s32 @!p0 $0x1C07  }
0x75: {  	[timem:s3], [sflag:s2] =	dma.local @!p0 [hbm:s0], s1  }
0x76: {  	s0 =	simm.s32 @!p0 $0x7  }
0x77: {  	_ =	swait.ge @!p0 [sflag:s0], s1  }
0x78: {  	s1 =	ssub.s32 @!p0 $0x0, s1;
	[sflag:s0] =	ssyncset.done @!p0 $0x0  }
0x79: {  	[sflag:s0] =	ssyncadd.s32 @!p0 s1  }
0x7a: {  	[bflag:$0x3] =	sbarrier.arrive $0xFFFF  }
0x7b: {  	_ =	shalt  }

// kernel: kernel.22.cloned.1.call-start
scs
__scs_entry_jumppad:
0x0: {  	(pc) =	sbr.rel $0x88, $3  }
0x1: {  	(tag) =	ssettag $0x0;
	lr =	simm.s32 $0x1  }
0x2: {  	[smem:$0x3F96] =	sst lr;
	_ =	strace $0xD0000000  }
0x3: {  	_ = 	snop  }
0x4: {  	_ = 	snop  }
0x5: {  	_ = 	snop  }
0x6: {  	_ = 	snop  }
0x7: {  	_ = 	snop  }
__scs_overlays_trampoline_lowered:
0x8: {  	[smem:$0x3FA5] =	sst s0  }
0x9: {  	[smem:$0x3FA6] =	sst s1  }
0xa: {  	[smem:$0x3FA7] =	sst s2  }
0xb: {  	[smem:$0x3FA8] =	sst s3  }
0xc: {  	[smem:$0x3FA9] =	sst s4  }
0xd: {  	[smem:$0x3FAA] =	sst s5  }
0xe: {  	[smem:$0x3FAB] =	sst s6  }
0xf: {  	[smem:$0x3FAC] =	sst s7  }
0x10: {  	[smem:$0x3FAD] =	sst s8  }
0x11: {  	[smem:$0x3FAE] =	sst s9;
	s0 =	simm.s32 @!p0 $0x0  }
0x12: {  	s1 =	sld [smem:$0x3F94];
	s0 =	simm.s32 @p0 $0x1  }
0x13: {  	[smem:$0x3FAF] =	sst s0;
	s0 =	simm.s32 @!p1 $0x0  }
0x14: {  	s2 =	sld [smem:$0x3F93];
	s0 =	simm.s32 @p1 $0x1  }
0x15: {  	[smem:$0x3FB0] =	sst s0;
	s0 =	simm.s32 @!p2 $0x0  }
0x16: {  	s3 =	sld [smem:$0x3FDB];
	s0 =	simm.s32 @p2 $0x1  }
0x17: {  	s4 =	simm.s32 $0x1BF5;
	[smem:$0x3FB2] =	sst s0  }
0x18: {  	s0 =	sld [smem:$0x3F95];
	_ =	swait.ge [sflag:s4], $0x0  }
0x19: {  	s7 =	sld [smem:$0x3F96]  }
0x1a: {  	s8 =	sadd.s32 $0xFFFFE003, lr  }
0x1b: {  	s9 =	sadd.s32 $0xFFFFFEF7, lr;
	s5 =	simm.s32 $0xFFFFFFFF;
	p2 =	slt.u32 s8, $0xFFFFF086  }
0x1c: {  	p1 =	slt.u32 s9, $0xF7A;
	s5 =	simm.s32 @!p2 $0x0  }
0x1d: {  	s5 =	simm.s32 @p1 $0x1;
	p0 =	seq.s32 s7, s2  }
0x1e: {  	s7 =	smul.u32 @!p0 $0xF7A, s2;
	p2 =	seq.s32 @!p0 s5, $0x0  }
0x1f: {  	s9 =	smul.u32 $0xF7A, s1;
	s8 =	simm.s32 @!p0 $0x1BF5;
	p2 =	por !p2, p0  }
0x20: {  	[sflag:s8] =	ssyncset.s32 @!p0 $0xFFFFF086;
	s6 =	sadd.s32 @!p0 s3, s7;
	s7 =	simm.s32 @!p0 $0x108  }
0x21: {  	s3 =	sadd.s32 s3, s9;
	s6 =	sadd.s32 @!p0 $0x88, s6;
	s7 =	simm.s32 @p2 $0x1082  }
0x22: {  	[simem:s7], [sflag:s8] =	dma.local @!p0 [hbm:s6], $0xF7A  }
0x23: {  	s9 =	sor.u32 $0xD0000000, s2;
	s6 =	simm.s32 $0x108;
	_ =	swait.ge @!p0 [sflag:s8], $0x0  }
0x24: {  	s3 =	sadd.s32 $0x88, s3;
	s6 =	simm.s32 @!p1 $0x1082;
	[sflag:s4] =	ssyncset.s32 $0xFFFFF086  }
0x25: {  	[simem:s6], [sflag:s4] =	dma.local [hbm:s3], $0xF7A  }
0x26: {  	[smem:$0x3F96] =	sst s1;
	(tag) =	ssettag s2;
	_ =	strace s9  }
0x27: {  	s1 =	sld [smem:$0x3FA6]  }
0x28: {  	s2 =	sld [smem:$0x3FA7]  }
0x29: {  	s4 =	sld [smem:$0x3FA9]  }
0x2a: {  	p0 =	seq.s32 s5, $0x0;
	s5 =	sld [smem:$0x3FAA]  }
0x2b: {  	s6 =	sld [smem:$0x3FAB]  }
0x2c: {  	s7 =	sld [smem:$0x3FAC]  }
0x2d: {  	s3 =	simm.s32 $0x108;
	s8 =	sld [smem:$0x3FAD]  }
0x2e: {  	s3 =	simm.s32 @!p0 $0x1082;
	s9 =	sld [smem:$0x3FAE]  }
0x2f: {  	lr =	sadd.s32 s0, s3;
	s0 =	sld [smem:$0x3FA5]  }
0x30: {  	s3 =	sld [smem:$0x3FA8]  }
0x31: {  	[smem:$0x3FB1] =	sst s10  }
0x32: {  	s10 =	sld [smem:$0x3FAF];
	_ =	sdelay $0x3  }
0x33: {  	p0 =	seq.s32 s10, $0x1;
	s10 =	sld [smem:$0x3FB1];
	_ =	sdelay $0x3  }
0x34: {  	[smem:$0x3FB1] =	sst s10  }
0x35: {  	s10 =	sld [smem:$0x3FB0];
	_ =	sdelay $0x3  }
0x36: {  	p1 =	seq.s32 s10, $0x1;
	s10 =	sld [smem:$0x3FB1];
	_ =	sdelay $0x3  }
0x37: {  	[smem:$0x3FB1] =	sst s10  }
0x38: {  	s10 =	sld [smem:$0x3FB2]  }
0x39: {  	_ = 	snop;
	(pc) =	sbr.ind lr, $3  }
0x3a: {  	_ = 	snop  }
0x3b: {  	_ = 	snop  }
0x3c: {  	p2 =	seq.s32 s10, $0x1;
	s10 =	sld [smem:$0x3FB1]  }
0x3d: {  	_ =	shalt  }
0x3e: {  	_ =	shalt  }
0x3f: {  	_ =	shalt  }
0x40: {  	_ =	shalt  }
0x41: {  	_ =	shalt  }
0x42: {  	_ =	shalt  }
0x43: {  	_ =	shalt  }
0x44: {  	_ =	shalt  }
0x45: {  	_ =	shalt  }
0x46: {  	_ =	shalt  }
0x47: {  	_ =	shalt  }
0x48: {  	_ =	shalt  }
0x49: {  	_ =	shalt  }
0x4a: {  	_ =	shalt  }
0x4b: {  	_ =	shalt  }
0x4c: {  	_ =	shalt  }
0x4d: {  	_ =	shalt  }
0x4e: {  	_ =	shalt  }
0x4f: {  	_ =	shalt  }
0x50: {  	_ =	shalt  }
0x51: {  	_ =	shalt  }
0x52: {  	_ =	shalt  }
0x53: {  	_ =	shalt  }
0x54: {  	_ =	shalt  }
0x55: {  	_ =	shalt  }
0x56: {  	_ =	shalt  }
0x57: {  	_ =	shalt  }
0x58: {  	_ =	shalt  }
0x59: {  	_ =	shalt  }
0x5a: {  	_ =	shalt  }
0x5b: {  	_ =	shalt  }
0x5c: {  	_ =	shalt  }
0x5d: {  	_ =	shalt  }
0x5e: {  	_ =	shalt  }
0x5f: {  	_ =	shalt  }
0x60: {  	_ =	shalt  }
0x61: {  	_ =	shalt  }
0x62: {  	_ =	shalt  }
0x63: {  	_ =	shalt  }
0x64: {  	_ =	shalt  }
0x65: {  	_ =	shalt  }
0x66: {  	_ =	shalt  }
0x67: {  	_ =	shalt  }
0x68: {  	_ =	shalt  }
0x69: {  	_ =	shalt  }
0x6a: {  	_ =	shalt  }
0x6b: {  	_ =	shalt  }
0x6c: {  	_ =	shalt  }
0x6d: {  	_ =	shalt  }
0x6e: {  	_ =	shalt  }
0x6f: {  	_ =	shalt  }
0x70: {  	_ =	shalt  }
0x71: {  	_ =	shalt  }
0x72: {  	_ =	shalt  }
0x73: {  	_ =	shalt  }
0x74: {  	_ =	shalt  }
0x75: {  	_ =	shalt  }
0x76: {  	_ =	shalt  }
0x77: {  	_ =	shalt  }
0x78: {  	_ =	shalt  }
0x79: {  	_ =	shalt  }
0x7a: {  	_ =	shalt  }
0x7b: {  	_ =	shalt  }
0x7c: {  	_ =	shalt  }
0x7d: {  	_ =	shalt  }
0x7e: {  	_ =	shalt  }
0x7f: {  	_ =	shalt  }
0x80: {  	_ =	shalt  }
0x81: {  	_ =	shalt  }
0x82: {  	_ =	shalt  }
0x83: {  	_ =	shalt  }
0x84: {  	_ =	shalt  }
0x85: {  	_ =	shalt  }
0x86: {  	_ =	shalt  }
0x87: {  	_ =	shalt  }
.Lfunc_end0:
.L_simem_size_0:
called_computation.3_lowered:
.L_overlay_start_0:
0x88: {  	s2 =	sld [smem:$0x3FD9]  }
0x89: {  	s3 =	sld [smem:$0x3FFE];
	_ =	sdelay $0x1  }
0x8a: {  	s1 =	srdreg.scid  }
0x8b: {  	s0 =	sand.u32 $0x1, s1  }
0x8c: {  	s16 =	sshll.u32 s0, $0xA;
	s2 =	sadd.s32 s3, s2  }
0x8d: {  	s2 =	sadd.s32 s2, s16  }
0x8e: {  	[smem:$0x3FBD] =	sst s2  }
0x8f: {  	_ = 	snop  }
0x90: {  	(tm) =	ssettm $0x1  }
0x91: {  	s17 =	sld [smem:$0x3FFB];
	_ =	sdelay $0x3  }
0x92: {  	_ =	strace s17  }
0x93: {  	s2 =	sld [smem:$0x3FFC];
	_ =	sdelay $0x3  }
0x94: {  	_ =	strace s2  }
0x95: {  	s2 =	sld [smem:$0x3FFD];
	_ =	sdelay $0x3  }
0x96: {  	_ =	strace s2  }
0x97: {  	_ =	strace $0x8FFFFFFF  }
0x98: {  	s18 =	sld [smem:$0x3FDB];
	_ =	sdelay $0x1  }
0x99: {  	s19 =	simm.s32 $_scs_section_size  }
0x9a: {  	s4 =	simm.s32 $_size__tile_overlayer_lowered;
	s5 =	simm.s32 $_tile_overlayer_lowered  }
0x9b: {  	s22 =	simm.s32 $0x1BFF;
	s21 =	sshll.u32 s5, $0x1;
	s2 =	sadd.s32 s19, s18  }
0x9c: {  	s6 =	simm.s32 $0x0;
	s20 =	sshll.u32 s4, $0x1;
	s4 =	sadd.s32 s21, s2  }
0x9d: {  	[timem:s6], [sflag:s22] =	dma.local [hbm:s4], s20  }
0x9e: {  	_ =	swait.ge [sflag:s22], s20  }
0x9f: {  	s3 =	ssub.s32 $0x0, s20;
	[sflag:s22] =	ssyncset.done $0x0  }
0xa0: {  	[sflag:s22] =	ssyncadd.s32 s3;
	_ =	sdelay $0x1  }
0xa1: {  	s23 =	simm.s32 $0x1B8B  }
0xa2: {  	_ =	swait.ge [sflag:s23], $0x1  }
0xa3: {  	[sflag:s23] =	ssyncset.done $0x0  }
0xa4: {  	s25 =	simm.s32 $0x1B8E;
	s24 =	sld [smem:$0x3FFE];
	[sflag:s23] =	ssyncadd.s32 $0xFFFFFFFF  }
0xa5: {  	s26 =	simm.s32 $execute0_lowered;
	[smem:$0x3FD2] =	sst s25  }
0xa6: {  	s4 =	sshll.u32 s26, $0x1;
	_ =	strace $0x8000004C;
	[dreg:$0x1] =	wrdreg $0xFFFFFFFF  }
0xa7: {  	s28 =	simm.s32 $_size_execute0_lowered;
	s2 =	sadd.s32 s2, s4;
	[dreg:$0x0] =	wrdreg $0x0  }
0xa8: {  	s4 =	sshll.u32 s28, $0x1;
	[dreg:$0x2] =	wrdreg s2  }
0xa9: {  	[dreg:$0x3] =	wrdreg s4  }
0xaa: {  	[dreg:$0x4] =	wrdreg $0xC0  }
0xab: {  	_ =	task [dreg:s6], $0x5FFFF  }
0xac: {  	[dreg:$0x1] =	wrdreg $0xFFFFFFFF  }
0xad: {  	[dreg:$0x0] =	wrdreg $0x60  }
0xae: {  	[dreg:$0x2] =	wrdreg s24  }
0xaf: {  	[dreg:$0x3] =	wrdreg $0xAC000  }
0xb0: {  	[dreg:$0x4] =	wrdreg $0x9  }
0xb1: {  	_ =	task.clear_ibuf [dreg:s6], $0x5FFFF;
	_ =	strace $0x9000004C  }
0xb2: {  	s29 =	simm.s32 $0x9;
	_ =	strace $0x8000004E  }
0xb3: {  	_ =	swait.ge [sflag:s29], $0x1  }
0xb4: {  	[sflag:s29] =	ssyncadd.s32 $0xFFFFFFFF  }
0xb5: {  	_ =	strace $0x9000004E  }
0xb6: {  	_ =	sfence  }
0xb7: {  	s30 =	sld [smem:$0x0];
	_ =	sdelay $0x2  }
0xb8: {  	s31 =	sshll.u32 s1, $0xD;
	s1 =	sshrl.u32 s1, $0x2  }
0xb9: {  	s3 =	sand.u32 $0x4000, s31;
	s1 =	sadd.s32 s1, s30  }
0xba: {  	s0 =	sor.u32 s3, s0;
	s1 =	sshll.u32 s1, $0x11  }
0xbb: {  	s0 =	sor.u32 s1, s0  }
0xbc: {  	s0 =	sadd.s32 $0x8F2B, s0  }
0xbd: {  	[sflag:s0] =	ssyncadd.remote.s32 $0x1  }
0xbe: {  	_ =	sfence.sel $0xFFFF  }
0xbf: {  	[dreg:$0x0] =	wrdreg $0xFFFFFFFF;
	(pc) =	sbr.abs _section_cstart, $3  }
0xc0: {  	[dreg:$0x1] =	wrdreg $0xFFFFFFFF  }
0xc1: {  	_ =	task.clear_ibuf [dreg:s6], $0x2FFFF;
	_ =	strace $0x9FFFFFFF  }
0xc2: {  	(tm) =	ssettm $0x7FFFFFFF  }
0xc3: {  	_ =	shalt  }
tec
execute0_lowered:
.L_overlay_start_1:
0x0: {  	(tag) =	ssettag $0x1  }
0x1: {  	s5 =	rddreg [dreg:$0x0]  }
0x2: {  	s0 =	srdreg.scid;
	s2 =	rddreg [dreg:$0x1]  }
0x3: {  	s3 =	simm.s32 $0x0;
	s4 =	sand.u32 $0x1, s0;
	s0 =	stileid.u32  }
0x4: {  	s16 =	simm.s32 $0x1;
	s17 =	simm.s32 $0x80;
	s21 =	smul.u32 $0x2780, s0  }
0x5: {  	s18 =	simm.s32 $0x2;
	s19 =	simm.s32 $0x2900;
	s8 =	smul.u32 $0x27800, s4  }
0x6: {  	s20 =	simm.s32 $0x2980;
	[smem:$0x7FF] =	sst s3;
	s11 =	smul.u32 $0x4F000, s0  }
0x7: {  	s9 =	sadd.s32 $0xEA000, s5;
	s1 =	sshll.u32 s4, $0x4;
	s26 =	smul.u32 $0x540, s4  }
0x8: {  	s25 =	ssub.s32 $0x2, s4;
	s13 =	smul.u32 $0x54, s0;
	s29 =	sshll.u32 s0, $0x6  }
0x9: {  	s6 =	sor.u32 s0, s1;
	s1 =	rddreg [dreg:$0x2];
	_ =	strace $0x8000004D  }
0xa: {  	s28 =	sshrl.u32 s25, $0x1;
	s7 =	smul.u32 $0x580, s6;
	s10 =	sadd.s32 s21, s5  }
0xb: {  	s12 =	sadd.s32 s8, s5;
	s11 =	sshrl.u32 s11, $0x2;
	s14 =	ssub.s32 s25, s28  }
0xc: {  	s6 =	smul.u32 $0x2A000, s6;
	s8 =	sadd.s32 s13, s26;
	s13 =	simm.s32 $0x3  }
0xd: {  	s15 =	sadd.s32 s11, s2;
	s4 =	sadd.s32 $0x19800, s10;
	s30 =	sshll.u32 s8, $0xB  }
0xe: {  	s22 =	sadd.s32 $0x62A000, s12;
	s7 =	sadd.s32 s7, s5;
	s5 =	sor.u32 $0x1C03, s29  }
0xf: {  	s6 =	sadd.s32 s9, s6;
	s31 =	sadd.s32 s30, s9;
	s9 =	smax.u32 s14, $0x1  }
0x10: {  	s12 =	sshrl.u32 s15, $0x3;
	s14 =	simm.s32 $0x2C00;
	s15 =	simm.s32 $0x6C00  }
0x11: {  	s21 =	sadd.s32 s21, s22;
	s22 =	simm.s32 $0x0;
	s7 =	sadd.s32 $0x3800, s7  }
0x12: {  	s8 =	sadd.s32 $0x800, s6;
	s10 =	sadd.s32 $0x1800, s31;
	s11 =	sadd.s32 $0x1000, s31  }
.LBB2_1:
0x13: {  	[spmem:s12], [sflag:s5] =	dma.local [hbm:s4], $0x2780  }
0x14: {  	_ =	swait.ge [sflag:s13], $0x2780  }
0x15: {  	[sflag:s13] =	ssyncset.done $0x0  }
0x16: {  	[sflag:s13] =	ssyncadd.s32 $0xFFFFD880  }
0x17: {  	[tilespmem:s3], [sflag:$0x3] =	stream.linear.gather [hbm4b:s7+s3], $0x2A00, $0x38;
	[tilespmem:$0x1E800] =	vst v63  }
0x18: {  	_ =	swait.ge [sflag:s13], $0x2A00  }
0x19: {  	[sflag:s13] =	ssyncset.done $0x0  }
0x1a: {  	[sflag:s13] =	ssyncadd.s32 $0xFFFFD600  }
0x1b: {  	[bflag:$0x0] =	sbarrier.arrive $0xFFFF  }
0x1c: {  	[tilespmem:s14], [sflag:$0x1] =	stream.linear.gather [hbm4b:s6+s3], $0x4000, $0x38;
	[tilespmem:$0x1E800] =	vst v63  }
0x1d: {  	_ = 	snop  }
0x1e: {  	[tilespmem:s15], [sflag:$0x2] =	stream.linear.gather [hbm4b:s8+s3], $0x4000, $0x38;
	[tilespmem:$0x1E800] =	vst v63  }
0x1f: {  	_ =	swait.ge [sflag:s16], $0x4000  }
0x20: {  	[sflag:s16] =	ssyncset.done $0x0  }
0x21: {  	s23 =	simm.s32 $0x0;
	[sflag:s16] =	ssyncadd.s32 $0xFFFFC000  }
0x22: {  	[spmem:s2] =	stream.indirect.scatter.add.f32 [tilespmem:s14], [sflag:$0x3], $0x80, s23, s17, $0xb8;
	[tilespmem:$0x1E800] =	vst v63  }
0x23: {  	_ =	swait.ge [sflag:s13], $0x4000  }
0x24: {  	[sflag:s13] =	ssyncset.done $0x0  }
0x25: {  	s31 =	sadd.s32 $0x0, s11;
	[sflag:s13] =	ssyncadd.s32 $0xFFFFC000  }
0x26: {  	[tilespmem:s14], [sflag:$0x1] =	stream.linear.gather [hbm4b:s31+s3], $0x4000, $0x38;
	[tilespmem:$0x1E800] =	vst v63  }
0x27: {  	_ =	swait.ge [sflag:s18], $0x4000  }
0x28: {  	[sflag:s18] =	ssyncset.done $0x0  }
0x29: {  	[sflag:s18] =	ssyncadd.s32 $0xFFFFC000  }
0x2a: {  	[spmem:s2] =	stream.indirect.scatter.add.f32 [tilespmem:s15], [sflag:$0x3], $0x80, s17, s17, $0xb8;
	[tilespmem:$0x1E800] =	vst v63  }
0x2b: {  	_ =	swait.ge [sflag:s13], $0x4000  }
0x2c: {  	s25 =	sadd.s32 $0x0, s10;
	[sflag:s13] =	ssyncset.done $0x0  }
0x2d: {  	s24 =	simm.s32 $0x180;
	s23 =	simm.s32 $0x1000;
	[sflag:s13] =	ssyncadd.s32 $0xFFFFC000  }
.LBB2_2:
0x2e: {  	[tilespmem:s15], [sflag:$0x2] =	stream.linear.gather [hbm4b:s25+s3], $0x4000, $0x38;
	[tilespmem:$0x1E800] =	vst v63  }
0x2f: {  	s25 =	smov.u32 s23  }
0x30: {  	p0 =	sne.s32 s23, $0x28000;
	s23 =	sadd.s32 $0x1000, s23;
	_ =	swait.ge [sflag:s16], $0x4000  }
0x31: {  	[sflag:s16] =	ssyncset.done $0x0  }
0x32: {  	s26 =	sadd.s32 $0xFFFFFF80, s24;
	[sflag:s16] =	ssyncadd.s32 $0xFFFFC000  }
0x33: {  	[spmem:s2] =	stream.indirect.scatter.add.f32 [tilespmem:s14], [sflag:$0x3], $0x80, s26, s17, $0xb8;
	[tilespmem:$0x1E800] =	vst v63  }
0x34: {  	_ =	swait.ge [sflag:s13], $0x4000  }
0x35: {  	[sflag:s13] =	ssyncset.done $0x0  }
0x36: {  	s26 =	sadd.s32 s25, s11;
	[sflag:s13] =	ssyncadd.s32 $0xFFFFC000  }
0x37: {  	[tilespmem:s14], [sflag:$0x1] =	stream.linear.gather [hbm4b:s26+s3], $0x4000, $0x38;
	[tilespmem:$0x1E800] =	vst v63  }
0x38: {  	_ =	swait.ge [sflag:s18], $0x4000  }
0x39: {  	[sflag:s18] =	ssyncset.done $0x0  }
.Ltmp0:
0x3a: {  	[sflag:s18] =	ssyncadd.s32 $0xFFFFC000;
	(pc) =	sbr.rel @p0 .LBB2_2-.Ltmp0, $4  }
0x3b: {  	[spmem:s2] =	stream.indirect.scatter.add.f32 [tilespmem:s15], [sflag:$0x3], $0x80, s24, s17, $0xb8;
	[tilespmem:$0x1E800] =	vst v63  }
0x3c: {  	_ =	swait.ge [sflag:s13], $0x4000  }
0x3d: {  	[sflag:s13] =	ssyncset.done $0x0  }
0x3e: {  	s25 =	sadd.s32 s25, s10;
	s24 =	sadd.s32 $0x100, s24;
	[sflag:s13] =	ssyncadd.s32 $0xFFFFC000  }
0x3f: {  	[tilespmem:s15], [sflag:$0x2] =	stream.linear.gather [hbm4b:s25+s3], $0x4000, $0x38;
	[tilespmem:$0x1E800] =	vst v63  }
0x40: {  	_ =	swait.ge [sflag:s16], $0x4000  }
0x41: {  	[sflag:s16] =	ssyncset.done $0x0  }
0x42: {  	[sflag:s16] =	ssyncadd.s32 $0xFFFFC000  }
0x43: {  	[spmem:s2] =	stream.indirect.scatter.add.f32 [tilespmem:s14], [sflag:$0x3], $0x80, s19, s17, $0xb8;
	[tilespmem:$0x1E800] =	vst v63  }
0x44: {  	_ =	swait.ge [sflag:s13], $0x4000  }
0x45: {  	[sflag:s13] =	ssyncset.done $0x0  }
0x46: {  	[sflag:s13] =	ssyncadd.s32 $0xFFFFC000  }
0x47: {  	_ =	swait.ge [sflag:s18], $0x4000  }
0x48: {  	[sflag:s18] =	ssyncset.done $0x0  }
0x49: {  	[sflag:s18] =	ssyncadd.s32 $0xFFFFC000  }
0x4a: {  	[spmem:s2] =	stream.indirect.scatter.add.f32 [tilespmem:s15], [sflag:$0x3], $0x80, s20, s17, $0xb8;
	[tilespmem:$0x1E800] =	vst v63  }
0x4b: {  	_ =	swait.ge [sflag:s13], $0x4000  }
0x4c: {  	s22 =	sadd.s32 $0x1, s22;
	[sflag:s13] =	ssyncset.done $0x0  }
0x4d: {  	p0 =	sne.s32 s22, s9;
	[sflag:s13] =	ssyncadd.s32 $0xFFFFC000  }
.Ltmp1:
0x4e: {  	[bflag:$0x0] =	sbarrier.arrive $0xFFFF;
	(pc) =	sbr.rel @p0 .LBB2_1-.Ltmp1, $4  }
0x4f: {  	[hbm:s21], [sflag:s5] =	dma.local [spmem:s12], $0x2780  }
0x50: {  	_ =	swait.ge [sflag:s13], $0x2780  }
0x51: {  	[sflag:s13] =	ssyncset.done $0x0  }
0x52: {  	[sflag:s13] =	ssyncadd.s32 $0xFFFFD880  }
0x53: {  	_ =	sfence.sel $0x180000  }
0x54: {  	[bflag:$0x0] =	sbarrier.arrive $0xFFFF  }
0x55: {  	p0 =	sne.s32 s0, $0x0;
	_ =	strace $0x9000004D  }
0x56: {  	s0 =	sadd.s32 @!p0 $0x100000, s1;
	[bflag:$0x2] =	sbarrier.arrive $0xFFFF  }
0x57: {  	[sflag:s0] =	ssyncadd.tile.s32 @!p0 $0x1;
	_ =	shalt  }
.Lfunc_end2:
_tile_overlayer_lowered:
.L_overlay_start_2:
0x58: {  	(tag) =	ssettag $0x2  }
0x59: {  	s0 =	rddreg [dreg:$0x0];
	s2 =	stileid.u32  }
0x5a: {  	s1 =	rddreg [dreg:$0x1];
	p0 =	sne.s32 s2, $0x0  }
0x5b: {  	s3 =	rddreg [dreg:$0x2];
	[bflag:$0x3] =	sbarrier.arrive $0xFFFF;
	s2 =	simm.s32 @!p0 $0x1C03  }
0x5c: {  	[timem:s3], [sflag:s2] =	dma.local @!p0 [hbm:s0], s1  }
0x5d: {  	s0 =	simm.s32 @!p0 $0x3  }
0x5e: {  	_ =	swait.ge @!p0 [sflag:s0], s1  }
0x5f: {  	s1 =	ssub.s32 @!p0 $0x0, s1;
	[sflag:s0] =	ssyncset.done @!p0 $0x0  }
0x60: {  	[sflag:s0] =	ssyncadd.s32 @!p0 s1  }
0x61: {  	[bflag:$0x3] =	sbarrier.arrive $0xFFFF  }
0x62: {  	_ =	shalt  }

// kernel: kernel.25.cloned.1.call-start
scs
__scs_entry_jumppad:
0x0: {  	(pc) =	sbr.rel $0x88, $3  }
0x1: {  	(tag) =	ssettag $0x0;
	lr =	simm.s32 $0x1  }
0x2: {  	[smem:$0x3F96] =	sst lr;
	_ =	strace $0xD0000000  }
0x3: {  	_ = 	snop  }
0x4: {  	_ = 	snop  }
0x5: {  	_ = 	snop  }
0x6: {  	_ = 	snop  }
0x7: {  	_ = 	snop  }
__scs_overlays_trampoline_lowered:
0x8: {  	[smem:$0x3FA5] =	sst s0  }
0x9: {  	[smem:$0x3FA6] =	sst s1  }
0xa: {  	[smem:$0x3FA7] =	sst s2  }
0xb: {  	[smem:$0x3FA8] =	sst s3  }
0xc: {  	[smem:$0x3FA9] =	sst s4  }
0xd: {  	[smem:$0x3FAA] =	sst s5  }
0xe: {  	[smem:$0x3FAB] =	sst s6  }
0xf: {  	[smem:$0x3FAC] =	sst s7  }
0x10: {  	[smem:$0x3FAD] =	sst s8  }
0x11: {  	[smem:$0x3FAE] =	sst s9;
	s0 =	simm.s32 @!p0 $0x0  }
0x12: {  	s1 =	sld [smem:$0x3F94];
	s0 =	simm.s32 @p0 $0x1  }
0x13: {  	[smem:$0x3FAF] =	sst s0;
	s0 =	simm.s32 @!p1 $0x0  }
0x14: {  	s2 =	sld [smem:$0x3F93];
	s0 =	simm.s32 @p1 $0x1  }
0x15: {  	[smem:$0x3FB0] =	sst s0;
	s0 =	simm.s32 @!p2 $0x0  }
0x16: {  	s3 =	sld [smem:$0x3FDB];
	s0 =	simm.s32 @p2 $0x1  }
0x17: {  	s4 =	simm.s32 $0x1BF5;
	[smem:$0x3FB2] =	sst s0  }
0x18: {  	s0 =	sld [smem:$0x3F95];
	_ =	swait.ge [sflag:s4], $0x0  }
0x19: {  	s7 =	sld [smem:$0x3F96]  }
0x1a: {  	s8 =	sadd.s32 $0xFFFFE003, lr  }
0x1b: {  	s9 =	sadd.s32 $0xFFFFFEF7, lr;
	s5 =	simm.s32 $0xFFFFFFFF;
	p2 =	slt.u32 s8, $0xFFFFF086  }
0x1c: {  	p1 =	slt.u32 s9, $0xF7A;
	s5 =	simm.s32 @!p2 $0x0  }
0x1d: {  	s5 =	simm.s32 @p1 $0x1;
	p0 =	seq.s32 s7, s2  }
0x1e: {  	s7 =	smul.u32 @!p0 $0xF7A, s2;
	p2 =	seq.s32 @!p0 s5, $0x0  }
0x1f: {  	s9 =	smul.u32 $0xF7A, s1;
	s8 =	simm.s32 @!p0 $0x1BF5;
	p2 =	por !p2, p0  }
0x20: {  	[sflag:s8] =	ssyncset.s32 @!p0 $0xFFFFF086;
	s6 =	sadd.s32 @!p0 s3, s7;
	s7 =	simm.s32 @!p0 $0x108  }
0x21: {  	s3 =	sadd.s32 s3, s9;
	s6 =	sadd.s32 @!p0 $0x88, s6;
	s7 =	simm.s32 @p2 $0x1082  }
0x22: {  	[simem:s7], [sflag:s8] =	dma.local @!p0 [hbm:s6], $0xF7A  }
0x23: {  	s9 =	sor.u32 $0xD0000000, s2;
	s6 =	simm.s32 $0x108;
	_ =	swait.ge @!p0 [sflag:s8], $0x0  }
0x24: {  	s3 =	sadd.s32 $0x88, s3;
	s6 =	simm.s32 @!p1 $0x1082;
	[sflag:s4] =	ssyncset.s32 $0xFFFFF086  }
0x25: {  	[simem:s6], [sflag:s4] =	dma.local [hbm:s3], $0xF7A  }
0x26: {  	[smem:$0x3F96] =	sst s1;
	(tag) =	ssettag s2;
	_ =	strace s9  }
0x27: {  	s1 =	sld [smem:$0x3FA6]  }
0x28: {  	s2 =	sld [smem:$0x3FA7]  }
0x29: {  	s4 =	sld [smem:$0x3FA9]  }
0x2a: {  	p0 =	seq.s32 s5, $0x0;
	s5 =	sld [smem:$0x3FAA]  }
0x2b: {  	s6 =	sld [smem:$0x3FAB]  }
0x2c: {  	s7 =	sld [smem:$0x3FAC]  }
0x2d: {  	s3 =	simm.s32 $0x108;
	s8 =	sld [smem:$0x3FAD]  }
0x2e: {  	s3 =	simm.s32 @!p0 $0x1082;
	s9 =	sld [smem:$0x3FAE]  }
0x2f: {  	lr =	sadd.s32 s0, s3;
	s0 =	sld [smem:$0x3FA5]  }
0x30: {  	s3 =	sld [smem:$0x3FA8]  }
0x31: {  	[smem:$0x3FB1] =	sst s10  }
0x32: {  	s10 =	sld [smem:$0x3FAF];
	_ =	sdelay $0x3  }
0x33: {  	p0 =	seq.s32 s10, $0x1;
	s10 =	sld [smem:$0x3FB1];
	_ =	sdelay $0x3  }
0x34: {  	[smem:$0x3FB1] =	sst s10  }
0x35: {  	s10 =	sld [smem:$0x3FB0];
	_ =	sdelay $0x3  }
0x36: {  	p1 =	seq.s32 s10, $0x1;
	s10 =	sld [smem:$0x3FB1];
	_ =	sdelay $0x3  }
0x37: {  	[smem:$0x3FB1] =	sst s10  }
0x38: {  	s10 =	sld [smem:$0x3FB2]  }
0x39: {  	_ = 	snop;
	(pc) =	sbr.ind lr, $3  }
0x3a: {  	_ = 	snop  }
0x3b: {  	_ = 	snop  }
0x3c: {  	p2 =	seq.s32 s10, $0x1;
	s10 =	sld [smem:$0x3FB1]  }
0x3d: {  	_ =	shalt  }
0x3e: {  	_ =	shalt  }
0x3f: {  	_ =	shalt  }
0x40: {  	_ =	shalt  }
0x41: {  	_ =	shalt  }
0x42: {  	_ =	shalt  }
0x43: {  	_ =	shalt  }
0x44: {  	_ =	shalt  }
0x45: {  	_ =	shalt  }
0x46: {  	_ =	shalt  }
0x47: {  	_ =	shalt  }
0x48: {  	_ =	shalt  }
0x49: {  	_ =	shalt  }
0x4a: {  	_ =	shalt  }
0x4b: {  	_ =	shalt  }
0x4c: {  	_ =	shalt  }
0x4d: {  	_ =	shalt  }
0x4e: {  	_ =	shalt  }
0x4f: {  	_ =	shalt  }
0x50: {  	_ =	shalt  }
0x51: {  	_ =	shalt  }
0x52: {  	_ =	shalt  }
0x53: {  	_ =	shalt  }
0x54: {  	_ =	shalt  }
0x55: {  	_ =	shalt  }
0x56: {  	_ =	shalt  }
0x57: {  	_ =	shalt  }
0x58: {  	_ =	shalt  }
0x59: {  	_ =	shalt  }
0x5a: {  	_ =	shalt  }
0x5b: {  	_ =	shalt  }
0x5c: {  	_ =	shalt  }
0x5d: {  	_ =	shalt  }
0x5e: {  	_ =	shalt  }
0x5f: {  	_ =	shalt  }
0x60: {  	_ =	shalt  }
0x61: {  	_ =	shalt  }
0x62: {  	_ =	shalt  }
0x63: {  	_ =	shalt  }
0x64: {  	_ =	shalt  }
0x65: {  	_ =	shalt  }
0x66: {  	_ =	shalt  }
0x67: {  	_ =	shalt  }
0x68: {  	_ =	shalt  }
0x69: {  	_ =	shalt  }
0x6a: {  	_ =	shalt  }
0x6b: {  	_ =	shalt  }
0x6c: {  	_ =	shalt  }
0x6d: {  	_ =	shalt  }
0x6e: {  	_ =	shalt  }
0x6f: {  	_ =	shalt  }
0x70: {  	_ =	shalt  }
0x71: {  	_ =	shalt  }
0x72: {  	_ =	shalt  }
0x73: {  	_ =	shalt  }
0x74: {  	_ =	shalt  }
0x75: {  	_ =	shalt  }
0x76: {  	_ =	shalt  }
0x77: {  	_ =	shalt  }
0x78: {  	_ =	shalt  }
0x79: {  	_ =	shalt  }
0x7a: {  	_ =	shalt  }
0x7b: {  	_ =	shalt  }
0x7c: {  	_ =	shalt  }
0x7d: {  	_ =	shalt  }
0x7e: {  	_ =	shalt  }
0x7f: {  	_ =	shalt  }
0x80: {  	_ =	shalt  }
0x81: {  	_ =	shalt  }
0x82: {  	_ =	shalt  }
0x83: {  	_ =	shalt  }
0x84: {  	_ =	shalt  }
0x85: {  	_ =	shalt  }
0x86: {  	_ =	shalt  }
0x87: {  	_ =	shalt  }
.Lfunc_end0:
.L_simem_size_0:
called_computation.4_lowered:
.L_overlay_start_0:
0x88: {  	s2 =	sld [smem:$0x3FD9]  }
0x89: {  	s3 =	sld [smem:$0x3FFE];
	_ =	sdelay $0x1  }
0x8a: {  	s1 =	srdreg.scid  }
0x8b: {  	s0 =	sand.u32 $0x1, s1  }
0x8c: {  	s16 =	sshll.u32 s0, $0xA;
	s2 =	sadd.s32 s3, s2  }
0x8d: {  	s2 =	sadd.s32 s2, s16  }
0x8e: {  	[smem:$0x3FBD] =	sst s2  }
0x8f: {  	_ = 	snop  }
0x90: {  	(tm) =	ssettm $0x1  }
0x91: {  	s17 =	sld [smem:$0x3FFB];
	_ =	sdelay $0x3  }
0x92: {  	_ =	strace s17  }
0x93: {  	s2 =	sld [smem:$0x3FFC];
	_ =	sdelay $0x3  }
0x94: {  	_ =	strace s2  }
0x95: {  	s2 =	sld [smem:$0x3FFD];
	_ =	sdelay $0x3  }
0x96: {  	_ =	strace s2  }
0x97: {  	_ =	strace $0x8FFFFFFF  }
0x98: {  	s18 =	sld [smem:$0x3FDB];
	_ =	sdelay $0x1  }
0x99: {  	s19 =	simm.s32 $_scs_section_size  }
0x9a: {  	s4 =	simm.s32 $_size__tile_overlayer_lowered;
	s5 =	simm.s32 $_tile_overlayer_lowered  }
0x9b: {  	s22 =	simm.s32 $0x1BFF;
	s21 =	sshll.u32 s5, $0x1;
	s2 =	sadd.s32 s19, s18  }
0x9c: {  	s6 =	simm.s32 $0x0;
	s20 =	sshll.u32 s4, $0x1;
	s4 =	sadd.s32 s21, s2  }
0x9d: {  	[timem:s6], [sflag:s22] =	dma.local [hbm:s4], s20  }
0x9e: {  	_ =	swait.ge [sflag:s22], s20  }
0x9f: {  	s3 =	ssub.s32 $0x0, s20;
	[sflag:s22] =	ssyncset.done $0x0  }
0xa0: {  	[sflag:s22] =	ssyncadd.s32 s3;
	_ =	sdelay $0x1  }
0xa1: {  	s23 =	simm.s32 $0x1B8B  }
0xa2: {  	_ =	swait.ge [sflag:s23], $0x1  }
0xa3: {  	[sflag:s23] =	ssyncset.done $0x0  }
0xa4: {  	s25 =	simm.s32 $0x1B8E;
	s24 =	sld [smem:$0x3FFE];
	[sflag:s23] =	ssyncadd.s32 $0xFFFFFFFF  }
0xa5: {  	s26 =	simm.s32 $execute0_lowered;
	[smem:$0x3FD2] =	sst s25  }
0xa6: {  	s4 =	sshll.u32 s26, $0x1;
	_ =	strace $0x8000004F;
	[dreg:$0x1] =	wrdreg $0xFFFFFFFF  }
0xa7: {  	s28 =	simm.s32 $_size_execute0_lowered;
	s2 =	sadd.s32 s2, s4;
	[dreg:$0x0] =	wrdreg $0x0  }
0xa8: {  	s4 =	sshll.u32 s28, $0x1;
	[dreg:$0x2] =	wrdreg s2  }
0xa9: {  	[dreg:$0x3] =	wrdreg s4  }
0xaa: {  	[dreg:$0x4] =	wrdreg $0xC0  }
0xab: {  	_ =	task [dreg:s6], $0x5FFFF  }
0xac: {  	[dreg:$0x1] =	wrdreg $0xFFFFFFFF  }
0xad: {  	[dreg:$0x0] =	wrdreg $0x60  }
0xae: {  	[dreg:$0x2] =	wrdreg s24  }
0xaf: {  	[dreg:$0x3] =	wrdreg $0x82000  }
0xb0: {  	[dreg:$0x4] =	wrdreg $0x9  }
0xb1: {  	_ =	task.clear_ibuf [dreg:s6], $0x5FFFF;
	_ =	strace $0x9000004F  }
0xb2: {  	s29 =	simm.s32 $0x9;
	_ =	strace $0x80000051  }
0xb3: {  	_ =	swait.ge [sflag:s29], $0x1  }
0xb4: {  	[sflag:s29] =	ssyncadd.s32 $0xFFFFFFFF  }
0xb5: {  	_ =	strace $0x90000051  }
0xb6: {  	_ =	sfence  }
0xb7: {  	s30 =	sld [smem:$0x0];
	_ =	sdelay $0x2  }
0xb8: {  	s31 =	sshll.u32 s1, $0xD;
	s1 =	sshrl.u32 s1, $0x2  }
0xb9: {  	s3 =	sand.u32 $0x4000, s31;
	s1 =	sadd.s32 s1, s30  }
0xba: {  	s0 =	sor.u32 s3, s0;
	s1 =	sshll.u32 s1, $0x11  }
0xbb: {  	s0 =	sor.u32 s1, s0  }
0xbc: {  	s0 =	sadd.s32 $0x8F2B, s0  }
0xbd: {  	[sflag:s0] =	ssyncadd.remote.s32 $0x1  }
0xbe: {  	_ =	sfence.sel $0xFFFF  }
0xbf: {  	[dreg:$0x0] =	wrdreg $0xFFFFFFFF;
	(pc) =	sbr.abs _section_cstart, $3  }
0xc0: {  	[dreg:$0x1] =	wrdreg $0xFFFFFFFF  }
0xc1: {  	_ =	task.clear_ibuf [dreg:s6], $0x2FFFF;
	_ =	strace $0x9FFFFFFF  }
0xc2: {  	(tm) =	ssettm $0x7FFFFFFF  }
0xc3: {  	_ =	shalt  }
tec
execute0_lowered:
.L_overlay_start_1:
0x0: {  	(tag) =	ssettag $0x1  }
0x1: {  	s0 =	rddreg [dreg:$0x0];
	s1 =	srdreg.scid  }
0x2: {  	s2 =	rddreg [dreg:$0x1];
	s12 =	stileid.u32;
	s3 =	simm.s32 $0x0  }
0x3: {  	s14 =	simm.s32 $0x7;
	s16 =	simm.s32 $0x80;
	s5 =	smul.u32 $0x2780, s12  }
0x4: {  	s28 =	simm.s32 $0x6;
	s29 =	simm.s32 $0x4;
	s9 =	smul.u32 $0x4F000, s12  }
0x5: {  	s30 =	simm.s32 $0x0;
	s1 =	sand.u32 $0x1, s1;
	s20 =	smul.u32 $0x54, s12  }
0x6: {  	[smem:$0x7FF] =	sst s3;
	s21 =	sshll.u32 s12, $0x6;
	s24 =	smul.u32 $0x2A000, s12  }
0x7: {  	s4 =	sshll.u32 s1, $0x4;
	_ =	strace $0x80000050;
	s10 =	smul.u32 $0x540, s1  }
0x8: {  	s7 =	ssub.s32 $0x2, s1;
	s1 =	smul.u32 $0x2A0000, s1;
	s6 =	sor.u32 s12, s4  }
0x9: {  	s5 =	sadd.s32 s5, s0;
	s18 =	sshrl.u32 s7, $0x1;
	s19 =	sshrl.u32 s9, $0x2  }
0xa: {  	s4 =	smul.u32 $0x580, s6;
	s11 =	sadd.s32 s19, s2;
	s5 =	sadd.s32 $0xC2800, s5  }
0xb: {  	s22 =	sadd.s32 s20, s10;
	s20 =	simm.s32 $0x180;
	[dreg:$0x3] =	wrdreg s5  }
0xc: {  	s5 =	sor.u32 $0x1C07, s21;
	s31 =	sshrl.u32 s11, $0x3;
	s21 =	simm.s32 $0x1  }
0xd: {  	s8 =	sadd.s32 s4, s0;
	s4 =	sadd.s32 $0xEA000, s0;
	s0 =	ssub.s32 s7, s18  }
0xe: {  	[dreg:$0x4] =	wrdreg s5;
	s7 =	smul.u32 $0x54, s6;
	s5 =	sshll.u32 s22, $0xB  }
0xf: {  	[dreg:$0x8] =	wrdreg s31;
	s18 =	simm.s32 $0x100;
	s22 =	simm.s32 $0x200  }
0x10: {  	s8 =	sadd.s32 $0xB7800, s8;
	s0 =	smax.u32 s0, $0x1;
	s23 =	sadd.s32 s5, s4  }
.Ltmp0:
0x11: {  	s26 =	sadd.s32 s1, s4;
	[dreg:$0x5] =	wrdreg s0;
	(pc) =	sbr.rel .LBB2_1-.Ltmp0, $4  }
0x12: {  	s25 =	sadd.s32 $0x1800, s23;
	s0 =	sadd.s32 $0x1000, s23;
	s12 =	sadd.s32 s24, s26  }
0x13: {  	s15 =	sadd.s32 $0x10, s8;
	s17 =	sadd.s32 $0x20, s8;
	s19 =	sadd.s32 $0x30, s8  }
0x14: {  	s23 =	simm.s32 $0x2;
	s24 =	simm.s32 $0x4200;
	[dreg:$0x6] =	wrdreg s25  }
0x15: {  	s26 =	simm.s32 $0x3;
	[dreg:$0x7] =	wrdreg s0;
	s25 =	simm.s32 $0x5  }
.LBB2_6:
0x16: {  	_ =	swait.ge [sflag:s25], $0x4000  }
0x17: {  	[sflag:s25] =	ssyncset.done $0x0  }
0x18: {  	[sflag:s25] =	ssyncadd.s32 $0xFFFFC000  }
0x19: {  	_ =	swait.ge [sflag:s28], $0x4000  }
0x1a: {  	s30 =	sadd.s32 $0x1, s30;
	s0 =	rddreg [dreg:$0x5]  }
0x1b: {  	p0 =	sne.s32 s30, s0  }
.Ltmp1:
0x1c: {  	_ = 	snop;
	(pc) =	sbr.rel @!p0 .LBB2_7-.Ltmp1, $3  }
0x1d: {  	_ =	sdelay $0x1  }
0x1e: {  	[sflag:s28] =	ssyncset.done $0x0  }
0x1f: {  	[sflag:s28] =	ssyncadd.s32 $0xFFFFC000  }
.LBB2_1:
0x20: {  	s0 =	rddreg [dreg:$0x3]  }
0x21: {  	s1 =	rddreg [dreg:$0x4]  }
0x22: {  	s5 =	rddreg [dreg:$0x8]  }
0x23: {  	[spmem:s5], [sflag:s1] =	dma.local [hbm:s0], $0x2780  }
0x24: {  	_ =	swait.ge [sflag:s14], $0x2780  }
0x25: {  	[sflag:s14] =	ssyncset.done $0x0  }
0x26: {  	[sflag:s14] =	ssyncadd.s32 $0xFFFFD880  }
0x27: {  	[bflag:$0x0] =	sbarrier.arrive $0xFFFF  }
0x28: {  	[tilespmem:s3], [sflag:$0x1] =	stream.linear.gather [hbm4b:s8+s3], $0x80, $0x38;
	[tilespmem:$0x1BE00] =	vst v63  }
0x29: {  	_ = 	snop  }
0x2a: {  	[tilespmem:s16], [sflag:$0x2] =	stream.linear.gather [hbm4b:s15+s3], $0x80, $0x38;
	[tilespmem:$0x1BE00] =	vst v63  }
0x2b: {  	s31 =	smov.u32 s12;
	s11 =	rddreg [dreg:$0x7]  }
0x2c: {  	[tilespmem:s18], [sflag:$0x3] =	stream.linear.gather [hbm4b:s17+s3], $0x80, $0x38;
	[tilespmem:$0x1BE00] =	vst v63  }
0x2d: {  	s6 =	simm.s32 $0x0;
	s1 =	simm.s32 $0x1;
	s10 =	rddreg [dreg:$0x6]  }
0x2e: {  	[tilespmem:s20], [sflag:$0x4] =	stream.linear.gather [hbm4b:s19+s3], $0x80, $0x38;
	[tilespmem:$0x1BE00] =	vst v63  }
.LBB2_2:
0x2f: {  	p0 =	seq.s32 s6, $0x0  }
0x30: {  	s0 =	simm.s32 @!p0 $0x5  }
0x31: {  	_ =	swait.ge @!p0 [sflag:s0], $0x4000  }
0x32: {  	[sflag:s0] =	ssyncset.done @!p0 $0x0  }
0x33: {  	[sflag:s0] =	ssyncadd.s32 @!p0 $0xFFFFC000  }
0x34: {  	_ =	swait.ge [sflag:s21], $0x80  }
0x35: {  	[sflag:s21] =	ssyncset.done $0x0  }
0x36: {  	p0 =	seq.s32 s6, $0x500;
	[sflag:s21] =	ssyncadd.s32 $0xFFFFFF80  }
0x37: {  	[tilespmem:s22], [sflag:$0x7] =	stream.indirect.gather [spmem:s2], $0x80, s3, s16, $0xb8;
	[tilespmem:$0x1BE00] =	vst v63  }
0x38: {  	p1 =	seq.s32 @!p0 s6, $0x0;
	_ =	swait.ge [sflag:s14], $0x4000  }
0x39: {  	p1 =	por p0, !p1;
	[sflag:s14] =	ssyncset.done $0x0  }
.Ltmp2:
0x3a: {  	s9 =	sadd.s32 @!p0 s6, s8;
	[sflag:s14] =	ssyncadd.s32 $0xFFFFC000;
	(pc) =	sbr.rel @!p1 .LBB2_4-.Ltmp2, $4  }
0x3b: {  	[hbm4b:s31+s3] =	stream.linear.scatter [tilespmem:s22], [sflag:$0x5], $0x4000, $0x38;
	[tilespmem:$0x1BE00] =	vst v63  }
0x3c: {  	s5 =	simm.s32 @!p0 $0x0;
	s0 =	sadd.s32 @!p0 $0x40, s9  }
0x3d: {  	[tilespmem:s5], [sflag:$0x1] =	stream.linear.gather @!p0 [hbm4b:s0+s5], $0x80, $0x38;
	[tilespmem:$0x1BE00] =	vst v63  }
0x3e: {  	s0 =	smov.u32 s1  }
0x3f: {  	_ =	swait.ge [sflag:s28], $0x4000  }
0x40: {  	s0 =	smov.u32 s1;
	[sflag:s28] =	ssyncset.done $0x0  }
0x41: {  	s0 =	simm.s32 @p0 $0x51;
	[sflag:s28] =	ssyncadd.s32 $0xFFFFC000  }
.LBB2_4:
0x42: {  	_ =	swait.ge [sflag:s23], $0x80  }
0x43: {  	[sflag:s23] =	ssyncset.done $0x0  }
0x44: {  	s0 =	sadd.s32 s7, s0;
	[sflag:s23] =	ssyncadd.s32 $0xFFFFFF80  }
0x45: {  	[tilespmem:s24], [sflag:$0x7] =	stream.indirect.gather [spmem:s2], $0x80, s16, s16, $0xb8;
	[tilespmem:$0x1BE00] =	vst v63  }
0x46: {  	s0 =	sshll.u32 s0, $0xB;
	_ =	swait.ge [sflag:s14], $0x4000  }
0x47: {  	s0 =	sand.u32 $0x1FFFE800, s0;
	[sflag:s14] =	ssyncset.done $0x0  }
0x48: {  	s0 =	sadd.s32 s4, s0;
	[sflag:s14] =	ssyncadd.s32 $0xFFFFC000  }
0x49: {  	[hbm4b:s0+s3] =	stream.linear.scatter [tilespmem:s24], [sflag:$0x6], $0x4000, $0x38;
	[tilespmem:$0x1BE00] =	vst v63  }
0x4a: {  	s13 =	simm.s32 @!p0 $0x80;
	s0 =	sadd.s32 @!p0 $0x50, s9  }
0x4b: {  	[tilespmem:s13], [sflag:$0x2] =	stream.linear.gather @!p0 [hbm4b:s0+s5], $0x80, $0x38;
	[tilespmem:$0x1BE00] =	vst v63  }
0x4c: {  	_ =	swait.ge [sflag:s25], $0x4000  }
0x4d: {  	[sflag:s25] =	ssyncset.done $0x0  }
0x4e: {  	[sflag:s25] =	ssyncadd.s32 $0xFFFFC000  }
0x4f: {  	_ =	swait.ge [sflag:s26], $0x80  }
0x50: {  	[sflag:s26] =	ssyncset.done $0x0  }
0x51: {  	[sflag:s26] =	ssyncadd.s32 $0xFFFFFF80  }
0x52: {  	[tilespmem:s22], [sflag:$0x7] =	stream.indirect.gather [spmem:s2], $0x80, s18, s16, $0xb8;
	[tilespmem:$0x1BE00] =	vst v63  }
0x53: {  	_ =	swait.ge [sflag:s14], $0x4000  }
0x54: {  	[sflag:s14] =	ssyncset.done $0x0  }
0x55: {  	[sflag:s14] =	ssyncadd.s32 $0xFFFFC000  }
0x56: {  	[hbm4b:s11+s3] =	stream.linear.scatter [tilespmem:s22], [sflag:$0x5], $0x4000, $0x38;
	[tilespmem:$0x1BE00] =	vst v63  }
0x57: {  	s0 =	sadd.s32 @!p0 $0x60, s9;
	s9 =	simm.s32 @!p0 $0x100  }
0x58: {  	[tilespmem:s9], [sflag:$0x3] =	stream.linear.gather @!p0 [hbm4b:s0+s5], $0x80, $0x38;
	[tilespmem:$0x1BE00] =	vst v63  }
0x59: {  	_ =	swait.ge [sflag:s28], $0x4000  }
0x5a: {  	[sflag:s28] =	ssyncset.done $0x0  }
0x5b: {  	[sflag:s28] =	ssyncadd.s32 $0xFFFFC000  }
0x5c: {  	_ =	swait.ge [sflag:s29], $0x80  }
0x5d: {  	[sflag:s29] =	ssyncset.done $0x0  }
0x5e: {  	[sflag:s29] =	ssyncadd.s32 $0xFFFFFF80  }
0x5f: {  	[tilespmem:s24], [sflag:$0x7] =	stream.indirect.gather [spmem:s2], $0x80, s20, s16, $0xb8;
	[tilespmem:$0x1BE00] =	vst v63  }
.Ltmp3:
0x60: {  	_ = 	snop;
	(pc) =	sbr.rel @p0 .LBB2_6-.Ltmp3, $4  }
0x61: {  	_ =	swait.ge [sflag:s14], $0x4000  }
0x62: {  	[sflag:s14] =	ssyncset.done $0x0  }
0x63: {  	[sflag:s14] =	ssyncadd.s32 $0xFFFFC000  }
0x64: {  	[hbm4b:s10+s3] =	stream.linear.scatter [tilespmem:s24], [sflag:$0x6], $0x4000, $0x38;
	[tilespmem:$0x1BE00] =	vst v63  }
.Ltmp4:
0x65: {  	(pc) =	sbr.rel .LBB2_2-.Ltmp4, $4  }
0x66: {  	s0 =	sadd.s32 s6, s8  }
0x67: {  	s6 =	sadd.s32 $0x40, s6;
	s10 =	sadd.s32 $0x2000, s10;
	s11 =	sadd.s32 $0x2000, s11  }
0x68: {  	s1 =	sadd.s32 $0x4, s1;
	s31 =	sadd.s32 $0x2000, s31;
	s0 =	sadd.s32 $0x70, s0  }
0x69: {  	[tilespmem:s20], [sflag:$0x4] =	stream.linear.gather [hbm4b:s0+s3], $0x80, $0x38;
	[tilespmem:$0x1BE00] =	vst v63  }
.LBB2_7:
0x6a: {  	_ =	sfence.sel $0x180000  }
0x6b: {  	[bflag:$0x0] =	sbarrier.arrive $0xFFFF  }
0x6c: {  	_ =	strace $0x90000050  }
0x6d: {  	s0 =	stileid.u32;
	[bflag:$0x2] =	sbarrier.arrive $0xFFFF  }
0x6e: {  	p0 =	sne.s32 s0, $0x0;
	s0 =	rddreg [dreg:$0x2]  }
0x6f: {  	s0 =	sadd.s32 @!p0 $0x100000, s0  }
0x70: {  	[sflag:s0] =	ssyncadd.tile.s32 @!p0 $0x1;
	_ =	shalt  }
.Lfunc_end2:
_tile_overlayer_lowered:
.L_overlay_start_2:
0x71: {  	(tag) =	ssettag $0x2  }
0x72: {  	s0 =	rddreg [dreg:$0x0];
	s2 =	stileid.u32  }
0x73: {  	s1 =	rddreg [dreg:$0x1];
	p0 =	sne.s32 s2, $0x0  }
0x74: {  	s3 =	rddreg [dreg:$0x2];
	[bflag:$0x3] =	sbarrier.arrive $0xFFFF;
	s2 =	simm.s32 @!p0 $0x1C07  }
0x75: {  	[timem:s3], [sflag:s2] =	dma.local @!p0 [hbm:s0], s1  }
0x76: {  	s0 =	simm.s32 @!p0 $0x7  }
0x77: {  	_ =	swait.ge @!p0 [sflag:s0], s1  }
0x78: {  	s1 =	ssub.s32 @!p0 $0x0, s1;
	[sflag:s0] =	ssyncset.done @!p0 $0x0  }
0x79: {  	[sflag:s0] =	ssyncadd.s32 @!p0 s1  }
0x7a: {  	[bflag:$0x3] =	sbarrier.arrive $0xFFFF  }
0x7b: {  	_ =	shalt  }

// kernel: kernel.28.cloned.1.call-start
scs
__scs_entry_jumppad:
0x0: {  	(pc) =	sbr.rel $0x88, $3  }
0x1: {  	(tag) =	ssettag $0x0;
	lr =	simm.s32 $0x1  }
0x2: {  	[smem:$0x3F96] =	sst lr;
	_ =	strace $0xD0000000  }
0x3: {  	_ = 	snop  }
0x4: {  	_ = 	snop  }
0x5: {  	_ = 	snop  }
0x6: {  	_ = 	snop  }
0x7: {  	_ = 	snop  }
__scs_overlays_trampoline_lowered:
0x8: {  	[smem:$0x3FA5] =	sst s0  }
0x9: {  	[smem:$0x3FA6] =	sst s1  }
0xa: {  	[smem:$0x3FA7] =	sst s2  }
0xb: {  	[smem:$0x3FA8] =	sst s3  }
0xc: {  	[smem:$0x3FA9] =	sst s4  }
0xd: {  	[smem:$0x3FAA] =	sst s5  }
0xe: {  	[smem:$0x3FAB] =	sst s6  }
0xf: {  	[smem:$0x3FAC] =	sst s7  }
0x10: {  	[smem:$0x3FAD] =	sst s8  }
0x11: {  	[smem:$0x3FAE] =	sst s9;
	s0 =	simm.s32 @!p0 $0x0  }
0x12: {  	s1 =	sld [smem:$0x3F94];
	s0 =	simm.s32 @p0 $0x1  }
0x13: {  	[smem:$0x3FAF] =	sst s0;
	s0 =	simm.s32 @!p1 $0x0  }
0x14: {  	s2 =	sld [smem:$0x3F93];
	s0 =	simm.s32 @p1 $0x1  }
0x15: {  	[smem:$0x3FB0] =	sst s0;
	s0 =	simm.s32 @!p2 $0x0  }
0x16: {  	s3 =	sld [smem:$0x3FDB];
	s0 =	simm.s32 @p2 $0x1  }
0x17: {  	s4 =	simm.s32 $0x1BF5;
	[smem:$0x3FB2] =	sst s0  }
0x18: {  	s0 =	sld [smem:$0x3F95];
	_ =	swait.ge [sflag:s4], $0x0  }
0x19: {  	s7 =	sld [smem:$0x3F96]  }
0x1a: {  	s8 =	sadd.s32 $0xFFFFE003, lr  }
0x1b: {  	s9 =	sadd.s32 $0xFFFFFEF7, lr;
	s5 =	simm.s32 $0xFFFFFFFF;
	p2 =	slt.u32 s8, $0xFFFFF086  }
0x1c: {  	p1 =	slt.u32 s9, $0xF7A;
	s5 =	simm.s32 @!p2 $0x0  }
0x1d: {  	s5 =	simm.s32 @p1 $0x1;
	p0 =	seq.s32 s7, s2  }
0x1e: {  	s7 =	smul.u32 @!p0 $0xF7A, s2;
	p2 =	seq.s32 @!p0 s5, $0x0  }
0x1f: {  	s9 =	smul.u32 $0xF7A, s1;
	s8 =	simm.s32 @!p0 $0x1BF5;
	p2 =	por !p2, p0  }
0x20: {  	[sflag:s8] =	ssyncset.s32 @!p0 $0xFFFFF086;
	s6 =	sadd.s32 @!p0 s3, s7;
	s7 =	simm.s32 @!p0 $0x108  }
0x21: {  	s3 =	sadd.s32 s3, s9;
	s6 =	sadd.s32 @!p0 $0x88, s6;
	s7 =	simm.s32 @p2 $0x1082  }
0x22: {  	[simem:s7], [sflag:s8] =	dma.local @!p0 [hbm:s6], $0xF7A  }
0x23: {  	s9 =	sor.u32 $0xD0000000, s2;
	s6 =	simm.s32 $0x108;
	_ =	swait.ge @!p0 [sflag:s8], $0x0  }
0x24: {  	s3 =	sadd.s32 $0x88, s3;
	s6 =	simm.s32 @!p1 $0x1082;
	[sflag:s4] =	ssyncset.s32 $0xFFFFF086  }
0x25: {  	[simem:s6], [sflag:s4] =	dma.local [hbm:s3], $0xF7A  }
0x26: {  	[smem:$0x3F96] =	sst s1;
	(tag) =	ssettag s2;
	_ =	strace s9  }
0x27: {  	s1 =	sld [smem:$0x3FA6]  }
0x28: {  	s2 =	sld [smem:$0x3FA7]  }
0x29: {  	s4 =	sld [smem:$0x3FA9]  }
0x2a: {  	p0 =	seq.s32 s5, $0x0;
	s5 =	sld [smem:$0x3FAA]  }
0x2b: {  	s6 =	sld [smem:$0x3FAB]  }
0x2c: {  	s7 =	sld [smem:$0x3FAC]  }
0x2d: {  	s3 =	simm.s32 $0x108;
	s8 =	sld [smem:$0x3FAD]  }
0x2e: {  	s3 =	simm.s32 @!p0 $0x1082;
	s9 =	sld [smem:$0x3FAE]  }
0x2f: {  	lr =	sadd.s32 s0, s3;
	s0 =	sld [smem:$0x3FA5]  }
0x30: {  	s3 =	sld [smem:$0x3FA8]  }
0x31: {  	[smem:$0x3FB1] =	sst s10  }
0x32: {  	s10 =	sld [smem:$0x3FAF];
	_ =	sdelay $0x3  }
0x33: {  	p0 =	seq.s32 s10, $0x1;
	s10 =	sld [smem:$0x3FB1];
	_ =	sdelay $0x3  }
0x34: {  	[smem:$0x3FB1] =	sst s10  }
0x35: {  	s10 =	sld [smem:$0x3FB0];
	_ =	sdelay $0x3  }
0x36: {  	p1 =	seq.s32 s10, $0x1;
	s10 =	sld [smem:$0x3FB1];
	_ =	sdelay $0x3  }
0x37: {  	[smem:$0x3FB1] =	sst s10  }
0x38: {  	s10 =	sld [smem:$0x3FB2]  }
0x39: {  	_ = 	snop;
	(pc) =	sbr.ind lr, $3  }
0x3a: {  	_ = 	snop  }
0x3b: {  	_ = 	snop  }
0x3c: {  	p2 =	seq.s32 s10, $0x1;
	s10 =	sld [smem:$0x3FB1]  }
0x3d: {  	_ =	shalt  }
0x3e: {  	_ =	shalt  }
0x3f: {  	_ =	shalt  }
0x40: {  	_ =	shalt  }
0x41: {  	_ =	shalt  }
0x42: {  	_ =	shalt  }
0x43: {  	_ =	shalt  }
0x44: {  	_ =	shalt  }
0x45: {  	_ =	shalt  }
0x46: {  	_ =	shalt  }
0x47: {  	_ =	shalt  }
0x48: {  	_ =	shalt  }
0x49: {  	_ =	shalt  }
0x4a: {  	_ =	shalt  }
0x4b: {  	_ =	shalt  }
0x4c: {  	_ =	shalt  }
0x4d: {  	_ =	shalt  }
0x4e: {  	_ =	shalt  }
0x4f: {  	_ =	shalt  }
0x50: {  	_ =	shalt  }
0x51: {  	_ =	shalt  }
0x52: {  	_ =	shalt  }
0x53: {  	_ =	shalt  }
0x54: {  	_ =	shalt  }
0x55: {  	_ =	shalt  }
0x56: {  	_ =	shalt  }
0x57: {  	_ =	shalt  }
0x58: {  	_ =	shalt  }
0x59: {  	_ =	shalt  }
0x5a: {  	_ =	shalt  }
0x5b: {  	_ =	shalt  }
0x5c: {  	_ =	shalt  }
0x5d: {  	_ =	shalt  }
0x5e: {  	_ =	shalt  }
0x5f: {  	_ =	shalt  }
0x60: {  	_ =	shalt  }
0x61: {  	_ =	shalt  }
0x62: {  	_ =	shalt  }
0x63: {  	_ =	shalt  }
0x64: {  	_ =	shalt  }
0x65: {  	_ =	shalt  }
0x66: {  	_ =	shalt  }
0x67: {  	_ =	shalt  }
0x68: {  	_ =	shalt  }
0x69: {  	_ =	shalt  }
0x6a: {  	_ =	shalt  }
0x6b: {  	_ =	shalt  }
0x6c: {  	_ =	shalt  }
0x6d: {  	_ =	shalt  }
0x6e: {  	_ =	shalt  }
0x6f: {  	_ =	shalt  }
0x70: {  	_ =	shalt  }
0x71: {  	_ =	shalt  }
0x72: {  	_ =	shalt  }
0x73: {  	_ =	shalt  }
0x74: {  	_ =	shalt  }
0x75: {  	_ =	shalt  }
0x76: {  	_ =	shalt  }
0x77: {  	_ =	shalt  }
0x78: {  	_ =	shalt  }
0x79: {  	_ =	shalt  }
0x7a: {  	_ =	shalt  }
0x7b: {  	_ =	shalt  }
0x7c: {  	_ =	shalt  }
0x7d: {  	_ =	shalt  }
0x7e: {  	_ =	shalt  }
0x7f: {  	_ =	shalt  }
0x80: {  	_ =	shalt  }
0x81: {  	_ =	shalt  }
0x82: {  	_ =	shalt  }
0x83: {  	_ =	shalt  }
0x84: {  	_ =	shalt  }
0x85: {  	_ =	shalt  }
0x86: {  	_ =	shalt  }
0x87: {  	_ =	shalt  }
.Lfunc_end0:
.L_simem_size_0:
called_computation.5_lowered:
.L_overlay_start_0:
0x88: {  	s2 =	sld [smem:$0x3FD9]  }
0x89: {  	s3 =	sld [smem:$0x3FFE];
	_ =	sdelay $0x1  }
0x8a: {  	s1 =	srdreg.scid  }
0x8b: {  	s0 =	sand.u32 $0x1, s1  }
0x8c: {  	s16 =	sshll.u32 s0, $0xA;
	s2 =	sadd.s32 s3, s2  }
0x8d: {  	s2 =	sadd.s32 s2, s16  }
0x8e: {  	[smem:$0x3FBD] =	sst s2  }
0x8f: {  	_ = 	snop  }
0x90: {  	(tm) =	ssettm $0x1  }
0x91: {  	s17 =	sld [smem:$0x3FFB];
	_ =	sdelay $0x3  }
0x92: {  	_ =	strace s17  }
0x93: {  	s2 =	sld [smem:$0x3FFC];
	_ =	sdelay $0x3  }
0x94: {  	_ =	strace s2  }
0x95: {  	s2 =	sld [smem:$0x3FFD];
	_ =	sdelay $0x3  }
0x96: {  	_ =	strace s2  }
0x97: {  	_ =	strace $0x8FFFFFFF  }
0x98: {  	s18 =	sld [smem:$0x3FDB];
	_ =	sdelay $0x1  }
0x99: {  	s19 =	simm.s32 $_scs_section_size  }
0x9a: {  	s4 =	simm.s32 $_size__tile_overlayer_lowered;
	s5 =	simm.s32 $_tile_overlayer_lowered  }
0x9b: {  	s22 =	simm.s32 $0x1BFF;
	s21 =	sshll.u32 s5, $0x1;
	s2 =	sadd.s32 s19, s18  }
0x9c: {  	s6 =	simm.s32 $0x0;
	s20 =	sshll.u32 s4, $0x1;
	s4 =	sadd.s32 s21, s2  }
0x9d: {  	[timem:s6], [sflag:s22] =	dma.local [hbm:s4], s20  }
0x9e: {  	_ =	swait.ge [sflag:s22], s20  }
0x9f: {  	s3 =	ssub.s32 $0x0, s20;
	[sflag:s22] =	ssyncset.done $0x0  }
0xa0: {  	[sflag:s22] =	ssyncadd.s32 s3;
	_ =	sdelay $0x1  }
0xa1: {  	s23 =	simm.s32 $0x1B8B  }
0xa2: {  	_ =	swait.ge [sflag:s23], $0x1  }
0xa3: {  	[sflag:s23] =	ssyncset.done $0x0  }
0xa4: {  	s25 =	simm.s32 $0x1B8E;
	s24 =	sld [smem:$0x3FFE];
	[sflag:s23] =	ssyncadd.s32 $0xFFFFFFFF  }
0xa5: {  	s26 =	simm.s32 $execute0_lowered;
	[smem:$0x3FD2] =	sst s25  }
0xa6: {  	s4 =	sshll.u32 s26, $0x1;
	_ =	strace $0x80000052;
	[dreg:$0x1] =	wrdreg $0xFFFFFFFF  }
0xa7: {  	s28 =	simm.s32 $_size_execute0_lowered;
	s2 =	sadd.s32 s2, s4;
	[dreg:$0x0] =	wrdreg $0x0  }
0xa8: {  	s4 =	sshll.u32 s28, $0x1;
	[dreg:$0x2] =	wrdreg s2  }
0xa9: {  	[dreg:$0x3] =	wrdreg s4  }
0xaa: {  	[dreg:$0x4] =	wrdreg $0xC0  }
0xab: {  	_ =	task [dreg:s6], $0x5FFFF  }
0xac: {  	[dreg:$0x1] =	wrdreg $0xFFFFFFFF  }
0xad: {  	[dreg:$0x0] =	wrdreg $0x60  }
0xae: {  	[dreg:$0x2] =	wrdreg s24  }
0xaf: {  	[dreg:$0x3] =	wrdreg $0xAC000  }
0xb0: {  	[dreg:$0x4] =	wrdreg $0xA  }
0xb1: {  	_ =	task.clear_ibuf [dreg:s6], $0x5FFFF;
	_ =	strace $0x90000052  }
0xb2: {  	s29 =	simm.s32 $0xA;
	_ =	strace $0x80000054  }
0xb3: {  	_ =	swait.ge [sflag:s29], $0x1  }
0xb4: {  	[sflag:s29] =	ssyncadd.s32 $0xFFFFFFFF  }
0xb5: {  	_ =	strace $0x90000054  }
0xb6: {  	_ =	sfence  }
0xb7: {  	s30 =	sld [smem:$0x0];
	_ =	sdelay $0x2  }
0xb8: {  	s31 =	sshll.u32 s1, $0xD;
	s1 =	sshrl.u32 s1, $0x2  }
0xb9: {  	s3 =	sand.u32 $0x4000, s31;
	s1 =	sadd.s32 s1, s30  }
0xba: {  	s0 =	sor.u32 s3, s0;
	s1 =	sshll.u32 s1, $0x11  }
0xbb: {  	s0 =	sor.u32 s1, s0  }
0xbc: {  	s0 =	sadd.s32 $0x8F2B, s0  }
0xbd: {  	[sflag:s0] =	ssyncadd.remote.s32 $0x1  }
0xbe: {  	_ =	sfence.sel $0xFFFF  }
0xbf: {  	[dreg:$0x0] =	wrdreg $0xFFFFFFFF;
	(pc) =	sbr.abs _section_cstart, $3  }
0xc0: {  	[dreg:$0x1] =	wrdreg $0xFFFFFFFF  }
0xc1: {  	_ =	task.clear_ibuf [dreg:s6], $0x2FFFF;
	_ =	strace $0x9FFFFFFF  }
0xc2: {  	(tm) =	ssettm $0x7FFFFFFF  }
0xc3: {  	_ =	shalt  }
tec
execute0_lowered:
.L_overlay_start_1:
0x0: {  	(tag) =	ssettag $0x1  }
0x1: {  	s5 =	rddreg [dreg:$0x0]  }
0x2: {  	s0 =	srdreg.scid;
	s2 =	rddreg [dreg:$0x1]  }
0x3: {  	s3 =	simm.s32 $0x0;
	s4 =	sand.u32 $0x1, s0;
	s0 =	stileid.u32  }
0x4: {  	s16 =	simm.s32 $0x1;
	s17 =	simm.s32 $0x80;
	s21 =	smul.u32 $0x2780, s0  }
0x5: {  	s18 =	simm.s32 $0x2;
	s19 =	simm.s32 $0x2900;
	s8 =	smul.u32 $0x27800, s4  }
0x6: {  	s20 =	simm.s32 $0x2980;
	[smem:$0x7FF] =	sst s3;
	s11 =	smul.u32 $0x4F000, s0  }
0x7: {  	s9 =	sadd.s32 $0xEA000, s5;
	s1 =	sshll.u32 s4, $0x4;
	s26 =	smul.u32 $0x540, s4  }
0x8: {  	s25 =	ssub.s32 $0x2, s4;
	s13 =	smul.u32 $0x54, s0;
	s29 =	sshll.u32 s0, $0x6  }
0x9: {  	s6 =	sor.u32 s0, s1;
	s1 =	rddreg [dreg:$0x2];
	_ =	strace $0x80000053  }
0xa: {  	s28 =	sshrl.u32 s25, $0x1;
	s7 =	smul.u32 $0x580, s6;
	s10 =	sadd.s32 s21, s5  }
0xb: {  	s12 =	sadd.s32 s8, s5;
	s11 =	sshrl.u32 s11, $0x2;
	s14 =	ssub.s32 s25, s28  }
0xc: {  	s6 =	smul.u32 $0x2A000, s6;
	s8 =	sadd.s32 s13, s26;
	s13 =	simm.s32 $0x3  }
0xd: {  	s15 =	sadd.s32 s11, s2;
	s4 =	sadd.s32 $0x19800, s10;
	s30 =	sshll.u32 s8, $0xB  }
0xe: {  	s22 =	sadd.s32 $0x62A000, s12;
	s7 =	sadd.s32 s7, s5;
	s5 =	sor.u32 $0x1C03, s29  }
0xf: {  	s6 =	sadd.s32 s9, s6;
	s31 =	sadd.s32 s30, s9;
	s9 =	smax.u32 s14, $0x1  }
0x10: {  	s12 =	sshrl.u32 s15, $0x3;
	s14 =	simm.s32 $0x2C00;
	s15 =	simm.s32 $0x6C00  }
0x11: {  	s21 =	sadd.s32 s21, s22;
	s22 =	simm.s32 $0x0;
	s7 =	sadd.s32 $0x3800, s7  }
0x12: {  	s8 =	sadd.s32 $0x800, s6;
	s10 =	sadd.s32 $0x1800, s31;
	s11 =	sadd.s32 $0x1000, s31  }
.LBB2_1:
0x13: {  	[spmem:s12], [sflag:s5] =	dma.local [hbm:s4], $0x2780  }
0x14: {  	_ =	swait.ge [sflag:s13], $0x2780  }
0x15: {  	[sflag:s13] =	ssyncset.done $0x0  }
0x16: {  	[sflag:s13] =	ssyncadd.s32 $0xFFFFD880  }
0x17: {  	[tilespmem:s3], [sflag:$0x3] =	stream.linear.gather [hbm4b:s7+s3], $0x2A00, $0x38;
	[tilespmem:$0x1E800] =	vst v63  }
0x18: {  	_ =	swait.ge [sflag:s13], $0x2A00  }
0x19: {  	[sflag:s13] =	ssyncset.done $0x0  }
0x1a: {  	[sflag:s13] =	ssyncadd.s32 $0xFFFFD600  }
0x1b: {  	[bflag:$0x0] =	sbarrier.arrive $0xFFFF  }
0x1c: {  	[tilespmem:s14], [sflag:$0x1] =	stream.linear.gather [hbm4b:s6+s3], $0x4000, $0x38;
	[tilespmem:$0x1E800] =	vst v63  }
0x1d: {  	_ = 	snop  }
0x1e: {  	[tilespmem:s15], [sflag:$0x2] =	stream.linear.gather [hbm4b:s8+s3], $0x4000, $0x38;
	[tilespmem:$0x1E800] =	vst v63  }
0x1f: {  	_ =	swait.ge [sflag:s16], $0x4000  }
0x20: {  	[sflag:s16] =	ssyncset.done $0x0  }
0x21: {  	s23 =	simm.s32 $0x0;
	[sflag:s16] =	ssyncadd.s32 $0xFFFFC000  }
0x22: {  	[spmem:s2] =	stream.indirect.scatter.add.f32 [tilespmem:s14], [sflag:$0x3], $0x80, s23, s17, $0xb8;
	[tilespmem:$0x1E800] =	vst v63  }
0x23: {  	_ =	swait.ge [sflag:s13], $0x4000  }
0x24: {  	[sflag:s13] =	ssyncset.done $0x0  }
0x25: {  	s31 =	sadd.s32 $0x0, s11;
	[sflag:s13] =	ssyncadd.s32 $0xFFFFC000  }
0x26: {  	[tilespmem:s14], [sflag:$0x1] =	stream.linear.gather [hbm4b:s31+s3], $0x4000, $0x38;
	[tilespmem:$0x1E800] =	vst v63  }
0x27: {  	_ =	swait.ge [sflag:s18], $0x4000  }
0x28: {  	[sflag:s18] =	ssyncset.done $0x0  }
0x29: {  	[sflag:s18] =	ssyncadd.s32 $0xFFFFC000  }
0x2a: {  	[spmem:s2] =	stream.indirect.scatter.add.f32 [tilespmem:s15], [sflag:$0x3], $0x80, s17, s17, $0xb8;
	[tilespmem:$0x1E800] =	vst v63  }
0x2b: {  	_ =	swait.ge [sflag:s13], $0x4000  }
0x2c: {  	s25 =	sadd.s32 $0x0, s10;
	[sflag:s13] =	ssyncset.done $0x0  }
0x2d: {  	s24 =	simm.s32 $0x180;
	s23 =	simm.s32 $0x1000;
	[sflag:s13] =	ssyncadd.s32 $0xFFFFC000  }
.LBB2_2:
0x2e: {  	[tilespmem:s15], [sflag:$0x2] =	stream.linear.gather [hbm4b:s25+s3], $0x4000, $0x38;
	[tilespmem:$0x1E800] =	vst v63  }
0x2f: {  	s25 =	smov.u32 s23  }
0x30: {  	p0 =	sne.s32 s23, $0x28000;
	s23 =	sadd.s32 $0x1000, s23;
	_ =	swait.ge [sflag:s16], $0x4000  }
0x31: {  	[sflag:s16] =	ssyncset.done $0x0  }
0x32: {  	s26 =	sadd.s32 $0xFFFFFF80, s24;
	[sflag:s16] =	ssyncadd.s32 $0xFFFFC000  }
0x33: {  	[spmem:s2] =	stream.indirect.scatter.add.f32 [tilespmem:s14], [sflag:$0x3], $0x80, s26, s17, $0xb8;
	[tilespmem:$0x1E800] =	vst v63  }
0x34: {  	_ =	swait.ge [sflag:s13], $0x4000  }
0x35: {  	[sflag:s13] =	ssyncset.done $0x0  }
0x36: {  	s26 =	sadd.s32 s25, s11;
	[sflag:s13] =	ssyncadd.s32 $0xFFFFC000  }
0x37: {  	[tilespmem:s14], [sflag:$0x1] =	stream.linear.gather [hbm4b:s26+s3], $0x4000, $0x38;
	[tilespmem:$0x1E800] =	vst v63  }
0x38: {  	_ =	swait.ge [sflag:s18], $0x4000  }
0x39: {  	[sflag:s18] =	ssyncset.done $0x0  }
.Ltmp0:
0x3a: {  	[sflag:s18] =	ssyncadd.s32 $0xFFFFC000;
	(pc) =	sbr.rel @p0 .LBB2_2-.Ltmp0, $4  }
0x3b: {  	[spmem:s2] =	stream.indirect.scatter.add.f32 [tilespmem:s15], [sflag:$0x3], $0x80, s24, s17, $0xb8;
	[tilespmem:$0x1E800] =	vst v63  }
0x3c: {  	_ =	swait.ge [sflag:s13], $0x4000  }
0x3d: {  	[sflag:s13] =	ssyncset.done $0x0  }
0x3e: {  	s25 =	sadd.s32 s25, s10;
	s24 =	sadd.s32 $0x100, s24;
	[sflag:s13] =	ssyncadd.s32 $0xFFFFC000  }
0x3f: {  	[tilespmem:s15], [sflag:$0x2] =	stream.linear.gather [hbm4b:s25+s3], $0x4000, $0x38;
	[tilespmem:$0x1E800] =	vst v63  }
0x40: {  	_ =	swait.ge [sflag:s16], $0x4000  }
0x41: {  	[sflag:s16] =	ssyncset.done $0x0  }
0x42: {  	[sflag:s16] =	ssyncadd.s32 $0xFFFFC000  }
0x43: {  	[spmem:s2] =	stream.indirect.scatter.add.f32 [tilespmem:s14], [sflag:$0x3], $0x80, s19, s17, $0xb8;
	[tilespmem:$0x1E800] =	vst v63  }
0x44: {  	_ =	swait.ge [sflag:s13], $0x4000  }
0x45: {  	[sflag:s13] =	ssyncset.done $0x0  }
0x46: {  	[sflag:s13] =	ssyncadd.s32 $0xFFFFC000  }
0x47: {  	_ =	swait.ge [sflag:s18], $0x4000  }
0x48: {  	[sflag:s18] =	ssyncset.done $0x0  }
0x49: {  	[sflag:s18] =	ssyncadd.s32 $0xFFFFC000  }
0x4a: {  	[spmem:s2] =	stream.indirect.scatter.add.f32 [tilespmem:s15], [sflag:$0x3], $0x80, s20, s17, $0xb8;
	[tilespmem:$0x1E800] =	vst v63  }
0x4b: {  	_ =	swait.ge [sflag:s13], $0x4000  }
0x4c: {  	s22 =	sadd.s32 $0x1, s22;
	[sflag:s13] =	ssyncset.done $0x0  }
0x4d: {  	p0 =	sne.s32 s22, s9;
	[sflag:s13] =	ssyncadd.s32 $0xFFFFC000  }
.Ltmp1:
0x4e: {  	[bflag:$0x0] =	sbarrier.arrive $0xFFFF;
	(pc) =	sbr.rel @p0 .LBB2_1-.Ltmp1, $4  }
0x4f: {  	[hbm:s21], [sflag:s5] =	dma.local [spmem:s12], $0x2780  }
0x50: {  	_ =	swait.ge [sflag:s13], $0x2780  }
0x51: {  	[sflag:s13] =	ssyncset.done $0x0  }
0x52: {  	[sflag:s13] =	ssyncadd.s32 $0xFFFFD880  }
0x53: {  	_ =	sfence.sel $0x180000  }
0x54: {  	[bflag:$0x0] =	sbarrier.arrive $0xFFFF  }
0x55: {  	p0 =	sne.s32 s0, $0x0;
	_ =	strace $0x90000053  }
0x56: {  	s0 =	sadd.s32 @!p0 $0x100000, s1;
	[bflag:$0x2] =	sbarrier.arrive $0xFFFF  }
0x57: {  	[sflag:s0] =	ssyncadd.tile.s32 @!p0 $0x1;
	_ =	shalt  }
.Lfunc_end2:
_tile_overlayer_lowered:
.L_overlay_start_2:
0x58: {  	(tag) =	ssettag $0x2  }
0x59: {  	s0 =	rddreg [dreg:$0x0];
	s2 =	stileid.u32  }
0x5a: {  	s1 =	rddreg [dreg:$0x1];
	p0 =	sne.s32 s2, $0x0  }
0x5b: {  	s3 =	rddreg [dreg:$0x2];
	[bflag:$0x3] =	sbarrier.arrive $0xFFFF;
	s2 =	simm.s32 @!p0 $0x1C03  }
0x5c: {  	[timem:s3], [sflag:s2] =	dma.local @!p0 [hbm:s0], s1  }
0x5d: {  	s0 =	simm.s32 @!p0 $0x3  }
0x5e: {  	_ =	swait.ge @!p0 [sflag:s0], s1  }
0x5f: {  	s1 =	ssub.s32 @!p0 $0x0, s1;
	[sflag:s0] =	ssyncset.done @!p0 $0x0  }
0x60: {  	[sflag:s0] =	ssyncadd.s32 @!p0 s1  }
0x61: {  	[bflag:$0x3] =	sbarrier.arrive $0xFFFF  }
0x62: {  	_ =	shalt  }

// kernel: kernel.31.cloned.1.call-start
scs
__scs_entry_jumppad:
0x0: {  	(pc) =	sbr.rel $0x88, $3  }
0x1: {  	(tag) =	ssettag $0x0;
	lr =	simm.s32 $0x1  }
0x2: {  	[smem:$0x3F96] =	sst lr;
	_ =	strace $0xD0000000  }
0x3: {  	_ = 	snop  }
0x4: {  	_ = 	snop  }
0x5: {  	_ = 	snop  }
0x6: {  	_ = 	snop  }
0x7: {  	_ = 	snop  }
__scs_overlays_trampoline_lowered:
0x8: {  	[smem:$0x3FA5] =	sst s0  }
0x9: {  	[smem:$0x3FA6] =	sst s1  }
0xa: {  	[smem:$0x3FA7] =	sst s2  }
0xb: {  	[smem:$0x3FA8] =	sst s3  }
0xc: {  	[smem:$0x3FA9] =	sst s4  }
0xd: {  	[smem:$0x3FAA] =	sst s5  }
0xe: {  	[smem:$0x3FAB] =	sst s6  }
0xf: {  	[smem:$0x3FAC] =	sst s7  }
0x10: {  	[smem:$0x3FAD] =	sst s8  }
0x11: {  	[smem:$0x3FAE] =	sst s9;
	s0 =	simm.s32 @!p0 $0x0  }
0x12: {  	s1 =	sld [smem:$0x3F94];
	s0 =	simm.s32 @p0 $0x1  }
0x13: {  	[smem:$0x3FAF] =	sst s0;
	s0 =	simm.s32 @!p1 $0x0  }
0x14: {  	s2 =	sld [smem:$0x3F93];
	s0 =	simm.s32 @p1 $0x1  }
0x15: {  	[smem:$0x3FB0] =	sst s0;
	s0 =	simm.s32 @!p2 $0x0  }
0x16: {  	s3 =	sld [smem:$0x3FDB];
	s0 =	simm.s32 @p2 $0x1  }
0x17: {  	s4 =	simm.s32 $0x1BF5;
	[smem:$0x3FB2] =	sst s0  }
0x18: {  	s0 =	sld [smem:$0x3F95];
	_ =	swait.ge [sflag:s4], $0x0  }
0x19: {  	s7 =	sld [smem:$0x3F96]  }
0x1a: {  	s8 =	sadd.s32 $0xFFFFE003, lr  }
0x1b: {  	s9 =	sadd.s32 $0xFFFFFEF7, lr;
	s5 =	simm.s32 $0xFFFFFFFF;
	p2 =	slt.u32 s8, $0xFFFFF086  }
0x1c: {  	p1 =	slt.u32 s9, $0xF7A;
	s5 =	simm.s32 @!p2 $0x0  }
0x1d: {  	s5 =	simm.s32 @p1 $0x1;
	p0 =	seq.s32 s7, s2  }
0x1e: {  	s7 =	smul.u32 @!p0 $0xF7A, s2;
	p2 =	seq.s32 @!p0 s5, $0x0  }
0x1f: {  	s9 =	smul.u32 $0xF7A, s1;
	s8 =	simm.s32 @!p0 $0x1BF5;
	p2 =	por !p2, p0  }
0x20: {  	[sflag:s8] =	ssyncset.s32 @!p0 $0xFFFFF086;
	s6 =	sadd.s32 @!p0 s3, s7;
	s7 =	simm.s32 @!p0 $0x108  }
0x21: {  	s3 =	sadd.s32 s3, s9;
	s6 =	sadd.s32 @!p0 $0x88, s6;
	s7 =	simm.s32 @p2 $0x1082  }
0x22: {  	[simem:s7], [sflag:s8] =	dma.local @!p0 [hbm:s6], $0xF7A  }
0x23: {  	s9 =	sor.u32 $0xD0000000, s2;
	s6 =	simm.s32 $0x108;
	_ =	swait.ge @!p0 [sflag:s8], $0x0  }
0x24: {  	s3 =	sadd.s32 $0x88, s3;
	s6 =	simm.s32 @!p1 $0x1082;
	[sflag:s4] =	ssyncset.s32 $0xFFFFF086  }
0x25: {  	[simem:s6], [sflag:s4] =	dma.local [hbm:s3], $0xF7A  }
0x26: {  	[smem:$0x3F96] =	sst s1;
	(tag) =	ssettag s2;
	_ =	strace s9  }
0x27: {  	s1 =	sld [smem:$0x3FA6]  }
0x28: {  	s2 =	sld [smem:$0x3FA7]  }
0x29: {  	s4 =	sld [smem:$0x3FA9]  }
0x2a: {  	p0 =	seq.s32 s5, $0x0;
	s5 =	sld [smem:$0x3FAA]  }
0x2b: {  	s6 =	sld [smem:$0x3FAB]  }
0x2c: {  	s7 =	sld [smem:$0x3FAC]  }
0x2d: {  	s3 =	simm.s32 $0x108;
	s8 =	sld [smem:$0x3FAD]  }
0x2e: {  	s3 =	simm.s32 @!p0 $0x1082;
	s9 =	sld [smem:$0x3FAE]  }
0x2f: {  	lr =	sadd.s32 s0, s3;
	s0 =	sld [smem:$0x3FA5]  }
0x30: {  	s3 =	sld [smem:$0x3FA8]  }
0x31: {  	[smem:$0x3FB1] =	sst s10  }
0x32: {  	s10 =	sld [smem:$0x3FAF];
	_ =	sdelay $0x3  }
0x33: {  	p0 =	seq.s32 s10, $0x1;
	s10 =	sld [smem:$0x3FB1];
	_ =	sdelay $0x3  }
0x34: {  	[smem:$0x3FB1] =	sst s10  }
0x35: {  	s10 =	sld [smem:$0x3FB0];
	_ =	sdelay $0x3  }
0x36: {  	p1 =	seq.s32 s10, $0x1;
	s10 =	sld [smem:$0x3FB1];
	_ =	sdelay $0x3  }
0x37: {  	[smem:$0x3FB1] =	sst s10  }
0x38: {  	s10 =	sld [smem:$0x3FB2]  }
0x39: {  	_ = 	snop;
	(pc) =	sbr.ind lr, $3  }
0x3a: {  	_ = 	snop  }
0x3b: {  	_ = 	snop  }
0x3c: {  	p2 =	seq.s32 s10, $0x1;
	s10 =	sld [smem:$0x3FB1]  }
0x3d: {  	_ =	shalt  }
0x3e: {  	_ =	shalt  }
0x3f: {  	_ =	shalt  }
0x40: {  	_ =	shalt  }
0x41: {  	_ =	shalt  }
0x42: {  	_ =	shalt  }
0x43: {  	_ =	shalt  }
0x44: {  	_ =	shalt  }
0x45: {  	_ =	shalt  }
0x46: {  	_ =	shalt  }
0x47: {  	_ =	shalt  }
0x48: {  	_ =	shalt  }
0x49: {  	_ =	shalt  }
0x4a: {  	_ =	shalt  }
0x4b: {  	_ =	shalt  }
0x4c: {  	_ =	shalt  }
0x4d: {  	_ =	shalt  }
0x4e: {  	_ =	shalt  }
0x4f: {  	_ =	shalt  }
0x50: {  	_ =	shalt  }
0x51: {  	_ =	shalt  }
0x52: {  	_ =	shalt  }
0x53: {  	_ =	shalt  }
0x54: {  	_ =	shalt  }
0x55: {  	_ =	shalt  }
0x56: {  	_ =	shalt  }
0x57: {  	_ =	shalt  }
0x58: {  	_ =	shalt  }
0x59: {  	_ =	shalt  }
0x5a: {  	_ =	shalt  }
0x5b: {  	_ =	shalt  }
0x5c: {  	_ =	shalt  }
0x5d: {  	_ =	shalt  }
0x5e: {  	_ =	shalt  }
0x5f: {  	_ =	shalt  }
0x60: {  	_ =	shalt  }
0x61: {  	_ =	shalt  }
0x62: {  	_ =	shalt  }
0x63: {  	_ =	shalt  }
0x64: {  	_ =	shalt  }
0x65: {  	_ =	shalt  }
0x66: {  	_ =	shalt  }
0x67: {  	_ =	shalt  }
0x68: {  	_ =	shalt  }
0x69: {  	_ =	shalt  }
0x6a: {  	_ =	shalt  }
0x6b: {  	_ =	shalt  }
0x6c: {  	_ =	shalt  }
0x6d: {  	_ =	shalt  }
0x6e: {  	_ =	shalt  }
0x6f: {  	_ =	shalt  }
0x70: {  	_ =	shalt  }
0x71: {  	_ =	shalt  }
0x72: {  	_ =	shalt  }
0x73: {  	_ =	shalt  }
0x74: {  	_ =	shalt  }
0x75: {  	_ =	shalt  }
0x76: {  	_ =	shalt  }
0x77: {  	_ =	shalt  }
0x78: {  	_ =	shalt  }
0x79: {  	_ =	shalt  }
0x7a: {  	_ =	shalt  }
0x7b: {  	_ =	shalt  }
0x7c: {  	_ =	shalt  }
0x7d: {  	_ =	shalt  }
0x7e: {  	_ =	shalt  }
0x7f: {  	_ =	shalt  }
0x80: {  	_ =	shalt  }
0x81: {  	_ =	shalt  }
0x82: {  	_ =	shalt  }
0x83: {  	_ =	shalt  }
0x84: {  	_ =	shalt  }
0x85: {  	_ =	shalt  }
0x86: {  	_ =	shalt  }
0x87: {  	_ =	shalt  }
.Lfunc_end0:
.L_simem_size_0:
called_computation.6_lowered:
.L_overlay_start_0:
0x88: {  	s2 =	sld [smem:$0x3FD9]  }
0x89: {  	s3 =	sld [smem:$0x3FFE];
	_ =	sdelay $0x1  }
0x8a: {  	s1 =	srdreg.scid  }
0x8b: {  	s0 =	sand.u32 $0x1, s1  }
0x8c: {  	s17 =	sshll.u32 s0, $0xA;
	s2 =	sadd.s32 s3, s2  }
0x8d: {  	s2 =	sadd.s32 s2, s17  }
0x8e: {  	[smem:$0x3FBD] =	sst s2  }
0x8f: {  	_ = 	snop  }
0x90: {  	(tm) =	ssettm $0x1  }
0x91: {  	s18 =	sld [smem:$0x3FFB];
	_ =	sdelay $0x3  }
0x92: {  	_ =	strace s18  }
0x93: {  	s2 =	sld [smem:$0x3FFC];
	_ =	sdelay $0x3  }
0x94: {  	_ =	strace s2  }
0x95: {  	s2 =	sld [smem:$0x3FFD];
	_ =	sdelay $0x3  }
0x96: {  	_ =	strace s2  }
0x97: {  	_ =	strace $0x8FFFFFFF  }
0x98: {  	s19 =	sld [smem:$0x3FDB];
	_ =	sdelay $0x1  }
0x99: {  	s20 =	simm.s32 $_scs_section_size  }
0x9a: {  	s4 =	simm.s32 $_size__tile_overlayer_lowered;
	s5 =	simm.s32 $_tile_overlayer_lowered  }
0x9b: {  	s6 =	simm.s32 $0x1BFF;
	s21 =	sshll.u32 s5, $0x1;
	s3 =	sadd.s32 s20, s19  }
0x9c: {  	s22 =	simm.s32 $0x0;
	s4 =	sshll.u32 s4, $0x1;
	s5 =	sadd.s32 s21, s3  }
0x9d: {  	[timem:s22], [sflag:s6] =	dma.local [hbm:s5], s4  }
0x9e: {  	_ =	swait.ge [sflag:s6], s4  }
0x9f: {  	s4 =	ssub.s32 $0x0, s4;
	[sflag:s6] =	ssyncset.done $0x0  }
0xa0: {  	[sflag:s6] =	ssyncadd.s32 s4;
	_ =	sdelay $0x1  }
0xa1: {  	s23 =	simm.s32 $0x1B8B  }
0xa2: {  	_ =	swait.ge [sflag:s23], $0x1  }
0xa3: {  	[sflag:s23] =	ssyncset.done $0x0  }
0xa4: {  	[sflag:s23] =	ssyncadd.s32 $0xFFFFFFFF  }
0xa5: {  	s4 =	sld [smem:$0x0]  }
0xa6: {  	s5 =	sand.u32 $0xFFFFFFFE, s1  }
0xa7: {  	p0 =	sne.s32 s1, s5  }
0xa8: {  	s5 =	sshll.u32 @p0 s5, $0xE  }
0xa9: {  	s5 =	sadd.s32 @p0 $0x11B8D, s5;
	s6 =	sshll.u32 @p0 s4, $0x11  }
0xaa: {  	s5 =	sor.u32 @p0 s6, s5  }
0xab: {  	[sflag:s5] =	ssyncadd.remote.s32 @p0 $0x1;
	_ =	sdelay $0x1  }
0xac: {  	s5 =	simm.s32 @p0 $0x1B8D  }
0xad: {  	_ =	swait.eq @p0 [sflag:s5], $0x1  }
0xae: {  	[sflag:s5] =	ssyncadd.s32 @p0 $0xFFFFFFFF  }
0xaf: {  	s6 =	sshll.u32 @!p0 s1, $0xE  }
0xb0: {  	s6 =	sor.u32 @!p0 $0x4000, s6;
	s5 =	simm.s32 @!p0 $0x1B8D  }
0xb1: {  	s4 =	sshll.u32 @!p0 s4, $0x11;
	s6 =	sadd.s32 @!p0 $0x11B8D, s6;
	_ =	swait.eq @!p0 [sflag:s5], $0x1  }
0xb2: {  	s4 =	sor.u32 @!p0 s4, s6;
	[sflag:s5] =	ssyncadd.s32 @!p0 $0xFFFFFFFF  }
0xb3: {  	s25 =	simm.s32 $0x1B8E;
	s24 =	sld [smem:$0x3FFE];
	[sflag:s4] =	ssyncadd.remote.s32 @!p0 $0x1  }
0xb4: {  	s26 =	simm.s32 $execute0_lowered;
	[smem:$0x3FD2] =	sst s25  }
0xb5: {  	s5 =	sshll.u32 s26, $0x1;
	_ =	strace $0x80000058;
	[dreg:$0x1] =	wrdreg $0xFFFFFFFF  }
0xb6: {  	s28 =	simm.s32 $_size_execute0_lowered;
	s3 =	sadd.s32 s3, s5;
	[dreg:$0x0] =	wrdreg $0x0  }
0xb7: {  	s5 =	sshll.u32 s28, $0x1;
	[dreg:$0x2] =	wrdreg s3  }
0xb8: {  	[dreg:$0x3] =	wrdreg s5  }
0xb9: {  	[dreg:$0x4] =	wrdreg $0xC0  }
0xba: {  	_ =	task [dreg:s22], $0x5FFFF  }
0xbb: {  	[dreg:$0x1] =	wrdreg $0xFFFFFFFF  }
0xbc: {  	[dreg:$0x0] =	wrdreg $0x60  }
0xbd: {  	[dreg:$0x2] =	wrdreg s24  }
0xbe: {  	[dreg:$0x3] =	wrdreg $0x42000  }
0xbf: {  	[dreg:$0x4] =	wrdreg $0xA  }
0xc0: {  	_ =	task.clear_ibuf [dreg:s22], $0x5FFFF;
	_ =	strace $0x90000058  }
0xc1: {  	s29 =	simm.s32 $0xA;
	_ =	strace $0x8000005A  }
0xc2: {  	_ =	swait.ge [sflag:s29], $0x1  }
0xc3: {  	[sflag:s29] =	ssyncadd.s32 $0xFFFFFFFF  }
0xc4: {  	_ =	strace $0x9000005A  }
0xc5: {  	_ =	sfence  }
0xc6: {  	s30 =	sld [smem:$0x0];
	_ =	sdelay $0x2  }
0xc7: {  	s31 =	sshll.u32 s1, $0xD;
	s1 =	sshrl.u32 s1, $0x2  }
0xc8: {  	s4 =	sand.u32 $0x4000, s31;
	s1 =	sadd.s32 s1, s30  }
0xc9: {  	s0 =	sor.u32 s4, s0;
	s1 =	sshll.u32 s1, $0x11  }
0xca: {  	s0 =	sor.u32 s1, s0  }
0xcb: {  	s0 =	sadd.s32 $0x8F2B, s0  }
0xcc: {  	[sflag:s0] =	ssyncadd.remote.s32 $0x1  }
0xcd: {  	_ =	sfence.sel $0xFFFF  }
0xce: {  	[dreg:$0x0] =	wrdreg $0xFFFFFFFF;
	(pc) =	sbr.abs _section_cstart, $3  }
0xcf: {  	[dreg:$0x1] =	wrdreg $0xFFFFFFFF  }
0xd0: {  	_ =	task.clear_ibuf [dreg:s22], $0x2FFFF;
	_ =	strace $0x9FFFFFFF  }
0xd1: {  	(tm) =	ssettm $0x7FFFFFFF  }
tec
execute0_lowered:
.L_overlay_start_1:
0x0: {  	(tag) =	ssettag $0x1  }
0x1: {  	s0 =	srdreg.scid  }
0x2: {  	s3 =	sand.u32 $0x1, s0  }
0x3: {  	s2 =	rddreg [dreg:$0x0];
	s10 =	stileid.u32;
	s4 =	sshll.u32 s3, $0x4  }
0x4: {  	s9 =	sadd.s32 $0x19800, s2;
	s7 =	ssub.s32 $0x2, s3;
	s11 =	sor.u32 s10, s4  }
0x5: {  	s8 =	sshrl.u32 s7, $0x1;
	s4 =	smul.u32 $0x1800, s11;
	s5 =	sshll.u32 s11, $0x6  }
0x6: {  	s3 =	sshll.u32 s3, $0xB;
	s31 =	ssub.s32 s7, s8;
	s5 =	sadd.s32 s5, s2  }
0x7: {  	s4 =	sadd.s32 s4, s2;
	s2 =	sadd.s32 s3, s2;
	s3 =	smax.u32 s31, $0x1  }
0x8: {  	s1 =	rddreg [dreg:$0x1];
	s22 =	sadd.s32 $0xFFFFFFFF, s3  }
0x9: {  	s6 =	simm.s32 $0x0;
	s0 =	rddreg [dreg:$0x2];
	p4 =	sne.s32 s22, $0x0  }
.Ltmp0:
0xa: {  	p3 =	por $0x0, $0x0;
	[smem:$0x7FF] =	sst s6;
	(pc) =	sbr.rel @!p4 .LBB2_3-.Ltmp0, $4  }
0xb: {  	p0 =	sne.s32 s10, $0x0;
	_ =	strace $0x80000059;
	p2 =	sgt.u32 s11, $0x1A  }
0xc: {  	s10 =	simm.s32 $0x1;
	p1 =	seq.s32 @!p2 s11, $0x1A;
	s8 =	sadd.s32 $0x6C8000, s5  }
0xd: {  	p1 =	por p1, p2;
	s7 =	sadd.s32 $0x68800, s4;
	s5 =	sadd.s32 $0x69000, s4  }
0xe: {  	s4 =	sadd.s32 $0x69800, s4;
	s2 =	sadd.s32 $0x3800, s2;
	s3 =	sshrl.u32 @!p0 s1, $0x3  }
0xf: {  	s12 =	simm.s32 @!p0 $0x1C01;
	s11 =	simm.s32 @!p0 $0x1  }
0x10: {  	[spmem:s3], [sflag:s12] =	dma.local @!p0 [hbm:s9], $0x800  }
0x11: {  	_ =	swait.ge @!p0 [sflag:s11], $0x800  }
0x12: {  	[sflag:s11] =	ssyncset.done @!p0 $0x0  }
0x13: {  	[sflag:s11] =	ssyncadd.s32 @!p0 $0xFFFFF800  }
0x14: {  	[tilespmem:s6], [sflag:$0x1] =	stream.linear.gather [hbm4b:s8+s6], $0x180, $0x38;
	[tilespmem:$0x4600] =	vst v63  }
0x15: {  	_ =	swait.ge [sflag:s10], $0x180  }
0x16: {  	[sflag:s10] =	ssyncset.done $0x0  }
0x17: {  	s13 =	simm.s32 @!p2 $0x1;
	[sflag:s10] =	ssyncadd.s32 $0xFFFFFE80  }
0x18: {  	s14 =	simm.s32 @!p2 $0x0;
	s15 =	simm.s32 @!p2 $0x200;
	[bflag:$0x0] =	sbarrier.arrive $0xFFFF  }
0x19: {  	[tilespmem:s15], [sflag:$0x1] =	stream.linear.gather @!p2 [hbm4b:s7+s14], $0x4000, $0x38;
	[tilespmem:$0x4600] =	vst v63  }
0x1a: {  	_ =	swait.ge @!p2 [sflag:s13], $0x4000  }
0x1b: {  	[sflag:s13] =	ssyncset.done @!p2 $0x0  }
0x1c: {  	s16 =	simm.s32 @!p2 $0x80;
	[sflag:s13] =	ssyncadd.s32 @!p2 $0xFFFFC000  }
0x1d: {  	[spmem:s1] =	stream.indirect.scatter.add.f32 @!p2 [tilespmem:s15], [sflag:$0x1], $0x80, s14, s16, $0xb8;
	[tilespmem:$0x4600] =	vst v63  }
0x1e: {  	_ =	swait.ge @!p2 [sflag:s13], $0x4000  }
0x1f: {  	s17 =	simm.s32 @!p1 $0x1;
	[sflag:s13] =	ssyncset.done @!p2 $0x0  }
0x20: {  	s18 =	simm.s32 @!p1 $0x0;
	s19 =	simm.s32 @!p1 $0x200;
	[sflag:s13] =	ssyncadd.s32 @!p2 $0xFFFFC000  }
0x21: {  	[tilespmem:s19], [sflag:$0x1] =	stream.linear.gather @!p1 [hbm4b:s5+s18], $0x4000, $0x38;
	[tilespmem:$0x4600] =	vst v63  }
0x22: {  	_ =	swait.ge @!p1 [sflag:s17], $0x4000  }
0x23: {  	[sflag:s17] =	ssyncset.done @!p1 $0x0  }
0x24: {  	s20 =	simm.s32 @!p1 $0x80;
	[sflag:s17] =	ssyncadd.s32 @!p1 $0xFFFFC000  }
0x25: {  	[spmem:s1] =	stream.indirect.scatter.add.f32 @!p1 [tilespmem:s19], [sflag:$0x1], $0x80, s20, s20, $0xb8;
	[tilespmem:$0x4600] =	vst v63  }
0x26: {  	_ =	swait.ge @!p1 [sflag:s17], $0x4000  }
0x27: {  	[sflag:s17] =	ssyncset.done @!p1 $0x0  }
0x28: {  	[sflag:s17] =	ssyncadd.s32 @!p1 $0xFFFFC000  }
0x29: {  	[tilespmem:s19], [sflag:$0x1] =	stream.linear.gather @!p1 [hbm4b:s4+s18], $0x4000, $0x38;
	[tilespmem:$0x4600] =	vst v63  }
0x2a: {  	_ =	swait.ge @!p1 [sflag:s17], $0x4000  }
0x2b: {  	[sflag:s17] =	ssyncset.done @!p1 $0x0  }
0x2c: {  	s21 =	simm.s32 @!p1 $0x100;
	[sflag:s17] =	ssyncadd.s32 @!p1 $0xFFFFC000  }
0x2d: {  	[spmem:s1] =	stream.indirect.scatter.add.f32 @!p1 [tilespmem:s19], [sflag:$0x1], $0x80, s21, s20, $0xb8;
	[tilespmem:$0x4600] =	vst v63  }
0x2e: {  	s22 =	sadd.s32 $0xFFFFFFFF, s22;
	_ =	swait.ge @!p1 [sflag:s17], $0x4000  }
0x2f: {  	p4 =	sne.s32 s22, $0x0;
	[sflag:s17] =	ssyncset.done @!p1 $0x0  }
.Ltmp1:
0x30: {  	[sflag:s17] =	ssyncadd.s32 @!p1 $0xFFFFC000;
	(pc) =	sbr.rel @!p4 .LBB2_3-.Ltmp1, $4  }
0x31: {  	[bflag:$0x0] =	sbarrier.arrive $0xFFFF  }
0x32: {  	[hbm:s2], [sflag:s12] =	dma.local @!p0 [spmem:s3], $0x800  }
0x33: {  	_ =	swait.ge @!p0 [sflag:s11], $0x800  }
0x34: {  	p3 =	por $0x1, $0x1;
	[sflag:s11] =	ssyncset.done @!p0 $0x0  }
.LBB2_2:
0x35: {  	[sflag:s11] =	ssyncadd.s32 @!p0 $0xFFFFF800  }
0x36: {  	[spmem:s3], [sflag:s12] =	dma.local @!p0 [hbm:s9], $0x800  }
0x37: {  	s22 =	sadd.s32 $0xFFFFFFFF, s22;
	_ =	swait.ge @!p0 [sflag:s11], $0x800  }
0x38: {  	p4 =	sne.s32 s22, $0x0;
	[sflag:s11] =	ssyncset.done @!p0 $0x0  }
0x39: {  	[sflag:s11] =	ssyncadd.s32 @!p0 $0xFFFFF800  }
0x3a: {  	[tilespmem:s6], [sflag:$0x1] =	stream.linear.gather [hbm4b:s8+s6], $0x180, $0x38;
	[tilespmem:$0x4600] =	vst v63  }
0x3b: {  	_ =	swait.ge [sflag:s10], $0x180  }
0x3c: {  	[sflag:s10] =	ssyncset.done $0x0  }
0x3d: {  	[sflag:s10] =	ssyncadd.s32 $0xFFFFFE80  }
0x3e: {  	[bflag:$0x0] =	sbarrier.arrive $0xFFFF  }
0x3f: {  	[tilespmem:s15], [sflag:$0x1] =	stream.linear.gather @!p2 [hbm4b:s7+s14], $0x4000, $0x38;
	[tilespmem:$0x4600] =	vst v63  }
0x40: {  	_ =	swait.ge @!p2 [sflag:s13], $0x4000  }
0x41: {  	[sflag:s13] =	ssyncset.done @!p2 $0x0  }
0x42: {  	[sflag:s13] =	ssyncadd.s32 @!p2 $0xFFFFC000  }
0x43: {  	[spmem:s1] =	stream.indirect.scatter.add.f32 @!p2 [tilespmem:s15], [sflag:$0x1], $0x80, s14, s16, $0xb8;
	[tilespmem:$0x4600] =	vst v63  }
0x44: {  	_ =	swait.ge @!p2 [sflag:s13], $0x4000  }
0x45: {  	[sflag:s13] =	ssyncset.done @!p2 $0x0  }
0x46: {  	[sflag:s13] =	ssyncadd.s32 @!p2 $0xFFFFC000  }
0x47: {  	[tilespmem:s19], [sflag:$0x1] =	stream.linear.gather @!p1 [hbm4b:s5+s18], $0x4000, $0x38;
	[tilespmem:$0x4600] =	vst v63  }
0x48: {  	_ =	swait.ge @!p1 [sflag:s17], $0x4000  }
0x49: {  	[sflag:s17] =	ssyncset.done @!p1 $0x0  }
0x4a: {  	[sflag:s17] =	ssyncadd.s32 @!p1 $0xFFFFC000  }
0x4b: {  	[spmem:s1] =	stream.indirect.scatter.add.f32 @!p1 [tilespmem:s19], [sflag:$0x1], $0x80, s20, s20, $0xb8;
	[tilespmem:$0x4600] =	vst v63  }
0x4c: {  	_ =	swait.ge @!p1 [sflag:s17], $0x4000  }
0x4d: {  	[sflag:s17] =	ssyncset.done @!p1 $0x0  }
0x4e: {  	[sflag:s17] =	ssyncadd.s32 @!p1 $0xFFFFC000  }
0x4f: {  	[tilespmem:s19], [sflag:$0x1] =	stream.linear.gather @!p1 [hbm4b:s4+s18], $0x4000, $0x38;
	[tilespmem:$0x4600] =	vst v63  }
0x50: {  	_ =	swait.ge @!p1 [sflag:s17], $0x4000  }
0x51: {  	[sflag:s17] =	ssyncset.done @!p1 $0x0  }
0x52: {  	[sflag:s17] =	ssyncadd.s32 @!p1 $0xFFFFC000  }
0x53: {  	[spmem:s1] =	stream.indirect.scatter.add.f32 @!p1 [tilespmem:s19], [sflag:$0x1], $0x80, s21, s20, $0xb8;
	[tilespmem:$0x4600] =	vst v63  }
0x54: {  	_ =	swait.ge @!p1 [sflag:s17], $0x4000  }
0x55: {  	[sflag:s17] =	ssyncset.done @!p1 $0x0  }
.Ltmp2:
0x56: {  	[sflag:s17] =	ssyncadd.s32 @!p1 $0xFFFFC000;
	(pc) =	sbr.rel @p4 .LBB2_2-.Ltmp2, $4  }
0x57: {  	[bflag:$0x0] =	sbarrier.arrive $0xFFFF  }
0x58: {  	[hbm:s2], [sflag:s12] =	dma.local @!p0 [spmem:s3], $0x800  }
0x59: {  	_ =	swait.ge @!p0 [sflag:s11], $0x800  }
0x5a: {  	[sflag:s11] =	ssyncset.done @!p0 $0x0  }
.LBB2_3:
0x5b: {  	p3 =	por p0, !p3  }
0x5c: {  	s12 =	simm.s32 @!p0 $0x1C01;
	s13 =	simm.s32 @!p0 $0x1;
	[sflag:s11] =	ssyncadd.s32 @!p3 $0xFFFFF800  }
0x5d: {  	[spmem:s3], [sflag:s12] =	dma.local @!p0 [hbm:s9], $0x800  }
0x5e: {  	_ =	swait.ge @!p0 [sflag:s13], $0x800  }
0x5f: {  	[sflag:s13] =	ssyncset.done @!p0 $0x0  }
0x60: {  	[sflag:s13] =	ssyncadd.s32 @!p0 $0xFFFFF800  }
0x61: {  	[tilespmem:s6], [sflag:$0x1] =	stream.linear.gather [hbm4b:s8+s6], $0x180, $0x38;
	[tilespmem:$0x4600] =	vst v63  }
0x62: {  	_ =	swait.ge [sflag:s10], $0x180  }
0x63: {  	[sflag:s10] =	ssyncset.done $0x0  }
0x64: {  	s9 =	simm.s32 @!p2 $0x200;
	[sflag:s10] =	ssyncadd.s32 $0xFFFFFE80  }
0x65: {  	s6 =	simm.s32 @!p2 $0x1;
	s8 =	simm.s32 @!p2 $0x0;
	[bflag:$0x0] =	sbarrier.arrive $0xFFFF  }
0x66: {  	[tilespmem:s9], [sflag:$0x1] =	stream.linear.gather @!p2 [hbm4b:s7+s8], $0x4000, $0x38;
	[tilespmem:$0x4600] =	vst v63  }
0x67: {  	_ =	swait.ge @!p2 [sflag:s6], $0x4000  }
0x68: {  	[sflag:s6] =	ssyncset.done @!p2 $0x0  }
0x69: {  	s7 =	simm.s32 @!p2 $0x80;
	[sflag:s6] =	ssyncadd.s32 @!p2 $0xFFFFC000  }
0x6a: {  	[spmem:s1] =	stream.indirect.scatter.add.f32 @!p2 [tilespmem:s9], [sflag:$0x1], $0x80, s8, s7, $0xb8;
	[tilespmem:$0x4600] =	vst v63  }
0x6b: {  	_ =	swait.ge @!p2 [sflag:s6], $0x4000  }
0x6c: {  	s7 =	simm.s32 @!p1 $0x1;
	[sflag:s6] =	ssyncset.done @!p2 $0x0  }
0x6d: {  	s8 =	simm.s32 @!p1 $0x200;
	[sflag:s6] =	ssyncadd.s32 @!p2 $0xFFFFC000;
	s6 =	simm.s32 @!p1 $0x0  }
0x6e: {  	[tilespmem:s8], [sflag:$0x1] =	stream.linear.gather @!p1 [hbm4b:s5+s6], $0x4000, $0x38;
	[tilespmem:$0x4600] =	vst v63  }
0x6f: {  	_ =	swait.ge @!p1 [sflag:s7], $0x4000  }
0x70: {  	[sflag:s7] =	ssyncset.done @!p1 $0x0  }
0x71: {  	s5 =	simm.s32 @!p1 $0x80;
	[sflag:s7] =	ssyncadd.s32 @!p1 $0xFFFFC000  }
0x72: {  	[spmem:s1] =	stream.indirect.scatter.add.f32 @!p1 [tilespmem:s8], [sflag:$0x1], $0x80, s5, s5, $0xb8;
	[tilespmem:$0x4600] =	vst v63  }
0x73: {  	_ =	swait.ge @!p1 [sflag:s7], $0x4000  }
0x74: {  	[sflag:s7] =	ssyncset.done @!p1 $0x0  }
0x75: {  	[sflag:s7] =	ssyncadd.s32 @!p1 $0xFFFFC000  }
0x76: {  	[tilespmem:s8], [sflag:$0x1] =	stream.linear.gather @!p1 [hbm4b:s4+s6], $0x4000, $0x38;
	[tilespmem:$0x4600] =	vst v63  }
0x77: {  	_ =	swait.ge @!p1 [sflag:s7], $0x4000  }
0x78: {  	[sflag:s7] =	ssyncset.done @!p1 $0x0  }
0x79: {  	s4 =	simm.s32 @!p1 $0x100;
	[sflag:s7] =	ssyncadd.s32 @!p1 $0xFFFFC000  }
0x7a: {  	[spmem:s1] =	stream.indirect.scatter.add.f32 @!p1 [tilespmem:s8], [sflag:$0x1], $0x80, s4, s5, $0xb8;
	[tilespmem:$0x4600] =	vst v63  }
0x7b: {  	_ =	swait.ge @!p1 [sflag:s7], $0x4000  }
0x7c: {  	[sflag:s7] =	ssyncset.done @!p1 $0x0  }
0x7d: {  	[sflag:s7] =	ssyncadd.s32 @!p1 $0xFFFFC000  }
0x7e: {  	[bflag:$0x0] =	sbarrier.arrive $0xFFFF  }
0x7f: {  	[hbm:s2], [sflag:s12] =	dma.local @!p0 [spmem:s3], $0x800  }
0x80: {  	_ =	swait.ge @!p0 [sflag:s13], $0x800  }
0x81: {  	[sflag:s13] =	ssyncset.done @!p0 $0x0  }
0x82: {  	[sflag:s13] =	ssyncadd.s32 @!p0 $0xFFFFF800  }
0x83: {  	_ =	sfence.sel $0x180000  }
0x84: {  	[bflag:$0x0] =	sbarrier.arrive $0xFFFF  }
0x85: {  	_ =	strace $0x90000059  }
0x86: {  	s0 =	sadd.s32 @!p0 $0x100000, s0;
	[bflag:$0x2] =	sbarrier.arrive $0xFFFF  }
0x87: {  	[sflag:s0] =	ssyncadd.tile.s32 @!p0 $0x1;
	_ =	shalt  }
.Lfunc_end2:
_tile_overlayer_lowered:
.L_overlay_start_2:
0x88: {  	(tag) =	ssettag $0x2  }
0x89: {  	s0 =	rddreg [dreg:$0x0];
	s2 =	stileid.u32  }
0x8a: {  	s1 =	rddreg [dreg:$0x1];
	p0 =	sne.s32 s2, $0x0  }
0x8b: {  	s3 =	rddreg [dreg:$0x2];
	[bflag:$0x3] =	sbarrier.arrive $0xFFFF;
	s2 =	simm.s32 @!p0 $0x1C01  }
0x8c: {  	[timem:s3], [sflag:s2] =	dma.local @!p0 [hbm:s0], s1  }
0x8d: {  	s0 =	simm.s32 @!p0 $0x1  }
0x8e: {  	_ =	swait.ge @!p0 [sflag:s0], s1  }
0x8f: {  	s1 =	ssub.s32 @!p0 $0x0, s1;
	[sflag:s0] =	ssyncset.done @!p0 $0x0  }
0x90: {  	[sflag:s0] =	ssyncadd.s32 @!p0 s1  }
0x91: {  	[bflag:$0x3] =	sbarrier.arrive $0xFFFF  }
0x92: {  	_ =	shalt  }

</sc_bundles>
